<compile_context>
chip_gen: v7x
topology: tpu7x:2x2x1
jax: 0.10.2.dev20260603
libtpu: 0.0.44.dev20260713+nightly
codegen_flags: <defaults>
</compile_context>

<pallas_src>
import jax
import jax.numpy as jnp
from jax import lax
from jax.experimental import pallas as pl
from jax.experimental.pallas import tpu as pltpu
from jax.experimental.pallas import tpu_sc as plsc

_N, _D, _H, _E, _TOPK = 4096, 1024, 1024, 8, 2
_NW = 32
_CHUNK = _N // _NW
_NG = _CHUNK // 16
_TB = 512
_NTB = _N // _TB
_BLK = 256
_BLK_SHIFT = 8
_NB = (_N * _TOPK) // _BLK + _E
_P = _NB * _BLK


def _router_body(x_ref, wg_ref, e0_ref, e1_ref, g0_ref, g1_ref,
                 r0_ref, r1_ref, cnt_ref, cnt_acc):
    i = pl.program_id(0)

    @pl.when(i == 0)
    def _():
        cnt_acc[...] = jnp.zeros_like(cnt_acc)

    logits = jnp.dot(x_ref[...], wg_ref[...],
                     preferred_element_type=jnp.float32)
    colsi = jax.lax.broadcasted_iota(jnp.int32, (_TB, _E), 1)
    m0 = jnp.max(logits, axis=1, keepdims=True)
    e0 = jnp.min(jnp.where(logits == m0, colsi, _E), axis=1, keepdims=True)
    oh0 = (colsi == e0).astype(jnp.float32)
    l1 = jnp.where(colsi == e0, -1e30, logits)
    m1 = jnp.max(l1, axis=1, keepdims=True)
    e1 = jnp.min(jnp.where(l1 == m1, colsi, _E), axis=1, keepdims=True)
    oh1 = (colsi == e1).astype(jnp.float32)
    g0 = 1.0 / (1.0 + jnp.exp(m1 - m0))
    g1 = 1.0 - g0
    rows = jax.lax.broadcasted_iota(jnp.int32, (_TB, _TB), 0)
    cols = jax.lax.broadcasted_iota(jnp.int32, (_TB, _TB), 1)
    lt = (cols < rows).astype(jnp.float32)
    cum0 = jnp.dot(lt, oh0, preferred_element_type=jnp.float32)
    cum1 = jnp.dot(lt, oh1, preferred_element_type=jnp.float32)
    cnt = cnt_acc[...]
    tot0 = jnp.sum(oh0, axis=0, keepdims=True)
    tot1 = jnp.sum(oh1, axis=0, keepdims=True)
    r0 = jnp.sum(oh0 * (cnt + cum0), axis=1, keepdims=True)
    r1 = jnp.sum(oh1 * (cnt + tot0 + cum1), axis=1, keepdims=True)
    new_cnt = cnt + tot0 + tot1
    cnt_acc[...] = new_cnt
    cnt_ref[...] = new_cnt
    e0_ref[...] = e0
    e1_ref[...] = e1
    g0_ref[...] = g0
    g1_ref[...] = g1
    r0_ref[...] = r0.astype(jnp.int32)
    r1_ref[...] = r1.astype(jnp.int32)


def _router(x, w_gate):
    col = lambda dt: jax.ShapeDtypeStruct((_N, 1), dt)
    out_shapes = (col(jnp.int32), col(jnp.int32), col(jnp.float32),
                  col(jnp.float32), col(jnp.int32), col(jnp.int32),
                  jax.ShapeDtypeStruct((1, _E), jnp.float32))
    colspec = lambda: pl.BlockSpec((_TB, 1), lambda i: (i, 0))
    return pl.pallas_call(
        _router_body,
        grid=(_NTB,),
        in_specs=[
            pl.BlockSpec((_TB, _D), lambda i: (i, 0)),
            pl.BlockSpec((_D, _E), lambda i: (0, 0)),
        ],
        out_specs=(colspec(), colspec(), colspec(), colspec(),
                   colspec(), colspec(),
                   pl.BlockSpec((1, _E), lambda i: (0, 0))),
        out_shape=out_shapes,
        scratch_shapes=[pltpu.VMEM((1, _E), jnp.float32)],
    )(x, w_gate)


def _offsets_body(cnt_ref, e0_ref, e1_ref, r0_ref, r1_ref,
                  blk_ref, pos0_ref, pos1_ref):
    c = jnp.round(cnt_ref[...]).astype(jnp.int32)
    nb = (c + (_BLK - 1)) >> _BLK_SHIFT
    cpad = (nb << _BLK_SHIFT).astype(jnp.float32)
    f = jax.lax.broadcasted_iota(jnp.int32, (_E, _E), 0)
    e = jax.lax.broadcasted_iota(jnp.int32, (_E, _E), 1)
    ut = (f < e).astype(jnp.float32)
    off = jnp.dot(cpad, ut, preferred_element_type=jnp.float32)
    ib = jax.lax.broadcasted_iota(jnp.int32, (_NB, _E), 0) * _BLK
    le = (off.astype(jnp.int32) <= ib).astype(jnp.int32)
    blk = jnp.sum(le, axis=1, keepdims=True) - 1
    blk_ref[...] = jnp.clip(blk, 0, _E - 1)
    cols = jax.lax.broadcasted_iota(jnp.int32, (_N, _E), 1)
    gath = lambda ev: jnp.sum((cols == ev).astype(jnp.float32) * off,
                              axis=1, keepdims=True)
    pos0_ref[...] = (gath(e0_ref[...]) +
                     r0_ref[...].astype(jnp.float32)).astype(jnp.int32)
    pos1_ref[...] = (gath(e1_ref[...]) +
                     r1_ref[...].astype(jnp.float32)).astype(jnp.int32)


def _offsets(cnt, e0, e1, r0, r1):
    full = lambda: pl.BlockSpec((_N, 1), lambda: (0, 0))
    return pl.pallas_call(
        _offsets_body,
        in_specs=[pl.BlockSpec((1, _E), lambda: (0, 0)),
                  full(), full(), full(), full()],
        out_specs=(pl.BlockSpec((_NB, 1), lambda: (0, 0)),
                   full(), full()),
        out_shape=(jax.ShapeDtypeStruct((_NB, 1), jnp.int32),
                   jax.ShapeDtypeStruct((_N, 1), jnp.int32),
                   jax.ShapeDtypeStruct((_N, 1), jnp.int32)),
    )(cnt, e0, e1, r0, r1)


def _gmm_body(m_ref, xs_ref, gs_ref, w1_ref, w2_ref, ys_ref):
    h = jnp.maximum(
        jnp.dot(xs_ref[...], w1_ref[0], preferred_element_type=jnp.float32),
        0.0)
    o = jnp.dot(h, w2_ref[0], preferred_element_type=jnp.float32)
    ys_ref[...] = o * gs_ref[...]


def _grouped_matmul(xs, gs, W1, W2, blk_expert):
    grid_spec = pltpu.PrefetchScalarGridSpec(
        num_scalar_prefetch=1,
        grid=(_NB,),
        in_specs=[
            pl.BlockSpec((_BLK, _D), lambda i, m: (i, 0)),
            pl.BlockSpec((_BLK, 1), lambda i, m: (i, 0)),
            pl.BlockSpec((1, _D, _H), lambda i, m: (m[i], 0, 0)),
            pl.BlockSpec((1, _H, _D), lambda i, m: (m[i], 0, 0)),
        ],
        out_specs=pl.BlockSpec((_BLK, _D), lambda i, m: (i, 0)),
    )
    return pl.pallas_call(
        _gmm_body,
        grid_spec=grid_spec,
        out_shape=jax.ShapeDtypeStruct((_P, _D), jnp.float32),
    )(blk_expert, xs, gs.reshape(_P, 1), W1, W2)


def _dispatch_body(x_hbm, g0_hbm, g1_hbm, pos0_hbm, pos1_hbm,
                   xs_hbm, gs_hbm,
                   g0_v, g1_v, pos0_v, pos1_v, xrow_v,
                   sem_m, sem_r0, sem_r1, sem_r2, sem_r3,
                   sem_w0, sem_w1, sem_w2, sem_w3):
    wid = lax.axis_index("s") * 2 + lax.axis_index("c")
    base = wid * _CHUNK
    sem_r = (sem_r0, sem_r1, sem_r2, sem_r3)
    sem_w = (sem_w0, sem_w1, sem_w2, sem_w3)

    def fire_read(t):
        return pltpu.async_copy(x_hbm.at[pl.ds(base + t * 16, 16)],
                                xrow_v.at[t % 4], sem_r[t % 4])

    reads = {t: fire_read(t) for t in range(4)}
    meta = [
        pltpu.async_copy(g0_hbm.at[pl.ds(base, _CHUNK)], g0_v, sem_m),
        pltpu.async_copy(g1_hbm.at[pl.ds(base, _CHUNK)], g1_v, sem_m),
        pltpu.async_copy(pos0_hbm.at[pl.ds(base, _CHUNK)], pos0_v, sem_m),
        pltpu.async_copy(pos1_hbm.at[pl.ds(base, _CHUNK)], pos1_v, sem_m),
    ]
    for d in meta:
        d.wait()
    tail = [
        pltpu.async_copy(g0_v, gs_hbm.at[pos0_v], sem_m),
        pltpu.async_copy(g1_v, gs_hbm.at[pos1_v], sem_m),
    ]

    writes = {}
    for t in range(_NG):
        sl = pl.ds(t * 16, 16)
        reads[t].wait()
        writes[t] = (
            pltpu.async_copy(xrow_v.at[t % 4], xs_hbm.at[pos0_v[sl]],
                             sem_w[t % 4]),
            pltpu.async_copy(xrow_v.at[t % 4], xs_hbm.at[pos1_v[sl]],
                             sem_w[t % 4]),
        )
        if t + 4 < _NG:
            writes[t][0].wait()
            writes[t][1].wait()
            reads[t + 4] = fire_read(t + 4)
    for t in range(_NG - 4, _NG):
        writes[t][0].wait()
        writes[t][1].wait()
    for d in tail:
        d.wait()


def _dispatch(x, g0, g1, pos0, pos1):
    mesh = plsc.VectorSubcoreMesh(core_axis_name="c", subcore_axis_name="s")
    f = pl.kernel(
        _dispatch_body,
        mesh=mesh,
        out_type=(jax.ShapeDtypeStruct((_P, _D), jnp.float32),
                  jax.ShapeDtypeStruct((_P,), jnp.float32)),
        scratch_types=[
            pltpu.VMEM((_CHUNK,), jnp.float32),
            pltpu.VMEM((_CHUNK,), jnp.float32),
            pltpu.VMEM((_CHUNK,), jnp.int32),
            pltpu.VMEM((_CHUNK,), jnp.int32),
            pltpu.VMEM((4, 16, _D), jnp.float32),
            pltpu.SemaphoreType.DMA,
            pltpu.SemaphoreType.DMA,
            pltpu.SemaphoreType.DMA,
            pltpu.SemaphoreType.DMA,
            pltpu.SemaphoreType.DMA,
            pltpu.SemaphoreType.DMA,
            pltpu.SemaphoreType.DMA,
            pltpu.SemaphoreType.DMA,
            pltpu.SemaphoreType.DMA,
        ],
        compiler_params=pltpu.CompilerParams(needs_layout_passes=False),
    )
    return f(x, g0, g1, pos0, pos1)


def _combine_body(ys_hbm, pos0_hbm, pos1_hbm, y_hbm,
                  pos0_v, pos1_v, a_v, b_v, o_v,
                  sem_r0, sem_r1, sem_w0, sem_w1):
    wid = lax.axis_index("s") * 2 + lax.axis_index("c")
    base = wid * _CHUNK
    sem_r = (sem_r0, sem_r1)
    sem_w = (sem_w0, sem_w1)
    pltpu.sync_copy(pos0_hbm.at[pl.ds(base, _CHUNK)], pos0_v)
    pltpu.sync_copy(pos1_hbm.at[pl.ds(base, _CHUNK)], pos1_v)

    def fire(t):
        p = t & 1
        sl = pl.ds(t * 16, 16)
        return (pltpu.async_copy(ys_hbm.at[pos0_v[sl]], a_v.at[p], sem_r[p]),
                pltpu.async_copy(ys_hbm.at[pos1_v[sl]], b_v.at[p], sem_r[p]))

    reads = {0: fire(0), 1: fire(1)}
    writes = {}
    for t in range(_NG):
        p = t & 1
        reads[t][0].wait()
        reads[t][1].wait()
        if t >= 2:
            writes[t - 2].wait()

        def row(j, _):
            def col(c, _):
                csl = pl.ds(c * 16, 16)
                o_v[p, j, csl] = a_v[p, j, csl] + b_v[p, j, csl]
                return 0
            lax.fori_loop(0, _D // 16, col, 0)
            return 0
        lax.fori_loop(0, 16, row, 0)
        writes[t] = pltpu.async_copy(
            o_v.at[p], y_hbm.at[pl.ds(base + t * 16, 16)], sem_w[p])
        if t + 2 < _NG:
            reads[t + 2] = fire(t + 2)
    writes[_NG - 2].wait()
    writes[_NG - 1].wait()


def _combine(ys, pos0, pos1):
    mesh = plsc.VectorSubcoreMesh(core_axis_name="c", subcore_axis_name="s")
    f = pl.kernel(
        _combine_body,
        mesh=mesh,
        out_type=jax.ShapeDtypeStruct((_N, _D), jnp.float32),
        scratch_types=[
            pltpu.VMEM((_CHUNK,), jnp.int32),
            pltpu.VMEM((_CHUNK,), jnp.int32),
            pltpu.VMEM((2, 16, _D), jnp.float32),
            pltpu.VMEM((2, 16, _D), jnp.float32),
            pltpu.VMEM((2, 16, _D), jnp.float32),
            pltpu.SemaphoreType.DMA,
            pltpu.SemaphoreType.DMA,
            pltpu.SemaphoreType.DMA,
            pltpu.SemaphoreType.DMA,
        ],
        compiler_params=pltpu.CompilerParams(needs_layout_passes=False),
    )
    return f(ys, pos0, pos1)


def kernel(x, w_gate, W1, W2):
    e0, e1, g0, g1, r0, r1, cnt = _router(x, w_gate)
    blk_expert, pos0, pos1 = _offsets(cnt, e0, e1, r0, r1)
    pos0, pos1 = pos0.reshape(_N), pos1.reshape(_N)
    xs, gs = _dispatch(x, g0.reshape(_N), g1.reshape(_N), pos0, pos1)
    ys = _grouped_matmul(xs, gs, W1, W2, blk_expert.reshape(_NB))
    return _combine(ys, pos0, pos1)

# --- scband reference (transcript-rebuilt; emitter-appended) ---
"""Pipeline reference for scband-mo-e-5935644803777 (READ-ONLY COPY).

The authoritative reference and input builder live on the scoring server;
editing this copy changes nothing except your own understanding.
"""

import jax, jax.numpy as jnp
import numpy as np

N, D, H, E, TOPK = 4096, 1024, 1024, 8, 2

def setup_inputs(seed: int = 0) -> dict:
    key = jax.random.key(seed)
    k1, k2, k3, k4 = jax.random.split(key, 4)
    x = jax.random.normal(k1, (N, D), dtype=jnp.float32)
    w_gate = jax.random.normal(k2, (D, E), dtype=jnp.float32) * 0.02
    # ParallelExperts weights: uniform(-1/input_size, 1/input_size)
    W1 = jax.random.uniform(k3, (E, D, H), dtype=jnp.float32, minval=-1.0 / D, maxval=1.0 / D)
    W2 = jax.random.uniform(k4, (E, H, D), dtype=jnp.float32, minval=-1.0 / H, maxval=1.0 / H)
    return {"x": x, "w_gate": w_gate, "W1": W1, "W2": W2}


def reference(x, w_gate, W1, W2):
    # top_k_gating: router logits -> top-k -> renormalized gates
    logits = x @ w_gate                                  # [N, E]
    top_logits, top_idx = jax.lax.top_k(logits, TOPK)    # [N, k]
    top_gates = jax.nn.softmax(top_logits, axis=-1)      # normalize over selected experts
    n = x.shape[0]
    # compute_gating: sparse combine weights via scatter (gates matrix)
    combine = jnp.zeros((n, E), dtype=x.dtype).at[jnp.arange(n)[:, None], top_idx].add(top_gates)
    # expert_size (diagnostic, matches compute_gating's expert_size)
    expert_size = jnp.sum(combine > 0, axis=0)
    # ParallelExperts: per-expert two-layer MLP; math-equivalent dense-masked form:
    # each token's output = sum_e gate[n,e] * relu(x @ W1[e]) @ W2[e]
    y = jnp.zeros_like(x)
    for e in range(E):
        h_e = jax.nn.relu(x @ W1[e])
        y = y + combine[:, e:e + 1] * (h_e @ W2[e])
    return y

if __name__ == "__main__":
    import jax
    _d = setup_inputs()
    print(jax.jit(kernel)(*tuple(_d.values())))

</pallas_src>

<mosaic_0001>
#map = affine_map<(d0, d1) -> (0, 0)>
#map1 = affine_map<(d0, d1) -> (0)>
module attributes {stable_mosaic.version = 14 : i64} {
  func.func @_dispatch_body(%arg0: i32, %arg1: i32, %arg2: memref<4096x1024xf32, #tpu.memory_space<hbm>>, %arg3: memref<4096xf32, #tpu.memory_space<hbm>>, %arg4: memref<4096xf32, #tpu.memory_space<hbm>>, %arg5: memref<4096xi32, #tpu.memory_space<hbm>>, %arg6: memref<4096xi32, #tpu.memory_space<hbm>>, %arg7: memref<10240x1024xf32, #tpu.memory_space<hbm>>, %arg8: memref<10240xf32, #tpu.memory_space<hbm>>, %arg9: memref<128xf32, #tpu.memory_space<vmem>>, %arg10: memref<128xf32, #tpu.memory_space<vmem>>, %arg11: memref<128xi32, #tpu.memory_space<vmem>>, %arg12: memref<128xi32, #tpu.memory_space<vmem>>, %arg13: memref<4x16x1024xf32, #tpu.memory_space<vmem>>, %arg14: memref<!tpu.dma_semaphore, #tpu.memory_space<semaphore_mem>>, %arg15: memref<!tpu.dma_semaphore, #tpu.memory_space<semaphore_mem>>, %arg16: memref<!tpu.dma_semaphore, #tpu.memory_space<semaphore_mem>>, %arg17: memref<!tpu.dma_semaphore, #tpu.memory_space<semaphore_mem>>, %arg18: memref<!tpu.dma_semaphore, #tpu.memory_space<semaphore_mem>>, %arg19: memref<!tpu.dma_semaphore, #tpu.memory_space<semaphore_mem>>, %arg20: memref<!tpu.dma_semaphore, #tpu.memory_space<semaphore_mem>>, %arg21: memref<!tpu.dma_semaphore, #tpu.memory_space<semaphore_mem>>, %arg22: memref<!tpu.dma_semaphore, #tpu.memory_space<semaphore_mem>>) attributes {dimension_semantics = [#tpu.dimension_semantics<core_parallel>, #tpu.dimension_semantics<subcore_parallel>], iteration_bounds = array<i64: 2, 16>, scalar_prefetch = 0 : i64, scratch_operands = 14 : i64, tpu.core_type = #tpu.core_type<sc_vector_subcore>, window_params = [{transform_indices = #map}, {transform_indices = #map1}, {transform_indices = #map1}, {transform_indices = #map1}, {transform_indices = #map1}, {transform_indices = #map}, {transform_indices = #map1}]} {
    %mul3A = arith.constant 2 : i32
    %mul3A_0 = arith.muli %arg1, %mul3A : i32
    %add3A = arith.addi %mul3A_0, %arg0 : i32
    %mul3A_1 = arith.constant 128 : i32
    %mul3A_2 = arith.muli %add3A, %mul3A_1 : i32
    %add3A_3 = arith.constant 0 : i32
    %add3A_4 = arith.addi %mul3A_2, %add3A_3 : i32
    %dma_start3A = arith.constant 0 : i32
    %dma_start3A_5 = arith.constant 0 : i32
    %dma_start3A_6 = arith.constant 0 : i32
    %dma_start3A_7 = tpu.memref_slice %arg13[%dma_start3A, %dma_start3A_5, %dma_start3A_6] : memref<4x16x1024xf32, #tpu.memory_space<vmem>> -> memref<1x16x1024xf32, #tpu.memory_space<vmem>>
    %dma_start3A_8 = tpu.memref_squeeze %dma_start3A_7 : memref<1x16x1024xf32, #tpu.memory_space<vmem>> -> memref<16x1024xf32, #tpu.memory_space<vmem>>
    %dma_start3A_9 = arith.constant 0 : i32
    %dma_start3A_10 = tpu.memref_slice %arg2[%add3A_4, %dma_start3A_9] : memref<4096x1024xf32, #tpu.memory_space<hbm>> -> memref<16x1024xf32, #tpu.memory_space<hbm>>
    %dma_start3A_11 = arith.constant 0 : i32
    %dma_start3A_12 = arith.constant 0 : i32
    %dma_start3A_13 = tpu.memref_slice %arg13[%dma_start3A, %dma_start3A_11, %dma_start3A_12] : memref<4x16x1024xf32, #tpu.memory_space<vmem>> -> memref<1x16x1024xf32, #tpu.memory_space<vmem>>
    %dma_start3A_14 = tpu.memref_squeeze %dma_start3A_13 : memref<1x16x1024xf32, #tpu.memory_space<vmem>> -> memref<16x1024xf32, #tpu.memory_space<vmem>>
    %dma_start3A_15 = arith.constant 0 : i32
    %dma_start3A_16 = tpu.memref_slice %arg2[%add3A_4, %dma_start3A_15] : memref<4096x1024xf32, #tpu.memory_space<hbm>> -> memref<16x1024xf32, #tpu.memory_space<hbm>>
    tpu.enqueue_dma source(%dma_start3A_16 : memref<16x1024xf32, #tpu.memory_space<hbm>>) target(%dma_start3A_14 : memref<16x1024xf32, #tpu.memory_space<vmem>>) target_semaphore(%arg15 : memref<!tpu.dma_semaphore, #tpu.memory_space<semaphore_mem>>)
    %add3A_17 = arith.constant 16 : i32
    %add3A_18 = arith.addi %mul3A_2, %add3A_17 : i32
    %dma_start3A_19 = arith.constant 1 : i32
    %dma_start3A_20 = arith.constant 0 : i32
    %dma_start3A_21 = arith.constant 0 : i32
    %dma_start3A_22 = tpu.memref_slice %arg13[%dma_start3A_19, %dma_start3A_20, %dma_start3A_21] : memref<4x16x1024xf32, #tpu.memory_space<vmem>> -> memref<1x16x1024xf32, #tpu.memory_space<vmem>>
    %dma_start3A_23 = tpu.memref_squeeze %dma_start3A_22 : memref<1x16x1024xf32, #tpu.memory_space<vmem>> -> memref<16x1024xf32, #tpu.memory_space<vmem>>
    %dma_start3A_24 = arith.constant 0 : i32
    %dma_start3A_25 = tpu.memref_slice %arg2[%add3A_18, %dma_start3A_24] : memref<4096x1024xf32, #tpu.memory_space<hbm>> -> memref<16x1024xf32, #tpu.memory_space<hbm>>
    %dma_start3A_26 = arith.constant 0 : i32
    %dma_start3A_27 = arith.constant 0 : i32
    %dma_start3A_28 = tpu.memref_slice %arg13[%dma_start3A_19, %dma_start3A_26, %dma_start3A_27] : memref<4x16x1024xf32, #tpu.memory_space<vmem>> -> memref<1x16x1024xf32, #tpu.memory_space<vmem>>
    %dma_start3A_29 = tpu.memref_squeeze %dma_start3A_28 : memref<1x16x1024xf32, #tpu.memory_space<vmem>> -> memref<16x1024xf32, #tpu.memory_space<vmem>>
    %dma_start3A_30 = arith.constant 0 : i32
    %dma_start3A_31 = tpu.memref_slice %arg2[%add3A_18, %dma_start3A_30] : memref<4096x1024xf32, #tpu.memory_space<hbm>> -> memref<16x1024xf32, #tpu.memory_space<hbm>>
    tpu.enqueue_dma source(%dma_start3A_31 : memref<16x1024xf32, #tpu.memory_space<hbm>>) target(%dma_start3A_29 : memref<16x1024xf32, #tpu.memory_space<vmem>>) target_semaphore(%arg16 : memref<!tpu.dma_semaphore, #tpu.memory_space<semaphore_mem>>)
    %add3A_32 = arith.constant 32 : i32
    %add3A_33 = arith.addi %mul3A_2, %add3A_32 : i32
    %dma_start3A_34 = arith.constant 2 : i32
    %dma_start3A_35 = arith.constant 0 : i32
    %dma_start3A_36 = arith.constant 0 : i32
    %dma_start3A_37 = tpu.memref_slice %arg13[%dma_start3A_34, %dma_start3A_35, %dma_start3A_36] : memref<4x16x1024xf32, #tpu.memory_space<vmem>> -> memref<1x16x1024xf32, #tpu.memory_space<vmem>>
    %dma_start3A_38 = tpu.memref_squeeze %dma_start3A_37 : memref<1x16x1024xf32, #tpu.memory_space<vmem>> -> memref<16x1024xf32, #tpu.memory_space<vmem>>
    %dma_start3A_39 = arith.constant 0 : i32
    %dma_start3A_40 = tpu.memref_slice %arg2[%add3A_33, %dma_start3A_39] : memref<4096x1024xf32, #tpu.memory_space<hbm>> -> memref<16x1024xf32, #tpu.memory_space<hbm>>
    %dma_start3A_41 = arith.constant 0 : i32
    %dma_start3A_42 = arith.constant 0 : i32
    %dma_start3A_43 = tpu.memref_slice %arg13[%dma_start3A_34, %dma_start3A_41, %dma_start3A_42] : memref<4x16x1024xf32, #tpu.memory_space<vmem>> -> memref<1x16x1024xf32, #tpu.memory_space<vmem>>
    %dma_start3A_44 = tpu.memref_squeeze %dma_start3A_43 : memref<1x16x1024xf32, #tpu.memory_space<vmem>> -> memref<16x1024xf32, #tpu.memory_space<vmem>>
    %dma_start3A_45 = arith.constant 0 : i32
    %dma_start3A_46 = tpu.memref_slice %arg2[%add3A_33, %dma_start3A_45] : memref<4096x1024xf32, #tpu.memory_space<hbm>> -> memref<16x1024xf32, #tpu.memory_space<hbm>>
    tpu.enqueue_dma source(%dma_start3A_46 : memref<16x1024xf32, #tpu.memory_space<hbm>>) target(%dma_start3A_44 : memref<16x1024xf32, #tpu.memory_space<vmem>>) target_semaphore(%arg17 : memref<!tpu.dma_semaphore, #tpu.memory_space<semaphore_mem>>)
    %add3A_47 = arith.constant 48 : i32
    %add3A_48 = arith.addi %mul3A_2, %add3A_47 : i32
    %dma_start3A_49 = arith.constant 3 : i32
    %dma_start3A_50 = arith.constant 0 : i32
    %dma_start3A_51 = arith.constant 0 : i32
    %dma_start3A_52 = tpu.memref_slice %arg13[%dma_start3A_49, %dma_start3A_50, %dma_start3A_51] : memref<4x16x1024xf32, #tpu.memory_space<vmem>> -> memref<1x16x1024xf32, #tpu.memory_space<vmem>>
    %dma_start3A_53 = tpu.memref_squeeze %dma_start3A_52 : memref<1x16x1024xf32, #tpu.memory_space<vmem>> -> memref<16x1024xf32, #tpu.memory_space<vmem>>
    %dma_start3A_54 = arith.constant 0 : i32
    %dma_start3A_55 = tpu.memref_slice %arg2[%add3A_48, %dma_start3A_54] : memref<4096x1024xf32, #tpu.memory_space<hbm>> -> memref<16x1024xf32, #tpu.memory_space<hbm>>
    %dma_start3A_56 = arith.constant 0 : i32
    %dma_start3A_57 = arith.constant 0 : i32
    %dma_start3A_58 = tpu.memref_slice %arg13[%dma_start3A_49, %dma_start3A_56, %dma_start3A_57] : memref<4x16x1024xf32, #tpu.memory_space<vmem>> -> memref<1x16x1024xf32, #tpu.memory_space<vmem>>
    %dma_start3A_59 = tpu.memref_squeeze %dma_start3A_58 : memref<1x16x1024xf32, #tpu.memory_space<vmem>> -> memref<16x1024xf32, #tpu.memory_space<vmem>>
    %dma_start3A_60 = arith.constant 0 : i32
    %dma_start3A_61 = tpu.memref_slice %arg2[%add3A_48, %dma_start3A_60] : memref<4096x1024xf32, #tpu.memory_space<hbm>> -> memref<16x1024xf32, #tpu.memory_space<hbm>>
    tpu.enqueue_dma source(%dma_start3A_61 : memref<16x1024xf32, #tpu.memory_space<hbm>>) target(%dma_start3A_59 : memref<16x1024xf32, #tpu.memory_space<vmem>>) target_semaphore(%arg18 : memref<!tpu.dma_semaphore, #tpu.memory_space<semaphore_mem>>)
    %dma_start3A_62 = tpu.memref_slice %arg3[%mul3A_2] : memref<4096xf32, #tpu.memory_space<hbm>> -> memref<128xf32, #tpu.memory_space<hbm>>
    %dma_start3A_63 = tpu.memref_slice %arg3[%mul3A_2] : memref<4096xf32, #tpu.memory_space<hbm>> -> memref<128xf32, #tpu.memory_space<hbm>>
    tpu.enqueue_dma source(%dma_start3A_63 : memref<128xf32, #tpu.memory_space<hbm>>) target(%arg9 : memref<128xf32, #tpu.memory_space<vmem>>) target_semaphore(%arg14 : memref<!tpu.dma_semaphore, #tpu.memory_space<semaphore_mem>>)
    %dma_start3A_64 = tpu.memref_slice %arg4[%mul3A_2] : memref<4096xf32, #tpu.memory_space<hbm>> -> memref<128xf32, #tpu.memory_space<hbm>>
    %dma_start3A_65 = tpu.memref_slice %arg4[%mul3A_2] : memref<4096xf32, #tpu.memory_space<hbm>> -> memref<128xf32, #tpu.memory_space<hbm>>
    tpu.enqueue_dma source(%dma_start3A_65 : memref<128xf32, #tpu.memory_space<hbm>>) target(%arg10 : memref<128xf32, #tpu.memory_space<vmem>>) target_semaphore(%arg14 : memref<!tpu.dma_semaphore, #tpu.memory_space<semaphore_mem>>)
    %dma_start3A_66 = tpu.memref_slice %arg5[%mul3A_2] : memref<4096xi32, #tpu.memory_space<hbm>> -> memref<128xi32, #tpu.memory_space<hbm>>
    %dma_start3A_67 = tpu.memref_slice %arg5[%mul3A_2] : memref<4096xi32, #tpu.memory_space<hbm>> -> memref<128xi32, #tpu.memory_space<hbm>>
    tpu.enqueue_dma source(%dma_start3A_67 : memref<128xi32, #tpu.memory_space<hbm>>) target(%arg11 : memref<128xi32, #tpu.memory_space<vmem>>) target_semaphore(%arg14 : memref<!tpu.dma_semaphore, #tpu.memory_space<semaphore_mem>>)
    %dma_start3A_68 = tpu.memref_slice %arg6[%mul3A_2] : memref<4096xi32, #tpu.memory_space<hbm>> -> memref<128xi32, #tpu.memory_space<hbm>>
    %dma_start3A_69 = tpu.memref_slice %arg6[%mul3A_2] : memref<4096xi32, #tpu.memory_space<hbm>> -> memref<128xi32, #tpu.memory_space<hbm>>
    tpu.enqueue_dma source(%dma_start3A_69 : memref<128xi32, #tpu.memory_space<hbm>>) target(%arg12 : memref<128xi32, #tpu.memory_space<vmem>>) target_semaphore(%arg14 : memref<!tpu.dma_semaphore, #tpu.memory_space<semaphore_mem>>)
    %dma_wait3A = tpu.memref_slice %arg3[%mul3A_2] : memref<4096xf32, #tpu.memory_space<hbm>> -> memref<128xf32, #tpu.memory_space<hbm>>
    %dma_wait3A_70 = tpu.memref_slice %arg3[%mul3A_2] : memref<4096xf32, #tpu.memory_space<hbm>> -> memref<128xf32, #tpu.memory_space<hbm>>
    tpu.wait_dma2 semaphore(%arg14 : memref<!tpu.dma_semaphore, #tpu.memory_space<semaphore_mem>>) src(%dma_wait3A_70 : memref<128xf32, #tpu.memory_space<hbm>>) dst(%arg9 : memref<128xf32, #tpu.memory_space<vmem>>)
    %dma_wait3A_71 = tpu.memref_slice %arg4[%mul3A_2] : memref<4096xf32, #tpu.memory_space<hbm>> -> memref<128xf32, #tpu.memory_space<hbm>>
    %dma_wait3A_72 = tpu.memref_slice %arg4[%mul3A_2] : memref<4096xf32, #tpu.memory_space<hbm>> -> memref<128xf32, #tpu.memory_space<hbm>>
    tpu.wait_dma2 semaphore(%arg14 : memref<!tpu.dma_semaphore, #tpu.memory_space<semaphore_mem>>) src(%dma_wait3A_72 : memref<128xf32, #tpu.memory_space<hbm>>) dst(%arg10 : memref<128xf32, #tpu.memory_space<vmem>>)
    %dma_wait3A_73 = tpu.memref_slice %arg5[%mul3A_2] : memref<4096xi32, #tpu.memory_space<hbm>> -> memref<128xi32, #tpu.memory_space<hbm>>
    %dma_wait3A_74 = tpu.memref_slice %arg5[%mul3A_2] : memref<4096xi32, #tpu.memory_space<hbm>> -> memref<128xi32, #tpu.memory_space<hbm>>
    tpu.wait_dma2 semaphore(%arg14 : memref<!tpu.dma_semaphore, #tpu.memory_space<semaphore_mem>>) src(%dma_wait3A_74 : memref<128xi32, #tpu.memory_space<hbm>>) dst(%arg11 : memref<128xi32, #tpu.memory_space<vmem>>)
    %dma_wait3A_75 = tpu.memref_slice %arg6[%mul3A_2] : memref<4096xi32, #tpu.memory_space<hbm>> -> memref<128xi32, #tpu.memory_space<hbm>>
    %dma_wait3A_76 = tpu.memref_slice %arg6[%mul3A_2] : memref<4096xi32, #tpu.memory_space<hbm>> -> memref<128xi32, #tpu.memory_space<hbm>>
    tpu.wait_dma2 semaphore(%arg14 : memref<!tpu.dma_semaphore, #tpu.memory_space<semaphore_mem>>) src(%dma_wait3A_76 : memref<128xi32, #tpu.memory_space<hbm>>) dst(%arg12 : memref<128xi32, #tpu.memory_space<vmem>>)
    %dma_start3A_77 = arith.constant 0 : i32
    %dma_start3A_78 = tpu.memref_slice %arg8[%dma_start3A_77] : memref<10240xf32, #tpu.memory_space<hbm>> -> memref<10240xf32, #tpu.memory_space<hbm>>
    tpu.enqueue_indirect_dma source(%arg9 : memref<128xf32, #tpu.memory_space<vmem>>) target(%dma_start3A_78 : memref<10240xf32, #tpu.memory_space<hbm>>) offsets(%arg11 : memref<128xi32, #tpu.memory_space<vmem>>) semaphore(%arg14 : memref<!tpu.dma_semaphore, #tpu.memory_space<semaphore_mem>>)
    %dma_start3A_79 = arith.constant 0 : i32
    %dma_start3A_80 = tpu.memref_slice %arg8[%dma_start3A_79] : memref<10240xf32, #tpu.memory_space<hbm>> -> memref<10240xf32, #tpu.memory_space<hbm>>
    tpu.enqueue_indirect_dma source(%arg10 : memref<128xf32, #tpu.memory_space<vmem>>) target(%dma_start3A_80 : memref<10240xf32, #tpu.memory_space<hbm>>) offsets(%arg12 : memref<128xi32, #tpu.memory_space<vmem>>) semaphore(%arg14 : memref<!tpu.dma_semaphore, #tpu.memory_space<semaphore_mem>>)
    %dma_wait3A_81 = arith.constant 0 : i32
    %dma_wait3A_82 = arith.constant 0 : i32
    %dma_wait3A_83 = arith.constant 0 : i32
    %dma_wait3A_84 = tpu.memref_slice %arg13[%dma_wait3A_81, %dma_wait3A_82, %dma_wait3A_83] : memref<4x16x1024xf32, #tpu.memory_space<vmem>> -> memref<1x16x1024xf32, #tpu.memory_space<vmem>>
    %dma_wait3A_85 = tpu.memref_squeeze %dma_wait3A_84 : memref<1x16x1024xf32, #tpu.memory_space<vmem>> -> memref<16x1024xf32, #tpu.memory_space<vmem>>
    %dma_wait3A_86 = arith.constant 0 : i32
    %dma_wait3A_87 = tpu.memref_slice %arg2[%add3A_4, %dma_wait3A_86] : memref<4096x1024xf32, #tpu.memory_space<hbm>> -> memref<16x1024xf32, #tpu.memory_space<hbm>>
    %dma_wait3A_88 = arith.constant 0 : i32
    %dma_wait3A_89 = arith.constant 0 : i32
    %dma_wait3A_90 = tpu.memref_slice %arg13[%dma_wait3A_81, %dma_wait3A_88, %dma_wait3A_89] : memref<4x16x1024xf32, #tpu.memory_space<vmem>> -> memref<1x16x1024xf32, #tpu.memory_space<vmem>>
    %dma_wait3A_91 = tpu.memref_squeeze %dma_wait3A_90 : memref<1x16x1024xf32, #tpu.memory_space<vmem>> -> memref<16x1024xf32, #tpu.memory_space<vmem>>
    %dma_wait3A_92 = arith.constant 0 : i32
    %dma_wait3A_93 = tpu.memref_slice %arg2[%add3A_4, %dma_wait3A_92] : memref<4096x1024xf32, #tpu.memory_space<hbm>> -> memref<16x1024xf32, #tpu.memory_space<hbm>>
    tpu.wait_dma2 semaphore(%arg15 : memref<!tpu.dma_semaphore, #tpu.memory_space<semaphore_mem>>) src(%dma_wait3A_93 : memref<16x1024xf32, #tpu.memory_space<hbm>>) dst(%dma_wait3A_91 : memref<16x1024xf32, #tpu.memory_space<vmem>>)
    %get3A = arith.constant 0 : index
    %get3A_94 = tpu.vector_load %arg11[%get3A] {strides = array<i32>} : memref<128xi32, #tpu.memory_space<vmem>>, vector<16xi32>,
    %dma_start3A_95 = arith.constant 0 : i32
    %dma_start3A_96 = arith.constant 0 : i32
    %dma_start3A_97 = arith.constant 0 : i32
    %dma_start3A_98 = tpu.memref_slice %arg13[%dma_start3A_95, %dma_start3A_96, %dma_start3A_97] : memref<4x16x1024xf32, #tpu.memory_space<vmem>> -> memref<1x16x1024xf32, #tpu.memory_space<vmem>>
    %dma_start3A_99 = tpu.memref_squeeze %dma_start3A_98 : memref<1x16x1024xf32, #tpu.memory_space<vmem>> -> memref<16x1024xf32, #tpu.memory_space<vmem>>
    %dma_start3A_100 = arith.constant 0 : i32
    %dma_start3A_101 = arith.constant 0 : i32
    %dma_start3A_102 = tpu.memref_slice %arg7[%dma_start3A_100, %dma_start3A_101] : memref<10240x1024xf32, #tpu.memory_space<hbm>> -> memref<10240x1024xf32, #tpu.memory_space<hbm>>
    tpu.enqueue_indirect_dma source(%dma_start3A_99 : memref<16x1024xf32, #tpu.memory_space<vmem>>) target(%dma_start3A_102 : memref<10240x1024xf32, #tpu.memory_space<hbm>>) offsets(%get3A_94 : vector<16xi32>) semaphore(%arg19 : memref<!tpu.dma_semaphore, #tpu.memory_space<semaphore_mem>>)
    %get3A_103 = arith.constant 0 : index
    %get3A_104 = tpu.vector_load %arg12[%get3A_103] {strides = array<i32>} : memref<128xi32, #tpu.memory_space<vmem>>, vector<16xi32>,
    %dma_start3A_105 = arith.constant 0 : i32
    %dma_start3A_106 = arith.constant 0 : i32
    %dma_start3A_107 = arith.constant 0 : i32
    %dma_start3A_108 = tpu.memref_slice %arg13[%dma_start3A_105, %dma_start3A_106, %dma_start3A_107] : memref<4x16x1024xf32, #tpu.memory_space<vmem>> -> memref<1x16x1024xf32, #tpu.memory_space<vmem>>
    %dma_start3A_109 = tpu.memref_squeeze %dma_start3A_108 : memref<1x16x1024xf32, #tpu.memory_space<vmem>> -> memref<16x1024xf32, #tpu.memory_space<vmem>>
    %dma_start3A_110 = arith.constant 0 : i32
    %dma_start3A_111 = arith.constant 0 : i32
    %dma_start3A_112 = tpu.memref_slice %arg7[%dma_start3A_110, %dma_start3A_111] : memref<10240x1024xf32, #tpu.memory_space<hbm>> -> memref<10240x1024xf32, #tpu.memory_space<hbm>>
    tpu.enqueue_indirect_dma source(%dma_start3A_109 : memref<16x1024xf32, #tpu.memory_space<vmem>>) target(%dma_start3A_112 : memref<10240x1024xf32, #tpu.memory_space<hbm>>) offsets(%get3A_104 : vector<16xi32>) semaphore(%arg19 : memref<!tpu.dma_semaphore, #tpu.memory_space<semaphore_mem>>)
    %dma_wait3A_113 = arith.constant 0 : i32
    %dma_wait3A_114 = arith.constant 0 : i32
    %dma_wait3A_115 = arith.constant 0 : i32
    %dma_wait3A_116 = tpu.memref_slice %arg13[%dma_wait3A_113, %dma_wait3A_114, %dma_wait3A_115] : memref<4x16x1024xf32, #tpu.memory_space<vmem>> -> memref<1x16x1024xf32, #tpu.memory_space<vmem>>
    %dma_wait3A_117 = tpu.memref_squeeze %dma_wait3A_116 : memref<1x16x1024xf32, #tpu.memory_space<vmem>> -> memref<16x1024xf32, #tpu.memory_space<vmem>>
    %dma_wait3A_118 = arith.constant 0 : i32
    %dma_wait3A_119 = arith.constant 0 : i32
    %dma_wait3A_120 = tpu.memref_slice %arg7[%dma_wait3A_118, %dma_wait3A_119] : memref<10240x1024xf32, #tpu.memory_space<hbm>> -> memref<10240x1024xf32, #tpu.memory_space<hbm>>
    tpu.wait_indirect_dma semaphore(%arg19 : memref<!tpu.dma_semaphore, #tpu.memory_space<semaphore_mem>>) src(%dma_wait3A_117 : memref<16x1024xf32, #tpu.memory_space<vmem>>) dst(%dma_wait3A_120 : memref<10240x1024xf32, #tpu.memory_space<hbm>>)
    %dma_wait3A_121 = arith.constant 0 : i32
    %dma_wait3A_122 = arith.constant 0 : i32
    %dma_wait3A_123 = arith.constant 0 : i32
    %dma_wait3A_124 = tpu.memref_slice %arg13[%dma_wait3A_121, %dma_wait3A_122, %dma_wait3A_123] : memref<4x16x1024xf32, #tpu.memory_space<vmem>> -> memref<1x16x1024xf32, #tpu.memory_space<vmem>>
    %dma_wait3A_125 = tpu.memref_squeeze %dma_wait3A_124 : memref<1x16x1024xf32, #tpu.memory_space<vmem>> -> memref<16x1024xf32, #tpu.memory_space<vmem>>
    %dma_wait3A_126 = arith.constant 0 : i32
    %dma_wait3A_127 = arith.constant 0 : i32
    %dma_wait3A_128 = tpu.memref_slice %arg7[%dma_wait3A_126, %dma_wait3A_127] : memref<10240x1024xf32, #tpu.memory_space<hbm>> -> memref<10240x1024xf32, #tpu.memory_space<hbm>>
    tpu.wait_indirect_dma semaphore(%arg19 : memref<!tpu.dma_semaphore, #tpu.memory_space<semaphore_mem>>) src(%dma_wait3A_125 : memref<16x1024xf32, #tpu.memory_space<vmem>>) dst(%dma_wait3A_128 : memref<10240x1024xf32, #tpu.memory_space<hbm>>)
    %add3A_129 = arith.constant 64 : i32
    %add3A_130 = arith.addi %mul3A_2, %add3A_129 : i32
    %dma_start3A_131 = arith.constant 0 : i32
    %dma_start3A_132 = arith.constant 0 : i32
    %dma_start3A_133 = arith.constant 0 : i32
    %dma_start3A_134 = tpu.memref_slice %arg13[%dma_start3A_131, %dma_start3A_132, %dma_start3A_133] : memref<4x16x1024xf32, #tpu.memory_space<vmem>> -> memref<1x16x1024xf32, #tpu.memory_space<vmem>>
    %dma_start3A_135 = tpu.memref_squeeze %dma_start3A_134 : memref<1x16x1024xf32, #tpu.memory_space<vmem>> -> memref<16x1024xf32, #tpu.memory_space<vmem>>
    %dma_start3A_136 = arith.constant 0 : i32
    %dma_start3A_137 = tpu.memref_slice %arg2[%add3A_130, %dma_start3A_136] : memref<4096x1024xf32, #tpu.memory_space<hbm>> -> memref<16x1024xf32, #tpu.memory_space<hbm>>
    %dma_start3A_138 = arith.constant 0 : i32
    %dma_start3A_139 = arith.constant 0 : i32
    %dma_start3A_140 = tpu.memref_slice %arg13[%dma_start3A_131, %dma_start3A_138, %dma_start3A_139] : memref<4x16x1024xf32, #tpu.memory_space<vmem>> -> memref<1x16x1024xf32, #tpu.memory_space<vmem>>
    %dma_start3A_141 = tpu.memref_squeeze %dma_start3A_140 : memref<1x16x1024xf32, #tpu.memory_space<vmem>> -> memref<16x1024xf32, #tpu.memory_space<vmem>>
    %dma_start3A_142 = arith.constant 0 : i32
    %dma_start3A_143 = tpu.memref_slice %arg2[%add3A_130, %dma_start3A_142] : memref<4096x1024xf32, #tpu.memory_space<hbm>> -> memref<16x1024xf32, #tpu.memory_space<hbm>>
    tpu.enqueue_dma source(%dma_start3A_143 : memref<16x1024xf32, #tpu.memory_space<hbm>>) target(%dma_start3A_141 : memref<16x1024xf32, #tpu.memory_space<vmem>>) target_semaphore(%arg15 : memref<!tpu.dma_semaphore, #tpu.memory_space<semaphore_mem>>)
    %dma_wait3A_144 = arith.constant 1 : i32
    %dma_wait3A_145 = arith.constant 0 : i32
    %dma_wait3A_146 = arith.constant 0 : i32
    %dma_wait3A_147 = tpu.memref_slice %arg13[%dma_wait3A_144, %dma_wait3A_145, %dma_wait3A_146] : memref<4x16x1024xf32, #tpu.memory_space<vmem>> -> memref<1x16x1024xf32, #tpu.memory_space<vmem>>
    %dma_wait3A_148 = tpu.memref_squeeze %dma_wait3A_147 : memref<1x16x1024xf32, #tpu.memory_space<vmem>> -> memref<16x1024xf32, #tpu.memory_space<vmem>>
    %dma_wait3A_149 = arith.constant 0 : i32
    %dma_wait3A_150 = tpu.memref_slice %arg2[%add3A_18, %dma_wait3A_149] : memref<4096x1024xf32, #tpu.memory_space<hbm>> -> memref<16x1024xf32, #tpu.memory_space<hbm>>
    %dma_wait3A_151 = arith.constant 0 : i32
    %dma_wait3A_152 = arith.constant 0 : i32
    %dma_wait3A_153 = tpu.memref_slice %arg13[%dma_wait3A_144, %dma_wait3A_151, %dma_wait3A_152] : memref<4x16x1024xf32, #tpu.memory_space<vmem>> -> memref<1x16x1024xf32, #tpu.memory_space<vmem>>
    %dma_wait3A_154 = tpu.memref_squeeze %dma_wait3A_153 : memref<1x16x1024xf32, #tpu.memory_space<vmem>> -> memref<16x1024xf32, #tpu.memory_space<vmem>>
    %dma_wait3A_155 = arith.constant 0 : i32
    %dma_wait3A_156 = tpu.memref_slice %arg2[%add3A_18, %dma_wait3A_155] : memref<4096x1024xf32, #tpu.memory_space<hbm>> -> memref<16x1024xf32, #tpu.memory_space<hbm>>
    tpu.wait_dma2 semaphore(%arg16 : memref<!tpu.dma_semaphore, #tpu.memory_space<semaphore_mem>>) src(%dma_wait3A_156 : memref<16x1024xf32, #tpu.memory_space<hbm>>) dst(%dma_wait3A_154 : memref<16x1024xf32, #tpu.memory_space<vmem>>)
    %get3A_157 = arith.constant 16 : index
    %get3A_158 = tpu.vector_load %arg11[%get3A_157] {strides = array<i32>} : memref<128xi32, #tpu.memory_space<vmem>>, vector<16xi32>,
    %dma_start3A_159 = arith.constant 1 : i32
    %dma_start3A_160 = arith.constant 0 : i32
    %dma_start3A_161 = arith.constant 0 : i32
    %dma_start3A_162 = tpu.memref_slice %arg13[%dma_start3A_159, %dma_start3A_160, %dma_start3A_161] : memref<4x16x1024xf32, #tpu.memory_space<vmem>> -> memref<1x16x1024xf32, #tpu.memory_space<vmem>>
    %dma_start3A_163 = tpu.memref_squeeze %dma_start3A_162 : memref<1x16x1024xf32, #tpu.memory_space<vmem>> -> memref<16x1024xf32, #tpu.memory_space<vmem>>
    %dma_start3A_164 = arith.constant 0 : i32
    %dma_start3A_165 = arith.constant 0 : i32
    %dma_start3A_166 = tpu.memref_slice %arg7[%dma_start3A_164, %dma_start3A_165] : memref<10240x1024xf32, #tpu.memory_space<hbm>> -> memref<10240x1024xf32, #tpu.memory_space<hbm>>
    tpu.enqueue_indirect_dma source(%dma_start3A_163 : memref<16x1024xf32, #tpu.memory_space<vmem>>) target(%dma_start3A_166 : memref<10240x1024xf32, #tpu.memory_space<hbm>>) offsets(%get3A_158 : vector<16xi32>) semaphore(%arg20 : memref<!tpu.dma_semaphore, #tpu.memory_space<semaphore_mem>>)
    %get3A_167 = arith.constant 16 : index
    %get3A_168 = tpu.vector_load %arg12[%get3A_167] {strides = array<i32>} : memref<128xi32, #tpu.memory_space<vmem>>, vector<16xi32>,
    %dma_start3A_169 = arith.constant 1 : i32
    %dma_start3A_170 = arith.constant 0 : i32
    %dma_start3A_171 = arith.constant 0 : i32
    %dma_start3A_172 = tpu.memref_slice %arg13[%dma_start3A_169, %dma_start3A_170, %dma_start3A_171] : memref<4x16x1024xf32, #tpu.memory_space<vmem>> -> memref<1x16x1024xf32, #tpu.memory_space<vmem>>
    %dma_start3A_173 = tpu.memref_squeeze %dma_start3A_172 : memref<1x16x1024xf32, #tpu.memory_space<vmem>> -> memref<16x1024xf32, #tpu.memory_space<vmem>>
    %dma_start3A_174 = arith.constant 0 : i32
    %dma_start3A_175 = arith.constant 0 : i32
    %dma_start3A_176 = tpu.memref_slice %arg7[%dma_start3A_174, %dma_start3A_175] : memref<10240x1024xf32, #tpu.memory_space<hbm>> -> memref<10240x1024xf32, #tpu.memory_space<hbm>>
    tpu.enqueue_indirect_dma source(%dma_start3A_173 : memref<16x1024xf32, #tpu.memory_space<vmem>>) target(%dma_start3A_176 : memref<10240x1024xf32, #tpu.memory_space<hbm>>) offsets(%get3A_168 : vector<16xi32>) semaphore(%arg20 : memref<!tpu.dma_semaphore, #tpu.memory_space<semaphore_mem>>)
    %dma_wait3A_177 = arith.constant 1 : i32
    %dma_wait3A_178 = arith.constant 0 : i32
    %dma_wait3A_179 = arith.constant 0 : i32
    %dma_wait3A_180 = tpu.memref_slice %arg13[%dma_wait3A_177, %dma_wait3A_178, %dma_wait3A_179] : memref<4x16x1024xf32, #tpu.memory_space<vmem>> -> memref<1x16x1024xf32, #tpu.memory_space<vmem>>
    %dma_wait3A_181 = tpu.memref_squeeze %dma_wait3A_180 : memref<1x16x1024xf32, #tpu.memory_space<vmem>> -> memref<16x1024xf32, #tpu.memory_space<vmem>>
    %dma_wait3A_182 = arith.constant 0 : i32
    %dma_wait3A_183 = arith.constant 0 : i32
    %dma_wait3A_184 = tpu.memref_slice %arg7[%dma_wait3A_182, %dma_wait3A_183] : memref<10240x1024xf32, #tpu.memory_space<hbm>> -> memref<10240x1024xf32, #tpu.memory_space<hbm>>
    tpu.wait_indirect_dma semaphore(%arg20 : memref<!tpu.dma_semaphore, #tpu.memory_space<semaphore_mem>>) src(%dma_wait3A_181 : memref<16x1024xf32, #tpu.memory_space<vmem>>) dst(%dma_wait3A_184 : memref<10240x1024xf32, #tpu.memory_space<hbm>>)
    %dma_wait3A_185 = arith.constant 1 : i32
    %dma_wait3A_186 = arith.constant 0 : i32
    %dma_wait3A_187 = arith.constant 0 : i32
    %dma_wait3A_188 = tpu.memref_slice %arg13[%dma_wait3A_185, %dma_wait3A_186, %dma_wait3A_187] : memref<4x16x1024xf32, #tpu.memory_space<vmem>> -> memref<1x16x1024xf32, #tpu.memory_space<vmem>>
    %dma_wait3A_189 = tpu.memref_squeeze %dma_wait3A_188 : memref<1x16x1024xf32, #tpu.memory_space<vmem>> -> memref<16x1024xf32, #tpu.memory_space<vmem>>
    %dma_wait3A_190 = arith.constant 0 : i32
    %dma_wait3A_191 = arith.constant 0 : i32
    %dma_wait3A_192 = tpu.memref_slice %arg7[%dma_wait3A_190, %dma_wait3A_191] : memref<10240x1024xf32, #tpu.memory_space<hbm>> -> memref<10240x1024xf32, #tpu.memory_space<hbm>>
    tpu.wait_indirect_dma semaphore(%arg20 : memref<!tpu.dma_semaphore, #tpu.memory_space<semaphore_mem>>) src(%dma_wait3A_189 : memref<16x1024xf32, #tpu.memory_space<vmem>>) dst(%dma_wait3A_192 : memref<10240x1024xf32, #tpu.memory_space<hbm>>)
    %add3A_193 = arith.constant 80 : i32
    %add3A_194 = arith.addi %mul3A_2, %add3A_193 : i32
    %dma_start3A_195 = arith.constant 1 : i32
    %dma_start3A_196 = arith.constant 0 : i32
    %dma_start3A_197 = arith.constant 0 : i32
    %dma_start3A_198 = tpu.memref_slice %arg13[%dma_start3A_195, %dma_start3A_196, %dma_start3A_197] : memref<4x16x1024xf32, #tpu.memory_space<vmem>> -> memref<1x16x1024xf32, #tpu.memory_space<vmem>>
    %dma_start3A_199 = tpu.memref_squeeze %dma_start3A_198 : memref<1x16x1024xf32, #tpu.memory_space<vmem>> -> memref<16x1024xf32, #tpu.memory_space<vmem>>
    %dma_start3A_200 = arith.constant 0 : i32
    %dma_start3A_201 = tpu.memref_slice %arg2[%add3A_194, %dma_start3A_200] : memref<4096x1024xf32, #tpu.memory_space<hbm>> -> memref<16x1024xf32, #tpu.memory_space<hbm>>
    %dma_start3A_202 = arith.constant 0 : i32
    %dma_start3A_203 = arith.constant 0 : i32
    %dma_start3A_204 = tpu.memref_slice %arg13[%dma_start3A_195, %dma_start3A_202, %dma_start3A_203] : memref<4x16x1024xf32, #tpu.memory_space<vmem>> -> memref<1x16x1024xf32, #tpu.memory_space<vmem>>
    %dma_start3A_205 = tpu.memref_squeeze %dma_start3A_204 : memref<1x16x1024xf32, #tpu.memory_space<vmem>> -> memref<16x1024xf32, #tpu.memory_space<vmem>>
    %dma_start3A_206 = arith.constant 0 : i32
    %dma_start3A_207 = tpu.memref_slice %arg2[%add3A_194, %dma_start3A_206] : memref<4096x1024xf32, #tpu.memory_space<hbm>> -> memref<16x1024xf32, #tpu.memory_space<hbm>>
    tpu.enqueue_dma source(%dma_start3A_207 : memref<16x1024xf32, #tpu.memory_space<hbm>>) target(%dma_start3A_205 : memref<16x1024xf32, #tpu.memory_space<vmem>>) target_semaphore(%arg16 : memref<!tpu.dma_semaphore, #tpu.memory_space<semaphore_mem>>)
    %dma_wait3A_208 = arith.constant 2 : i32
    %dma_wait3A_209 = arith.constant 0 : i32
    %dma_wait3A_210 = arith.constant 0 : i32
    %dma_wait3A_211 = tpu.memref_slice %arg13[%dma_wait3A_208, %dma_wait3A_209, %dma_wait3A_210] : memref<4x16x1024xf32, #tpu.memory_space<vmem>> -> memref<1x16x1024xf32, #tpu.memory_space<vmem>>
    %dma_wait3A_212 = tpu.memref_squeeze %dma_wait3A_211 : memref<1x16x1024xf32, #tpu.memory_space<vmem>> -> memref<16x1024xf32, #tpu.memory_space<vmem>>
    %dma_wait3A_213 = arith.constant 0 : i32
    %dma_wait3A_214 = tpu.memref_slice %arg2[%add3A_33, %dma_wait3A_213] : memref<4096x1024xf32, #tpu.memory_space<hbm>> -> memref<16x1024xf32, #tpu.memory_space<hbm>>
    %dma_wait3A_215 = arith.constant 0 : i32
    %dma_wait3A_216 = arith.constant 0 : i32
    %dma_wait3A_217 = tpu.memref_slice %arg13[%dma_wait3A_208, %dma_wait3A_215, %dma_wait3A_216] : memref<4x16x1024xf32, #tpu.memory_space<vmem>> -> memref<1x16x1024xf32, #tpu.memory_space<vmem>>
    %dma_wait3A_218 = tpu.memref_squeeze %dma_wait3A_217 : memref<1x16x1024xf32, #tpu.memory_space<vmem>> -> memref<16x1024xf32, #tpu.memory_space<vmem>>
    %dma_wait3A_219 = arith.constant 0 : i32
    %dma_wait3A_220 = tpu.memref_slice %arg2[%add3A_33, %dma_wait3A_219] : memref<4096x1024xf32, #tpu.memory_space<hbm>> -> memref<16x1024xf32, #tpu.memory_space<hbm>>
    tpu.wait_dma2 semaphore(%arg17 : memref<!tpu.dma_semaphore, #tpu.memory_space<semaphore_mem>>) src(%dma_wait3A_220 : memref<16x1024xf32, #tpu.memory_space<hbm>>) dst(%dma_wait3A_218 : memref<16x1024xf32, #tpu.memory_space<vmem>>)
    %get3A_221 = arith.constant 32 : index
    %get3A_222 = tpu.vector_load %arg11[%get3A_221] {strides = array<i32>} : memref<128xi32, #tpu.memory_space<vmem>>, vector<16xi32>,
    %dma_start3A_223 = arith.constant 2 : i32
    %dma_start3A_224 = arith.constant 0 : i32
    %dma_start3A_225 = arith.constant 0 : i32
    %dma_start3A_226 = tpu.memref_slice %arg13[%dma_start3A_223, %dma_start3A_224, %dma_start3A_225] : memref<4x16x1024xf32, #tpu.memory_space<vmem>> -> memref<1x16x1024xf32, #tpu.memory_space<vmem>>
    %dma_start3A_227 = tpu.memref_squeeze %dma_start3A_226 : memref<1x16x1024xf32, #tpu.memory_space<vmem>> -> memref<16x1024xf32, #tpu.memory_space<vmem>>
    %dma_start3A_228 = arith.constant 0 : i32
    %dma_start3A_229 = arith.constant 0 : i32
    %dma_start3A_230 = tpu.memref_slice %arg7[%dma_start3A_228, %dma_start3A_229] : memref<10240x1024xf32, #tpu.memory_space<hbm>> -> memref<10240x1024xf32, #tpu.memory_space<hbm>>
    tpu.enqueue_indirect_dma source(%dma_start3A_227 : memref<16x1024xf32, #tpu.memory_space<vmem>>) target(%dma_start3A_230 : memref<10240x1024xf32, #tpu.memory_space<hbm>>) offsets(%get3A_222 : vector<16xi32>) semaphore(%arg21 : memref<!tpu.dma_semaphore, #tpu.memory_space<semaphore_mem>>)
    %get3A_231 = arith.constant 32 : index
    %get3A_232 = tpu.vector_load %arg12[%get3A_231] {strides = array<i32>} : memref<128xi32, #tpu.memory_space<vmem>>, vector<16xi32>,
    %dma_start3A_233 = arith.constant 2 : i32
    %dma_start3A_234 = arith.constant 0 : i32
    %dma_start3A_235 = arith.constant 0 : i32
    %dma_start3A_236 = tpu.memref_slice %arg13[%dma_start3A_233, %dma_start3A_234, %dma_start3A_235] : memref<4x16x1024xf32, #tpu.memory_space<vmem>> -> memref<1x16x1024xf32, #tpu.memory_space<vmem>>
    %dma_start3A_237 = tpu.memref_squeeze %dma_start3A_236 : memref<1x16x1024xf32, #tpu.memory_space<vmem>> -> memref<16x1024xf32, #tpu.memory_space<vmem>>
    %dma_start3A_238 = arith.constant 0 : i32
    %dma_start3A_239 = arith.constant 0 : i32
    %dma_start3A_240 = tpu.memref_slice %arg7[%dma_start3A_238, %dma_start3A_239] : memref<10240x1024xf32, #tpu.memory_space<hbm>> -> memref<10240x1024xf32, #tpu.memory_space<hbm>>
    tpu.enqueue_indirect_dma source(%dma_start3A_237 : memref<16x1024xf32, #tpu.memory_space<vmem>>) target(%dma_start3A_240 : memref<10240x1024xf32, #tpu.memory_space<hbm>>) offsets(%get3A_232 : vector<16xi32>) semaphore(%arg21 : memref<!tpu.dma_semaphore, #tpu.memory_space<semaphore_mem>>)
    %dma_wait3A_241 = arith.constant 2 : i32
    %dma_wait3A_242 = arith.constant 0 : i32
    %dma_wait3A_243 = arith.constant 0 : i32
    %dma_wait3A_244 = tpu.memref_slice %arg13[%dma_wait3A_241, %dma_wait3A_242, %dma_wait3A_243] : memref<4x16x1024xf32, #tpu.memory_space<vmem>> -> memref<1x16x1024xf32, #tpu.memory_space<vmem>>
    %dma_wait3A_245 = tpu.memref_squeeze %dma_wait3A_244 : memref<1x16x1024xf32, #tpu.memory_space<vmem>> -> memref<16x1024xf32, #tpu.memory_space<vmem>>
    %dma_wait3A_246 = arith.constant 0 : i32
    %dma_wait3A_247 = arith.constant 0 : i32
    %dma_wait3A_248 = tpu.memref_slice %arg7[%dma_wait3A_246, %dma_wait3A_247] : memref<10240x1024xf32, #tpu.memory_space<hbm>> -> memref<10240x1024xf32, #tpu.memory_space<hbm>>
    tpu.wait_indirect_dma semaphore(%arg21 : memref<!tpu.dma_semaphore, #tpu.memory_space<semaphore_mem>>) src(%dma_wait3A_245 : memref<16x1024xf32, #tpu.memory_space<vmem>>) dst(%dma_wait3A_248 : memref<10240x1024xf32, #tpu.memory_space<hbm>>)
    %dma_wait3A_249 = arith.constant 2 : i32
    %dma_wait3A_250 = arith.constant 0 : i32
    %dma_wait3A_251 = arith.constant 0 : i32
    %dma_wait3A_252 = tpu.memref_slice %arg13[%dma_wait3A_249, %dma_wait3A_250, %dma_wait3A_251] : memref<4x16x1024xf32, #tpu.memory_space<vmem>> -> memref<1x16x1024xf32, #tpu.memory_space<vmem>>
    %dma_wait3A_253 = tpu.memref_squeeze %dma_wait3A_252 : memref<1x16x1024xf32, #tpu.memory_space<vmem>> -> memref<16x1024xf32, #tpu.memory_space<vmem>>
    %dma_wait3A_254 = arith.constant 0 : i32
    %dma_wait3A_255 = arith.constant 0 : i32
    %dma_wait3A_256 = tpu.memref_slice %arg7[%dma_wait3A_254, %dma_wait3A_255] : memref<10240x1024xf32, #tpu.memory_space<hbm>> -> memref<10240x1024xf32, #tpu.memory_space<hbm>>
    tpu.wait_indirect_dma semaphore(%arg21 : memref<!tpu.dma_semaphore, #tpu.memory_space<semaphore_mem>>) src(%dma_wait3A_253 : memref<16x1024xf32, #tpu.memory_space<vmem>>) dst(%dma_wait3A_256 : memref<10240x1024xf32, #tpu.memory_space<hbm>>)
    %add3A_257 = arith.constant 96 : i32
    %add3A_258 = arith.addi %mul3A_2, %add3A_257 : i32
    %dma_start3A_259 = arith.constant 2 : i32
    %dma_start3A_260 = arith.constant 0 : i32
    %dma_start3A_261 = arith.constant 0 : i32
    %dma_start3A_262 = tpu.memref_slice %arg13[%dma_start3A_259, %dma_start3A_260, %dma_start3A_261] : memref<4x16x1024xf32, #tpu.memory_space<vmem>> -> memref<1x16x1024xf32, #tpu.memory_space<vmem>>
    %dma_start3A_263 = tpu.memref_squeeze %dma_start3A_262 : memref<1x16x1024xf32, #tpu.memory_space<vmem>> -> memref<16x1024xf32, #tpu.memory_space<vmem>>
    %dma_start3A_264 = arith.constant 0 : i32
    %dma_start3A_265 = tpu.memref_slice %arg2[%add3A_258, %dma_start3A_264] : memref<4096x1024xf32, #tpu.memory_space<hbm>> -> memref<16x1024xf32, #tpu.memory_space<hbm>>
    %dma_start3A_266 = arith.constant 0 : i32
    %dma_start3A_267 = arith.constant 0 : i32
    %dma_start3A_268 = tpu.memref_slice %arg13[%dma_start3A_259, %dma_start3A_266, %dma_start3A_267] : memref<4x16x1024xf32, #tpu.memory_space<vmem>> -> memref<1x16x1024xf32, #tpu.memory_space<vmem>>
    %dma_start3A_269 = tpu.memref_squeeze %dma_start3A_268 : memref<1x16x1024xf32, #tpu.memory_space<vmem>> -> memref<16x1024xf32, #tpu.memory_space<vmem>>
    %dma_start3A_270 = arith.constant 0 : i32
    %dma_start3A_271 = tpu.memref_slice %arg2[%add3A_258, %dma_start3A_270] : memref<4096x1024xf32, #tpu.memory_space<hbm>> -> memref<16x1024xf32, #tpu.memory_space<hbm>>
    tpu.enqueue_dma source(%dma_start3A_271 : memref<16x1024xf32, #tpu.memory_space<hbm>>) target(%dma_start3A_269 : memref<16x1024xf32, #tpu.memory_space<vmem>>) target_semaphore(%arg17 : memref<!tpu.dma_semaphore, #tpu.memory_space<semaphore_mem>>)
    %dma_wait3A_272 = arith.constant 3 : i32
    %dma_wait3A_273 = arith.constant 0 : i32
    %dma_wait3A_274 = arith.constant 0 : i32
    %dma_wait3A_275 = tpu.memref_slice %arg13[%dma_wait3A_272, %dma_wait3A_273, %dma_wait3A_274] : memref<4x16x1024xf32, #tpu.memory_space<vmem>> -> memref<1x16x1024xf32, #tpu.memory_space<vmem>>
    %dma_wait3A_276 = tpu.memref_squeeze %dma_wait3A_275 : memref<1x16x1024xf32, #tpu.memory_space<vmem>> -> memref<16x1024xf32, #tpu.memory_space<vmem>>
    %dma_wait3A_277 = arith.constant 0 : i32
    %dma_wait3A_278 = tpu.memref_slice %arg2[%add3A_48, %dma_wait3A_277] : memref<4096x1024xf32, #tpu.memory_space<hbm>> -> memref<16x1024xf32, #tpu.memory_space<hbm>>
    %dma_wait3A_279 = arith.constant 0 : i32
    %dma_wait3A_280 = arith.constant 0 : i32
    %dma_wait3A_281 = tpu.memref_slice %arg13[%dma_wait3A_272, %dma_wait3A_279, %dma_wait3A_280] : memref<4x16x1024xf32, #tpu.memory_space<vmem>> -> memref<1x16x1024xf32, #tpu.memory_space<vmem>>
    %dma_wait3A_282 = tpu.memref_squeeze %dma_wait3A_281 : memref<1x16x1024xf32, #tpu.memory_space<vmem>> -> memref<16x1024xf32, #tpu.memory_space<vmem>>
    %dma_wait3A_283 = arith.constant 0 : i32
    %dma_wait3A_284 = tpu.memref_slice %arg2[%add3A_48, %dma_wait3A_283] : memref<4096x1024xf32, #tpu.memory_space<hbm>> -> memref<16x1024xf32, #tpu.memory_space<hbm>>
    tpu.wait_dma2 semaphore(%arg18 : memref<!tpu.dma_semaphore, #tpu.memory_space<semaphore_mem>>) src(%dma_wait3A_284 : memref<16x1024xf32, #tpu.memory_space<hbm>>) dst(%dma_wait3A_282 : memref<16x1024xf32, #tpu.memory_space<vmem>>)
    %get3A_285 = arith.constant 48 : index
    %get3A_286 = tpu.vector_load %arg11[%get3A_285] {strides = array<i32>} : memref<128xi32, #tpu.memory_space<vmem>>, vector<16xi32>,
    %dma_start3A_287 = arith.constant 3 : i32
    %dma_start3A_288 = arith.constant 0 : i32
    %dma_start3A_289 = arith.constant 0 : i32
    %dma_start3A_290 = tpu.memref_slice %arg13[%dma_start3A_287, %dma_start3A_288, %dma_start3A_289] : memref<4x16x1024xf32, #tpu.memory_space<vmem>> -> memref<1x16x1024xf32, #tpu.memory_space<vmem>>
    %dma_start3A_291 = tpu.memref_squeeze %dma_start3A_290 : memref<1x16x1024xf32, #tpu.memory_space<vmem>> -> memref<16x1024xf32, #tpu.memory_space<vmem>>
    %dma_start3A_292 = arith.constant 0 : i32
    %dma_start3A_293 = arith.constant 0 : i32
    %dma_start3A_294 = tpu.memref_slice %arg7[%dma_start3A_292, %dma_start3A_293] : memref<10240x1024xf32, #tpu.memory_space<hbm>> -> memref<10240x1024xf32, #tpu.memory_space<hbm>>
    tpu.enqueue_indirect_dma source(%dma_start3A_291 : memref<16x1024xf32, #tpu.memory_space<vmem>>) target(%dma_start3A_294 : memref<10240x1024xf32, #tpu.memory_space<hbm>>) offsets(%get3A_286 : vector<16xi32>) semaphore(%arg22 : memref<!tpu.dma_semaphore, #tpu.memory_space<semaphore_mem>>)
    %get3A_295 = arith.constant 48 : index
    %get3A_296 = tpu.vector_load %arg12[%get3A_295] {strides = array<i32>} : memref<128xi32, #tpu.memory_space<vmem>>, vector<16xi32>,
    %dma_start3A_297 = arith.constant 3 : i32
    %dma_start3A_298 = arith.constant 0 : i32
    %dma_start3A_299 = arith.constant 0 : i32
    %dma_start3A_300 = tpu.memref_slice %arg13[%dma_start3A_297, %dma_start3A_298, %dma_start3A_299] : memref<4x16x1024xf32, #tpu.memory_space<vmem>> -> memref<1x16x1024xf32, #tpu.memory_space<vmem>>
    %dma_start3A_301 = tpu.memref_squeeze %dma_start3A_300 : memref<1x16x1024xf32, #tpu.memory_space<vmem>> -> memref<16x1024xf32, #tpu.memory_space<vmem>>
    %dma_start3A_302 = arith.constant 0 : i32
    %dma_start3A_303 = arith.constant 0 : i32
    %dma_start3A_304 = tpu.memref_slice %arg7[%dma_start3A_302, %dma_start3A_303] : memref<10240x1024xf32, #tpu.memory_space<hbm>> -> memref<10240x1024xf32, #tpu.memory_space<hbm>>
    tpu.enqueue_indirect_dma source(%dma_start3A_301 : memref<16x1024xf32, #tpu.memory_space<vmem>>) target(%dma_start3A_304 : memref<10240x1024xf32, #tpu.memory_space<hbm>>) offsets(%get3A_296 : vector<16xi32>) semaphore(%arg22 : memref<!tpu.dma_semaphore, #tpu.memory_space<semaphore_mem>>)
    %dma_wait3A_305 = arith.constant 3 : i32
    %dma_wait3A_306 = arith.constant 0 : i32
    %dma_wait3A_307 = arith.constant 0 : i32
    %dma_wait3A_308 = tpu.memref_slice %arg13[%dma_wait3A_305, %dma_wait3A_306, %dma_wait3A_307] : memref<4x16x1024xf32, #tpu.memory_space<vmem>> -> memref<1x16x1024xf32, #tpu.memory_space<vmem>>
    %dma_wait3A_309 = tpu.memref_squeeze %dma_wait3A_308 : memref<1x16x1024xf32, #tpu.memory_space<vmem>> -> memref<16x1024xf32, #tpu.memory_space<vmem>>
    %dma_wait3A_310 = arith.constant 0 : i32
    %dma_wait3A_311 = arith.constant 0 : i32
    %dma_wait3A_312 = tpu.memref_slice %arg7[%dma_wait3A_310, %dma_wait3A_311] : memref<10240x1024xf32, #tpu.memory_space<hbm>> -> memref<10240x1024xf32, #tpu.memory_space<hbm>>
    tpu.wait_indirect_dma semaphore(%arg22 : memref<!tpu.dma_semaphore, #tpu.memory_space<semaphore_mem>>) src(%dma_wait3A_309 : memref<16x1024xf32, #tpu.memory_space<vmem>>) dst(%dma_wait3A_312 : memref<10240x1024xf32, #tpu.memory_space<hbm>>)
    %dma_wait3A_313 = arith.constant 3 : i32
    %dma_wait3A_314 = arith.constant 0 : i32
    %dma_wait3A_315 = arith.constant 0 : i32
    %dma_wait3A_316 = tpu.memref_slice %arg13[%dma_wait3A_313, %dma_wait3A_314, %dma_wait3A_315] : memref<4x16x1024xf32, #tpu.memory_space<vmem>> -> memref<1x16x1024xf32, #tpu.memory_space<vmem>>
    %dma_wait3A_317 = tpu.memref_squeeze %dma_wait3A_316 : memref<1x16x1024xf32, #tpu.memory_space<vmem>> -> memref<16x1024xf32, #tpu.memory_space<vmem>>
    %dma_wait3A_318 = arith.constant 0 : i32
    %dma_wait3A_319 = arith.constant 0 : i32
    %dma_wait3A_320 = tpu.memref_slice %arg7[%dma_wait3A_318, %dma_wait3A_319] : memref<10240x1024xf32, #tpu.memory_space<hbm>> -> memref<10240x1024xf32, #tpu.memory_space<hbm>>
    tpu.wait_indirect_dma semaphore(%arg22 : memref<!tpu.dma_semaphore, #tpu.memory_space<semaphore_mem>>) src(%dma_wait3A_317 : memref<16x1024xf32, #tpu.memory_space<vmem>>) dst(%dma_wait3A_320 : memref<10240x1024xf32, #tpu.memory_space<hbm>>)
    %add3A_321 = arith.constant 112 : i32
    %add3A_322 = arith.addi %mul3A_2, %add3A_321 : i32
    %dma_start3A_323 = arith.constant 3 : i32
    %dma_start3A_324 = arith.constant 0 : i32
    %dma_start3A_325 = arith.constant 0 : i32
    %dma_start3A_326 = tpu.memref_slice %arg13[%dma_start3A_323, %dma_start3A_324, %dma_start3A_325] : memref<4x16x1024xf32, #tpu.memory_space<vmem>> -> memref<1x16x1024xf32, #tpu.memory_space<vmem>>
    %dma_start3A_327 = tpu.memref_squeeze %dma_start3A_326 : memref<1x16x1024xf32, #tpu.memory_space<vmem>> -> memref<16x1024xf32, #tpu.memory_space<vmem>>
    %dma_start3A_328 = arith.constant 0 : i32
    %dma_start3A_329 = tpu.memref_slice %arg2[%add3A_322, %dma_start3A_328] : memref<4096x1024xf32, #tpu.memory_space<hbm>> -> memref<16x1024xf32, #tpu.memory_space<hbm>>
    %dma_start3A_330 = arith.constant 0 : i32
    %dma_start3A_331 = arith.constant 0 : i32
    %dma_start3A_332 = tpu.memref_slice %arg13[%dma_start3A_323, %dma_start3A_330, %dma_start3A_331] : memref<4x16x1024xf32, #tpu.memory_space<vmem>> -> memref<1x16x1024xf32, #tpu.memory_space<vmem>>
    %dma_start3A_333 = tpu.memref_squeeze %dma_start3A_332 : memref<1x16x1024xf32, #tpu.memory_space<vmem>> -> memref<16x1024xf32, #tpu.memory_space<vmem>>
    %dma_start3A_334 = arith.constant 0 : i32
    %dma_start3A_335 = tpu.memref_slice %arg2[%add3A_322, %dma_start3A_334] : memref<4096x1024xf32, #tpu.memory_space<hbm>> -> memref<16x1024xf32, #tpu.memory_space<hbm>>
    tpu.enqueue_dma source(%dma_start3A_335 : memref<16x1024xf32, #tpu.memory_space<hbm>>) target(%dma_start3A_333 : memref<16x1024xf32, #tpu.memory_space<vmem>>) target_semaphore(%arg18 : memref<!tpu.dma_semaphore, #tpu.memory_space<semaphore_mem>>)
    %dma_wait3A_336 = arith.constant 0 : i32
    %dma_wait3A_337 = arith.constant 0 : i32
    %dma_wait3A_338 = arith.constant 0 : i32
    %dma_wait3A_339 = tpu.memref_slice %arg13[%dma_wait3A_336, %dma_wait3A_337, %dma_wait3A_338] : memref<4x16x1024xf32, #tpu.memory_space<vmem>> -> memref<1x16x1024xf32, #tpu.memory_space<vmem>>
    %dma_wait3A_340 = tpu.memref_squeeze %dma_wait3A_339 : memref<1x16x1024xf32, #tpu.memory_space<vmem>> -> memref<16x1024xf32, #tpu.memory_space<vmem>>
    %dma_wait3A_341 = arith.constant 0 : i32
    %dma_wait3A_342 = tpu.memref_slice %arg2[%add3A_130, %dma_wait3A_341] : memref<4096x1024xf32, #tpu.memory_space<hbm>> -> memref<16x1024xf32, #tpu.memory_space<hbm>>
    %dma_wait3A_343 = arith.constant 0 : i32
    %dma_wait3A_344 = arith.constant 0 : i32
    %dma_wait3A_345 = tpu.memref_slice %arg13[%dma_wait3A_336, %dma_wait3A_343, %dma_wait3A_344] : memref<4x16x1024xf32, #tpu.memory_space<vmem>> -> memref<1x16x1024xf32, #tpu.memory_space<vmem>>
    %dma_wait3A_346 = tpu.memref_squeeze %dma_wait3A_345 : memref<1x16x1024xf32, #tpu.memory_space<vmem>> -> memref<16x1024xf32, #tpu.memory_space<vmem>>
    %dma_wait3A_347 = arith.constant 0 : i32
    %dma_wait3A_348 = tpu.memref_slice %arg2[%add3A_130, %dma_wait3A_347] : memref<4096x1024xf32, #tpu.memory_space<hbm>> -> memref<16x1024xf32, #tpu.memory_space<hbm>>
    tpu.wait_dma2 semaphore(%arg15 : memref<!tpu.dma_semaphore, #tpu.memory_space<semaphore_mem>>) src(%dma_wait3A_348 : memref<16x1024xf32, #tpu.memory_space<hbm>>) dst(%dma_wait3A_346 : memref<16x1024xf32, #tpu.memory_space<vmem>>)
    %get3A_349 = arith.constant 64 : index
    %get3A_350 = tpu.vector_load %arg11[%get3A_349] {strides = array<i32>} : memref<128xi32, #tpu.memory_space<vmem>>, vector<16xi32>,
    %dma_start3A_351 = arith.constant 0 : i32
    %dma_start3A_352 = arith.constant 0 : i32
    %dma_start3A_353 = arith.constant 0 : i32
    %dma_start3A_354 = tpu.memref_slice %arg13[%dma_start3A_351, %dma_start3A_352, %dma_start3A_353] : memref<4x16x1024xf32, #tpu.memory_space<vmem>> -> memref<1x16x1024xf32, #tpu.memory_space<vmem>>
    %dma_start3A_355 = tpu.memref_squeeze %dma_start3A_354 : memref<1x16x1024xf32, #tpu.memory_space<vmem>> -> memref<16x1024xf32, #tpu.memory_space<vmem>>
    %dma_start3A_356 = arith.constant 0 : i32
    %dma_start3A_357 = arith.constant 0 : i32
    %dma_start3A_358 = tpu.memref_slice %arg7[%dma_start3A_356, %dma_start3A_357] : memref<10240x1024xf32, #tpu.memory_space<hbm>> -> memref<10240x1024xf32, #tpu.memory_space<hbm>>
    tpu.enqueue_indirect_dma source(%dma_start3A_355 : memref<16x1024xf32, #tpu.memory_space<vmem>>) target(%dma_start3A_358 : memref<10240x1024xf32, #tpu.memory_space<hbm>>) offsets(%get3A_350 : vector<16xi32>) semaphore(%arg19 : memref<!tpu.dma_semaphore, #tpu.memory_space<semaphore_mem>>)
    %get3A_359 = arith.constant 64 : index
    %get3A_360 = tpu.vector_load %arg12[%get3A_359] {strides = array<i32>} : memref<128xi32, #tpu.memory_space<vmem>>, vector<16xi32>,
    %dma_start3A_361 = arith.constant 0 : i32
    %dma_start3A_362 = arith.constant 0 : i32
    %dma_start3A_363 = arith.constant 0 : i32
    %dma_start3A_364 = tpu.memref_slice %arg13[%dma_start3A_361, %dma_start3A_362, %dma_start3A_363] : memref<4x16x1024xf32, #tpu.memory_space<vmem>> -> memref<1x16x1024xf32, #tpu.memory_space<vmem>>
    %dma_start3A_365 = tpu.memref_squeeze %dma_start3A_364 : memref<1x16x1024xf32, #tpu.memory_space<vmem>> -> memref<16x1024xf32, #tpu.memory_space<vmem>>
    %dma_start3A_366 = arith.constant 0 : i32
    %dma_start3A_367 = arith.constant 0 : i32
    %dma_start3A_368 = tpu.memref_slice %arg7[%dma_start3A_366, %dma_start3A_367] : memref<10240x1024xf32, #tpu.memory_space<hbm>> -> memref<10240x1024xf32, #tpu.memory_space<hbm>>
    tpu.enqueue_indirect_dma source(%dma_start3A_365 : memref<16x1024xf32, #tpu.memory_space<vmem>>) target(%dma_start3A_368 : memref<10240x1024xf32, #tpu.memory_space<hbm>>) offsets(%get3A_360 : vector<16xi32>) semaphore(%arg19 : memref<!tpu.dma_semaphore, #tpu.memory_space<semaphore_mem>>)
    %dma_wait3A_369 = arith.constant 1 : i32
    %dma_wait3A_370 = arith.constant 0 : i32
    %dma_wait3A_371 = arith.constant 0 : i32
    %dma_wait3A_372 = tpu.memref_slice %arg13[%dma_wait3A_369, %dma_wait3A_370, %dma_wait3A_371] : memref<4x16x1024xf32, #tpu.memory_space<vmem>> -> memref<1x16x1024xf32, #tpu.memory_space<vmem>>
    %dma_wait3A_373 = tpu.memref_squeeze %dma_wait3A_372 : memref<1x16x1024xf32, #tpu.memory_space<vmem>> -> memref<16x1024xf32, #tpu.memory_space<vmem>>
    %dma_wait3A_374 = arith.constant 0 : i32
    %dma_wait3A_375 = tpu.memref_slice %arg2[%add3A_194, %dma_wait3A_374] : memref<4096x1024xf32, #tpu.memory_space<hbm>> -> memref<16x1024xf32, #tpu.memory_space<hbm>>
    %dma_wait3A_376 = arith.constant 0 : i32
    %dma_wait3A_377 = arith.constant 0 : i32
    %dma_wait3A_378 = tpu.memref_slice %arg13[%dma_wait3A_369, %dma_wait3A_376, %dma_wait3A_377] : memref<4x16x1024xf32, #tpu.memory_space<vmem>> -> memref<1x16x1024xf32, #tpu.memory_space<vmem>>
    %dma_wait3A_379 = tpu.memref_squeeze %dma_wait3A_378 : memref<1x16x1024xf32, #tpu.memory_space<vmem>> -> memref<16x1024xf32, #tpu.memory_space<vmem>>
    %dma_wait3A_380 = arith.constant 0 : i32
    %dma_wait3A_381 = tpu.memref_slice %arg2[%add3A_194, %dma_wait3A_380] : memref<4096x1024xf32, #tpu.memory_space<hbm>> -> memref<16x1024xf32, #tpu.memory_space<hbm>>
    tpu.wait_dma2 semaphore(%arg16 : memref<!tpu.dma_semaphore, #tpu.memory_space<semaphore_mem>>) src(%dma_wait3A_381 : memref<16x1024xf32, #tpu.memory_space<hbm>>) dst(%dma_wait3A_379 : memref<16x1024xf32, #tpu.memory_space<vmem>>)
    %get3A_382 = arith.constant 80 : index
    %get3A_383 = tpu.vector_load %arg11[%get3A_382] {strides = array<i32>} : memref<128xi32, #tpu.memory_space<vmem>>, vector<16xi32>,
    %dma_start3A_384 = arith.constant 1 : i32
    %dma_start3A_385 = arith.constant 0 : i32
    %dma_start3A_386 = arith.constant 0 : i32
    %dma_start3A_387 = tpu.memref_slice %arg13[%dma_start3A_384, %dma_start3A_385, %dma_start3A_386] : memref<4x16x1024xf32, #tpu.memory_space<vmem>> -> memref<1x16x1024xf32, #tpu.memory_space<vmem>>
    %dma_start3A_388 = tpu.memref_squeeze %dma_start3A_387 : memref<1x16x1024xf32, #tpu.memory_space<vmem>> -> memref<16x1024xf32, #tpu.memory_space<vmem>>
    %dma_start3A_389 = arith.constant 0 : i32
    %dma_start3A_390 = arith.constant 0 : i32
    %dma_start3A_391 = tpu.memref_slice %arg7[%dma_start3A_389, %dma_start3A_390] : memref<10240x1024xf32, #tpu.memory_space<hbm>> -> memref<10240x1024xf32, #tpu.memory_space<hbm>>
    tpu.enqueue_indirect_dma source(%dma_start3A_388 : memref<16x1024xf32, #tpu.memory_space<vmem>>) target(%dma_start3A_391 : memref<10240x1024xf32, #tpu.memory_space<hbm>>) offsets(%get3A_383 : vector<16xi32>) semaphore(%arg20 : memref<!tpu.dma_semaphore, #tpu.memory_space<semaphore_mem>>)
    %get3A_392 = arith.constant 80 : index
    %get3A_393 = tpu.vector_load %arg12[%get3A_392] {strides = array<i32>} : memref<128xi32, #tpu.memory_space<vmem>>, vector<16xi32>,
    %dma_start3A_394 = arith.constant 1 : i32
    %dma_start3A_395 = arith.constant 0 : i32
    %dma_start3A_396 = arith.constant 0 : i32
    %dma_start3A_397 = tpu.memref_slice %arg13[%dma_start3A_394, %dma_start3A_395, %dma_start3A_396] : memref<4x16x1024xf32, #tpu.memory_space<vmem>> -> memref<1x16x1024xf32, #tpu.memory_space<vmem>>
    %dma_start3A_398 = tpu.memref_squeeze %dma_start3A_397 : memref<1x16x1024xf32, #tpu.memory_space<vmem>> -> memref<16x1024xf32, #tpu.memory_space<vmem>>
    %dma_start3A_399 = arith.constant 0 : i32
    %dma_start3A_400 = arith.constant 0 : i32
    %dma_start3A_401 = tpu.memref_slice %arg7[%dma_start3A_399, %dma_start3A_400] : memref<10240x1024xf32, #tpu.memory_space<hbm>> -> memref<10240x1024xf32, #tpu.memory_space<hbm>>
    tpu.enqueue_indirect_dma source(%dma_start3A_398 : memref<16x1024xf32, #tpu.memory_space<vmem>>) target(%dma_start3A_401 : memref<10240x1024xf32, #tpu.memory_space<hbm>>) offsets(%get3A_393 : vector<16xi32>) semaphore(%arg20 : memref<!tpu.dma_semaphore, #tpu.memory_space<semaphore_mem>>)
    %dma_wait3A_402 = arith.constant 2 : i32
    %dma_wait3A_403 = arith.constant 0 : i32
    %dma_wait3A_404 = arith.constant 0 : i32
    %dma_wait3A_405 = tpu.memref_slice %arg13[%dma_wait3A_402, %dma_wait3A_403, %dma_wait3A_404] : memref<4x16x1024xf32, #tpu.memory_space<vmem>> -> memref<1x16x1024xf32, #tpu.memory_space<vmem>>
    %dma_wait3A_406 = tpu.memref_squeeze %dma_wait3A_405 : memref<1x16x1024xf32, #tpu.memory_space<vmem>> -> memref<16x1024xf32, #tpu.memory_space<vmem>>
    %dma_wait3A_407 = arith.constant 0 : i32
    %dma_wait3A_408 = tpu.memref_slice %arg2[%add3A_258, %dma_wait3A_407] : memref<4096x1024xf32, #tpu.memory_space<hbm>> -> memref<16x1024xf32, #tpu.memory_space<hbm>>
    %dma_wait3A_409 = arith.constant 0 : i32
    %dma_wait3A_410 = arith.constant 0 : i32
    %dma_wait3A_411 = tpu.memref_slice %arg13[%dma_wait3A_402, %dma_wait3A_409, %dma_wait3A_410] : memref<4x16x1024xf32, #tpu.memory_space<vmem>> -> memref<1x16x1024xf32, #tpu.memory_space<vmem>>
    %dma_wait3A_412 = tpu.memref_squeeze %dma_wait3A_411 : memref<1x16x1024xf32, #tpu.memory_space<vmem>> -> memref<16x1024xf32, #tpu.memory_space<vmem>>
    %dma_wait3A_413 = arith.constant 0 : i32
    %dma_wait3A_414 = tpu.memref_slice %arg2[%add3A_258, %dma_wait3A_413] : memref<4096x1024xf32, #tpu.memory_space<hbm>> -> memref<16x1024xf32, #tpu.memory_space<hbm>>
    tpu.wait_dma2 semaphore(%arg17 : memref<!tpu.dma_semaphore, #tpu.memory_space<semaphore_mem>>) src(%dma_wait3A_414 : memref<16x1024xf32, #tpu.memory_space<hbm>>) dst(%dma_wait3A_412 : memref<16x1024xf32, #tpu.memory_space<vmem>>)
    %get3A_415 = arith.constant 96 : index
    %get3A_416 = tpu.vector_load %arg11[%get3A_415] {strides = array<i32>} : memref<128xi32, #tpu.memory_space<vmem>>, vector<16xi32>,
    %dma_start3A_417 = arith.constant 2 : i32
    %dma_start3A_418 = arith.constant 0 : i32
    %dma_start3A_419 = arith.constant 0 : i32
    %dma_start3A_420 = tpu.memref_slice %arg13[%dma_start3A_417, %dma_start3A_418, %dma_start3A_419] : memref<4x16x1024xf32, #tpu.memory_space<vmem>> -> memref<1x16x1024xf32, #tpu.memory_space<vmem>>
    %dma_start3A_421 = tpu.memref_squeeze %dma_start3A_420 : memref<1x16x1024xf32, #tpu.memory_space<vmem>> -> memref<16x1024xf32, #tpu.memory_space<vmem>>
    %dma_start3A_422 = arith.constant 0 : i32
    %dma_start3A_423 = arith.constant 0 : i32
    %dma_start3A_424 = tpu.memref_slice %arg7[%dma_start3A_422, %dma_start3A_423] : memref<10240x1024xf32, #tpu.memory_space<hbm>> -> memref<10240x1024xf32, #tpu.memory_space<hbm>>
    tpu.enqueue_indirect_dma source(%dma_start3A_421 : memref<16x1024xf32, #tpu.memory_space<vmem>>) target(%dma_start3A_424 : memref<10240x1024xf32, #tpu.memory_space<hbm>>) offsets(%get3A_416 : vector<16xi32>) semaphore(%arg21 : memref<!tpu.dma_semaphore, #tpu.memory_space<semaphore_mem>>)
    %get3A_425 = arith.constant 96 : index
    %get3A_426 = tpu.vector_load %arg12[%get3A_425] {strides = array<i32>} : memref<128xi32, #tpu.memory_space<vmem>>, vector<16xi32>,
    %dma_start3A_427 = arith.constant 2 : i32
    %dma_start3A_428 = arith.constant 0 : i32
    %dma_start3A_429 = arith.constant 0 : i32
    %dma_start3A_430 = tpu.memref_slice %arg13[%dma_start3A_427, %dma_start3A_428, %dma_start3A_429] : memref<4x16x1024xf32, #tpu.memory_space<vmem>> -> memref<1x16x1024xf32, #tpu.memory_space<vmem>>
    %dma_start3A_431 = tpu.memref_squeeze %dma_start3A_430 : memref<1x16x1024xf32, #tpu.memory_space<vmem>> -> memref<16x1024xf32, #tpu.memory_space<vmem>>
    %dma_start3A_432 = arith.constant 0 : i32
    %dma_start3A_433 = arith.constant 0 : i32
    %dma_start3A_434 = tpu.memref_slice %arg7[%dma_start3A_432, %dma_start3A_433] : memref<10240x1024xf32, #tpu.memory_space<hbm>> -> memref<10240x1024xf32, #tpu.memory_space<hbm>>
    tpu.enqueue_indirect_dma source(%dma_start3A_431 : memref<16x1024xf32, #tpu.memory_space<vmem>>) target(%dma_start3A_434 : memref<10240x1024xf32, #tpu.memory_space<hbm>>) offsets(%get3A_426 : vector<16xi32>) semaphore(%arg21 : memref<!tpu.dma_semaphore, #tpu.memory_space<semaphore_mem>>)
    %dma_wait3A_435 = arith.constant 3 : i32
    %dma_wait3A_436 = arith.constant 0 : i32
    %dma_wait3A_437 = arith.constant 0 : i32
    %dma_wait3A_438 = tpu.memref_slice %arg13[%dma_wait3A_435, %dma_wait3A_436, %dma_wait3A_437] : memref<4x16x1024xf32, #tpu.memory_space<vmem>> -> memref<1x16x1024xf32, #tpu.memory_space<vmem>>
    %dma_wait3A_439 = tpu.memref_squeeze %dma_wait3A_438 : memref<1x16x1024xf32, #tpu.memory_space<vmem>> -> memref<16x1024xf32, #tpu.memory_space<vmem>>
    %dma_wait3A_440 = arith.constant 0 : i32
    %dma_wait3A_441 = tpu.memref_slice %arg2[%add3A_322, %dma_wait3A_440] : memref<4096x1024xf32, #tpu.memory_space<hbm>> -> memref<16x1024xf32, #tpu.memory_space<hbm>>
    %dma_wait3A_442 = arith.constant 0 : i32
    %dma_wait3A_443 = arith.constant 0 : i32
    %dma_wait3A_444 = tpu.memref_slice %arg13[%dma_wait3A_435, %dma_wait3A_442, %dma_wait3A_443] : memref<4x16x1024xf32, #tpu.memory_space<vmem>> -> memref<1x16x1024xf32, #tpu.memory_space<vmem>>
    %dma_wait3A_445 = tpu.memref_squeeze %dma_wait3A_444 : memref<1x16x1024xf32, #tpu.memory_space<vmem>> -> memref<16x1024xf32, #tpu.memory_space<vmem>>
    %dma_wait3A_446 = arith.constant 0 : i32
    %dma_wait3A_447 = tpu.memref_slice %arg2[%add3A_322, %dma_wait3A_446] : memref<4096x1024xf32, #tpu.memory_space<hbm>> -> memref<16x1024xf32, #tpu.memory_space<hbm>>
    tpu.wait_dma2 semaphore(%arg18 : memref<!tpu.dma_semaphore, #tpu.memory_space<semaphore_mem>>) src(%dma_wait3A_447 : memref<16x1024xf32, #tpu.memory_space<hbm>>) dst(%dma_wait3A_445 : memref<16x1024xf32, #tpu.memory_space<vmem>>)
    %get3A_448 = arith.constant 112 : index
    %get3A_449 = tpu.vector_load %arg11[%get3A_448] {strides = array<i32>} : memref<128xi32, #tpu.memory_space<vmem>>, vector<16xi32>,
    %dma_start3A_450 = arith.constant 3 : i32
    %dma_start3A_451 = arith.constant 0 : i32
    %dma_start3A_452 = arith.constant 0 : i32
    %dma_start3A_453 = tpu.memref_slice %arg13[%dma_start3A_450, %dma_start3A_451, %dma_start3A_452] : memref<4x16x1024xf32, #tpu.memory_space<vmem>> -> memref<1x16x1024xf32, #tpu.memory_space<vmem>>
    %dma_start3A_454 = tpu.memref_squeeze %dma_start3A_453 : memref<1x16x1024xf32, #tpu.memory_space<vmem>> -> memref<16x1024xf32, #tpu.memory_space<vmem>>
    %dma_start3A_455 = arith.constant 0 : i32
    %dma_start3A_456 = arith.constant 0 : i32
    %dma_start3A_457 = tpu.memref_slice %arg7[%dma_start3A_455, %dma_start3A_456] : memref<10240x1024xf32, #tpu.memory_space<hbm>> -> memref<10240x1024xf32, #tpu.memory_space<hbm>>
    tpu.enqueue_indirect_dma source(%dma_start3A_454 : memref<16x1024xf32, #tpu.memory_space<vmem>>) target(%dma_start3A_457 : memref<10240x1024xf32, #tpu.memory_space<hbm>>) offsets(%get3A_449 : vector<16xi32>) semaphore(%arg22 : memref<!tpu.dma_semaphore, #tpu.memory_space<semaphore_mem>>)
    %get3A_458 = arith.constant 112 : index
    %get3A_459 = tpu.vector_load %arg12[%get3A_458] {strides = array<i32>} : memref<128xi32, #tpu.memory_space<vmem>>, vector<16xi32>,
    %dma_start3A_460 = arith.constant 3 : i32
    %dma_start3A_461 = arith.constant 0 : i32
    %dma_start3A_462 = arith.constant 0 : i32
    %dma_start3A_463 = tpu.memref_slice %arg13[%dma_start3A_460, %dma_start3A_461, %dma_start3A_462] : memref<4x16x1024xf32, #tpu.memory_space<vmem>> -> memref<1x16x1024xf32, #tpu.memory_space<vmem>>
    %dma_start3A_464 = tpu.memref_squeeze %dma_start3A_463 : memref<1x16x1024xf32, #tpu.memory_space<vmem>> -> memref<16x1024xf32, #tpu.memory_space<vmem>>
    %dma_start3A_465 = arith.constant 0 : i32
    %dma_start3A_466 = arith.constant 0 : i32
    %dma_start3A_467 = tpu.memref_slice %arg7[%dma_start3A_465, %dma_start3A_466] : memref<10240x1024xf32, #tpu.memory_space<hbm>> -> memref<10240x1024xf32, #tpu.memory_space<hbm>>
    tpu.enqueue_indirect_dma source(%dma_start3A_464 : memref<16x1024xf32, #tpu.memory_space<vmem>>) target(%dma_start3A_467 : memref<10240x1024xf32, #tpu.memory_space<hbm>>) offsets(%get3A_459 : vector<16xi32>) semaphore(%arg22 : memref<!tpu.dma_semaphore, #tpu.memory_space<semaphore_mem>>)
    %dma_wait3A_468 = arith.constant 0 : i32
    %dma_wait3A_469 = arith.constant 0 : i32
    %dma_wait3A_470 = arith.constant 0 : i32
    %dma_wait3A_471 = tpu.memref_slice %arg13[%dma_wait3A_468, %dma_wait3A_469, %dma_wait3A_470] : memref<4x16x1024xf32, #tpu.memory_space<vmem>> -> memref<1x16x1024xf32, #tpu.memory_space<vmem>>
    %dma_wait3A_472 = tpu.memref_squeeze %dma_wait3A_471 : memref<1x16x1024xf32, #tpu.memory_space<vmem>> -> memref<16x1024xf32, #tpu.memory_space<vmem>>
    %dma_wait3A_473 = arith.constant 0 : i32
    %dma_wait3A_474 = arith.constant 0 : i32
    %dma_wait3A_475 = tpu.memref_slice %arg7[%dma_wait3A_473, %dma_wait3A_474] : memref<10240x1024xf32, #tpu.memory_space<hbm>> -> memref<10240x1024xf32, #tpu.memory_space<hbm>>
    tpu.wait_indirect_dma semaphore(%arg19 : memref<!tpu.dma_semaphore, #tpu.memory_space<semaphore_mem>>) src(%dma_wait3A_472 : memref<16x1024xf32, #tpu.memory_space<vmem>>) dst(%dma_wait3A_475 : memref<10240x1024xf32, #tpu.memory_space<hbm>>)
    %dma_wait3A_476 = arith.constant 0 : i32
    %dma_wait3A_477 = arith.constant 0 : i32
    %dma_wait3A_478 = arith.constant 0 : i32
    %dma_wait3A_479 = tpu.memref_slice %arg13[%dma_wait3A_476, %dma_wait3A_477, %dma_wait3A_478] : memref<4x16x1024xf32, #tpu.memory_space<vmem>> -> memref<1x16x1024xf32, #tpu.memory_space<vmem>>
    %dma_wait3A_480 = tpu.memref_squeeze %dma_wait3A_479 : memref<1x16x1024xf32, #tpu.memory_space<vmem>> -> memref<16x1024xf32, #tpu.memory_space<vmem>>
    %dma_wait3A_481 = arith.constant 0 : i32
    %dma_wait3A_482 = arith.constant 0 : i32
    %dma_wait3A_483 = tpu.memref_slice %arg7[%dma_wait3A_481, %dma_wait3A_482] : memref<10240x1024xf32, #tpu.memory_space<hbm>> -> memref<10240x1024xf32, #tpu.memory_space<hbm>>
    tpu.wait_indirect_dma semaphore(%arg19 : memref<!tpu.dma_semaphore, #tpu.memory_space<semaphore_mem>>) src(%dma_wait3A_480 : memref<16x1024xf32, #tpu.memory_space<vmem>>) dst(%dma_wait3A_483 : memref<10240x1024xf32, #tpu.memory_space<hbm>>)
    %dma_wait3A_484 = arith.constant 1 : i32
    %dma_wait3A_485 = arith.constant 0 : i32
    %dma_wait3A_486 = arith.constant 0 : i32
    %dma_wait3A_487 = tpu.memref_slice %arg13[%dma_wait3A_484, %dma_wait3A_485, %dma_wait3A_486] : memref<4x16x1024xf32, #tpu.memory_space<vmem>> -> memref<1x16x1024xf32, #tpu.memory_space<vmem>>
    %dma_wait3A_488 = tpu.memref_squeeze %dma_wait3A_487 : memref<1x16x1024xf32, #tpu.memory_space<vmem>> -> memref<16x1024xf32, #tpu.memory_space<vmem>>
    %dma_wait3A_489 = arith.constant 0 : i32
    %dma_wait3A_490 = arith.constant 0 : i32
    %dma_wait3A_491 = tpu.memref_slice %arg7[%dma_wait3A_489, %dma_wait3A_490] : memref<10240x1024xf32, #tpu.memory_space<hbm>> -> memref<10240x1024xf32, #tpu.memory_space<hbm>>
    tpu.wait_indirect_dma semaphore(%arg20 : memref<!tpu.dma_semaphore, #tpu.memory_space<semaphore_mem>>) src(%dma_wait3A_488 : memref<16x1024xf32, #tpu.memory_space<vmem>>) dst(%dma_wait3A_491 : memref<10240x1024xf32, #tpu.memory_space<hbm>>)
    %dma_wait3A_492 = arith.constant 1 : i32
    %dma_wait3A_493 = arith.constant 0 : i32
    %dma_wait3A_494 = arith.constant 0 : i32
    %dma_wait3A_495 = tpu.memref_slice %arg13[%dma_wait3A_492, %dma_wait3A_493, %dma_wait3A_494] : memref<4x16x1024xf32, #tpu.memory_space<vmem>> -> memref<1x16x1024xf32, #tpu.memory_space<vmem>>
    %dma_wait3A_496 = tpu.memref_squeeze %dma_wait3A_495 : memref<1x16x1024xf32, #tpu.memory_space<vmem>> -> memref<16x1024xf32, #tpu.memory_space<vmem>>
    %dma_wait3A_497 = arith.constant 0 : i32
    %dma_wait3A_498 = arith.constant 0 : i32
    %dma_wait3A_499 = tpu.memref_slice %arg7[%dma_wait3A_497, %dma_wait3A_498] : memref<10240x1024xf32, #tpu.memory_space<hbm>> -> memref<10240x1024xf32, #tpu.memory_space<hbm>>
    tpu.wait_indirect_dma semaphore(%arg20 : memref<!tpu.dma_semaphore, #tpu.memory_space<semaphore_mem>>) src(%dma_wait3A_496 : memref<16x1024xf32, #tpu.memory_space<vmem>>) dst(%dma_wait3A_499 : memref<10240x1024xf32, #tpu.memory_space<hbm>>)
    %dma_wait3A_500 = arith.constant 2 : i32
    %dma_wait3A_501 = arith.constant 0 : i32
    %dma_wait3A_502 = arith.constant 0 : i32
    %dma_wait3A_503 = tpu.memref_slice %arg13[%dma_wait3A_500, %dma_wait3A_501, %dma_wait3A_502] : memref<4x16x1024xf32, #tpu.memory_space<vmem>> -> memref<1x16x1024xf32, #tpu.memory_space<vmem>>
    %dma_wait3A_504 = tpu.memref_squeeze %dma_wait3A_503 : memref<1x16x1024xf32, #tpu.memory_space<vmem>> -> memref<16x1024xf32, #tpu.memory_space<vmem>>
    %dma_wait3A_505 = arith.constant 0 : i32
    %dma_wait3A_506 = arith.constant 0 : i32
    %dma_wait3A_507 = tpu.memref_slice %arg7[%dma_wait3A_505, %dma_wait3A_506] : memref<10240x1024xf32, #tpu.memory_space<hbm>> -> memref<10240x1024xf32, #tpu.memory_space<hbm>>
    tpu.wait_indirect_dma semaphore(%arg21 : memref<!tpu.dma_semaphore, #tpu.memory_space<semaphore_mem>>) src(%dma_wait3A_504 : memref<16x1024xf32, #tpu.memory_space<vmem>>) dst(%dma_wait3A_507 : memref<10240x1024xf32, #tpu.memory_space<hbm>>)
    %dma_wait3A_508 = arith.constant 2 : i32
    %dma_wait3A_509 = arith.constant 0 : i32
    %dma_wait3A_510 = arith.constant 0 : i32
    %dma_wait3A_511 = tpu.memref_slice %arg13[%dma_wait3A_508, %dma_wait3A_509, %dma_wait3A_510] : memref<4x16x1024xf32, #tpu.memory_space<vmem>> -> memref<1x16x1024xf32, #tpu.memory_space<vmem>>
    %dma_wait3A_512 = tpu.memref_squeeze %dma_wait3A_511 : memref<1x16x1024xf32, #tpu.memory_space<vmem>> -> memref<16x1024xf32, #tpu.memory_space<vmem>>
    %dma_wait3A_513 = arith.constant 0 : i32
    %dma_wait3A_514 = arith.constant 0 : i32
    %dma_wait3A_515 = tpu.memref_slice %arg7[%dma_wait3A_513, %dma_wait3A_514] : memref<10240x1024xf32, #tpu.memory_space<hbm>> -> memref<10240x1024xf32, #tpu.memory_space<hbm>>
    tpu.wait_indirect_dma semaphore(%arg21 : memref<!tpu.dma_semaphore, #tpu.memory_space<semaphore_mem>>) src(%dma_wait3A_512 : memref<16x1024xf32, #tpu.memory_space<vmem>>) dst(%dma_wait3A_515 : memref<10240x1024xf32, #tpu.memory_space<hbm>>)
    %dma_wait3A_516 = arith.constant 3 : i32
    %dma_wait3A_517 = arith.constant 0 : i32
    %dma_wait3A_518 = arith.constant 0 : i32
    %dma_wait3A_519 = tpu.memref_slice %arg13[%dma_wait3A_516, %dma_wait3A_517, %dma_wait3A_518] : memref<4x16x1024xf32, #tpu.memory_space<vmem>> -> memref<1x16x1024xf32, #tpu.memory_space<vmem>>
    %dma_wait3A_520 = tpu.memref_squeeze %dma_wait3A_519 : memref<1x16x1024xf32, #tpu.memory_space<vmem>> -> memref<16x1024xf32, #tpu.memory_space<vmem>>
    %dma_wait3A_521 = arith.constant 0 : i32
    %dma_wait3A_522 = arith.constant 0 : i32
    %dma_wait3A_523 = tpu.memref_slice %arg7[%dma_wait3A_521, %dma_wait3A_522] : memref<10240x1024xf32, #tpu.memory_space<hbm>> -> memref<10240x1024xf32, #tpu.memory_space<hbm>>
    tpu.wait_indirect_dma semaphore(%arg22 : memref<!tpu.dma_semaphore, #tpu.memory_space<semaphore_mem>>) src(%dma_wait3A_520 : memref<16x1024xf32, #tpu.memory_space<vmem>>) dst(%dma_wait3A_523 : memref<10240x1024xf32, #tpu.memory_space<hbm>>)
    %dma_wait3A_524 = arith.constant 3 : i32
    %dma_wait3A_525 = arith.constant 0 : i32
    %dma_wait3A_526 = arith.constant 0 : i32
    %dma_wait3A_527 = tpu.memref_slice %arg13[%dma_wait3A_524, %dma_wait3A_525, %dma_wait3A_526] : memref<4x16x1024xf32, #tpu.memory_space<vmem>> -> memref<1x16x1024xf32, #tpu.memory_space<vmem>>
    %dma_wait3A_528 = tpu.memref_squeeze %dma_wait3A_527 : memref<1x16x1024xf32, #tpu.memory_space<vmem>> -> memref<16x1024xf32, #tpu.memory_space<vmem>>
    %dma_wait3A_529 = arith.constant 0 : i32
    %dma_wait3A_530 = arith.constant 0 : i32
    %dma_wait3A_531 = tpu.memref_slice %arg7[%dma_wait3A_529, %dma_wait3A_530] : memref<10240x1024xf32, #tpu.memory_space<hbm>> -> memref<10240x1024xf32, #tpu.memory_space<hbm>>
    tpu.wait_indirect_dma semaphore(%arg22 : memref<!tpu.dma_semaphore, #tpu.memory_space<semaphore_mem>>) src(%dma_wait3A_528 : memref<16x1024xf32, #tpu.memory_space<vmem>>) dst(%dma_wait3A_531 : memref<10240x1024xf32, #tpu.memory_space<hbm>>)
    %dma_wait3A_532 = arith.constant 0 : i32
    %dma_wait3A_533 = tpu.memref_slice %arg8[%dma_wait3A_532] : memref<10240xf32, #tpu.memory_space<hbm>> -> memref<10240xf32, #tpu.memory_space<hbm>>
    tpu.wait_indirect_dma semaphore(%arg14 : memref<!tpu.dma_semaphore, #tpu.memory_space<semaphore_mem>>) src(%arg9 : memref<128xf32, #tpu.memory_space<vmem>>) dst(%dma_wait3A_533 : memref<10240xf32, #tpu.memory_space<hbm>>)
    %dma_wait3A_534 = arith.constant 0 : i32
    %dma_wait3A_535 = tpu.memref_slice %arg8[%dma_wait3A_534] : memref<10240xf32, #tpu.memory_space<hbm>> -> memref<10240xf32, #tpu.memory_space<hbm>>
    tpu.wait_indirect_dma semaphore(%arg14 : memref<!tpu.dma_semaphore, #tpu.memory_space<semaphore_mem>>) src(%arg10 : memref<128xf32, #tpu.memory_space<vmem>>) dst(%dma_wait3A_535 : memref<10240xf32, #tpu.memory_space<hbm>>)
    return
  }
}

#map = affine_map<(d0, d1) -> (0, 0)>
#map1 = affine_map<(d0, d1) -> (0)>
module attributes {stable_mosaic.version = 14 : i64} {
  func.func @_combine_body(%arg0: i32, %arg1: i32, %arg2: memref<10240x1024xf32, #tpu.memory_space<hbm>>, %arg3: memref<4096xi32, #tpu.memory_space<hbm>>, %arg4: memref<4096xi32, #tpu.memory_space<hbm>>, %arg5: memref<4096x1024xf32, #tpu.memory_space<hbm>>, %arg6: memref<128xi32, #tpu.memory_space<vmem>>, %arg7: memref<128xi32, #tpu.memory_space<vmem>>, %arg8: memref<2x16x1024xf32, #tpu.memory_space<vmem>>, %arg9: memref<2x16x1024xf32, #tpu.memory_space<vmem>>, %arg10: memref<2x16x1024xf32, #tpu.memory_space<vmem>>, %arg11: memref<!tpu.dma_semaphore, #tpu.memory_space<semaphore_mem>>, %arg12: memref<!tpu.dma_semaphore, #tpu.memory_space<semaphore_mem>>, %arg13: memref<!tpu.dma_semaphore, #tpu.memory_space<semaphore_mem>>, %arg14: memref<!tpu.dma_semaphore, #tpu.memory_space<semaphore_mem>>) attributes {dimension_semantics = [#tpu.dimension_semantics<core_parallel>, #tpu.dimension_semantics<subcore_parallel>], iteration_bounds = array<i64: 2, 16>, scalar_prefetch = 0 : i64, scratch_operands = 9 : i64, tpu.core_type = #tpu.core_type<sc_vector_subcore>, window_params = [{transform_indices = #map}, {transform_indices = #map1}, {transform_indices = #map1}, {transform_indices = #map}]} {
    %mul3A = arith.constant 2 : i32
    %mul3A_0 = arith.muli %arg1, %mul3A : i32
    %add3A = arith.addi %mul3A_0, %arg0 : i32
    %mul3A_1 = arith.constant 128 : i32
    %mul3A_2 = arith.muli %add3A, %mul3A_1 : i32
    "tpu.region"() ({
      %run_scoped3A = tpu.sem_alloc : memref<!tpu.dma_semaphore, #tpu.memory_space<semaphore_mem>>
      %dma_start3A_567 = tpu.memref_slice %arg3[%mul3A_2] : memref<4096xi32, #tpu.memory_space<hbm>> -> memref<128xi32, #tpu.memory_space<hbm>>
      %dma_start3A_568 = tpu.memref_slice %arg3[%mul3A_2] : memref<4096xi32, #tpu.memory_space<hbm>> -> memref<128xi32, #tpu.memory_space<hbm>>
      tpu.enqueue_dma source(%dma_start3A_568 : memref<128xi32, #tpu.memory_space<hbm>>) target(%arg6 : memref<128xi32, #tpu.memory_space<vmem>>) target_semaphore(%run_scoped3A : memref<!tpu.dma_semaphore, #tpu.memory_space<semaphore_mem>>)
      %dma_wait3A_569 = tpu.memref_slice %arg3[%mul3A_2] : memref<4096xi32, #tpu.memory_space<hbm>> -> memref<128xi32, #tpu.memory_space<hbm>>
      %dma_wait3A_570 = tpu.memref_slice %arg3[%mul3A_2] : memref<4096xi32, #tpu.memory_space<hbm>> -> memref<128xi32, #tpu.memory_space<hbm>>
      tpu.wait_dma2 semaphore(%run_scoped3A : memref<!tpu.dma_semaphore, #tpu.memory_space<semaphore_mem>>) src(%dma_wait3A_570 : memref<128xi32, #tpu.memory_space<hbm>>) dst(%arg6 : memref<128xi32, #tpu.memory_space<vmem>>)
      tpu.yield
    }) : () -> ()
    "tpu.region"() ({
      %run_scoped3A = tpu.sem_alloc : memref<!tpu.dma_semaphore, #tpu.memory_space<semaphore_mem>>
      %dma_start3A_567 = tpu.memref_slice %arg4[%mul3A_2] : memref<4096xi32, #tpu.memory_space<hbm>> -> memref<128xi32, #tpu.memory_space<hbm>>
      %dma_start3A_568 = tpu.memref_slice %arg4[%mul3A_2] : memref<4096xi32, #tpu.memory_space<hbm>> -> memref<128xi32, #tpu.memory_space<hbm>>
      tpu.enqueue_dma source(%dma_start3A_568 : memref<128xi32, #tpu.memory_space<hbm>>) target(%arg7 : memref<128xi32, #tpu.memory_space<vmem>>) target_semaphore(%run_scoped3A : memref<!tpu.dma_semaphore, #tpu.memory_space<semaphore_mem>>)
      %dma_wait3A_569 = tpu.memref_slice %arg4[%mul3A_2] : memref<4096xi32, #tpu.memory_space<hbm>> -> memref<128xi32, #tpu.memory_space<hbm>>
      %dma_wait3A_570 = tpu.memref_slice %arg4[%mul3A_2] : memref<4096xi32, #tpu.memory_space<hbm>> -> memref<128xi32, #tpu.memory_space<hbm>>
      tpu.wait_dma2 semaphore(%run_scoped3A : memref<!tpu.dma_semaphore, #tpu.memory_space<semaphore_mem>>) src(%dma_wait3A_570 : memref<128xi32, #tpu.memory_space<hbm>>) dst(%arg7 : memref<128xi32, #tpu.memory_space<vmem>>)
      tpu.yield
    }) : () -> ()
    %get3A = arith.constant 0 : index
    %get3A_3 = tpu.vector_load %arg6[%get3A] {strides = array<i32>} : memref<128xi32, #tpu.memory_space<vmem>>, vector<16xi32>,
    %dma_start3A = arith.constant 0 : i32
    %dma_start3A_4 = arith.constant 0 : i32
    %dma_start3A_5 = arith.constant 0 : i32
    %dma_start3A_6 = tpu.memref_slice %arg8[%dma_start3A, %dma_start3A_4, %dma_start3A_5] : memref<2x16x1024xf32, #tpu.memory_space<vmem>> -> memref<1x16x1024xf32, #tpu.memory_space<vmem>>
    %dma_start3A_7 = tpu.memref_squeeze %dma_start3A_6 : memref<1x16x1024xf32, #tpu.memory_space<vmem>> -> memref<16x1024xf32, #tpu.memory_space<vmem>>
    %dma_start3A_8 = arith.constant 0 : i32
    %dma_start3A_9 = arith.constant 0 : i32
    %dma_start3A_10 = tpu.memref_slice %arg2[%dma_start3A_8, %dma_start3A_9] : memref<10240x1024xf32, #tpu.memory_space<hbm>> -> memref<10240x1024xf32, #tpu.memory_space<hbm>>
    tpu.enqueue_indirect_dma source(%dma_start3A_10 : memref<10240x1024xf32, #tpu.memory_space<hbm>>) target(%dma_start3A_7 : memref<16x1024xf32, #tpu.memory_space<vmem>>) offsets(%get3A_3 : vector<16xi32>) semaphore(%arg11 : memref<!tpu.dma_semaphore, #tpu.memory_space<semaphore_mem>>)
    %get3A_11 = arith.constant 0 : index
    %get3A_12 = tpu.vector_load %arg7[%get3A_11] {strides = array<i32>} : memref<128xi32, #tpu.memory_space<vmem>>, vector<16xi32>,
    %dma_start3A_13 = arith.constant 0 : i32
    %dma_start3A_14 = arith.constant 0 : i32
    %dma_start3A_15 = arith.constant 0 : i32
    %dma_start3A_16 = tpu.memref_slice %arg9[%dma_start3A_13, %dma_start3A_14, %dma_start3A_15] : memref<2x16x1024xf32, #tpu.memory_space<vmem>> -> memref<1x16x1024xf32, #tpu.memory_space<vmem>>
    %dma_start3A_17 = tpu.memref_squeeze %dma_start3A_16 : memref<1x16x1024xf32, #tpu.memory_space<vmem>> -> memref<16x1024xf32, #tpu.memory_space<vmem>>
    %dma_start3A_18 = arith.constant 0 : i32
    %dma_start3A_19 = arith.constant 0 : i32
    %dma_start3A_20 = tpu.memref_slice %arg2[%dma_start3A_18, %dma_start3A_19] : memref<10240x1024xf32, #tpu.memory_space<hbm>> -> memref<10240x1024xf32, #tpu.memory_space<hbm>>
    tpu.enqueue_indirect_dma source(%dma_start3A_20 : memref<10240x1024xf32, #tpu.memory_space<hbm>>) target(%dma_start3A_17 : memref<16x1024xf32, #tpu.memory_space<vmem>>) offsets(%get3A_12 : vector<16xi32>) semaphore(%arg11 : memref<!tpu.dma_semaphore, #tpu.memory_space<semaphore_mem>>)
    %get3A_21 = arith.constant 16 : index
    %get3A_22 = tpu.vector_load %arg6[%get3A_21] {strides = array<i32>} : memref<128xi32, #tpu.memory_space<vmem>>, vector<16xi32>,
    %dma_start3A_23 = arith.constant 1 : i32
    %dma_start3A_24 = arith.constant 0 : i32
    %dma_start3A_25 = arith.constant 0 : i32
    %dma_start3A_26 = tpu.memref_slice %arg8[%dma_start3A_23, %dma_start3A_24, %dma_start3A_25] : memref<2x16x1024xf32, #tpu.memory_space<vmem>> -> memref<1x16x1024xf32, #tpu.memory_space<vmem>>
    %dma_start3A_27 = tpu.memref_squeeze %dma_start3A_26 : memref<1x16x1024xf32, #tpu.memory_space<vmem>> -> memref<16x1024xf32, #tpu.memory_space<vmem>>
    %dma_start3A_28 = arith.constant 0 : i32
    %dma_start3A_29 = arith.constant 0 : i32
    %dma_start3A_30 = tpu.memref_slice %arg2[%dma_start3A_28, %dma_start3A_29] : memref<10240x1024xf32, #tpu.memory_space<hbm>> -> memref<10240x1024xf32, #tpu.memory_space<hbm>>
    tpu.enqueue_indirect_dma source(%dma_start3A_30 : memref<10240x1024xf32, #tpu.memory_space<hbm>>) target(%dma_start3A_27 : memref<16x1024xf32, #tpu.memory_space<vmem>>) offsets(%get3A_22 : vector<16xi32>) semaphore(%arg12 : memref<!tpu.dma_semaphore, #tpu.memory_space<semaphore_mem>>)
    %get3A_31 = arith.constant 16 : index
    %get3A_32 = tpu.vector_load %arg7[%get3A_31] {strides = array<i32>} : memref<128xi32, #tpu.memory_space<vmem>>, vector<16xi32>,
    %dma_start3A_33 = arith.constant 1 : i32
    %dma_start3A_34 = arith.constant 0 : i32
    %dma_start3A_35 = arith.constant 0 : i32
    %dma_start3A_36 = tpu.memref_slice %arg9[%dma_start3A_33, %dma_start3A_34, %dma_start3A_35] : memref<2x16x1024xf32, #tpu.memory_space<vmem>> -> memref<1x16x1024xf32, #tpu.memory_space<vmem>>
    %dma_start3A_37 = tpu.memref_squeeze %dma_start3A_36 : memref<1x16x1024xf32, #tpu.memory_space<vmem>> -> memref<16x1024xf32, #tpu.memory_space<vmem>>
    %dma_start3A_38 = arith.constant 0 : i32
    %dma_start3A_39 = arith.constant 0 : i32
    %dma_start3A_40 = tpu.memref_slice %arg2[%dma_start3A_38, %dma_start3A_39] : memref<10240x1024xf32, #tpu.memory_space<hbm>> -> memref<10240x1024xf32, #tpu.memory_space<hbm>>
    tpu.enqueue_indirect_dma source(%dma_start3A_40 : memref<10240x1024xf32, #tpu.memory_space<hbm>>) target(%dma_start3A_37 : memref<16x1024xf32, #tpu.memory_space<vmem>>) offsets(%get3A_32 : vector<16xi32>) semaphore(%arg12 : memref<!tpu.dma_semaphore, #tpu.memory_space<semaphore_mem>>)
    %dma_wait3A = arith.constant 0 : i32
    %dma_wait3A_41 = arith.constant 0 : i32
    %dma_wait3A_42 = arith.constant 0 : i32
    %dma_wait3A_43 = tpu.memref_slice %arg8[%dma_wait3A, %dma_wait3A_41, %dma_wait3A_42] : memref<2x16x1024xf32, #tpu.memory_space<vmem>> -> memref<1x16x1024xf32, #tpu.memory_space<vmem>>
    %dma_wait3A_44 = tpu.memref_squeeze %dma_wait3A_43 : memref<1x16x1024xf32, #tpu.memory_space<vmem>> -> memref<16x1024xf32, #tpu.memory_space<vmem>>
    %dma_wait3A_45 = arith.constant 0 : i32
    %dma_wait3A_46 = arith.constant 0 : i32
    %dma_wait3A_47 = tpu.memref_slice %arg2[%dma_wait3A_45, %dma_wait3A_46] : memref<10240x1024xf32, #tpu.memory_space<hbm>> -> memref<10240x1024xf32, #tpu.memory_space<hbm>>
    tpu.wait_indirect_dma semaphore(%arg11 : memref<!tpu.dma_semaphore, #tpu.memory_space<semaphore_mem>>) src(%dma_wait3A_47 : memref<10240x1024xf32, #tpu.memory_space<hbm>>) dst(%dma_wait3A_44 : memref<16x1024xf32, #tpu.memory_space<vmem>>)
    %dma_wait3A_48 = arith.constant 0 : i32
    %dma_wait3A_49 = arith.constant 0 : i32
    %dma_wait3A_50 = arith.constant 0 : i32
    %dma_wait3A_51 = tpu.memref_slice %arg9[%dma_wait3A_48, %dma_wait3A_49, %dma_wait3A_50] : memref<2x16x1024xf32, #tpu.memory_space<vmem>> -> memref<1x16x1024xf32, #tpu.memory_space<vmem>>
    %dma_wait3A_52 = tpu.memref_squeeze %dma_wait3A_51 : memref<1x16x1024xf32, #tpu.memory_space<vmem>> -> memref<16x1024xf32, #tpu.memory_space<vmem>>
    %dma_wait3A_53 = arith.constant 0 : i32
    %dma_wait3A_54 = arith.constant 0 : i32
    %dma_wait3A_55 = tpu.memref_slice %arg2[%dma_wait3A_53, %dma_wait3A_54] : memref<10240x1024xf32, #tpu.memory_space<hbm>> -> memref<10240x1024xf32, #tpu.memory_space<hbm>>
    tpu.wait_indirect_dma semaphore(%arg11 : memref<!tpu.dma_semaphore, #tpu.memory_space<semaphore_mem>>) src(%dma_wait3A_55 : memref<10240x1024xf32, #tpu.memory_space<hbm>>) dst(%dma_wait3A_52 : memref<16x1024xf32, #tpu.memory_space<vmem>>)
    %scan3A = arith.constant 0 : i32
    %scan3A_56 = arith.constant 0 : i32
    %scan3A_57 = arith.constant 16 : i32
    %scan3A_58 = arith.addi %scan3A_56, %scan3A_57 : i32
    %scan3A_59 = arith.constant 1 : i32
    %scan3A_60 = scf.for %scan3A_567 = %scan3A_56 to %scan3A_58 step %scan3A_59 iter_args(%scan3A_568 = %scan3A) -> (i32)  : i32 {
      %scan3A_569 = arith.constant 0 : i32
      %scan3A_570 = arith.constant 0 : i32
      %scan3A_571 = arith.constant 64 : i32
      %scan3A_572 = arith.addi %scan3A_570, %scan3A_571 : i32
      %scan3A_573 = arith.constant 1 : i32
      %scan3A_574 = scf.for %scan3A_577 = %scan3A_570 to %scan3A_572 step %scan3A_573 iter_args(%scan3A_578 = %scan3A_569) -> (i32)  : i32 {
        %mul3A_579 = arith.constant 16 : i32
        %mul3A_580 = arith.muli %scan3A_577, %mul3A_579 : i32
        %get3A_581 = arith.constant 0 : i32
        %get3A_582 = arith.index_cast %get3A_581 : i32 to index
        %get3A_583 = arith.index_cast %scan3A_567 : i32 to index
        %get3A_584 = arith.index_cast %mul3A_580 : i32 to index
        %get3A_585 = tpu.vector_load %arg8[%get3A_582, %get3A_583, %get3A_584] {strides = array<i32>} : memref<2x16x1024xf32, #tpu.memory_space<vmem>>, vector<16xf32>,
        %get3A_586 = arith.constant 0 : i32
        %get3A_587 = arith.index_cast %get3A_586 : i32 to index
        %get3A_588 = arith.index_cast %scan3A_567 : i32 to index
        %get3A_589 = arith.index_cast %mul3A_580 : i32 to index
        %get3A_590 = tpu.vector_load %arg9[%get3A_587, %get3A_588, %get3A_589] {strides = array<i32>} : memref<2x16x1024xf32, #tpu.memory_space<vmem>>, vector<16xf32>,
        %add3A_591 = arith.addf %get3A_585, %get3A_590 : vector<16xf32>
        %swap3A = arith.constant 0 : i32
        %swap3A_592 = arith.index_cast %swap3A : i32 to index
        %swap3A_593 = arith.index_cast %scan3A_567 : i32 to index
        %swap3A_594 = arith.index_cast %mul3A_580 : i32 to index
        %swap3A_595 = tpu.vector_load %arg10[%swap3A_592, %swap3A_593, %swap3A_594] {strides = array<i32>} : memref<2x16x1024xf32, #tpu.memory_space<vmem>>, vector<16xf32>,
        tpu.vector_store %arg10[%swap3A_592, %swap3A_593, %swap3A_594], %add3A_591 {strides = array<i32>} : memref<2x16x1024xf32, #tpu.memory_space<vmem>>, vector<16xf32>,
        %scan3A_596 = arith.constant 0 : i32
        scf.yield %scan3A_596 : i32
      }
      %scan3A_575 = arith.constant 64 : i32
      %scan3A_576 = arith.constant 0 : i32
      scf.yield %scan3A_576 : i32
    }
    %scan3A_61 = arith.constant 16 : i32
    %add3A_62 = arith.constant 0 : i32
    %add3A_63 = arith.addi %mul3A_2, %add3A_62 : i32
    %dma_start3A_64 = arith.constant 0 : i32
    %dma_start3A_65 = arith.constant 0 : i32
    %dma_start3A_66 = arith.constant 0 : i32
    %dma_start3A_67 = tpu.memref_slice %arg10[%dma_start3A_64, %dma_start3A_65, %dma_start3A_66] : memref<2x16x1024xf32, #tpu.memory_space<vmem>> -> memref<1x16x1024xf32, #tpu.memory_space<vmem>>
    %dma_start3A_68 = tpu.memref_squeeze %dma_start3A_67 : memref<1x16x1024xf32, #tpu.memory_space<vmem>> -> memref<16x1024xf32, #tpu.memory_space<vmem>>
    %dma_start3A_69 = arith.constant 0 : i32
    %dma_start3A_70 = tpu.memref_slice %arg5[%add3A_63, %dma_start3A_69] : memref<4096x1024xf32, #tpu.memory_space<hbm>> -> memref<16x1024xf32, #tpu.memory_space<hbm>>
    %dma_start3A_71 = arith.constant 0 : i32
    %dma_start3A_72 = tpu.memref_slice %arg5[%add3A_63, %dma_start3A_71] : memref<4096x1024xf32, #tpu.memory_space<hbm>> -> memref<16x1024xf32, #tpu.memory_space<hbm>>
    %dma_start3A_73 = arith.constant 0 : i32
    %dma_start3A_74 = arith.constant 0 : i32
    %dma_start3A_75 = tpu.memref_slice %arg10[%dma_start3A_64, %dma_start3A_73, %dma_start3A_74] : memref<2x16x1024xf32, #tpu.memory_space<vmem>> -> memref<1x16x1024xf32, #tpu.memory_space<vmem>>
    %dma_start3A_76 = tpu.memref_squeeze %dma_start3A_75 : memref<1x16x1024xf32, #tpu.memory_space<vmem>> -> memref<16x1024xf32, #tpu.memory_space<vmem>>
    tpu.enqueue_dma source(%dma_start3A_76 : memref<16x1024xf32, #tpu.memory_space<vmem>>) target(%dma_start3A_72 : memref<16x1024xf32, #tpu.memory_space<hbm>>) target_semaphore(%arg13 : memref<!tpu.dma_semaphore, #tpu.memory_space<semaphore_mem>>)
    %get3A_77 = arith.constant 32 : index
    %get3A_78 = tpu.vector_load %arg6[%get3A_77] {strides = array<i32>} : memref<128xi32, #tpu.memory_space<vmem>>, vector<16xi32>,
    %dma_start3A_79 = arith.constant 0 : i32
    %dma_start3A_80 = arith.constant 0 : i32
    %dma_start3A_81 = arith.constant 0 : i32
    %dma_start3A_82 = tpu.memref_slice %arg8[%dma_start3A_79, %dma_start3A_80, %dma_start3A_81] : memref<2x16x1024xf32, #tpu.memory_space<vmem>> -> memref<1x16x1024xf32, #tpu.memory_space<vmem>>
    %dma_start3A_83 = tpu.memref_squeeze %dma_start3A_82 : memref<1x16x1024xf32, #tpu.memory_space<vmem>> -> memref<16x1024xf32, #tpu.memory_space<vmem>>
    %dma_start3A_84 = arith.constant 0 : i32
    %dma_start3A_85 = arith.constant 0 : i32
    %dma_start3A_86 = tpu.memref_slice %arg2[%dma_start3A_84, %dma_start3A_85] : memref<10240x1024xf32, #tpu.memory_space<hbm>> -> memref<10240x1024xf32, #tpu.memory_space<hbm>>
    tpu.enqueue_indirect_dma source(%dma_start3A_86 : memref<10240x1024xf32, #tpu.memory_space<hbm>>) target(%dma_start3A_83 : memref<16x1024xf32, #tpu.memory_space<vmem>>) offsets(%get3A_78 : vector<16xi32>) semaphore(%arg11 : memref<!tpu.dma_semaphore, #tpu.memory_space<semaphore_mem>>)
    %get3A_87 = arith.constant 32 : index
    %get3A_88 = tpu.vector_load %arg7[%get3A_87] {strides = array<i32>} : memref<128xi32, #tpu.memory_space<vmem>>, vector<16xi32>,
    %dma_start3A_89 = arith.constant 0 : i32
    %dma_start3A_90 = arith.constant 0 : i32
    %dma_start3A_91 = arith.constant 0 : i32
    %dma_start3A_92 = tpu.memref_slice %arg9[%dma_start3A_89, %dma_start3A_90, %dma_start3A_91] : memref<2x16x1024xf32, #tpu.memory_space<vmem>> -> memref<1x16x1024xf32, #tpu.memory_space<vmem>>
    %dma_start3A_93 = tpu.memref_squeeze %dma_start3A_92 : memref<1x16x1024xf32, #tpu.memory_space<vmem>> -> memref<16x1024xf32, #tpu.memory_space<vmem>>
    %dma_start3A_94 = arith.constant 0 : i32
    %dma_start3A_95 = arith.constant 0 : i32
    %dma_start3A_96 = tpu.memref_slice %arg2[%dma_start3A_94, %dma_start3A_95] : memref<10240x1024xf32, #tpu.memory_space<hbm>> -> memref<10240x1024xf32, #tpu.memory_space<hbm>>
    tpu.enqueue_indirect_dma source(%dma_start3A_96 : memref<10240x1024xf32, #tpu.memory_space<hbm>>) target(%dma_start3A_93 : memref<16x1024xf32, #tpu.memory_space<vmem>>) offsets(%get3A_88 : vector<16xi32>) semaphore(%arg11 : memref<!tpu.dma_semaphore, #tpu.memory_space<semaphore_mem>>)
    %dma_wait3A_97 = arith.constant 1 : i32
    %dma_wait3A_98 = arith.constant 0 : i32
    %dma_wait3A_99 = arith.constant 0 : i32
    %dma_wait3A_100 = tpu.memref_slice %arg8[%dma_wait3A_97, %dma_wait3A_98, %dma_wait3A_99] : memref<2x16x1024xf32, #tpu.memory_space<vmem>> -> memref<1x16x1024xf32, #tpu.memory_space<vmem>>
    %dma_wait3A_101 = tpu.memref_squeeze %dma_wait3A_100 : memref<1x16x1024xf32, #tpu.memory_space<vmem>> -> memref<16x1024xf32, #tpu.memory_space<vmem>>
    %dma_wait3A_102 = arith.constant 0 : i32
    %dma_wait3A_103 = arith.constant 0 : i32
    %dma_wait3A_104 = tpu.memref_slice %arg2[%dma_wait3A_102, %dma_wait3A_103] : memref<10240x1024xf32, #tpu.memory_space<hbm>> -> memref<10240x1024xf32, #tpu.memory_space<hbm>>
    tpu.wait_indirect_dma semaphore(%arg12 : memref<!tpu.dma_semaphore, #tpu.memory_space<semaphore_mem>>) src(%dma_wait3A_104 : memref<10240x1024xf32, #tpu.memory_space<hbm>>) dst(%dma_wait3A_101 : memref<16x1024xf32, #tpu.memory_space<vmem>>)
    %dma_wait3A_105 = arith.constant 1 : i32
    %dma_wait3A_106 = arith.constant 0 : i32
    %dma_wait3A_107 = arith.constant 0 : i32
    %dma_wait3A_108 = tpu.memref_slice %arg9[%dma_wait3A_105, %dma_wait3A_106, %dma_wait3A_107] : memref<2x16x1024xf32, #tpu.memory_space<vmem>> -> memref<1x16x1024xf32, #tpu.memory_space<vmem>>
    %dma_wait3A_109 = tpu.memref_squeeze %dma_wait3A_108 : memref<1x16x1024xf32, #tpu.memory_space<vmem>> -> memref<16x1024xf32, #tpu.memory_space<vmem>>
    %dma_wait3A_110 = arith.constant 0 : i32
    %dma_wait3A_111 = arith.constant 0 : i32
    %dma_wait3A_112 = tpu.memref_slice %arg2[%dma_wait3A_110, %dma_wait3A_111] : memref<10240x1024xf32, #tpu.memory_space<hbm>> -> memref<10240x1024xf32, #tpu.memory_space<hbm>>
    tpu.wait_indirect_dma semaphore(%arg12 : memref<!tpu.dma_semaphore, #tpu.memory_space<semaphore_mem>>) src(%dma_wait3A_112 : memref<10240x1024xf32, #tpu.memory_space<hbm>>) dst(%dma_wait3A_109 : memref<16x1024xf32, #tpu.memory_space<vmem>>)
    %scan3A_113 = arith.constant 0 : i32
    %scan3A_114 = arith.constant 0 : i32
    %scan3A_115 = arith.constant 16 : i32
    %scan3A_116 = arith.addi %scan3A_114, %scan3A_115 : i32
    %scan3A_117 = arith.constant 1 : i32
    %scan3A_118 = scf.for %scan3A_567 = %scan3A_114 to %scan3A_116 step %scan3A_117 iter_args(%scan3A_568 = %scan3A_113) -> (i32)  : i32 {
      %scan3A_569 = arith.constant 0 : i32
      %scan3A_570 = arith.constant 0 : i32
      %scan3A_571 = arith.constant 64 : i32
      %scan3A_572 = arith.addi %scan3A_570, %scan3A_571 : i32
      %scan3A_573 = arith.constant 1 : i32
      %scan3A_574 = scf.for %scan3A_577 = %scan3A_570 to %scan3A_572 step %scan3A_573 iter_args(%scan3A_578 = %scan3A_569) -> (i32)  : i32 {
        %mul3A_579 = arith.constant 16 : i32
        %mul3A_580 = arith.muli %scan3A_577, %mul3A_579 : i32
        %get3A_581 = arith.constant 1 : i32
        %get3A_582 = arith.index_cast %get3A_581 : i32 to index
        %get3A_583 = arith.index_cast %scan3A_567 : i32 to index
        %get3A_584 = arith.index_cast %mul3A_580 : i32 to index
        %get3A_585 = tpu.vector_load %arg8[%get3A_582, %get3A_583, %get3A_584] {strides = array<i32>} : memref<2x16x1024xf32, #tpu.memory_space<vmem>>, vector<16xf32>,
        %get3A_586 = arith.constant 1 : i32
        %get3A_587 = arith.index_cast %get3A_586 : i32 to index
        %get3A_588 = arith.index_cast %scan3A_567 : i32 to index
        %get3A_589 = arith.index_cast %mul3A_580 : i32 to index
        %get3A_590 = tpu.vector_load %arg9[%get3A_587, %get3A_588, %get3A_589] {strides = array<i32>} : memref<2x16x1024xf32, #tpu.memory_space<vmem>>, vector<16xf32>,
        %add3A_591 = arith.addf %get3A_585, %get3A_590 : vector<16xf32>
        %swap3A = arith.constant 1 : i32
        %swap3A_592 = arith.index_cast %swap3A : i32 to index
        %swap3A_593 = arith.index_cast %scan3A_567 : i32 to index
        %swap3A_594 = arith.index_cast %mul3A_580 : i32 to index
        %swap3A_595 = tpu.vector_load %arg10[%swap3A_592, %swap3A_593, %swap3A_594] {strides = array<i32>} : memref<2x16x1024xf32, #tpu.memory_space<vmem>>, vector<16xf32>,
        tpu.vector_store %arg10[%swap3A_592, %swap3A_593, %swap3A_594], %add3A_591 {strides = array<i32>} : memref<2x16x1024xf32, #tpu.memory_space<vmem>>, vector<16xf32>,
        %scan3A_596 = arith.constant 0 : i32
        scf.yield %scan3A_596 : i32
      }
      %scan3A_575 = arith.constant 64 : i32
      %scan3A_576 = arith.constant 0 : i32
      scf.yield %scan3A_576 : i32
    }
    %scan3A_119 = arith.constant 16 : i32
    %add3A_120 = arith.constant 16 : i32
    %add3A_121 = arith.addi %mul3A_2, %add3A_120 : i32
    %dma_start3A_122 = arith.constant 1 : i32
    %dma_start3A_123 = arith.constant 0 : i32
    %dma_start3A_124 = arith.constant 0 : i32
    %dma_start3A_125 = tpu.memref_slice %arg10[%dma_start3A_122, %dma_start3A_123, %dma_start3A_124] : memref<2x16x1024xf32, #tpu.memory_space<vmem>> -> memref<1x16x1024xf32, #tpu.memory_space<vmem>>
    %dma_start3A_126 = tpu.memref_squeeze %dma_start3A_125 : memref<1x16x1024xf32, #tpu.memory_space<vmem>> -> memref<16x1024xf32, #tpu.memory_space<vmem>>
    %dma_start3A_127 = arith.constant 0 : i32
    %dma_start3A_128 = tpu.memref_slice %arg5[%add3A_121, %dma_start3A_127] : memref<4096x1024xf32, #tpu.memory_space<hbm>> -> memref<16x1024xf32, #tpu.memory_space<hbm>>
    %dma_start3A_129 = arith.constant 0 : i32
    %dma_start3A_130 = tpu.memref_slice %arg5[%add3A_121, %dma_start3A_129] : memref<4096x1024xf32, #tpu.memory_space<hbm>> -> memref<16x1024xf32, #tpu.memory_space<hbm>>
    %dma_start3A_131 = arith.constant 0 : i32
    %dma_start3A_132 = arith.constant 0 : i32
    %dma_start3A_133 = tpu.memref_slice %arg10[%dma_start3A_122, %dma_start3A_131, %dma_start3A_132] : memref<2x16x1024xf32, #tpu.memory_space<vmem>> -> memref<1x16x1024xf32, #tpu.memory_space<vmem>>
    %dma_start3A_134 = tpu.memref_squeeze %dma_start3A_133 : memref<1x16x1024xf32, #tpu.memory_space<vmem>> -> memref<16x1024xf32, #tpu.memory_space<vmem>>
    tpu.enqueue_dma source(%dma_start3A_134 : memref<16x1024xf32, #tpu.memory_space<vmem>>) target(%dma_start3A_130 : memref<16x1024xf32, #tpu.memory_space<hbm>>) target_semaphore(%arg14 : memref<!tpu.dma_semaphore, #tpu.memory_space<semaphore_mem>>)
    %get3A_135 = arith.constant 48 : index
    %get3A_136 = tpu.vector_load %arg6[%get3A_135] {strides = array<i32>} : memref<128xi32, #tpu.memory_space<vmem>>, vector<16xi32>,
    %dma_start3A_137 = arith.constant 1 : i32
    %dma_start3A_138 = arith.constant 0 : i32
    %dma_start3A_139 = arith.constant 0 : i32
    %dma_start3A_140 = tpu.memref_slice %arg8[%dma_start3A_137, %dma_start3A_138, %dma_start3A_139] : memref<2x16x1024xf32, #tpu.memory_space<vmem>> -> memref<1x16x1024xf32, #tpu.memory_space<vmem>>
    %dma_start3A_141 = tpu.memref_squeeze %dma_start3A_140 : memref<1x16x1024xf32, #tpu.memory_space<vmem>> -> memref<16x1024xf32, #tpu.memory_space<vmem>>
    %dma_start3A_142 = arith.constant 0 : i32
    %dma_start3A_143 = arith.constant 0 : i32
    %dma_start3A_144 = tpu.memref_slice %arg2[%dma_start3A_142, %dma_start3A_143] : memref<10240x1024xf32, #tpu.memory_space<hbm>> -> memref<10240x1024xf32, #tpu.memory_space<hbm>>
    tpu.enqueue_indirect_dma source(%dma_start3A_144 : memref<10240x1024xf32, #tpu.memory_space<hbm>>) target(%dma_start3A_141 : memref<16x1024xf32, #tpu.memory_space<vmem>>) offsets(%get3A_136 : vector<16xi32>) semaphore(%arg12 : memref<!tpu.dma_semaphore, #tpu.memory_space<semaphore_mem>>)
    %get3A_145 = arith.constant 48 : index
    %get3A_146 = tpu.vector_load %arg7[%get3A_145] {strides = array<i32>} : memref<128xi32, #tpu.memory_space<vmem>>, vector<16xi32>,
    %dma_start3A_147 = arith.constant 1 : i32
    %dma_start3A_148 = arith.constant 0 : i32
    %dma_start3A_149 = arith.constant 0 : i32
    %dma_start3A_150 = tpu.memref_slice %arg9[%dma_start3A_147, %dma_start3A_148, %dma_start3A_149] : memref<2x16x1024xf32, #tpu.memory_space<vmem>> -> memref<1x16x1024xf32, #tpu.memory_space<vmem>>
    %dma_start3A_151 = tpu.memref_squeeze %dma_start3A_150 : memref<1x16x1024xf32, #tpu.memory_space<vmem>> -> memref<16x1024xf32, #tpu.memory_space<vmem>>
    %dma_start3A_152 = arith.constant 0 : i32
    %dma_start3A_153 = arith.constant 0 : i32
    %dma_start3A_154 = tpu.memref_slice %arg2[%dma_start3A_152, %dma_start3A_153] : memref<10240x1024xf32, #tpu.memory_space<hbm>> -> memref<10240x1024xf32, #tpu.memory_space<hbm>>
    tpu.enqueue_indirect_dma source(%dma_start3A_154 : memref<10240x1024xf32, #tpu.memory_space<hbm>>) target(%dma_start3A_151 : memref<16x1024xf32, #tpu.memory_space<vmem>>) offsets(%get3A_146 : vector<16xi32>) semaphore(%arg12 : memref<!tpu.dma_semaphore, #tpu.memory_space<semaphore_mem>>)
    %dma_wait3A_155 = arith.constant 0 : i32
    %dma_wait3A_156 = arith.constant 0 : i32
    %dma_wait3A_157 = arith.constant 0 : i32
    %dma_wait3A_158 = tpu.memref_slice %arg8[%dma_wait3A_155, %dma_wait3A_156, %dma_wait3A_157] : memref<2x16x1024xf32, #tpu.memory_space<vmem>> -> memref<1x16x1024xf32, #tpu.memory_space<vmem>>
    %dma_wait3A_159 = tpu.memref_squeeze %dma_wait3A_158 : memref<1x16x1024xf32, #tpu.memory_space<vmem>> -> memref<16x1024xf32, #tpu.memory_space<vmem>>
    %dma_wait3A_160 = arith.constant 0 : i32
    %dma_wait3A_161 = arith.constant 0 : i32
    %dma_wait3A_162 = tpu.memref_slice %arg2[%dma_wait3A_160, %dma_wait3A_161] : memref<10240x1024xf32, #tpu.memory_space<hbm>> -> memref<10240x1024xf32, #tpu.memory_space<hbm>>
    tpu.wait_indirect_dma semaphore(%arg11 : memref<!tpu.dma_semaphore, #tpu.memory_space<semaphore_mem>>) src(%dma_wait3A_162 : memref<10240x1024xf32, #tpu.memory_space<hbm>>) dst(%dma_wait3A_159 : memref<16x1024xf32, #tpu.memory_space<vmem>>)
    %dma_wait3A_163 = arith.constant 0 : i32
    %dma_wait3A_164 = arith.constant 0 : i32
    %dma_wait3A_165 = arith.constant 0 : i32
    %dma_wait3A_166 = tpu.memref_slice %arg9[%dma_wait3A_163, %dma_wait3A_164, %dma_wait3A_165] : memref<2x16x1024xf32, #tpu.memory_space<vmem>> -> memref<1x16x1024xf32, #tpu.memory_space<vmem>>
    %dma_wait3A_167 = tpu.memref_squeeze %dma_wait3A_166 : memref<1x16x1024xf32, #tpu.memory_space<vmem>> -> memref<16x1024xf32, #tpu.memory_space<vmem>>
    %dma_wait3A_168 = arith.constant 0 : i32
    %dma_wait3A_169 = arith.constant 0 : i32
    %dma_wait3A_170 = tpu.memref_slice %arg2[%dma_wait3A_168, %dma_wait3A_169] : memref<10240x1024xf32, #tpu.memory_space<hbm>> -> memref<10240x1024xf32, #tpu.memory_space<hbm>>
    tpu.wait_indirect_dma semaphore(%arg11 : memref<!tpu.dma_semaphore, #tpu.memory_space<semaphore_mem>>) src(%dma_wait3A_170 : memref<10240x1024xf32, #tpu.memory_space<hbm>>) dst(%dma_wait3A_167 : memref<16x1024xf32, #tpu.memory_space<vmem>>)
    %dma_wait3A_171 = arith.constant 0 : i32
    %dma_wait3A_172 = arith.constant 0 : i32
    %dma_wait3A_173 = arith.constant 0 : i32
    %dma_wait3A_174 = tpu.memref_slice %arg10[%dma_wait3A_171, %dma_wait3A_172, %dma_wait3A_173] : memref<2x16x1024xf32, #tpu.memory_space<vmem>> -> memref<1x16x1024xf32, #tpu.memory_space<vmem>>
    %dma_wait3A_175 = tpu.memref_squeeze %dma_wait3A_174 : memref<1x16x1024xf32, #tpu.memory_space<vmem>> -> memref<16x1024xf32, #tpu.memory_space<vmem>>
    %dma_wait3A_176 = arith.constant 0 : i32
    %dma_wait3A_177 = tpu.memref_slice %arg5[%add3A_63, %dma_wait3A_176] : memref<4096x1024xf32, #tpu.memory_space<hbm>> -> memref<16x1024xf32, #tpu.memory_space<hbm>>
    %dma_wait3A_178 = arith.constant 0 : i32
    %dma_wait3A_179 = tpu.memref_slice %arg5[%add3A_63, %dma_wait3A_178] : memref<4096x1024xf32, #tpu.memory_space<hbm>> -> memref<16x1024xf32, #tpu.memory_space<hbm>>
    %dma_wait3A_180 = arith.constant 0 : i32
    %dma_wait3A_181 = arith.constant 0 : i32
    %dma_wait3A_182 = tpu.memref_slice %arg10[%dma_wait3A_171, %dma_wait3A_180, %dma_wait3A_181] : memref<2x16x1024xf32, #tpu.memory_space<vmem>> -> memref<1x16x1024xf32, #tpu.memory_space<vmem>>
    %dma_wait3A_183 = tpu.memref_squeeze %dma_wait3A_182 : memref<1x16x1024xf32, #tpu.memory_space<vmem>> -> memref<16x1024xf32, #tpu.memory_space<vmem>>
    tpu.wait_dma2 semaphore(%arg13 : memref<!tpu.dma_semaphore, #tpu.memory_space<semaphore_mem>>) src(%dma_wait3A_183 : memref<16x1024xf32, #tpu.memory_space<vmem>>) dst(%dma_wait3A_179 : memref<16x1024xf32, #tpu.memory_space<hbm>>)
    %scan3A_184 = arith.constant 0 : i32
    %scan3A_185 = arith.constant 0 : i32
    %scan3A_186 = arith.constant 16 : i32
    %scan3A_187 = arith.addi %scan3A_185, %scan3A_186 : i32
    %scan3A_188 = arith.constant 1 : i32
    %scan3A_189 = scf.for %scan3A_567 = %scan3A_185 to %scan3A_187 step %scan3A_188 iter_args(%scan3A_568 = %scan3A_184) -> (i32)  : i32 {
      %scan3A_569 = arith.constant 0 : i32
      %scan3A_570 = arith.constant 0 : i32
      %scan3A_571 = arith.constant 64 : i32
      %scan3A_572 = arith.addi %scan3A_570, %scan3A_571 : i32
      %scan3A_573 = arith.constant 1 : i32
      %scan3A_574 = scf.for %scan3A_577 = %scan3A_570 to %scan3A_572 step %scan3A_573 iter_args(%scan3A_578 = %scan3A_569) -> (i32)  : i32 {
        %mul3A_579 = arith.constant 16 : i32
        %mul3A_580 = arith.muli %scan3A_577, %mul3A_579 : i32
        %get3A_581 = arith.constant 0 : i32
        %get3A_582 = arith.index_cast %get3A_581 : i32 to index
        %get3A_583 = arith.index_cast %scan3A_567 : i32 to index
        %get3A_584 = arith.index_cast %mul3A_580 : i32 to index
        %get3A_585 = tpu.vector_load %arg8[%get3A_582, %get3A_583, %get3A_584] {strides = array<i32>} : memref<2x16x1024xf32, #tpu.memory_space<vmem>>, vector<16xf32>,
        %get3A_586 = arith.constant 0 : i32
        %get3A_587 = arith.index_cast %get3A_586 : i32 to index
        %get3A_588 = arith.index_cast %scan3A_567 : i32 to index
        %get3A_589 = arith.index_cast %mul3A_580 : i32 to index
        %get3A_590 = tpu.vector_load %arg9[%get3A_587, %get3A_588, %get3A_589] {strides = array<i32>} : memref<2x16x1024xf32, #tpu.memory_space<vmem>>, vector<16xf32>,
        %add3A_591 = arith.addf %get3A_585, %get3A_590 : vector<16xf32>
        %swap3A = arith.constant 0 : i32
        %swap3A_592 = arith.index_cast %swap3A : i32 to index
        %swap3A_593 = arith.index_cast %scan3A_567 : i32 to index
        %swap3A_594 = arith.index_cast %mul3A_580 : i32 to index
        %swap3A_595 = tpu.vector_load %arg10[%swap3A_592, %swap3A_593, %swap3A_594] {strides = array<i32>} : memref<2x16x1024xf32, #tpu.memory_space<vmem>>, vector<16xf32>,
        tpu.vector_store %arg10[%swap3A_592, %swap3A_593, %swap3A_594], %add3A_591 {strides = array<i32>} : memref<2x16x1024xf32, #tpu.memory_space<vmem>>, vector<16xf32>,
        %scan3A_596 = arith.constant 0 : i32
        scf.yield %scan3A_596 : i32
      }
      %scan3A_575 = arith.constant 64 : i32
      %scan3A_576 = arith.constant 0 : i32
      scf.yield %scan3A_576 : i32
    }
    %scan3A_190 = arith.constant 16 : i32
    %add3A_191 = arith.constant 32 : i32
    %add3A_192 = arith.addi %mul3A_2, %add3A_191 : i32
    %dma_start3A_193 = arith.constant 0 : i32
    %dma_start3A_194 = arith.constant 0 : i32
    %dma_start3A_195 = arith.constant 0 : i32
    %dma_start3A_196 = tpu.memref_slice %arg10[%dma_start3A_193, %dma_start3A_194, %dma_start3A_195] : memref<2x16x1024xf32, #tpu.memory_space<vmem>> -> memref<1x16x1024xf32, #tpu.memory_space<vmem>>
    %dma_start3A_197 = tpu.memref_squeeze %dma_start3A_196 : memref<1x16x1024xf32, #tpu.memory_space<vmem>> -> memref<16x1024xf32, #tpu.memory_space<vmem>>
    %dma_start3A_198 = arith.constant 0 : i32
    %dma_start3A_199 = tpu.memref_slice %arg5[%add3A_192, %dma_start3A_198] : memref<4096x1024xf32, #tpu.memory_space<hbm>> -> memref<16x1024xf32, #tpu.memory_space<hbm>>
    %dma_start3A_200 = arith.constant 0 : i32
    %dma_start3A_201 = tpu.memref_slice %arg5[%add3A_192, %dma_start3A_200] : memref<4096x1024xf32, #tpu.memory_space<hbm>> -> memref<16x1024xf32, #tpu.memory_space<hbm>>
    %dma_start3A_202 = arith.constant 0 : i32
    %dma_start3A_203 = arith.constant 0 : i32
    %dma_start3A_204 = tpu.memref_slice %arg10[%dma_start3A_193, %dma_start3A_202, %dma_start3A_203] : memref<2x16x1024xf32, #tpu.memory_space<vmem>> -> memref<1x16x1024xf32, #tpu.memory_space<vmem>>
    %dma_start3A_205 = tpu.memref_squeeze %dma_start3A_204 : memref<1x16x1024xf32, #tpu.memory_space<vmem>> -> memref<16x1024xf32, #tpu.memory_space<vmem>>
    tpu.enqueue_dma source(%dma_start3A_205 : memref<16x1024xf32, #tpu.memory_space<vmem>>) target(%dma_start3A_201 : memref<16x1024xf32, #tpu.memory_space<hbm>>) target_semaphore(%arg13 : memref<!tpu.dma_semaphore, #tpu.memory_space<semaphore_mem>>)
    %get3A_206 = arith.constant 64 : index
    %get3A_207 = tpu.vector_load %arg6[%get3A_206] {strides = array<i32>} : memref<128xi32, #tpu.memory_space<vmem>>, vector<16xi32>,
    %dma_start3A_208 = arith.constant 0 : i32
    %dma_start3A_209 = arith.constant 0 : i32
    %dma_start3A_210 = arith.constant 0 : i32
    %dma_start3A_211 = tpu.memref_slice %arg8[%dma_start3A_208, %dma_start3A_209, %dma_start3A_210] : memref<2x16x1024xf32, #tpu.memory_space<vmem>> -> memref<1x16x1024xf32, #tpu.memory_space<vmem>>
    %dma_start3A_212 = tpu.memref_squeeze %dma_start3A_211 : memref<1x16x1024xf32, #tpu.memory_space<vmem>> -> memref<16x1024xf32, #tpu.memory_space<vmem>>
    %dma_start3A_213 = arith.constant 0 : i32
    %dma_start3A_214 = arith.constant 0 : i32
    %dma_start3A_215 = tpu.memref_slice %arg2[%dma_start3A_213, %dma_start3A_214] : memref<10240x1024xf32, #tpu.memory_space<hbm>> -> memref<10240x1024xf32, #tpu.memory_space<hbm>>
    tpu.enqueue_indirect_dma source(%dma_start3A_215 : memref<10240x1024xf32, #tpu.memory_space<hbm>>) target(%dma_start3A_212 : memref<16x1024xf32, #tpu.memory_space<vmem>>) offsets(%get3A_207 : vector<16xi32>) semaphore(%arg11 : memref<!tpu.dma_semaphore, #tpu.memory_space<semaphore_mem>>)
    %get3A_216 = arith.constant 64 : index
    %get3A_217 = tpu.vector_load %arg7[%get3A_216] {strides = array<i32>} : memref<128xi32, #tpu.memory_space<vmem>>, vector<16xi32>,
    %dma_start3A_218 = arith.constant 0 : i32
    %dma_start3A_219 = arith.constant 0 : i32
    %dma_start3A_220 = arith.constant 0 : i32
    %dma_start3A_221 = tpu.memref_slice %arg9[%dma_start3A_218, %dma_start3A_219, %dma_start3A_220] : memref<2x16x1024xf32, #tpu.memory_space<vmem>> -> memref<1x16x1024xf32, #tpu.memory_space<vmem>>
    %dma_start3A_222 = tpu.memref_squeeze %dma_start3A_221 : memref<1x16x1024xf32, #tpu.memory_space<vmem>> -> memref<16x1024xf32, #tpu.memory_space<vmem>>
    %dma_start3A_223 = arith.constant 0 : i32
    %dma_start3A_224 = arith.constant 0 : i32
    %dma_start3A_225 = tpu.memref_slice %arg2[%dma_start3A_223, %dma_start3A_224] : memref<10240x1024xf32, #tpu.memory_space<hbm>> -> memref<10240x1024xf32, #tpu.memory_space<hbm>>
    tpu.enqueue_indirect_dma source(%dma_start3A_225 : memref<10240x1024xf32, #tpu.memory_space<hbm>>) target(%dma_start3A_222 : memref<16x1024xf32, #tpu.memory_space<vmem>>) offsets(%get3A_217 : vector<16xi32>) semaphore(%arg11 : memref<!tpu.dma_semaphore, #tpu.memory_space<semaphore_mem>>)
    %dma_wait3A_226 = arith.constant 1 : i32
    %dma_wait3A_227 = arith.constant 0 : i32
    %dma_wait3A_228 = arith.constant 0 : i32
    %dma_wait3A_229 = tpu.memref_slice %arg8[%dma_wait3A_226, %dma_wait3A_227, %dma_wait3A_228] : memref<2x16x1024xf32, #tpu.memory_space<vmem>> -> memref<1x16x1024xf32, #tpu.memory_space<vmem>>
    %dma_wait3A_230 = tpu.memref_squeeze %dma_wait3A_229 : memref<1x16x1024xf32, #tpu.memory_space<vmem>> -> memref<16x1024xf32, #tpu.memory_space<vmem>>
    %dma_wait3A_231 = arith.constant 0 : i32
    %dma_wait3A_232 = arith.constant 0 : i32
    %dma_wait3A_233 = tpu.memref_slice %arg2[%dma_wait3A_231, %dma_wait3A_232] : memref<10240x1024xf32, #tpu.memory_space<hbm>> -> memref<10240x1024xf32, #tpu.memory_space<hbm>>
    tpu.wait_indirect_dma semaphore(%arg12 : memref<!tpu.dma_semaphore, #tpu.memory_space<semaphore_mem>>) src(%dma_wait3A_233 : memref<10240x1024xf32, #tpu.memory_space<hbm>>) dst(%dma_wait3A_230 : memref<16x1024xf32, #tpu.memory_space<vmem>>)
    %dma_wait3A_234 = arith.constant 1 : i32
    %dma_wait3A_235 = arith.constant 0 : i32
    %dma_wait3A_236 = arith.constant 0 : i32
    %dma_wait3A_237 = tpu.memref_slice %arg9[%dma_wait3A_234, %dma_wait3A_235, %dma_wait3A_236] : memref<2x16x1024xf32, #tpu.memory_space<vmem>> -> memref<1x16x1024xf32, #tpu.memory_space<vmem>>
    %dma_wait3A_238 = tpu.memref_squeeze %dma_wait3A_237 : memref<1x16x1024xf32, #tpu.memory_space<vmem>> -> memref<16x1024xf32, #tpu.memory_space<vmem>>
    %dma_wait3A_239 = arith.constant 0 : i32
    %dma_wait3A_240 = arith.constant 0 : i32
    %dma_wait3A_241 = tpu.memref_slice %arg2[%dma_wait3A_239, %dma_wait3A_240] : memref<10240x1024xf32, #tpu.memory_space<hbm>> -> memref<10240x1024xf32, #tpu.memory_space<hbm>>
    tpu.wait_indirect_dma semaphore(%arg12 : memref<!tpu.dma_semaphore, #tpu.memory_space<semaphore_mem>>) src(%dma_wait3A_241 : memref<10240x1024xf32, #tpu.memory_space<hbm>>) dst(%dma_wait3A_238 : memref<16x1024xf32, #tpu.memory_space<vmem>>)
    %dma_wait3A_242 = arith.constant 1 : i32
    %dma_wait3A_243 = arith.constant 0 : i32
    %dma_wait3A_244 = arith.constant 0 : i32
    %dma_wait3A_245 = tpu.memref_slice %arg10[%dma_wait3A_242, %dma_wait3A_243, %dma_wait3A_244] : memref<2x16x1024xf32, #tpu.memory_space<vmem>> -> memref<1x16x1024xf32, #tpu.memory_space<vmem>>
    %dma_wait3A_246 = tpu.memref_squeeze %dma_wait3A_245 : memref<1x16x1024xf32, #tpu.memory_space<vmem>> -> memref<16x1024xf32, #tpu.memory_space<vmem>>
    %dma_wait3A_247 = arith.constant 0 : i32
    %dma_wait3A_248 = tpu.memref_slice %arg5[%add3A_121, %dma_wait3A_247] : memref<4096x1024xf32, #tpu.memory_space<hbm>> -> memref<16x1024xf32, #tpu.memory_space<hbm>>
    %dma_wait3A_249 = arith.constant 0 : i32
    %dma_wait3A_250 = tpu.memref_slice %arg5[%add3A_121, %dma_wait3A_249] : memref<4096x1024xf32, #tpu.memory_space<hbm>> -> memref<16x1024xf32, #tpu.memory_space<hbm>>
    %dma_wait3A_251 = arith.constant 0 : i32
    %dma_wait3A_252 = arith.constant 0 : i32
    %dma_wait3A_253 = tpu.memref_slice %arg10[%dma_wait3A_242, %dma_wait3A_251, %dma_wait3A_252] : memref<2x16x1024xf32, #tpu.memory_space<vmem>> -> memref<1x16x1024xf32, #tpu.memory_space<vmem>>
    %dma_wait3A_254 = tpu.memref_squeeze %dma_wait3A_253 : memref<1x16x1024xf32, #tpu.memory_space<vmem>> -> memref<16x1024xf32, #tpu.memory_space<vmem>>
    tpu.wait_dma2 semaphore(%arg14 : memref<!tpu.dma_semaphore, #tpu.memory_space<semaphore_mem>>) src(%dma_wait3A_254 : memref<16x1024xf32, #tpu.memory_space<vmem>>) dst(%dma_wait3A_250 : memref<16x1024xf32, #tpu.memory_space<hbm>>)
    %scan3A_255 = arith.constant 0 : i32
    %scan3A_256 = arith.constant 0 : i32
    %scan3A_257 = arith.constant 16 : i32
    %scan3A_258 = arith.addi %scan3A_256, %scan3A_257 : i32
    %scan3A_259 = arith.constant 1 : i32
    %scan3A_260 = scf.for %scan3A_567 = %scan3A_256 to %scan3A_258 step %scan3A_259 iter_args(%scan3A_568 = %scan3A_255) -> (i32)  : i32 {
      %scan3A_569 = arith.constant 0 : i32
      %scan3A_570 = arith.constant 0 : i32
      %scan3A_571 = arith.constant 64 : i32
      %scan3A_572 = arith.addi %scan3A_570, %scan3A_571 : i32
      %scan3A_573 = arith.constant 1 : i32
      %scan3A_574 = scf.for %scan3A_577 = %scan3A_570 to %scan3A_572 step %scan3A_573 iter_args(%scan3A_578 = %scan3A_569) -> (i32)  : i32 {
        %mul3A_579 = arith.constant 16 : i32
        %mul3A_580 = arith.muli %scan3A_577, %mul3A_579 : i32
        %get3A_581 = arith.constant 1 : i32
        %get3A_582 = arith.index_cast %get3A_581 : i32 to index
        %get3A_583 = arith.index_cast %scan3A_567 : i32 to index
        %get3A_584 = arith.index_cast %mul3A_580 : i32 to index
        %get3A_585 = tpu.vector_load %arg8[%get3A_582, %get3A_583, %get3A_584] {strides = array<i32>} : memref<2x16x1024xf32, #tpu.memory_space<vmem>>, vector<16xf32>,
        %get3A_586 = arith.constant 1 : i32
        %get3A_587 = arith.index_cast %get3A_586 : i32 to index
        %get3A_588 = arith.index_cast %scan3A_567 : i32 to index
        %get3A_589 = arith.index_cast %mul3A_580 : i32 to index
        %get3A_590 = tpu.vector_load %arg9[%get3A_587, %get3A_588, %get3A_589] {strides = array<i32>} : memref<2x16x1024xf32, #tpu.memory_space<vmem>>, vector<16xf32>,
        %add3A_591 = arith.addf %get3A_585, %get3A_590 : vector<16xf32>
        %swap3A = arith.constant 1 : i32
        %swap3A_592 = arith.index_cast %swap3A : i32 to index
        %swap3A_593 = arith.index_cast %scan3A_567 : i32 to index
        %swap3A_594 = arith.index_cast %mul3A_580 : i32 to index
        %swap3A_595 = tpu.vector_load %arg10[%swap3A_592, %swap3A_593, %swap3A_594] {strides = array<i32>} : memref<2x16x1024xf32, #tpu.memory_space<vmem>>, vector<16xf32>,
        tpu.vector_store %arg10[%swap3A_592, %swap3A_593, %swap3A_594], %add3A_591 {strides = array<i32>} : memref<2x16x1024xf32, #tpu.memory_space<vmem>>, vector<16xf32>,
        %scan3A_596 = arith.constant 0 : i32
        scf.yield %scan3A_596 : i32
      }
      %scan3A_575 = arith.constant 64 : i32
      %scan3A_576 = arith.constant 0 : i32
      scf.yield %scan3A_576 : i32
    }
    %scan3A_261 = arith.constant 16 : i32
    %add3A_262 = arith.constant 48 : i32
    %add3A_263 = arith.addi %mul3A_2, %add3A_262 : i32
    %dma_start3A_264 = arith.constant 1 : i32
    %dma_start3A_265 = arith.constant 0 : i32
    %dma_start3A_266 = arith.constant 0 : i32
    %dma_start3A_267 = tpu.memref_slice %arg10[%dma_start3A_264, %dma_start3A_265, %dma_start3A_266] : memref<2x16x1024xf32, #tpu.memory_space<vmem>> -> memref<1x16x1024xf32, #tpu.memory_space<vmem>>
    %dma_start3A_268 = tpu.memref_squeeze %dma_start3A_267 : memref<1x16x1024xf32, #tpu.memory_space<vmem>> -> memref<16x1024xf32, #tpu.memory_space<vmem>>
    %dma_start3A_269 = arith.constant 0 : i32
    %dma_start3A_270 = tpu.memref_slice %arg5[%add3A_263, %dma_start3A_269] : memref<4096x1024xf32, #tpu.memory_space<hbm>> -> memref<16x1024xf32, #tpu.memory_space<hbm>>
    %dma_start3A_271 = arith.constant 0 : i32
    %dma_start3A_272 = tpu.memref_slice %arg5[%add3A_263, %dma_start3A_271] : memref<4096x1024xf32, #tpu.memory_space<hbm>> -> memref<16x1024xf32, #tpu.memory_space<hbm>>
    %dma_start3A_273 = arith.constant 0 : i32
    %dma_start3A_274 = arith.constant 0 : i32
    %dma_start3A_275 = tpu.memref_slice %arg10[%dma_start3A_264, %dma_start3A_273, %dma_start3A_274] : memref<2x16x1024xf32, #tpu.memory_space<vmem>> -> memref<1x16x1024xf32, #tpu.memory_space<vmem>>
    %dma_start3A_276 = tpu.memref_squeeze %dma_start3A_275 : memref<1x16x1024xf32, #tpu.memory_space<vmem>> -> memref<16x1024xf32, #tpu.memory_space<vmem>>
    tpu.enqueue_dma source(%dma_start3A_276 : memref<16x1024xf32, #tpu.memory_space<vmem>>) target(%dma_start3A_272 : memref<16x1024xf32, #tpu.memory_space<hbm>>) target_semaphore(%arg14 : memref<!tpu.dma_semaphore, #tpu.memory_space<semaphore_mem>>)
    %get3A_277 = arith.constant 80 : index
    %get3A_278 = tpu.vector_load %arg6[%get3A_277] {strides = array<i32>} : memref<128xi32, #tpu.memory_space<vmem>>, vector<16xi32>,
    %dma_start3A_279 = arith.constant 1 : i32
    %dma_start3A_280 = arith.constant 0 : i32
    %dma_start3A_281 = arith.constant 0 : i32
    %dma_start3A_282 = tpu.memref_slice %arg8[%dma_start3A_279, %dma_start3A_280, %dma_start3A_281] : memref<2x16x1024xf32, #tpu.memory_space<vmem>> -> memref<1x16x1024xf32, #tpu.memory_space<vmem>>
    %dma_start3A_283 = tpu.memref_squeeze %dma_start3A_282 : memref<1x16x1024xf32, #tpu.memory_space<vmem>> -> memref<16x1024xf32, #tpu.memory_space<vmem>>
    %dma_start3A_284 = arith.constant 0 : i32
    %dma_start3A_285 = arith.constant 0 : i32
    %dma_start3A_286 = tpu.memref_slice %arg2[%dma_start3A_284, %dma_start3A_285] : memref<10240x1024xf32, #tpu.memory_space<hbm>> -> memref<10240x1024xf32, #tpu.memory_space<hbm>>
    tpu.enqueue_indirect_dma source(%dma_start3A_286 : memref<10240x1024xf32, #tpu.memory_space<hbm>>) target(%dma_start3A_283 : memref<16x1024xf32, #tpu.memory_space<vmem>>) offsets(%get3A_278 : vector<16xi32>) semaphore(%arg12 : memref<!tpu.dma_semaphore, #tpu.memory_space<semaphore_mem>>)
    %get3A_287 = arith.constant 80 : index
    %get3A_288 = tpu.vector_load %arg7[%get3A_287] {strides = array<i32>} : memref<128xi32, #tpu.memory_space<vmem>>, vector<16xi32>,
    %dma_start3A_289 = arith.constant 1 : i32
    %dma_start3A_290 = arith.constant 0 : i32
    %dma_start3A_291 = arith.constant 0 : i32
    %dma_start3A_292 = tpu.memref_slice %arg9[%dma_start3A_289, %dma_start3A_290, %dma_start3A_291] : memref<2x16x1024xf32, #tpu.memory_space<vmem>> -> memref<1x16x1024xf32, #tpu.memory_space<vmem>>
    %dma_start3A_293 = tpu.memref_squeeze %dma_start3A_292 : memref<1x16x1024xf32, #tpu.memory_space<vmem>> -> memref<16x1024xf32, #tpu.memory_space<vmem>>
    %dma_start3A_294 = arith.constant 0 : i32
    %dma_start3A_295 = arith.constant 0 : i32
    %dma_start3A_296 = tpu.memref_slice %arg2[%dma_start3A_294, %dma_start3A_295] : memref<10240x1024xf32, #tpu.memory_space<hbm>> -> memref<10240x1024xf32, #tpu.memory_space<hbm>>
    tpu.enqueue_indirect_dma source(%dma_start3A_296 : memref<10240x1024xf32, #tpu.memory_space<hbm>>) target(%dma_start3A_293 : memref<16x1024xf32, #tpu.memory_space<vmem>>) offsets(%get3A_288 : vector<16xi32>) semaphore(%arg12 : memref<!tpu.dma_semaphore, #tpu.memory_space<semaphore_mem>>)
    %dma_wait3A_297 = arith.constant 0 : i32
    %dma_wait3A_298 = arith.constant 0 : i32
    %dma_wait3A_299 = arith.constant 0 : i32
    %dma_wait3A_300 = tpu.memref_slice %arg8[%dma_wait3A_297, %dma_wait3A_298, %dma_wait3A_299] : memref<2x16x1024xf32, #tpu.memory_space<vmem>> -> memref<1x16x1024xf32, #tpu.memory_space<vmem>>
    %dma_wait3A_301 = tpu.memref_squeeze %dma_wait3A_300 : memref<1x16x1024xf32, #tpu.memory_space<vmem>> -> memref<16x1024xf32, #tpu.memory_space<vmem>>
    %dma_wait3A_302 = arith.constant 0 : i32
    %dma_wait3A_303 = arith.constant 0 : i32
    %dma_wait3A_304 = tpu.memref_slice %arg2[%dma_wait3A_302, %dma_wait3A_303] : memref<10240x1024xf32, #tpu.memory_space<hbm>> -> memref<10240x1024xf32, #tpu.memory_space<hbm>>
    tpu.wait_indirect_dma semaphore(%arg11 : memref<!tpu.dma_semaphore, #tpu.memory_space<semaphore_mem>>) src(%dma_wait3A_304 : memref<10240x1024xf32, #tpu.memory_space<hbm>>) dst(%dma_wait3A_301 : memref<16x1024xf32, #tpu.memory_space<vmem>>)
    %dma_wait3A_305 = arith.constant 0 : i32
    %dma_wait3A_306 = arith.constant 0 : i32
    %dma_wait3A_307 = arith.constant 0 : i32
    %dma_wait3A_308 = tpu.memref_slice %arg9[%dma_wait3A_305, %dma_wait3A_306, %dma_wait3A_307] : memref<2x16x1024xf32, #tpu.memory_space<vmem>> -> memref<1x16x1024xf32, #tpu.memory_space<vmem>>
    %dma_wait3A_309 = tpu.memref_squeeze %dma_wait3A_308 : memref<1x16x1024xf32, #tpu.memory_space<vmem>> -> memref<16x1024xf32, #tpu.memory_space<vmem>>
    %dma_wait3A_310 = arith.constant 0 : i32
    %dma_wait3A_311 = arith.constant 0 : i32
    %dma_wait3A_312 = tpu.memref_slice %arg2[%dma_wait3A_310, %dma_wait3A_311] : memref<10240x1024xf32, #tpu.memory_space<hbm>> -> memref<10240x1024xf32, #tpu.memory_space<hbm>>
    tpu.wait_indirect_dma semaphore(%arg11 : memref<!tpu.dma_semaphore, #tpu.memory_space<semaphore_mem>>) src(%dma_wait3A_312 : memref<10240x1024xf32, #tpu.memory_space<hbm>>) dst(%dma_wait3A_309 : memref<16x1024xf32, #tpu.memory_space<vmem>>)
    %dma_wait3A_313 = arith.constant 0 : i32
    %dma_wait3A_314 = arith.constant 0 : i32
    %dma_wait3A_315 = arith.constant 0 : i32
    %dma_wait3A_316 = tpu.memref_slice %arg10[%dma_wait3A_313, %dma_wait3A_314, %dma_wait3A_315] : memref<2x16x1024xf32, #tpu.memory_space<vmem>> -> memref<1x16x1024xf32, #tpu.memory_space<vmem>>
    %dma_wait3A_317 = tpu.memref_squeeze %dma_wait3A_316 : memref<1x16x1024xf32, #tpu.memory_space<vmem>> -> memref<16x1024xf32, #tpu.memory_space<vmem>>
    %dma_wait3A_318 = arith.constant 0 : i32
    %dma_wait3A_319 = tpu.memref_slice %arg5[%add3A_192, %dma_wait3A_318] : memref<4096x1024xf32, #tpu.memory_space<hbm>> -> memref<16x1024xf32, #tpu.memory_space<hbm>>
    %dma_wait3A_320 = arith.constant 0 : i32
    %dma_wait3A_321 = tpu.memref_slice %arg5[%add3A_192, %dma_wait3A_320] : memref<4096x1024xf32, #tpu.memory_space<hbm>> -> memref<16x1024xf32, #tpu.memory_space<hbm>>
    %dma_wait3A_322 = arith.constant 0 : i32
    %dma_wait3A_323 = arith.constant 0 : i32
    %dma_wait3A_324 = tpu.memref_slice %arg10[%dma_wait3A_313, %dma_wait3A_322, %dma_wait3A_323] : memref<2x16x1024xf32, #tpu.memory_space<vmem>> -> memref<1x16x1024xf32, #tpu.memory_space<vmem>>
    %dma_wait3A_325 = tpu.memref_squeeze %dma_wait3A_324 : memref<1x16x1024xf32, #tpu.memory_space<vmem>> -> memref<16x1024xf32, #tpu.memory_space<vmem>>
    tpu.wait_dma2 semaphore(%arg13 : memref<!tpu.dma_semaphore, #tpu.memory_space<semaphore_mem>>) src(%dma_wait3A_325 : memref<16x1024xf32, #tpu.memory_space<vmem>>) dst(%dma_wait3A_321 : memref<16x1024xf32, #tpu.memory_space<hbm>>)
    %scan3A_326 = arith.constant 0 : i32
    %scan3A_327 = arith.constant 0 : i32
    %scan3A_328 = arith.constant 16 : i32
    %scan3A_329 = arith.addi %scan3A_327, %scan3A_328 : i32
    %scan3A_330 = arith.constant 1 : i32
    %scan3A_331 = scf.for %scan3A_567 = %scan3A_327 to %scan3A_329 step %scan3A_330 iter_args(%scan3A_568 = %scan3A_326) -> (i32)  : i32 {
      %scan3A_569 = arith.constant 0 : i32
      %scan3A_570 = arith.constant 0 : i32
      %scan3A_571 = arith.constant 64 : i32
      %scan3A_572 = arith.addi %scan3A_570, %scan3A_571 : i32
      %scan3A_573 = arith.constant 1 : i32
      %scan3A_574 = scf.for %scan3A_577 = %scan3A_570 to %scan3A_572 step %scan3A_573 iter_args(%scan3A_578 = %scan3A_569) -> (i32)  : i32 {
        %mul3A_579 = arith.constant 16 : i32
        %mul3A_580 = arith.muli %scan3A_577, %mul3A_579 : i32
        %get3A_581 = arith.constant 0 : i32
        %get3A_582 = arith.index_cast %get3A_581 : i32 to index
        %get3A_583 = arith.index_cast %scan3A_567 : i32 to index
        %get3A_584 = arith.index_cast %mul3A_580 : i32 to index
        %get3A_585 = tpu.vector_load %arg8[%get3A_582, %get3A_583, %get3A_584] {strides = array<i32>} : memref<2x16x1024xf32, #tpu.memory_space<vmem>>, vector<16xf32>,
        %get3A_586 = arith.constant 0 : i32
        %get3A_587 = arith.index_cast %get3A_586 : i32 to index
        %get3A_588 = arith.index_cast %scan3A_567 : i32 to index
        %get3A_589 = arith.index_cast %mul3A_580 : i32 to index
        %get3A_590 = tpu.vector_load %arg9[%get3A_587, %get3A_588, %get3A_589] {strides = array<i32>} : memref<2x16x1024xf32, #tpu.memory_space<vmem>>, vector<16xf32>,
        %add3A_591 = arith.addf %get3A_585, %get3A_590 : vector<16xf32>
        %swap3A = arith.constant 0 : i32
        %swap3A_592 = arith.index_cast %swap3A : i32 to index
        %swap3A_593 = arith.index_cast %scan3A_567 : i32 to index
        %swap3A_594 = arith.index_cast %mul3A_580 : i32 to index
        %swap3A_595 = tpu.vector_load %arg10[%swap3A_592, %swap3A_593, %swap3A_594] {strides = array<i32>} : memref<2x16x1024xf32, #tpu.memory_space<vmem>>, vector<16xf32>,
        tpu.vector_store %arg10[%swap3A_592, %swap3A_593, %swap3A_594], %add3A_591 {strides = array<i32>} : memref<2x16x1024xf32, #tpu.memory_space<vmem>>, vector<16xf32>,
        %scan3A_596 = arith.constant 0 : i32
        scf.yield %scan3A_596 : i32
      }
      %scan3A_575 = arith.constant 64 : i32
      %scan3A_576 = arith.constant 0 : i32
      scf.yield %scan3A_576 : i32
    }
    %scan3A_332 = arith.constant 16 : i32
    %add3A_333 = arith.constant 64 : i32
    %add3A_334 = arith.addi %mul3A_2, %add3A_333 : i32
    %dma_start3A_335 = arith.constant 0 : i32
    %dma_start3A_336 = arith.constant 0 : i32
    %dma_start3A_337 = arith.constant 0 : i32
    %dma_start3A_338 = tpu.memref_slice %arg10[%dma_start3A_335, %dma_start3A_336, %dma_start3A_337] : memref<2x16x1024xf32, #tpu.memory_space<vmem>> -> memref<1x16x1024xf32, #tpu.memory_space<vmem>>
    %dma_start3A_339 = tpu.memref_squeeze %dma_start3A_338 : memref<1x16x1024xf32, #tpu.memory_space<vmem>> -> memref<16x1024xf32, #tpu.memory_space<vmem>>
    %dma_start3A_340 = arith.constant 0 : i32
    %dma_start3A_341 = tpu.memref_slice %arg5[%add3A_334, %dma_start3A_340] : memref<4096x1024xf32, #tpu.memory_space<hbm>> -> memref<16x1024xf32, #tpu.memory_space<hbm>>
    %dma_start3A_342 = arith.constant 0 : i32
    %dma_start3A_343 = tpu.memref_slice %arg5[%add3A_334, %dma_start3A_342] : memref<4096x1024xf32, #tpu.memory_space<hbm>> -> memref<16x1024xf32, #tpu.memory_space<hbm>>
    %dma_start3A_344 = arith.constant 0 : i32
    %dma_start3A_345 = arith.constant 0 : i32
    %dma_start3A_346 = tpu.memref_slice %arg10[%dma_start3A_335, %dma_start3A_344, %dma_start3A_345] : memref<2x16x1024xf32, #tpu.memory_space<vmem>> -> memref<1x16x1024xf32, #tpu.memory_space<vmem>>
    %dma_start3A_347 = tpu.memref_squeeze %dma_start3A_346 : memref<1x16x1024xf32, #tpu.memory_space<vmem>> -> memref<16x1024xf32, #tpu.memory_space<vmem>>
    tpu.enqueue_dma source(%dma_start3A_347 : memref<16x1024xf32, #tpu.memory_space<vmem>>) target(%dma_start3A_343 : memref<16x1024xf32, #tpu.memory_space<hbm>>) target_semaphore(%arg13 : memref<!tpu.dma_semaphore, #tpu.memory_space<semaphore_mem>>)
    %get3A_348 = arith.constant 96 : index
    %get3A_349 = tpu.vector_load %arg6[%get3A_348] {strides = array<i32>} : memref<128xi32, #tpu.memory_space<vmem>>, vector<16xi32>,
    %dma_start3A_350 = arith.constant 0 : i32
    %dma_start3A_351 = arith.constant 0 : i32
    %dma_start3A_352 = arith.constant 0 : i32
    %dma_start3A_353 = tpu.memref_slice %arg8[%dma_start3A_350, %dma_start3A_351, %dma_start3A_352] : memref<2x16x1024xf32, #tpu.memory_space<vmem>> -> memref<1x16x1024xf32, #tpu.memory_space<vmem>>
    %dma_start3A_354 = tpu.memref_squeeze %dma_start3A_353 : memref<1x16x1024xf32, #tpu.memory_space<vmem>> -> memref<16x1024xf32, #tpu.memory_space<vmem>>
    %dma_start3A_355 = arith.constant 0 : i32
    %dma_start3A_356 = arith.constant 0 : i32
    %dma_start3A_357 = tpu.memref_slice %arg2[%dma_start3A_355, %dma_start3A_356] : memref<10240x1024xf32, #tpu.memory_space<hbm>> -> memref<10240x1024xf32, #tpu.memory_space<hbm>>
    tpu.enqueue_indirect_dma source(%dma_start3A_357 : memref<10240x1024xf32, #tpu.memory_space<hbm>>) target(%dma_start3A_354 : memref<16x1024xf32, #tpu.memory_space<vmem>>) offsets(%get3A_349 : vector<16xi32>) semaphore(%arg11 : memref<!tpu.dma_semaphore, #tpu.memory_space<semaphore_mem>>)
    %get3A_358 = arith.constant 96 : index
    %get3A_359 = tpu.vector_load %arg7[%get3A_358] {strides = array<i32>} : memref<128xi32, #tpu.memory_space<vmem>>, vector<16xi32>,
    %dma_start3A_360 = arith.constant 0 : i32
    %dma_start3A_361 = arith.constant 0 : i32
    %dma_start3A_362 = arith.constant 0 : i32
    %dma_start3A_363 = tpu.memref_slice %arg9[%dma_start3A_360, %dma_start3A_361, %dma_start3A_362] : memref<2x16x1024xf32, #tpu.memory_space<vmem>> -> memref<1x16x1024xf32, #tpu.memory_space<vmem>>
    %dma_start3A_364 = tpu.memref_squeeze %dma_start3A_363 : memref<1x16x1024xf32, #tpu.memory_space<vmem>> -> memref<16x1024xf32, #tpu.memory_space<vmem>>
    %dma_start3A_365 = arith.constant 0 : i32
    %dma_start3A_366 = arith.constant 0 : i32
    %dma_start3A_367 = tpu.memref_slice %arg2[%dma_start3A_365, %dma_start3A_366] : memref<10240x1024xf32, #tpu.memory_space<hbm>> -> memref<10240x1024xf32, #tpu.memory_space<hbm>>
    tpu.enqueue_indirect_dma source(%dma_start3A_367 : memref<10240x1024xf32, #tpu.memory_space<hbm>>) target(%dma_start3A_364 : memref<16x1024xf32, #tpu.memory_space<vmem>>) offsets(%get3A_359 : vector<16xi32>) semaphore(%arg11 : memref<!tpu.dma_semaphore, #tpu.memory_space<semaphore_mem>>)
    %dma_wait3A_368 = arith.constant 1 : i32
    %dma_wait3A_369 = arith.constant 0 : i32
    %dma_wait3A_370 = arith.constant 0 : i32
    %dma_wait3A_371 = tpu.memref_slice %arg8[%dma_wait3A_368, %dma_wait3A_369, %dma_wait3A_370] : memref<2x16x1024xf32, #tpu.memory_space<vmem>> -> memref<1x16x1024xf32, #tpu.memory_space<vmem>>
    %dma_wait3A_372 = tpu.memref_squeeze %dma_wait3A_371 : memref<1x16x1024xf32, #tpu.memory_space<vmem>> -> memref<16x1024xf32, #tpu.memory_space<vmem>>
    %dma_wait3A_373 = arith.constant 0 : i32
    %dma_wait3A_374 = arith.constant 0 : i32
    %dma_wait3A_375 = tpu.memref_slice %arg2[%dma_wait3A_373, %dma_wait3A_374] : memref<10240x1024xf32, #tpu.memory_space<hbm>> -> memref<10240x1024xf32, #tpu.memory_space<hbm>>
    tpu.wait_indirect_dma semaphore(%arg12 : memref<!tpu.dma_semaphore, #tpu.memory_space<semaphore_mem>>) src(%dma_wait3A_375 : memref<10240x1024xf32, #tpu.memory_space<hbm>>) dst(%dma_wait3A_372 : memref<16x1024xf32, #tpu.memory_space<vmem>>)
    %dma_wait3A_376 = arith.constant 1 : i32
    %dma_wait3A_377 = arith.constant 0 : i32
    %dma_wait3A_378 = arith.constant 0 : i32
    %dma_wait3A_379 = tpu.memref_slice %arg9[%dma_wait3A_376, %dma_wait3A_377, %dma_wait3A_378] : memref<2x16x1024xf32, #tpu.memory_space<vmem>> -> memref<1x16x1024xf32, #tpu.memory_space<vmem>>
    %dma_wait3A_380 = tpu.memref_squeeze %dma_wait3A_379 : memref<1x16x1024xf32, #tpu.memory_space<vmem>> -> memref<16x1024xf32, #tpu.memory_space<vmem>>
    %dma_wait3A_381 = arith.constant 0 : i32
    %dma_wait3A_382 = arith.constant 0 : i32
    %dma_wait3A_383 = tpu.memref_slice %arg2[%dma_wait3A_381, %dma_wait3A_382] : memref<10240x1024xf32, #tpu.memory_space<hbm>> -> memref<10240x1024xf32, #tpu.memory_space<hbm>>
    tpu.wait_indirect_dma semaphore(%arg12 : memref<!tpu.dma_semaphore, #tpu.memory_space<semaphore_mem>>) src(%dma_wait3A_383 : memref<10240x1024xf32, #tpu.memory_space<hbm>>) dst(%dma_wait3A_380 : memref<16x1024xf32, #tpu.memory_space<vmem>>)
    %dma_wait3A_384 = arith.constant 1 : i32
    %dma_wait3A_385 = arith.constant 0 : i32
    %dma_wait3A_386 = arith.constant 0 : i32
    %dma_wait3A_387 = tpu.memref_slice %arg10[%dma_wait3A_384, %dma_wait3A_385, %dma_wait3A_386] : memref<2x16x1024xf32, #tpu.memory_space<vmem>> -> memref<1x16x1024xf32, #tpu.memory_space<vmem>>
    %dma_wait3A_388 = tpu.memref_squeeze %dma_wait3A_387 : memref<1x16x1024xf32, #tpu.memory_space<vmem>> -> memref<16x1024xf32, #tpu.memory_space<vmem>>
    %dma_wait3A_389 = arith.constant 0 : i32
    %dma_wait3A_390 = tpu.memref_slice %arg5[%add3A_263, %dma_wait3A_389] : memref<4096x1024xf32, #tpu.memory_space<hbm>> -> memref<16x1024xf32, #tpu.memory_space<hbm>>
    %dma_wait3A_391 = arith.constant 0 : i32
    %dma_wait3A_392 = tpu.memref_slice %arg5[%add3A_263, %dma_wait3A_391] : memref<4096x1024xf32, #tpu.memory_space<hbm>> -> memref<16x1024xf32, #tpu.memory_space<hbm>>
    %dma_wait3A_393 = arith.constant 0 : i32
    %dma_wait3A_394 = arith.constant 0 : i32
    %dma_wait3A_395 = tpu.memref_slice %arg10[%dma_wait3A_384, %dma_wait3A_393, %dma_wait3A_394] : memref<2x16x1024xf32, #tpu.memory_space<vmem>> -> memref<1x16x1024xf32, #tpu.memory_space<vmem>>
    %dma_wait3A_396 = tpu.memref_squeeze %dma_wait3A_395 : memref<1x16x1024xf32, #tpu.memory_space<vmem>> -> memref<16x1024xf32, #tpu.memory_space<vmem>>
    tpu.wait_dma2 semaphore(%arg14 : memref<!tpu.dma_semaphore, #tpu.memory_space<semaphore_mem>>) src(%dma_wait3A_396 : memref<16x1024xf32, #tpu.memory_space<vmem>>) dst(%dma_wait3A_392 : memref<16x1024xf32, #tpu.memory_space<hbm>>)
    %scan3A_397 = arith.constant 0 : i32
    %scan3A_398 = arith.constant 0 : i32
    %scan3A_399 = arith.constant 16 : i32
    %scan3A_400 = arith.addi %scan3A_398, %scan3A_399 : i32
    %scan3A_401 = arith.constant 1 : i32
    %scan3A_402 = scf.for %scan3A_567 = %scan3A_398 to %scan3A_400 step %scan3A_401 iter_args(%scan3A_568 = %scan3A_397) -> (i32)  : i32 {
      %scan3A_569 = arith.constant 0 : i32
      %scan3A_570 = arith.constant 0 : i32
      %scan3A_571 = arith.constant 64 : i32
      %scan3A_572 = arith.addi %scan3A_570, %scan3A_571 : i32
      %scan3A_573 = arith.constant 1 : i32
      %scan3A_574 = scf.for %scan3A_577 = %scan3A_570 to %scan3A_572 step %scan3A_573 iter_args(%scan3A_578 = %scan3A_569) -> (i32)  : i32 {
        %mul3A_579 = arith.constant 16 : i32
        %mul3A_580 = arith.muli %scan3A_577, %mul3A_579 : i32
        %get3A_581 = arith.constant 1 : i32
        %get3A_582 = arith.index_cast %get3A_581 : i32 to index
        %get3A_583 = arith.index_cast %scan3A_567 : i32 to index
        %get3A_584 = arith.index_cast %mul3A_580 : i32 to index
        %get3A_585 = tpu.vector_load %arg8[%get3A_582, %get3A_583, %get3A_584] {strides = array<i32>} : memref<2x16x1024xf32, #tpu.memory_space<vmem>>, vector<16xf32>,
        %get3A_586 = arith.constant 1 : i32
        %get3A_587 = arith.index_cast %get3A_586 : i32 to index
        %get3A_588 = arith.index_cast %scan3A_567 : i32 to index
        %get3A_589 = arith.index_cast %mul3A_580 : i32 to index
        %get3A_590 = tpu.vector_load %arg9[%get3A_587, %get3A_588, %get3A_589] {strides = array<i32>} : memref<2x16x1024xf32, #tpu.memory_space<vmem>>, vector<16xf32>,
        %add3A_591 = arith.addf %get3A_585, %get3A_590 : vector<16xf32>
        %swap3A = arith.constant 1 : i32
        %swap3A_592 = arith.index_cast %swap3A : i32 to index
        %swap3A_593 = arith.index_cast %scan3A_567 : i32 to index
        %swap3A_594 = arith.index_cast %mul3A_580 : i32 to index
        %swap3A_595 = tpu.vector_load %arg10[%swap3A_592, %swap3A_593, %swap3A_594] {strides = array<i32>} : memref<2x16x1024xf32, #tpu.memory_space<vmem>>, vector<16xf32>,
        tpu.vector_store %arg10[%swap3A_592, %swap3A_593, %swap3A_594], %add3A_591 {strides = array<i32>} : memref<2x16x1024xf32, #tpu.memory_space<vmem>>, vector<16xf32>,
        %scan3A_596 = arith.constant 0 : i32
        scf.yield %scan3A_596 : i32
      }
      %scan3A_575 = arith.constant 64 : i32
      %scan3A_576 = arith.constant 0 : i32
      scf.yield %scan3A_576 : i32
    }
    %scan3A_403 = arith.constant 16 : i32
    %add3A_404 = arith.constant 80 : i32
    %add3A_405 = arith.addi %mul3A_2, %add3A_404 : i32
    %dma_start3A_406 = arith.constant 1 : i32
    %dma_start3A_407 = arith.constant 0 : i32
    %dma_start3A_408 = arith.constant 0 : i32
    %dma_start3A_409 = tpu.memref_slice %arg10[%dma_start3A_406, %dma_start3A_407, %dma_start3A_408] : memref<2x16x1024xf32, #tpu.memory_space<vmem>> -> memref<1x16x1024xf32, #tpu.memory_space<vmem>>
    %dma_start3A_410 = tpu.memref_squeeze %dma_start3A_409 : memref<1x16x1024xf32, #tpu.memory_space<vmem>> -> memref<16x1024xf32, #tpu.memory_space<vmem>>
    %dma_start3A_411 = arith.constant 0 : i32
    %dma_start3A_412 = tpu.memref_slice %arg5[%add3A_405, %dma_start3A_411] : memref<4096x1024xf32, #tpu.memory_space<hbm>> -> memref<16x1024xf32, #tpu.memory_space<hbm>>
    %dma_start3A_413 = arith.constant 0 : i32
    %dma_start3A_414 = tpu.memref_slice %arg5[%add3A_405, %dma_start3A_413] : memref<4096x1024xf32, #tpu.memory_space<hbm>> -> memref<16x1024xf32, #tpu.memory_space<hbm>>
    %dma_start3A_415 = arith.constant 0 : i32
    %dma_start3A_416 = arith.constant 0 : i32
    %dma_start3A_417 = tpu.memref_slice %arg10[%dma_start3A_406, %dma_start3A_415, %dma_start3A_416] : memref<2x16x1024xf32, #tpu.memory_space<vmem>> -> memref<1x16x1024xf32, #tpu.memory_space<vmem>>
    %dma_start3A_418 = tpu.memref_squeeze %dma_start3A_417 : memref<1x16x1024xf32, #tpu.memory_space<vmem>> -> memref<16x1024xf32, #tpu.memory_space<vmem>>
    tpu.enqueue_dma source(%dma_start3A_418 : memref<16x1024xf32, #tpu.memory_space<vmem>>) target(%dma_start3A_414 : memref<16x1024xf32, #tpu.memory_space<hbm>>) target_semaphore(%arg14 : memref<!tpu.dma_semaphore, #tpu.memory_space<semaphore_mem>>)
    %get3A_419 = arith.constant 112 : index
    %get3A_420 = tpu.vector_load %arg6[%get3A_419] {strides = array<i32>} : memref<128xi32, #tpu.memory_space<vmem>>, vector<16xi32>,
    %dma_start3A_421 = arith.constant 1 : i32
    %dma_start3A_422 = arith.constant 0 : i32
    %dma_start3A_423 = arith.constant 0 : i32
    %dma_start3A_424 = tpu.memref_slice %arg8[%dma_start3A_421, %dma_start3A_422, %dma_start3A_423] : memref<2x16x1024xf32, #tpu.memory_space<vmem>> -> memref<1x16x1024xf32, #tpu.memory_space<vmem>>
    %dma_start3A_425 = tpu.memref_squeeze %dma_start3A_424 : memref<1x16x1024xf32, #tpu.memory_space<vmem>> -> memref<16x1024xf32, #tpu.memory_space<vmem>>
    %dma_start3A_426 = arith.constant 0 : i32
    %dma_start3A_427 = arith.constant 0 : i32
    %dma_start3A_428 = tpu.memref_slice %arg2[%dma_start3A_426, %dma_start3A_427] : memref<10240x1024xf32, #tpu.memory_space<hbm>> -> memref<10240x1024xf32, #tpu.memory_space<hbm>>
    tpu.enqueue_indirect_dma source(%dma_start3A_428 : memref<10240x1024xf32, #tpu.memory_space<hbm>>) target(%dma_start3A_425 : memref<16x1024xf32, #tpu.memory_space<vmem>>) offsets(%get3A_420 : vector<16xi32>) semaphore(%arg12 : memref<!tpu.dma_semaphore, #tpu.memory_space<semaphore_mem>>)
    %get3A_429 = arith.constant 112 : index
    %get3A_430 = tpu.vector_load %arg7[%get3A_429] {strides = array<i32>} : memref<128xi32, #tpu.memory_space<vmem>>, vector<16xi32>,
    %dma_start3A_431 = arith.constant 1 : i32
    %dma_start3A_432 = arith.constant 0 : i32
    %dma_start3A_433 = arith.constant 0 : i32
    %dma_start3A_434 = tpu.memref_slice %arg9[%dma_start3A_431, %dma_start3A_432, %dma_start3A_433] : memref<2x16x1024xf32, #tpu.memory_space<vmem>> -> memref<1x16x1024xf32, #tpu.memory_space<vmem>>
    %dma_start3A_435 = tpu.memref_squeeze %dma_start3A_434 : memref<1x16x1024xf32, #tpu.memory_space<vmem>> -> memref<16x1024xf32, #tpu.memory_space<vmem>>
    %dma_start3A_436 = arith.constant 0 : i32
    %dma_start3A_437 = arith.constant 0 : i32
    %dma_start3A_438 = tpu.memref_slice %arg2[%dma_start3A_436, %dma_start3A_437] : memref<10240x1024xf32, #tpu.memory_space<hbm>> -> memref<10240x1024xf32, #tpu.memory_space<hbm>>
    tpu.enqueue_indirect_dma source(%dma_start3A_438 : memref<10240x1024xf32, #tpu.memory_space<hbm>>) target(%dma_start3A_435 : memref<16x1024xf32, #tpu.memory_space<vmem>>) offsets(%get3A_430 : vector<16xi32>) semaphore(%arg12 : memref<!tpu.dma_semaphore, #tpu.memory_space<semaphore_mem>>)
    %dma_wait3A_439 = arith.constant 0 : i32
    %dma_wait3A_440 = arith.constant 0 : i32
    %dma_wait3A_441 = arith.constant 0 : i32
    %dma_wait3A_442 = tpu.memref_slice %arg8[%dma_wait3A_439, %dma_wait3A_440, %dma_wait3A_441] : memref<2x16x1024xf32, #tpu.memory_space<vmem>> -> memref<1x16x1024xf32, #tpu.memory_space<vmem>>
    %dma_wait3A_443 = tpu.memref_squeeze %dma_wait3A_442 : memref<1x16x1024xf32, #tpu.memory_space<vmem>> -> memref<16x1024xf32, #tpu.memory_space<vmem>>
    %dma_wait3A_444 = arith.constant 0 : i32
    %dma_wait3A_445 = arith.constant 0 : i32
    %dma_wait3A_446 = tpu.memref_slice %arg2[%dma_wait3A_444, %dma_wait3A_445] : memref<10240x1024xf32, #tpu.memory_space<hbm>> -> memref<10240x1024xf32, #tpu.memory_space<hbm>>
    tpu.wait_indirect_dma semaphore(%arg11 : memref<!tpu.dma_semaphore, #tpu.memory_space<semaphore_mem>>) src(%dma_wait3A_446 : memref<10240x1024xf32, #tpu.memory_space<hbm>>) dst(%dma_wait3A_443 : memref<16x1024xf32, #tpu.memory_space<vmem>>)
    %dma_wait3A_447 = arith.constant 0 : i32
    %dma_wait3A_448 = arith.constant 0 : i32
    %dma_wait3A_449 = arith.constant 0 : i32
    %dma_wait3A_450 = tpu.memref_slice %arg9[%dma_wait3A_447, %dma_wait3A_448, %dma_wait3A_449] : memref<2x16x1024xf32, #tpu.memory_space<vmem>> -> memref<1x16x1024xf32, #tpu.memory_space<vmem>>
    %dma_wait3A_451 = tpu.memref_squeeze %dma_wait3A_450 : memref<1x16x1024xf32, #tpu.memory_space<vmem>> -> memref<16x1024xf32, #tpu.memory_space<vmem>>
    %dma_wait3A_452 = arith.constant 0 : i32
    %dma_wait3A_453 = arith.constant 0 : i32
    %dma_wait3A_454 = tpu.memref_slice %arg2[%dma_wait3A_452, %dma_wait3A_453] : memref<10240x1024xf32, #tpu.memory_space<hbm>> -> memref<10240x1024xf32, #tpu.memory_space<hbm>>
    tpu.wait_indirect_dma semaphore(%arg11 : memref<!tpu.dma_semaphore, #tpu.memory_space<semaphore_mem>>) src(%dma_wait3A_454 : memref<10240x1024xf32, #tpu.memory_space<hbm>>) dst(%dma_wait3A_451 : memref<16x1024xf32, #tpu.memory_space<vmem>>)
    %dma_wait3A_455 = arith.constant 0 : i32
    %dma_wait3A_456 = arith.constant 0 : i32
    %dma_wait3A_457 = arith.constant 0 : i32
    %dma_wait3A_458 = tpu.memref_slice %arg10[%dma_wait3A_455, %dma_wait3A_456, %dma_wait3A_457] : memref<2x16x1024xf32, #tpu.memory_space<vmem>> -> memref<1x16x1024xf32, #tpu.memory_space<vmem>>
    %dma_wait3A_459 = tpu.memref_squeeze %dma_wait3A_458 : memref<1x16x1024xf32, #tpu.memory_space<vmem>> -> memref<16x1024xf32, #tpu.memory_space<vmem>>
    %dma_wait3A_460 = arith.constant 0 : i32
    %dma_wait3A_461 = tpu.memref_slice %arg5[%add3A_334, %dma_wait3A_460] : memref<4096x1024xf32, #tpu.memory_space<hbm>> -> memref<16x1024xf32, #tpu.memory_space<hbm>>
    %dma_wait3A_462 = arith.constant 0 : i32
    %dma_wait3A_463 = tpu.memref_slice %arg5[%add3A_334, %dma_wait3A_462] : memref<4096x1024xf32, #tpu.memory_space<hbm>> -> memref<16x1024xf32, #tpu.memory_space<hbm>>
    %dma_wait3A_464 = arith.constant 0 : i32
    %dma_wait3A_465 = arith.constant 0 : i32
    %dma_wait3A_466 = tpu.memref_slice %arg10[%dma_wait3A_455, %dma_wait3A_464, %dma_wait3A_465] : memref<2x16x1024xf32, #tpu.memory_space<vmem>> -> memref<1x16x1024xf32, #tpu.memory_space<vmem>>
    %dma_wait3A_467 = tpu.memref_squeeze %dma_wait3A_466 : memref<1x16x1024xf32, #tpu.memory_space<vmem>> -> memref<16x1024xf32, #tpu.memory_space<vmem>>
    tpu.wait_dma2 semaphore(%arg13 : memref<!tpu.dma_semaphore, #tpu.memory_space<semaphore_mem>>) src(%dma_wait3A_467 : memref<16x1024xf32, #tpu.memory_space<vmem>>) dst(%dma_wait3A_463 : memref<16x1024xf32, #tpu.memory_space<hbm>>)
    %scan3A_468 = arith.constant 0 : i32
    %scan3A_469 = arith.constant 0 : i32
    %scan3A_470 = arith.constant 16 : i32
    %scan3A_471 = arith.addi %scan3A_469, %scan3A_470 : i32
    %scan3A_472 = arith.constant 1 : i32
    %scan3A_473 = scf.for %scan3A_567 = %scan3A_469 to %scan3A_471 step %scan3A_472 iter_args(%scan3A_568 = %scan3A_468) -> (i32)  : i32 {
      %scan3A_569 = arith.constant 0 : i32
      %scan3A_570 = arith.constant 0 : i32
      %scan3A_571 = arith.constant 64 : i32
      %scan3A_572 = arith.addi %scan3A_570, %scan3A_571 : i32
      %scan3A_573 = arith.constant 1 : i32
      %scan3A_574 = scf.for %scan3A_577 = %scan3A_570 to %scan3A_572 step %scan3A_573 iter_args(%scan3A_578 = %scan3A_569) -> (i32)  : i32 {
        %mul3A_579 = arith.constant 16 : i32
        %mul3A_580 = arith.muli %scan3A_577, %mul3A_579 : i32
        %get3A_581 = arith.constant 0 : i32
        %get3A_582 = arith.index_cast %get3A_581 : i32 to index
        %get3A_583 = arith.index_cast %scan3A_567 : i32 to index
        %get3A_584 = arith.index_cast %mul3A_580 : i32 to index
        %get3A_585 = tpu.vector_load %arg8[%get3A_582, %get3A_583, %get3A_584] {strides = array<i32>} : memref<2x16x1024xf32, #tpu.memory_space<vmem>>, vector<16xf32>,
        %get3A_586 = arith.constant 0 : i32
        %get3A_587 = arith.index_cast %get3A_586 : i32 to index
        %get3A_588 = arith.index_cast %scan3A_567 : i32 to index
        %get3A_589 = arith.index_cast %mul3A_580 : i32 to index
        %get3A_590 = tpu.vector_load %arg9[%get3A_587, %get3A_588, %get3A_589] {strides = array<i32>} : memref<2x16x1024xf32, #tpu.memory_space<vmem>>, vector<16xf32>,
        %add3A_591 = arith.addf %get3A_585, %get3A_590 : vector<16xf32>
        %swap3A = arith.constant 0 : i32
        %swap3A_592 = arith.index_cast %swap3A : i32 to index
        %swap3A_593 = arith.index_cast %scan3A_567 : i32 to index
        %swap3A_594 = arith.index_cast %mul3A_580 : i32 to index
        %swap3A_595 = tpu.vector_load %arg10[%swap3A_592, %swap3A_593, %swap3A_594] {strides = array<i32>} : memref<2x16x1024xf32, #tpu.memory_space<vmem>>, vector<16xf32>,
        tpu.vector_store %arg10[%swap3A_592, %swap3A_593, %swap3A_594], %add3A_591 {strides = array<i32>} : memref<2x16x1024xf32, #tpu.memory_space<vmem>>, vector<16xf32>,
        %scan3A_596 = arith.constant 0 : i32
        scf.yield %scan3A_596 : i32
      }
      %scan3A_575 = arith.constant 64 : i32
      %scan3A_576 = arith.constant 0 : i32
      scf.yield %scan3A_576 : i32
    }
    %scan3A_474 = arith.constant 16 : i32
    %add3A_475 = arith.constant 96 : i32
    %add3A_476 = arith.addi %mul3A_2, %add3A_475 : i32
    %dma_start3A_477 = arith.constant 0 : i32
    %dma_start3A_478 = arith.constant 0 : i32
    %dma_start3A_479 = arith.constant 0 : i32
    %dma_start3A_480 = tpu.memref_slice %arg10[%dma_start3A_477, %dma_start3A_478, %dma_start3A_479] : memref<2x16x1024xf32, #tpu.memory_space<vmem>> -> memref<1x16x1024xf32, #tpu.memory_space<vmem>>
    %dma_start3A_481 = tpu.memref_squeeze %dma_start3A_480 : memref<1x16x1024xf32, #tpu.memory_space<vmem>> -> memref<16x1024xf32, #tpu.memory_space<vmem>>
    %dma_start3A_482 = arith.constant 0 : i32
    %dma_start3A_483 = tpu.memref_slice %arg5[%add3A_476, %dma_start3A_482] : memref<4096x1024xf32, #tpu.memory_space<hbm>> -> memref<16x1024xf32, #tpu.memory_space<hbm>>
    %dma_start3A_484 = arith.constant 0 : i32
    %dma_start3A_485 = tpu.memref_slice %arg5[%add3A_476, %dma_start3A_484] : memref<4096x1024xf32, #tpu.memory_space<hbm>> -> memref<16x1024xf32, #tpu.memory_space<hbm>>
    %dma_start3A_486 = arith.constant 0 : i32
    %dma_start3A_487 = arith.constant 0 : i32
    %dma_start3A_488 = tpu.memref_slice %arg10[%dma_start3A_477, %dma_start3A_486, %dma_start3A_487] : memref<2x16x1024xf32, #tpu.memory_space<vmem>> -> memref<1x16x1024xf32, #tpu.memory_space<vmem>>
    %dma_start3A_489 = tpu.memref_squeeze %dma_start3A_488 : memref<1x16x1024xf32, #tpu.memory_space<vmem>> -> memref<16x1024xf32, #tpu.memory_space<vmem>>
    tpu.enqueue_dma source(%dma_start3A_489 : memref<16x1024xf32, #tpu.memory_space<vmem>>) target(%dma_start3A_485 : memref<16x1024xf32, #tpu.memory_space<hbm>>) target_semaphore(%arg13 : memref<!tpu.dma_semaphore, #tpu.memory_space<semaphore_mem>>)
    %dma_wait3A_490 = arith.constant 1 : i32
    %dma_wait3A_491 = arith.constant 0 : i32
    %dma_wait3A_492 = arith.constant 0 : i32
    %dma_wait3A_493 = tpu.memref_slice %arg8[%dma_wait3A_490, %dma_wait3A_491, %dma_wait3A_492] : memref<2x16x1024xf32, #tpu.memory_space<vmem>> -> memref<1x16x1024xf32, #tpu.memory_space<vmem>>
    %dma_wait3A_494 = tpu.memref_squeeze %dma_wait3A_493 : memref<1x16x1024xf32, #tpu.memory_space<vmem>> -> memref<16x1024xf32, #tpu.memory_space<vmem>>
    %dma_wait3A_495 = arith.constant 0 : i32
    %dma_wait3A_496 = arith.constant 0 : i32
    %dma_wait3A_497 = tpu.memref_slice %arg2[%dma_wait3A_495, %dma_wait3A_496] : memref<10240x1024xf32, #tpu.memory_space<hbm>> -> memref<10240x1024xf32, #tpu.memory_space<hbm>>
    tpu.wait_indirect_dma semaphore(%arg12 : memref<!tpu.dma_semaphore, #tpu.memory_space<semaphore_mem>>) src(%dma_wait3A_497 : memref<10240x1024xf32, #tpu.memory_space<hbm>>) dst(%dma_wait3A_494 : memref<16x1024xf32, #tpu.memory_space<vmem>>)
    %dma_wait3A_498 = arith.constant 1 : i32
    %dma_wait3A_499 = arith.constant 0 : i32
    %dma_wait3A_500 = arith.constant 0 : i32
    %dma_wait3A_501 = tpu.memref_slice %arg9[%dma_wait3A_498, %dma_wait3A_499, %dma_wait3A_500] : memref<2x16x1024xf32, #tpu.memory_space<vmem>> -> memref<1x16x1024xf32, #tpu.memory_space<vmem>>
    %dma_wait3A_502 = tpu.memref_squeeze %dma_wait3A_501 : memref<1x16x1024xf32, #tpu.memory_space<vmem>> -> memref<16x1024xf32, #tpu.memory_space<vmem>>
    %dma_wait3A_503 = arith.constant 0 : i32
    %dma_wait3A_504 = arith.constant 0 : i32
    %dma_wait3A_505 = tpu.memref_slice %arg2[%dma_wait3A_503, %dma_wait3A_504] : memref<10240x1024xf32, #tpu.memory_space<hbm>> -> memref<10240x1024xf32, #tpu.memory_space<hbm>>
    tpu.wait_indirect_dma semaphore(%arg12 : memref<!tpu.dma_semaphore, #tpu.memory_space<semaphore_mem>>) src(%dma_wait3A_505 : memref<10240x1024xf32, #tpu.memory_space<hbm>>) dst(%dma_wait3A_502 : memref<16x1024xf32, #tpu.memory_space<vmem>>)
    %dma_wait3A_506 = arith.constant 1 : i32
    %dma_wait3A_507 = arith.constant 0 : i32
    %dma_wait3A_508 = arith.constant 0 : i32
    %dma_wait3A_509 = tpu.memref_slice %arg10[%dma_wait3A_506, %dma_wait3A_507, %dma_wait3A_508] : memref<2x16x1024xf32, #tpu.memory_space<vmem>> -> memref<1x16x1024xf32, #tpu.memory_space<vmem>>
    %dma_wait3A_510 = tpu.memref_squeeze %dma_wait3A_509 : memref<1x16x1024xf32, #tpu.memory_space<vmem>> -> memref<16x1024xf32, #tpu.memory_space<vmem>>
    %dma_wait3A_511 = arith.constant 0 : i32
    %dma_wait3A_512 = tpu.memref_slice %arg5[%add3A_405, %dma_wait3A_511] : memref<4096x1024xf32, #tpu.memory_space<hbm>> -> memref<16x1024xf32, #tpu.memory_space<hbm>>
    %dma_wait3A_513 = arith.constant 0 : i32
    %dma_wait3A_514 = tpu.memref_slice %arg5[%add3A_405, %dma_wait3A_513] : memref<4096x1024xf32, #tpu.memory_space<hbm>> -> memref<16x1024xf32, #tpu.memory_space<hbm>>
    %dma_wait3A_515 = arith.constant 0 : i32
    %dma_wait3A_516 = arith.constant 0 : i32
    %dma_wait3A_517 = tpu.memref_slice %arg10[%dma_wait3A_506, %dma_wait3A_515, %dma_wait3A_516] : memref<2x16x1024xf32, #tpu.memory_space<vmem>> -> memref<1x16x1024xf32, #tpu.memory_space<vmem>>
    %dma_wait3A_518 = tpu.memref_squeeze %dma_wait3A_517 : memref<1x16x1024xf32, #tpu.memory_space<vmem>> -> memref<16x1024xf32, #tpu.memory_space<vmem>>
    tpu.wait_dma2 semaphore(%arg14 : memref<!tpu.dma_semaphore, #tpu.memory_space<semaphore_mem>>) src(%dma_wait3A_518 : memref<16x1024xf32, #tpu.memory_space<vmem>>) dst(%dma_wait3A_514 : memref<16x1024xf32, #tpu.memory_space<hbm>>)
    %scan3A_519 = arith.constant 0 : i32
    %scan3A_520 = arith.constant 0 : i32
    %scan3A_521 = arith.constant 16 : i32
    %scan3A_522 = arith.addi %scan3A_520, %scan3A_521 : i32
    %scan3A_523 = arith.constant 1 : i32
    %scan3A_524 = scf.for %scan3A_567 = %scan3A_520 to %scan3A_522 step %scan3A_523 iter_args(%scan3A_568 = %scan3A_519) -> (i32)  : i32 {
      %scan3A_569 = arith.constant 0 : i32
      %scan3A_570 = arith.constant 0 : i32
      %scan3A_571 = arith.constant 64 : i32
      %scan3A_572 = arith.addi %scan3A_570, %scan3A_571 : i32
      %scan3A_573 = arith.constant 1 : i32
      %scan3A_574 = scf.for %scan3A_577 = %scan3A_570 to %scan3A_572 step %scan3A_573 iter_args(%scan3A_578 = %scan3A_569) -> (i32)  : i32 {
        %mul3A_579 = arith.constant 16 : i32
        %mul3A_580 = arith.muli %scan3A_577, %mul3A_579 : i32
        %get3A_581 = arith.constant 1 : i32
        %get3A_582 = arith.index_cast %get3A_581 : i32 to index
        %get3A_583 = arith.index_cast %scan3A_567 : i32 to index
        %get3A_584 = arith.index_cast %mul3A_580 : i32 to index
        %get3A_585 = tpu.vector_load %arg8[%get3A_582, %get3A_583, %get3A_584] {strides = array<i32>} : memref<2x16x1024xf32, #tpu.memory_space<vmem>>, vector<16xf32>,
        %get3A_586 = arith.constant 1 : i32
        %get3A_587 = arith.index_cast %get3A_586 : i32 to index
        %get3A_588 = arith.index_cast %scan3A_567 : i32 to index
        %get3A_589 = arith.index_cast %mul3A_580 : i32 to index
        %get3A_590 = tpu.vector_load %arg9[%get3A_587, %get3A_588, %get3A_589] {strides = array<i32>} : memref<2x16x1024xf32, #tpu.memory_space<vmem>>, vector<16xf32>,
        %add3A_591 = arith.addf %get3A_585, %get3A_590 : vector<16xf32>
        %swap3A = arith.constant 1 : i32
        %swap3A_592 = arith.index_cast %swap3A : i32 to index
        %swap3A_593 = arith.index_cast %scan3A_567 : i32 to index
        %swap3A_594 = arith.index_cast %mul3A_580 : i32 to index
        %swap3A_595 = tpu.vector_load %arg10[%swap3A_592, %swap3A_593, %swap3A_594] {strides = array<i32>} : memref<2x16x1024xf32, #tpu.memory_space<vmem>>, vector<16xf32>,
        tpu.vector_store %arg10[%swap3A_592, %swap3A_593, %swap3A_594], %add3A_591 {strides = array<i32>} : memref<2x16x1024xf32, #tpu.memory_space<vmem>>, vector<16xf32>,
        %scan3A_596 = arith.constant 0 : i32
        scf.yield %scan3A_596 : i32
      }
      %scan3A_575 = arith.constant 64 : i32
      %scan3A_576 = arith.constant 0 : i32
      scf.yield %scan3A_576 : i32
    }
    %scan3A_525 = arith.constant 16 : i32
    %add3A_526 = arith.constant 112 : i32
    %add3A_527 = arith.addi %mul3A_2, %add3A_526 : i32
    %dma_start3A_528 = arith.constant 1 : i32
    %dma_start3A_529 = arith.constant 0 : i32
    %dma_start3A_530 = arith.constant 0 : i32
    %dma_start3A_531 = tpu.memref_slice %arg10[%dma_start3A_528, %dma_start3A_529, %dma_start3A_530] : memref<2x16x1024xf32, #tpu.memory_space<vmem>> -> memref<1x16x1024xf32, #tpu.memory_space<vmem>>
    %dma_start3A_532 = tpu.memref_squeeze %dma_start3A_531 : memref<1x16x1024xf32, #tpu.memory_space<vmem>> -> memref<16x1024xf32, #tpu.memory_space<vmem>>
    %dma_start3A_533 = arith.constant 0 : i32
    %dma_start3A_534 = tpu.memref_slice %arg5[%add3A_527, %dma_start3A_533] : memref<4096x1024xf32, #tpu.memory_space<hbm>> -> memref<16x1024xf32, #tpu.memory_space<hbm>>
    %dma_start3A_535 = arith.constant 0 : i32
    %dma_start3A_536 = tpu.memref_slice %arg5[%add3A_527, %dma_start3A_535] : memref<4096x1024xf32, #tpu.memory_space<hbm>> -> memref<16x1024xf32, #tpu.memory_space<hbm>>
    %dma_start3A_537 = arith.constant 0 : i32
    %dma_start3A_538 = arith.constant 0 : i32
    %dma_start3A_539 = tpu.memref_slice %arg10[%dma_start3A_528, %dma_start3A_537, %dma_start3A_538] : memref<2x16x1024xf32, #tpu.memory_space<vmem>> -> memref<1x16x1024xf32, #tpu.memory_space<vmem>>
    %dma_start3A_540 = tpu.memref_squeeze %dma_start3A_539 : memref<1x16x1024xf32, #tpu.memory_space<vmem>> -> memref<16x1024xf32, #tpu.memory_space<vmem>>
    tpu.enqueue_dma source(%dma_start3A_540 : memref<16x1024xf32, #tpu.memory_space<vmem>>) target(%dma_start3A_536 : memref<16x1024xf32, #tpu.memory_space<hbm>>) target_semaphore(%arg14 : memref<!tpu.dma_semaphore, #tpu.memory_space<semaphore_mem>>)
    %dma_wait3A_541 = arith.constant 0 : i32
    %dma_wait3A_542 = arith.constant 0 : i32
    %dma_wait3A_543 = arith.constant 0 : i32
    %dma_wait3A_544 = tpu.memref_slice %arg10[%dma_wait3A_541, %dma_wait3A_542, %dma_wait3A_543] : memref<2x16x1024xf32, #tpu.memory_space<vmem>> -> memref<1x16x1024xf32, #tpu.memory_space<vmem>>
    %dma_wait3A_545 = tpu.memref_squeeze %dma_wait3A_544 : memref<1x16x1024xf32, #tpu.memory_space<vmem>> -> memref<16x1024xf32, #tpu.memory_space<vmem>>
    %dma_wait3A_546 = arith.constant 0 : i32
    %dma_wait3A_547 = tpu.memref_slice %arg5[%add3A_476, %dma_wait3A_546] : memref<4096x1024xf32, #tpu.memory_space<hbm>> -> memref<16x1024xf32, #tpu.memory_space<hbm>>
    %dma_wait3A_548 = arith.constant 0 : i32
    %dma_wait3A_549 = tpu.memref_slice %arg5[%add3A_476, %dma_wait3A_548] : memref<4096x1024xf32, #tpu.memory_space<hbm>> -> memref<16x1024xf32, #tpu.memory_space<hbm>>
    %dma_wait3A_550 = arith.constant 0 : i32
    %dma_wait3A_551 = arith.constant 0 : i32
    %dma_wait3A_552 = tpu.memref_slice %arg10[%dma_wait3A_541, %dma_wait3A_550, %dma_wait3A_551] : memref<2x16x1024xf32, #tpu.memory_space<vmem>> -> memref<1x16x1024xf32, #tpu.memory_space<vmem>>
    %dma_wait3A_553 = tpu.memref_squeeze %dma_wait3A_552 : memref<1x16x1024xf32, #tpu.memory_space<vmem>> -> memref<16x1024xf32, #tpu.memory_space<vmem>>
    tpu.wait_dma2 semaphore(%arg13 : memref<!tpu.dma_semaphore, #tpu.memory_space<semaphore_mem>>) src(%dma_wait3A_553 : memref<16x1024xf32, #tpu.memory_space<vmem>>) dst(%dma_wait3A_549 : memref<16x1024xf32, #tpu.memory_space<hbm>>)
    %dma_wait3A_554 = arith.constant 1 : i32
    %dma_wait3A_555 = arith.constant 0 : i32
    %dma_wait3A_556 = arith.constant 0 : i32
    %dma_wait3A_557 = tpu.memref_slice %arg10[%dma_wait3A_554, %dma_wait3A_555, %dma_wait3A_556] : memref<2x16x1024xf32, #tpu.memory_space<vmem>> -> memref<1x16x1024xf32, #tpu.memory_space<vmem>>
    %dma_wait3A_558 = tpu.memref_squeeze %dma_wait3A_557 : memref<1x16x1024xf32, #tpu.memory_space<vmem>> -> memref<16x1024xf32, #tpu.memory_space<vmem>>
    %dma_wait3A_559 = arith.constant 0 : i32
    %dma_wait3A_560 = tpu.memref_slice %arg5[%add3A_527, %dma_wait3A_559] : memref<4096x1024xf32, #tpu.memory_space<hbm>> -> memref<16x1024xf32, #tpu.memory_space<hbm>>
    %dma_wait3A_561 = arith.constant 0 : i32
    %dma_wait3A_562 = tpu.memref_slice %arg5[%add3A_527, %dma_wait3A_561] : memref<4096x1024xf32, #tpu.memory_space<hbm>> -> memref<16x1024xf32, #tpu.memory_space<hbm>>
    %dma_wait3A_563 = arith.constant 0 : i32
    %dma_wait3A_564 = arith.constant 0 : i32
    %dma_wait3A_565 = tpu.memref_slice %arg10[%dma_wait3A_554, %dma_wait3A_563, %dma_wait3A_564] : memref<2x16x1024xf32, #tpu.memory_space<vmem>> -> memref<1x16x1024xf32, #tpu.memory_space<vmem>>
    %dma_wait3A_566 = tpu.memref_squeeze %dma_wait3A_565 : memref<1x16x1024xf32, #tpu.memory_space<vmem>> -> memref<16x1024xf32, #tpu.memory_space<vmem>>
    tpu.wait_dma2 semaphore(%arg14 : memref<!tpu.dma_semaphore, #tpu.memory_space<semaphore_mem>>) src(%dma_wait3A_566 : memref<16x1024xf32, #tpu.memory_space<vmem>>) dst(%dma_wait3A_562 : memref<16x1024xf32, #tpu.memory_space<hbm>>)
    return
  }
}

module attributes {stable_mosaic.version = 14 : i64} {
  func.func @_router_body(%arg0: i32, %arg1: memref<512x1024xf32, #tpu.memory_space<vmem>>, %arg2: memref<1024x8xf32, #tpu.memory_space<vmem>>, %arg3: memref<512x1xi32, #tpu.memory_space<vmem>>, %arg4: memref<512x1xi32, #tpu.memory_space<vmem>>, %arg5: memref<512x1xf32, #tpu.memory_space<vmem>>, %arg6: memref<512x1xf32, #tpu.memory_space<vmem>>, %arg7: memref<512x1xi32, #tpu.memory_space<vmem>>, %arg8: memref<512x1xi32, #tpu.memory_space<vmem>>, %arg9: memref<1x8xf32, #tpu.memory_space<vmem>>, %arg10: memref<1x8xf32, #tpu.memory_space<vmem>>) attributes {dimension_semantics = [#tpu.dimension_semantics<arbitrary>], iteration_bounds = array<i64: 8>, scalar_prefetch = 0 : i64, scratch_operands = 1 : i64, tpu.core_type = #tpu.core_type<tc>, window_params = [{transform_indices = @transform_0, window_bounds = array<i64: 512, 1024>}, {pipeline_mode = #tpu.pipeline_mode<synchronous>, transform_indices = @transform_1, window_bounds = array<i64: 1024, 8>}, {transform_indices = @transform_2, window_bounds = array<i64: 512, 1>}, {transform_indices = @transform_3, window_bounds = array<i64: 512, 1>}, {transform_indices = @transform_4, window_bounds = array<i64: 512, 1>}, {transform_indices = @transform_5, window_bounds = array<i64: 512, 1>}, {transform_indices = @transform_6, window_bounds = array<i64: 512, 1>}, {transform_indices = @transform_7, window_bounds = array<i64: 512, 1>}, {pipeline_mode = #tpu.pipeline_mode<synchronous>, transform_indices = @transform_8, window_bounds = array<i64: 1, 8>}]} {
    %eq3A = arith.constant 0 : i32
    %eq3A_0 = arith.cmpi eq, %arg0, %eq3A : i32
    %convert_element_type3A = arith.extui %eq3A_0 : i1 to i32
    %cond3A = arith.constant 0 : i32
    %cond3A_1 = arith.cmpi ne, %convert_element_type3A, %cond3A : i32
    scf.if %cond3A_1 {
      %broadcast_in_dim3A_100 = arith.constant 0.000000e+00 : f32
      %broadcast_in_dim3A_101 = vector.broadcast %broadcast_in_dim3A_100 : f32 to vector<1x8xf32>
      %swap3A_102 = arith.constant 0 : index
      %swap3A_103 = arith.constant 0 : index
      %swap3A_104 = vector.load %arg10[%swap3A_102, %swap3A_103] : memref<1x8xf32, #tpu.memory_space<vmem>>, vector<1x8xf32>
      tpu.vector_store %arg10[%swap3A_102, %swap3A_103], %broadcast_in_dim3A_101 {strides = array<i32>} : memref<1x8xf32, #tpu.memory_space<vmem>>, vector<1x8xf32>,
    } else {
    }
    %get3A = arith.constant 0 : index
    %get3A_2 = arith.constant 0 : index
    %get3A_3 = vector.load %arg1[%get3A, %get3A_2] : memref<512x1024xf32, #tpu.memory_space<vmem>>, vector<512x1024xf32>
    %get3A_4 = arith.constant 0 : index
    %get3A_5 = arith.constant 0 : index
    %get3A_6 = vector.load %arg2[%get3A_4, %get3A_5] : memref<1024x8xf32, #tpu.memory_space<vmem>>, vector<1024x8xf32>
    %dot_general3A = arith.constant dense<0.000000e+00> : vector<512x8xf32>
    %dot_general3A_7 = tpu.matmul %get3A_3, %get3A_6, %dot_general3A {dimension_numbers = #tpu.dot_dimension_numbers<[1], [0], [0], [1], [0, 0, 1, 1], [], []>, transpose_lhs_hint = false} : vector<512x1024xf32>, vector<1024x8xf32>, vector<512x8xf32> -> vector<512x8xf32>
    %iota3A = tpu.iota {dimensions = array<i32: 1>} : vector<512x8xi32>
    %reduce_max3A = arith.constant dense<0xFF800000> : vector<512xf32>
    %reduce_max3A_8 = vector.multi_reduction <maximumf>, %dot_general3A_7, %reduce_max3A [1] : vector<512x8xf32> to vector<512xf32>
    %broadcast_in_dim3A = vector.shape_cast %reduce_max3A_8 : vector<512xf32> to vector<512x1xf32>
    %eq3A_9 = vector.broadcast %broadcast_in_dim3A : vector<512x1xf32> to vector<512x8xf32>
    %eq3A_10 = arith.cmpf oeq, %dot_general3A_7, %eq3A_9 : vector<512x8xf32>
    %jit3A = arith.constant 8 : i32
    %broadcast_in_dim3A_11 = vector.broadcast %jit3A : i32 to vector<512x8xi32>
    %select_n3A = arith.select %eq3A_10, %iota3A, %broadcast_in_dim3A_11 : vector<512x8xi1>, vector<512x8xi32>
    %reduce_min3A = arith.constant dense<2147483647> : vector<512xi32>
    %reduce_min3A_12 = vector.multi_reduction <minsi>, %select_n3A, %reduce_min3A [1] : vector<512x8xi32> to vector<512xi32>
    %broadcast_in_dim3A_13 = vector.shape_cast %reduce_min3A_12 : vector<512xi32> to vector<512x1xi32>
    %eq3A_14 = vector.broadcast %broadcast_in_dim3A_13 : vector<512x1xi32> to vector<512x8xi32>
    %eq3A_15 = arith.cmpi eq, %iota3A, %eq3A_14 : vector<512x8xi32>
    %convert_element_type3A_16 = arith.extui %eq3A_15 : vector<512x8xi1> to vector<512x8xi32>
    %convert_element_type3A_17 = arith.sitofp %convert_element_type3A_16 : vector<512x8xi32> to vector<512x8xf32>
    %eq3A_18 = vector.broadcast %broadcast_in_dim3A_13 : vector<512x1xi32> to vector<512x8xi32>
    %eq3A_19 = arith.cmpi eq, %iota3A, %eq3A_18 : vector<512x8xi32>
    %jit3A_20 = arith.constant -1.000000e+30 : f32
    %broadcast_in_dim3A_21 = vector.broadcast %jit3A_20 : f32 to vector<512x8xf32>
    %select_n3A_22 = arith.select %eq3A_19, %broadcast_in_dim3A_21, %dot_general3A_7 : vector<512x8xi1>, vector<512x8xf32>
    %reduce_max3A_23 = arith.constant dense<0xFF800000> : vector<512xf32>
    %reduce_max3A_24 = vector.multi_reduction <maximumf>, %select_n3A_22, %reduce_max3A_23 [1] : vector<512x8xf32> to vector<512xf32>
    %broadcast_in_dim3A_25 = vector.shape_cast %reduce_max3A_24 : vector<512xf32> to vector<512x1xf32>
    %eq3A_26 = vector.broadcast %broadcast_in_dim3A_25 : vector<512x1xf32> to vector<512x8xf32>
    %eq3A_27 = arith.cmpf oeq, %select_n3A_22, %eq3A_26 : vector<512x8xf32>
    %jit3A_28 = arith.constant 8 : i32
    %broadcast_in_dim3A_29 = vector.broadcast %jit3A_28 : i32 to vector<512x8xi32>
    %select_n3A_30 = arith.select %eq3A_27, %iota3A, %broadcast_in_dim3A_29 : vector<512x8xi1>, vector<512x8xi32>
    %reduce_min3A_31 = arith.constant dense<2147483647> : vector<512xi32>
    %reduce_min3A_32 = vector.multi_reduction <minsi>, %select_n3A_30, %reduce_min3A_31 [1] : vector<512x8xi32> to vector<512xi32>
    %broadcast_in_dim3A_33 = vector.shape_cast %reduce_min3A_32 : vector<512xi32> to vector<512x1xi32>
    %eq3A_34 = vector.broadcast %broadcast_in_dim3A_33 : vector<512x1xi32> to vector<512x8xi32>
    %eq3A_35 = arith.cmpi eq, %iota3A, %eq3A_34 : vector<512x8xi32>
    %convert_element_type3A_36 = arith.extui %eq3A_35 : vector<512x8xi1> to vector<512x8xi32>
    %convert_element_type3A_37 = arith.sitofp %convert_element_type3A_36 : vector<512x8xi32> to vector<512x8xf32>
    %sub3A = arith.subf %broadcast_in_dim3A_25, %broadcast_in_dim3A : vector<512x1xf32>
    %exp3A = math.exp %sub3A : vector<512x1xf32>
    %add3A = arith.constant 1.000000e+00 : f32
    %add3A_38 = vector.broadcast %add3A : f32 to vector<512x1xf32>
    %add3A_39 = arith.addf %add3A_38, %exp3A : vector<512x1xf32>
    %div3A = arith.constant 1.000000e+00 : f32
    %div3A_40 = vector.broadcast %div3A : f32 to vector<512x1xf32>
    %div3A_41 = arith.divf %div3A_40, %add3A_39 : vector<512x1xf32>
    %sub3A_42 = arith.constant 1.000000e+00 : f32
    %sub3A_43 = vector.broadcast %sub3A_42 : f32 to vector<512x1xf32>
    %sub3A_44 = arith.subf %sub3A_43, %div3A_41 : vector<512x1xf32>
    %iota3A_45 = tpu.iota {dimensions = array<i32: 0>} : vector<512x512xi32>
    %iota3A_46 = tpu.iota {dimensions = array<i32: 1>} : vector<512x512xi32>
    %lt3A = arith.cmpi slt, %iota3A_46, %iota3A_45 : vector<512x512xi32>
    %convert_element_type3A_47 = arith.extui %lt3A : vector<512x512xi1> to vector<512x512xi32>
    %convert_element_type3A_48 = arith.sitofp %convert_element_type3A_47 : vector<512x512xi32> to vector<512x512xf32>
    %dot_general3A_49 = arith.constant dense<0.000000e+00> : vector<512x8xf32>
    %dot_general3A_50 = tpu.matmul %convert_element_type3A_48, %convert_element_type3A_17, %dot_general3A_49 {dimension_numbers = #tpu.dot_dimension_numbers<[1], [0], [0], [1], [0, 0, 1, 1], [], []>, transpose_lhs_hint = false} : vector<512x512xf32>, vector<512x8xf32>, vector<512x8xf32> -> vector<512x8xf32>
    %dot_general3A_51 = arith.constant dense<0.000000e+00> : vector<512x8xf32>
    %dot_general3A_52 = tpu.matmul %convert_element_type3A_48, %convert_element_type3A_37, %dot_general3A_51 {dimension_numbers = #tpu.dot_dimension_numbers<[1], [0], [0], [1], [0, 0, 1, 1], [], []>, transpose_lhs_hint = false} : vector<512x512xf32>, vector<512x8xf32>, vector<512x8xf32> -> vector<512x8xf32>
    %get3A_53 = arith.constant 0 : index
    %get3A_54 = arith.constant 0 : index
    %get3A_55 = vector.load %arg10[%get3A_53, %get3A_54] : memref<1x8xf32, #tpu.memory_space<vmem>>, vector<1x8xf32>
    %reduce_sum3A = arith.constant dense<0.000000e+00> : vector<8xf32>
    %reduce_sum3A_56 = vector.multi_reduction <add>, %convert_element_type3A_17, %reduce_sum3A [0] : vector<512x8xf32> to vector<8xf32>
    %broadcast_in_dim3A_57 = vector.shape_cast %reduce_sum3A_56 : vector<8xf32> to vector<1x8xf32>
    %reduce_sum3A_58 = arith.constant dense<0.000000e+00> : vector<8xf32>
    %reduce_sum3A_59 = vector.multi_reduction <add>, %convert_element_type3A_37, %reduce_sum3A_58 [0] : vector<512x8xf32> to vector<8xf32>
    %broadcast_in_dim3A_60 = vector.shape_cast %reduce_sum3A_59 : vector<8xf32> to vector<1x8xf32>
    %add3A_61 = vector.broadcast %get3A_55 : vector<1x8xf32> to vector<512x8xf32>
    %add3A_62 = arith.addf %add3A_61, %dot_general3A_50 : vector<512x8xf32>
    %mul3A = arith.mulf %convert_element_type3A_17, %add3A_62 : vector<512x8xf32>
    %reduce_sum3A_63 = arith.constant dense<0.000000e+00> : vector<512xf32>
    %reduce_sum3A_64 = vector.multi_reduction <add>, %mul3A, %reduce_sum3A_63 [1] : vector<512x8xf32> to vector<512xf32>
    %broadcast_in_dim3A_65 = vector.shape_cast %reduce_sum3A_64 : vector<512xf32> to vector<512x1xf32>
    %add3A_66 = arith.addf %get3A_55, %broadcast_in_dim3A_57 : vector<1x8xf32>
    %add3A_67 = vector.broadcast %add3A_66 : vector<1x8xf32> to vector<512x8xf32>
    %add3A_68 = arith.addf %add3A_67, %dot_general3A_52 : vector<512x8xf32>
    %mul3A_69 = arith.mulf %convert_element_type3A_37, %add3A_68 : vector<512x8xf32>
    %reduce_sum3A_70 = arith.constant dense<0.000000e+00> : vector<512xf32>
    %reduce_sum3A_71 = vector.multi_reduction <add>, %mul3A_69, %reduce_sum3A_70 [1] : vector<512x8xf32> to vector<512xf32>
    %broadcast_in_dim3A_72 = vector.shape_cast %reduce_sum3A_71 : vector<512xf32> to vector<512x1xf32>
    %add3A_73 = arith.addf %get3A_55, %broadcast_in_dim3A_57 : vector<1x8xf32>
    %add3A_74 = arith.addf %add3A_73, %broadcast_in_dim3A_60 : vector<1x8xf32>
    %swap3A = arith.constant 0 : index
    %swap3A_75 = arith.constant 0 : index
    %swap3A_76 = vector.load %arg10[%swap3A, %swap3A_75] : memref<1x8xf32, #tpu.memory_space<vmem>>, vector<1x8xf32>
    tpu.vector_store %arg10[%swap3A, %swap3A_75], %add3A_74 {strides = array<i32>} : memref<1x8xf32, #tpu.memory_space<vmem>>, vector<1x8xf32>,
    %swap3A_77 = arith.constant 0 : index
    %swap3A_78 = arith.constant 0 : index
    %swap3A_79 = vector.load %arg9[%swap3A_77, %swap3A_78] : memref<1x8xf32, #tpu.memory_space<vmem>>, vector<1x8xf32>
    tpu.vector_store %arg9[%swap3A_77, %swap3A_78], %add3A_74 {strides = array<i32>} : memref<1x8xf32, #tpu.memory_space<vmem>>, vector<1x8xf32>,
    %swap3A_80 = arith.constant 0 : index
    %swap3A_81 = arith.constant 0 : index
    %swap3A_82 = vector.load %arg3[%swap3A_80, %swap3A_81] : memref<512x1xi32, #tpu.memory_space<vmem>>, vector<512x1xi32>
    tpu.vector_store %arg3[%swap3A_80, %swap3A_81], %broadcast_in_dim3A_13 {strides = array<i32>} : memref<512x1xi32, #tpu.memory_space<vmem>>, vector<512x1xi32>,
    %swap3A_83 = arith.constant 0 : index
    %swap3A_84 = arith.constant 0 : index
    %swap3A_85 = vector.load %arg4[%swap3A_83, %swap3A_84] : memref<512x1xi32, #tpu.memory_space<vmem>>, vector<512x1xi32>
    tpu.vector_store %arg4[%swap3A_83, %swap3A_84], %broadcast_in_dim3A_33 {strides = array<i32>} : memref<512x1xi32, #tpu.memory_space<vmem>>, vector<512x1xi32>,
    %swap3A_86 = arith.constant 0 : index
    %swap3A_87 = arith.constant 0 : index
    %swap3A_88 = vector.load %arg5[%swap3A_86, %swap3A_87] : memref<512x1xf32, #tpu.memory_space<vmem>>, vector<512x1xf32>
    tpu.vector_store %arg5[%swap3A_86, %swap3A_87], %div3A_41 {strides = array<i32>} : memref<512x1xf32, #tpu.memory_space<vmem>>, vector<512x1xf32>,
    %swap3A_89 = arith.constant 0 : index
    %swap3A_90 = arith.constant 0 : index
    %swap3A_91 = vector.load %arg6[%swap3A_89, %swap3A_90] : memref<512x1xf32, #tpu.memory_space<vmem>>, vector<512x1xf32>
    tpu.vector_store %arg6[%swap3A_89, %swap3A_90], %sub3A_44 {strides = array<i32>} : memref<512x1xf32, #tpu.memory_space<vmem>>, vector<512x1xf32>,
    %convert_element_type3A_92 = arith.fptosi %broadcast_in_dim3A_65 : vector<512x1xf32> to vector<512x1xi32>
    %swap3A_93 = arith.constant 0 : index
    %swap3A_94 = arith.constant 0 : index
    %swap3A_95 = vector.load %arg7[%swap3A_93, %swap3A_94] : memref<512x1xi32, #tpu.memory_space<vmem>>, vector<512x1xi32>
    tpu.vector_store %arg7[%swap3A_93, %swap3A_94], %convert_element_type3A_92 {strides = array<i32>} : memref<512x1xi32, #tpu.memory_space<vmem>>, vector<512x1xi32>,
    %convert_element_type3A_96 = arith.fptosi %broadcast_in_dim3A_72 : vector<512x1xf32> to vector<512x1xi32>
    %swap3A_97 = arith.constant 0 : index
    %swap3A_98 = arith.constant 0 : index
    %swap3A_99 = vector.load %arg8[%swap3A_97, %swap3A_98] : memref<512x1xi32, #tpu.memory_space<vmem>>, vector<512x1xi32>
    tpu.vector_store %arg8[%swap3A_97, %swap3A_98], %convert_element_type3A_96 {strides = array<i32>} : memref<512x1xi32, #tpu.memory_space<vmem>>, vector<512x1xi32>,
    return
  }
  func.func @transform_0(%arg0: i32) -> (i32, i32) {
    %c0_i32 = arith.constant 0 : i32
    %c0_i32_0 = arith.constant 0 : i32
    return %arg0, %c0_i32 : i32, i32
  }
  func.func @transform_1(%arg0: i32) -> (i32, i32) {
    %c0_i32 = arith.constant 0 : i32
    %c0_i32_0 = arith.constant 0 : i32
    %c0_i32_1 = arith.constant 0 : i32
    return %c0_i32, %c0_i32_0 : i32, i32
  }
  func.func @transform_2(%arg0: i32) -> (i32, i32) {
    %c0_i32 = arith.constant 0 : i32
    %c0_i32_0 = arith.constant 0 : i32
    return %arg0, %c0_i32 : i32, i32
  }
  func.func @transform_3(%arg0: i32) -> (i32, i32) {
    %c0_i32 = arith.constant 0 : i32
    %c0_i32_0 = arith.constant 0 : i32
    return %arg0, %c0_i32 : i32, i32
  }
  func.func @transform_4(%arg0: i32) -> (i32, i32) {
    %c0_i32 = arith.constant 0 : i32
    %c0_i32_0 = arith.constant 0 : i32
    return %arg0, %c0_i32 : i32, i32
  }
  func.func @transform_5(%arg0: i32) -> (i32, i32) {
    %c0_i32 = arith.constant 0 : i32
    %c0_i32_0 = arith.constant 0 : i32
    return %arg0, %c0_i32 : i32, i32
  }
  func.func @transform_6(%arg0: i32) -> (i32, i32) {
    %c0_i32 = arith.constant 0 : i32
    %c0_i32_0 = arith.constant 0 : i32
    return %arg0, %c0_i32 : i32, i32
  }
  func.func @transform_7(%arg0: i32) -> (i32, i32) {
    %c0_i32 = arith.constant 0 : i32
    %c0_i32_0 = arith.constant 0 : i32
    return %arg0, %c0_i32 : i32, i32
  }
  func.func @transform_8(%arg0: i32) -> (i32, i32) {
    %c0_i32 = arith.constant 0 : i32
    %c0_i32_0 = arith.constant 0 : i32
    %c0_i32_1 = arith.constant 0 : i32
    return %c0_i32, %c0_i32_0 : i32, i32
  }
}

module attributes {stable_mosaic.version = 14 : i64} {
  func.func @_offsets_body(%arg0: memref<1x8xf32, #tpu.memory_space<vmem>>, %arg1: memref<4096x1xi32, #tpu.memory_space<vmem>>, %arg2: memref<4096x1xi32, #tpu.memory_space<vmem>>, %arg3: memref<4096x1xi32, #tpu.memory_space<vmem>>, %arg4: memref<4096x1xi32, #tpu.memory_space<vmem>>, %arg5: memref<40x1xi32, #tpu.memory_space<vmem>>, %arg6: memref<4096x1xi32, #tpu.memory_space<vmem>>, %arg7: memref<4096x1xi32, #tpu.memory_space<vmem>>) attributes {dimension_semantics = [], scalar_prefetch = 0 : i64, scratch_operands = 0 : i64, tpu.core_type = #tpu.core_type<tc>} {
    %get3A = arith.constant 0 : index
    %get3A_0 = arith.constant 0 : index
    %get3A_1 = vector.load %arg0[%get3A, %get3A_0] : memref<1x8xf32, #tpu.memory_space<vmem>>, vector<1x8xf32>
    %round3A = math.roundeven %get3A_1 : vector<1x8xf32>
    %convert_element_type3A = arith.fptosi %round3A : vector<1x8xf32> to vector<1x8xi32>
    %add3A = arith.constant 255 : i32
    %add3A_2 = vector.broadcast %add3A : i32 to vector<1x8xi32>
    %add3A_3 = arith.addi %convert_element_type3A, %add3A_2 : vector<1x8xi32>
    %shift_right_arithmetic3A = arith.constant 8 : i32
    %shift_right_arithmetic3A_4 = vector.broadcast %shift_right_arithmetic3A : i32 to vector<1x8xi32>
    %shift_right_arithmetic3A_5 = arith.shrsi %add3A_3, %shift_right_arithmetic3A_4 : vector<1x8xi32>
    %shift_left3A = arith.constant 8 : i32
    %shift_left3A_6 = vector.broadcast %shift_left3A : i32 to vector<1x8xi32>
    %shift_left3A_7 = arith.shli %shift_right_arithmetic3A_5, %shift_left3A_6 : vector<1x8xi32>
    %convert_element_type3A_8 = arith.sitofp %shift_left3A_7 : vector<1x8xi32> to vector<1x8xf32>
    %iota3A = tpu.iota {dimensions = array<i32: 0>} : vector<8x8xi32>
    %iota3A_9 = tpu.iota {dimensions = array<i32: 1>} : vector<8x8xi32>
    %lt3A = arith.cmpi slt, %iota3A, %iota3A_9 : vector<8x8xi32>
    %convert_element_type3A_10 = arith.extui %lt3A : vector<8x8xi1> to vector<8x8xi32>
    %convert_element_type3A_11 = arith.sitofp %convert_element_type3A_10 : vector<8x8xi32> to vector<8x8xf32>
    %dot_general3A = arith.constant dense<0.000000e+00> : vector<1x8xf32>
    %dot_general3A_12 = tpu.matmul %convert_element_type3A_8, %convert_element_type3A_11, %dot_general3A {dimension_numbers = #tpu.dot_dimension_numbers<[1], [0], [0], [1], [0, 0, 1, 1], [], []>, transpose_lhs_hint = false} : vector<1x8xf32>, vector<8x8xf32>, vector<1x8xf32> -> vector<1x8xf32>
    %iota3A_13 = tpu.iota {dimensions = array<i32: 0>} : vector<40x8xi32>
    %mul3A = arith.constant 256 : i32
    %mul3A_14 = vector.broadcast %mul3A : i32 to vector<40x8xi32>
    %mul3A_15 = arith.muli %iota3A_13, %mul3A_14 : vector<40x8xi32>
    %convert_element_type3A_16 = arith.fptosi %dot_general3A_12 : vector<1x8xf32> to vector<1x8xi32>
    %le3A = vector.broadcast %convert_element_type3A_16 : vector<1x8xi32> to vector<40x8xi32>
    %le3A_17 = arith.cmpi sle, %le3A, %mul3A_15 : vector<40x8xi32>
    %convert_element_type3A_18 = arith.extui %le3A_17 : vector<40x8xi1> to vector<40x8xi32>
    %reduce_sum3A = arith.constant dense<0> : vector<40xi32>
    %reduce_sum3A_19 = vector.multi_reduction <add>, %convert_element_type3A_18, %reduce_sum3A [1] : vector<40x8xi32> to vector<40xi32>
    %broadcast_in_dim3A = vector.shape_cast %reduce_sum3A_19 : vector<40xi32> to vector<40x1xi32>
    %sub3A = arith.constant 1 : i32
    %sub3A_20 = vector.broadcast %sub3A : i32 to vector<40x1xi32>
    %sub3A_21 = arith.subi %broadcast_in_dim3A, %sub3A_20 : vector<40x1xi32>
    %jit3A = arith.constant 0 : i32
    %jit3A_22 = arith.constant 7 : i32
    %max3A = vector.broadcast %jit3A : i32 to vector<40x1xi32>
    %max3A_23 = arith.maxsi %max3A, %sub3A_21 : vector<40x1xi32>
    %min3A = vector.broadcast %jit3A_22 : i32 to vector<40x1xi32>
    %min3A_24 = arith.minsi %min3A, %max3A_23 : vector<40x1xi32>
    %swap3A = arith.constant 0 : index
    %swap3A_25 = arith.constant 0 : index
    %swap3A_26 = vector.load %arg5[%swap3A, %swap3A_25] : memref<40x1xi32, #tpu.memory_space<vmem>>, vector<40x1xi32>
    tpu.vector_store %arg5[%swap3A, %swap3A_25], %min3A_24 {strides = array<i32>} : memref<40x1xi32, #tpu.memory_space<vmem>>, vector<40x1xi32>,
    %iota3A_27 = tpu.iota {dimensions = array<i32: 1>} : vector<4096x8xi32>
    %get3A_28 = arith.constant 0 : index
    %get3A_29 = arith.constant 0 : index
    %get3A_30 = vector.load %arg1[%get3A_28, %get3A_29] : memref<4096x1xi32, #tpu.memory_space<vmem>>, vector<4096x1xi32>
    %eq3A = vector.broadcast %get3A_30 : vector<4096x1xi32> to vector<4096x8xi32>
    %eq3A_31 = arith.cmpi eq, %iota3A_27, %eq3A : vector<4096x8xi32>
    %convert_element_type3A_32 = arith.extui %eq3A_31 : vector<4096x8xi1> to vector<4096x8xi32>
    %convert_element_type3A_33 = arith.sitofp %convert_element_type3A_32 : vector<4096x8xi32> to vector<4096x8xf32>
    %mul3A_34 = vector.broadcast %dot_general3A_12 : vector<1x8xf32> to vector<4096x8xf32>
    %mul3A_35 = arith.mulf %convert_element_type3A_33, %mul3A_34 : vector<4096x8xf32>
    %reduce_sum3A_36 = arith.constant dense<0.000000e+00> : vector<4096xf32>
    %reduce_sum3A_37 = vector.multi_reduction <add>, %mul3A_35, %reduce_sum3A_36 [1] : vector<4096x8xf32> to vector<4096xf32>
    %broadcast_in_dim3A_38 = vector.shape_cast %reduce_sum3A_37 : vector<4096xf32> to vector<4096x1xf32>
    %get3A_39 = arith.constant 0 : index
    %get3A_40 = arith.constant 0 : index
    %get3A_41 = vector.load %arg3[%get3A_39, %get3A_40] : memref<4096x1xi32, #tpu.memory_space<vmem>>, vector<4096x1xi32>
    %convert_element_type3A_42 = arith.sitofp %get3A_41 : vector<4096x1xi32> to vector<4096x1xf32>
    %add3A_43 = arith.addf %broadcast_in_dim3A_38, %convert_element_type3A_42 : vector<4096x1xf32>
    %convert_element_type3A_44 = arith.fptosi %add3A_43 : vector<4096x1xf32> to vector<4096x1xi32>
    %swap3A_45 = arith.constant 0 : index
    %swap3A_46 = arith.constant 0 : index
    %swap3A_47 = vector.load %arg6[%swap3A_45, %swap3A_46] : memref<4096x1xi32, #tpu.memory_space<vmem>>, vector<4096x1xi32>
    tpu.vector_store %arg6[%swap3A_45, %swap3A_46], %convert_element_type3A_44 {strides = array<i32>} : memref<4096x1xi32, #tpu.memory_space<vmem>>, vector<4096x1xi32>,
    %get3A_48 = arith.constant 0 : index
    %get3A_49 = arith.constant 0 : index
    %get3A_50 = vector.load %arg2[%get3A_48, %get3A_49] : memref<4096x1xi32, #tpu.memory_space<vmem>>, vector<4096x1xi32>
    %eq3A_51 = vector.broadcast %get3A_50 : vector<4096x1xi32> to vector<4096x8xi32>
    %eq3A_52 = arith.cmpi eq, %iota3A_27, %eq3A_51 : vector<4096x8xi32>
    %convert_element_type3A_53 = arith.extui %eq3A_52 : vector<4096x8xi1> to vector<4096x8xi32>
    %convert_element_type3A_54 = arith.sitofp %convert_element_type3A_53 : vector<4096x8xi32> to vector<4096x8xf32>
    %mul3A_55 = vector.broadcast %dot_general3A_12 : vector<1x8xf32> to vector<4096x8xf32>
    %mul3A_56 = arith.mulf %convert_element_type3A_54, %mul3A_55 : vector<4096x8xf32>
    %reduce_sum3A_57 = arith.constant dense<0.000000e+00> : vector<4096xf32>
    %reduce_sum3A_58 = vector.multi_reduction <add>, %mul3A_56, %reduce_sum3A_57 [1] : vector<4096x8xf32> to vector<4096xf32>
    %broadcast_in_dim3A_59 = vector.shape_cast %reduce_sum3A_58 : vector<4096xf32> to vector<4096x1xf32>
    %get3A_60 = arith.constant 0 : index
    %get3A_61 = arith.constant 0 : index
    %get3A_62 = vector.load %arg4[%get3A_60, %get3A_61] : memref<4096x1xi32, #tpu.memory_space<vmem>>, vector<4096x1xi32>
    %convert_element_type3A_63 = arith.sitofp %get3A_62 : vector<4096x1xi32> to vector<4096x1xf32>
    %add3A_64 = arith.addf %broadcast_in_dim3A_59, %convert_element_type3A_63 : vector<4096x1xf32>
    %convert_element_type3A_65 = arith.fptosi %add3A_64 : vector<4096x1xf32> to vector<4096x1xi32>
    %swap3A_66 = arith.constant 0 : index
    %swap3A_67 = arith.constant 0 : index
    %swap3A_68 = vector.load %arg7[%swap3A_66, %swap3A_67] : memref<4096x1xi32, #tpu.memory_space<vmem>>, vector<4096x1xi32>
    tpu.vector_store %arg7[%swap3A_66, %swap3A_67], %convert_element_type3A_65 {strides = array<i32>} : memref<4096x1xi32, #tpu.memory_space<vmem>>, vector<4096x1xi32>,
    return
  }
}

module attributes {stable_mosaic.version = 14 : i64} {
  func.func @_gmm_body(%arg0: i32, %arg1: memref<40xi32, #tpu.memory_space<smem>>, %arg2: memref<256x1024xf32, #tpu.memory_space<vmem>>, %arg3: memref<256x1xf32, #tpu.memory_space<vmem>>, %arg4: memref<1x1024x1024xf32, #tpu.memory_space<vmem>>, %arg5: memref<1x1024x1024xf32, #tpu.memory_space<vmem>>, %arg6: memref<256x1024xf32, #tpu.memory_space<vmem>>) attributes {dimension_semantics = [#tpu.dimension_semantics<arbitrary>], iteration_bounds = array<i64: 40>, scalar_prefetch = 1 : i64, scratch_operands = 0 : i64, tpu.core_type = #tpu.core_type<tc>, window_params = [{transform_indices = @transform_0, window_bounds = array<i64: 256, 1024>}, {transform_indices = @transform_1, window_bounds = array<i64: 256, 1>}, {transform_indices = @transform_2, window_bounds = array<i64: 1, 1024, 1024>}, {transform_indices = @transform_3, window_bounds = array<i64: 1, 1024, 1024>}, {transform_indices = @transform_4, window_bounds = array<i64: 256, 1024>}]} {
    %get3A = arith.constant 0 : index
    %get3A_0 = arith.constant 0 : index
    %get3A_1 = vector.load %arg2[%get3A, %get3A_0] : memref<256x1024xf32, #tpu.memory_space<vmem>>, vector<256x1024xf32>
    %get3A_2 = arith.constant 0 : index
    %get3A_3 = arith.constant 0 : index
    %get3A_4 = arith.constant 0 : index
    %get3A_5 = vector.load %arg4[%get3A_2, %get3A_3, %get3A_4] : memref<1x1024x1024xf32, #tpu.memory_space<vmem>>, vector<1x1024x1024xf32>
    %get3A_6 = vector.shape_cast %get3A_5 : vector<1x1024x1024xf32> to vector<1024x1024xf32>
    %dot_general3A = arith.constant dense<0.000000e+00> : vector<256x1024xf32>
    %dot_general3A_7 = tpu.matmul %get3A_1, %get3A_6, %dot_general3A {dimension_numbers = #tpu.dot_dimension_numbers<[1], [0], [0], [1], [0, 0, 1, 1], [], []>, transpose_lhs_hint = false} : vector<256x1024xf32>, vector<1024x1024xf32>, vector<256x1024xf32> -> vector<256x1024xf32>
    %max3A = arith.constant 0.000000e+00 : f32
    %max3A_8 = vector.broadcast %max3A : f32 to vector<256x1024xf32>
    %max3A_9 = arith.maximumf %dot_general3A_7, %max3A_8 : vector<256x1024xf32>
    %get3A_10 = arith.constant 0 : index
    %get3A_11 = arith.constant 0 : index
    %get3A_12 = arith.constant 0 : index
    %get3A_13 = vector.load %arg5[%get3A_10, %get3A_11, %get3A_12] : memref<1x1024x1024xf32, #tpu.memory_space<vmem>>, vector<1x1024x1024xf32>
    %get3A_14 = vector.shape_cast %get3A_13 : vector<1x1024x1024xf32> to vector<1024x1024xf32>
    %dot_general3A_15 = arith.constant dense<0.000000e+00> : vector<256x1024xf32>
    %dot_general3A_16 = tpu.matmul %max3A_9, %get3A_14, %dot_general3A_15 {dimension_numbers = #tpu.dot_dimension_numbers<[1], [0], [0], [1], [0, 0, 1, 1], [], []>, transpose_lhs_hint = false} : vector<256x1024xf32>, vector<1024x1024xf32>, vector<256x1024xf32> -> vector<256x1024xf32>
    %get3A_17 = arith.constant 0 : index
    %get3A_18 = arith.constant 0 : index
    %get3A_19 = vector.load %arg3[%get3A_17, %get3A_18] : memref<256x1xf32, #tpu.memory_space<vmem>>, vector<256x1xf32>
    %mul3A = vector.broadcast %get3A_19 : vector<256x1xf32> to vector<256x1024xf32>
    %mul3A_20 = arith.mulf %dot_general3A_16, %mul3A : vector<256x1024xf32>
    %swap3A = arith.constant 0 : index
    %swap3A_21 = arith.constant 0 : index
    %swap3A_22 = vector.load %arg6[%swap3A, %swap3A_21] : memref<256x1024xf32, #tpu.memory_space<vmem>>, vector<256x1024xf32>
    tpu.vector_store %arg6[%swap3A, %swap3A_21], %mul3A_20 {strides = array<i32>} : memref<256x1024xf32, #tpu.memory_space<vmem>>, vector<256x1024xf32>,
    return
  }
  func.func @transform_0(%arg0: i32, %arg1: memref<40xi32, #tpu.memory_space<smem>>) -> (i32, i32) {
    %c0_i32 = arith.constant 0 : i32
    %c0_i32_0 = arith.constant 0 : i32
    return %arg0, %c0_i32 : i32, i32
  }
  func.func @transform_1(%arg0: i32, %arg1: memref<40xi32, #tpu.memory_space<smem>>) -> (i32, i32) {
    %c0_i32 = arith.constant 0 : i32
    %c0_i32_0 = arith.constant 0 : i32
    return %arg0, %c0_i32 : i32, i32
  }
  func.func @transform_2(%arg0: i32, %arg1: memref<40xi32, #tpu.memory_space<smem>>) -> (i32, i32, i32) {
    %get3A = arith.index_cast %arg0 : i32 to index
    %get3A_0 = memref.load %arg1[%get3A] : memref<40xi32, #tpu.memory_space<smem>>
    %c0_i32 = arith.constant 0 : i32
    %c0_i32_1 = arith.constant 0 : i32
    %c0_i32_2 = arith.constant 0 : i32
    return %get3A_0, %c0_i32, %c0_i32_1 : i32, i32, i32
  }
  func.func @transform_3(%arg0: i32, %arg1: memref<40xi32, #tpu.memory_space<smem>>) -> (i32, i32, i32) {
    %get3A = arith.index_cast %arg0 : i32 to index
    %get3A_0 = memref.load %arg1[%get3A] : memref<40xi32, #tpu.memory_space<smem>>
    %c0_i32 = arith.constant 0 : i32
    %c0_i32_1 = arith.constant 0 : i32
    %c0_i32_2 = arith.constant 0 : i32
    return %get3A_0, %c0_i32, %c0_i32_1 : i32, i32, i32
  }
  func.func @transform_4(%arg0: i32, %arg1: memref<40xi32, #tpu.memory_space<smem>>) -> (i32, i32) {
    %c0_i32 = arith.constant 0 : i32
    %c0_i32_0 = arith.constant 0 : i32
    return %arg0, %c0_i32 : i32, i32
  }
}

</mosaic_0001>

<sc_bundles>
// kernel: kernel.10.cloned.1.call-start
scs
__scs_entry_jumppad:
0x0: {  	(pc) =	sbr.rel $0x88, $3  }
0x1: {  	(tag) =	ssettag $0x0;
	lr =	simm.s32 $0x1  }
0x2: {  	[smem:$0x3F9D] =	sst lr;
	_ =	strace $0xD0000000  }
0x3: {  	_ = 	snop  }
0x4: {  	_ = 	snop  }
0x5: {  	_ = 	snop  }
0x6: {  	_ = 	snop  }
0x7: {  	_ = 	snop  }
__scs_overlays_trampoline_lowered:
0x8: {  	[smem:$0x3FAC] =	sst s0  }
0x9: {  	[smem:$0x3FAD] =	sst s1  }
0xa: {  	[smem:$0x3FAE] =	sst s2  }
0xb: {  	[smem:$0x3FAF] =	sst s3  }
0xc: {  	[smem:$0x3FB0] =	sst s4  }
0xd: {  	[smem:$0x3FB1] =	sst s5  }
0xe: {  	[smem:$0x3FB2] =	sst s6  }
0xf: {  	[smem:$0x3FB3] =	sst s7  }
0x10: {  	[smem:$0x3FB4] =	sst s8  }
0x11: {  	[smem:$0x3FB5] =	sst s9;
	s0 =	simm.s32 @!p0 $0x0  }
0x12: {  	s1 =	sld [smem:$0x3F9B];
	s0 =	simm.s32 @p0 $0x1  }
0x13: {  	[smem:$0x3FB6] =	sst s0;
	s0 =	simm.s32 @!p1 $0x0  }
0x14: {  	s2 =	sld [smem:$0x3F9A];
	s0 =	simm.s32 @p1 $0x1  }
0x15: {  	[smem:$0x3FB7] =	sst s0;
	s0 =	simm.s32 @!p2 $0x0  }
0x16: {  	s3 =	sld [smem:$0x3FDB];
	s0 =	simm.s32 @p2 $0x1  }
0x17: {  	s4 =	simm.s32 $0x1BF5;
	[smem:$0x3FB9] =	sst s0  }
0x18: {  	s0 =	sld [smem:$0x3F9C];
	_ =	swait.ge [sflag:s4], $0x0  }
0x19: {  	s7 =	sld [smem:$0x3F9D]  }
0x1a: {  	s8 =	sadd.s32 $0xFFFFE003, lr  }
0x1b: {  	s9 =	sadd.s32 $0xFFFFFEF7, lr;
	s5 =	simm.s32 $0xFFFFFFFF;
	p2 =	slt.u32 s8, $0xFFFFF086  }
0x1c: {  	p1 =	slt.u32 s9, $0xF7A;
	s5 =	simm.s32 @!p2 $0x0  }
0x1d: {  	s5 =	simm.s32 @p1 $0x1;
	p0 =	seq.s32 s7, s2  }
0x1e: {  	s7 =	smul.u32 @!p0 $0xF7A, s2;
	p2 =	seq.s32 @!p0 s5, $0x0  }
0x1f: {  	s9 =	smul.u32 $0xF7A, s1;
	s8 =	simm.s32 @!p0 $0x1BF5;
	p2 =	por !p2, p0  }
0x20: {  	[sflag:s8] =	ssyncset.s32 @!p0 $0xFFFFF086;
	s6 =	sadd.s32 @!p0 s3, s7;
	s7 =	simm.s32 @!p0 $0x108  }
0x21: {  	s3 =	sadd.s32 s3, s9;
	s6 =	sadd.s32 @!p0 $0x88, s6;
	s7 =	simm.s32 @p2 $0x1082  }
0x22: {  	[simem:s7], [sflag:s8] =	dma.local @!p0 [hbm:s6], $0xF7A  }
0x23: {  	s9 =	sor.u32 $0xD0000000, s2;
	s6 =	simm.s32 $0x108;
	_ =	swait.ge @!p0 [sflag:s8], $0x0  }
0x24: {  	s3 =	sadd.s32 $0x88, s3;
	s6 =	simm.s32 @!p1 $0x1082;
	[sflag:s4] =	ssyncset.s32 $0xFFFFF086  }
0x25: {  	[simem:s6], [sflag:s4] =	dma.local [hbm:s3], $0xF7A  }
0x26: {  	[smem:$0x3F9D] =	sst s1;
	(tag) =	ssettag s2;
	_ =	strace s9  }
0x27: {  	s1 =	sld [smem:$0x3FAD]  }
0x28: {  	s2 =	sld [smem:$0x3FAE]  }
0x29: {  	s4 =	sld [smem:$0x3FB0]  }
0x2a: {  	p0 =	seq.s32 s5, $0x0;
	s5 =	sld [smem:$0x3FB1]  }
0x2b: {  	s6 =	sld [smem:$0x3FB2]  }
0x2c: {  	s7 =	sld [smem:$0x3FB3]  }
0x2d: {  	s3 =	simm.s32 $0x108;
	s8 =	sld [smem:$0x3FB4]  }
0x2e: {  	s3 =	simm.s32 @!p0 $0x1082;
	s9 =	sld [smem:$0x3FB5]  }
0x2f: {  	lr =	sadd.s32 s0, s3;
	s0 =	sld [smem:$0x3FAC]  }
0x30: {  	s3 =	sld [smem:$0x3FAF]  }
0x31: {  	[smem:$0x3FB8] =	sst s10  }
0x32: {  	s10 =	sld [smem:$0x3FB6];
	_ =	sdelay $0x3  }
0x33: {  	p0 =	seq.s32 s10, $0x1;
	s10 =	sld [smem:$0x3FB8];
	_ =	sdelay $0x3  }
0x34: {  	[smem:$0x3FB8] =	sst s10  }
0x35: {  	s10 =	sld [smem:$0x3FB7];
	_ =	sdelay $0x3  }
0x36: {  	p1 =	seq.s32 s10, $0x1;
	s10 =	sld [smem:$0x3FB8];
	_ =	sdelay $0x3  }
0x37: {  	[smem:$0x3FB8] =	sst s10  }
0x38: {  	s10 =	sld [smem:$0x3FB9]  }
0x39: {  	_ = 	snop;
	(pc) =	sbr.ind lr, $3  }
0x3a: {  	_ = 	snop  }
0x3b: {  	_ = 	snop  }
0x3c: {  	p2 =	seq.s32 s10, $0x1;
	s10 =	sld [smem:$0x3FB8]  }
0x3d: {  	_ =	shalt  }
0x3e: {  	_ =	shalt  }
0x3f: {  	_ =	shalt  }
0x40: {  	_ =	shalt  }
0x41: {  	_ =	shalt  }
0x42: {  	_ =	shalt  }
0x43: {  	_ =	shalt  }
0x44: {  	_ =	shalt  }
0x45: {  	_ =	shalt  }
0x46: {  	_ =	shalt  }
0x47: {  	_ =	shalt  }
0x48: {  	_ =	shalt  }
0x49: {  	_ =	shalt  }
0x4a: {  	_ =	shalt  }
0x4b: {  	_ =	shalt  }
0x4c: {  	_ =	shalt  }
0x4d: {  	_ =	shalt  }
0x4e: {  	_ =	shalt  }
0x4f: {  	_ =	shalt  }
0x50: {  	_ =	shalt  }
0x51: {  	_ =	shalt  }
0x52: {  	_ =	shalt  }
0x53: {  	_ =	shalt  }
0x54: {  	_ =	shalt  }
0x55: {  	_ =	shalt  }
0x56: {  	_ =	shalt  }
0x57: {  	_ =	shalt  }
0x58: {  	_ =	shalt  }
0x59: {  	_ =	shalt  }
0x5a: {  	_ =	shalt  }
0x5b: {  	_ =	shalt  }
0x5c: {  	_ =	shalt  }
0x5d: {  	_ =	shalt  }
0x5e: {  	_ =	shalt  }
0x5f: {  	_ =	shalt  }
0x60: {  	_ =	shalt  }
0x61: {  	_ =	shalt  }
0x62: {  	_ =	shalt  }
0x63: {  	_ =	shalt  }
0x64: {  	_ =	shalt  }
0x65: {  	_ =	shalt  }
0x66: {  	_ =	shalt  }
0x67: {  	_ =	shalt  }
0x68: {  	_ =	shalt  }
0x69: {  	_ =	shalt  }
0x6a: {  	_ =	shalt  }
0x6b: {  	_ =	shalt  }
0x6c: {  	_ =	shalt  }
0x6d: {  	_ =	shalt  }
0x6e: {  	_ =	shalt  }
0x6f: {  	_ =	shalt  }
0x70: {  	_ =	shalt  }
0x71: {  	_ =	shalt  }
0x72: {  	_ =	shalt  }
0x73: {  	_ =	shalt  }
0x74: {  	_ =	shalt  }
0x75: {  	_ =	shalt  }
0x76: {  	_ =	shalt  }
0x77: {  	_ =	shalt  }
0x78: {  	_ =	shalt  }
0x79: {  	_ =	shalt  }
0x7a: {  	_ =	shalt  }
0x7b: {  	_ =	shalt  }
0x7c: {  	_ =	shalt  }
0x7d: {  	_ =	shalt  }
0x7e: {  	_ =	shalt  }
0x7f: {  	_ =	shalt  }
0x80: {  	_ =	shalt  }
0x81: {  	_ =	shalt  }
0x82: {  	_ =	shalt  }
0x83: {  	_ =	shalt  }
0x84: {  	_ =	shalt  }
0x85: {  	_ =	shalt  }
0x86: {  	_ =	shalt  }
0x87: {  	_ =	shalt  }
.Lfunc_end0:
.L_simem_size_0:
called_computation.1_lowered:
.L_overlay_start_0:
0x88: {  	s2 =	sld [smem:$0x3FD9]  }
0x89: {  	s3 =	sld [smem:$0x3FFE];
	_ =	sdelay $0x1  }
0x8a: {  	s1 =	srdreg.scid  }
0x8b: {  	s0 =	sand.u32 $0x1, s1  }
0x8c: {  	s17 =	sshll.u32 s0, $0xA;
	s2 =	sadd.s32 s3, s2  }
0x8d: {  	s2 =	sadd.s32 s2, s17  }
0x8e: {  	[smem:$0x3FC4] =	sst s2  }
0x8f: {  	_ = 	snop  }
0x90: {  	s2 =	sld [smem:$0x3FD0];
	(tm) =	ssettm $0x1  }
0x91: {  	s18 =	sld [smem:$0x3FFB];
	_ =	sdelay $0x3  }
0x92: {  	_ =	strace s18  }
0x93: {  	s3 =	sld [smem:$0x3FFC];
	_ =	sdelay $0x3  }
0x94: {  	_ =	strace s3  }
0x95: {  	s3 =	sld [smem:$0x3FFD];
	_ =	sdelay $0x3  }
0x96: {  	_ =	strace s3  }
0x97: {  	_ =	strace $0x8FFFFFFF  }
0x98: {  	s19 =	sld [smem:$0x3FDB];
	_ =	sdelay $0x1  }
0x99: {  	s4 =	simm.s32 $_scs_section_size  }
0x9a: {  	s5 =	simm.s32 $_size__tile_overlayer_lowered;
	s6 =	simm.s32 $_tile_overlayer_lowered  }
0x9b: {  	s22 =	simm.s32 $0x1BFF;
	s21 =	sshll.u32 s6, $0x1;
	s3 =	sadd.s32 s4, s19  }
0x9c: {  	s7 =	simm.s32 $0x0;
	s20 =	sshll.u32 s5, $0x1;
	s5 =	sadd.s32 s21, s3  }
0x9d: {  	[timem:s7], [sflag:s22] =	dma.local [hbm:s5], s20  }
0x9e: {  	_ =	swait.ge [sflag:s22], s20  }
0x9f: {  	s4 =	ssub.s32 $0x0, s20;
	[sflag:s22] =	ssyncset.done $0x0  }
0xa0: {  	[sflag:s22] =	ssyncadd.s32 s4;
	_ =	sdelay $0x1  }
0xa1: {  	s23 =	simm.s32 $0x1B8B  }
0xa2: {  	_ =	swait.ge [sflag:s23], $0x1  }
0xa3: {  	[sflag:s23] =	ssyncset.done $0x0  }
0xa4: {  	s25 =	simm.s32 $0x1B8E;
	s24 =	sld [smem:$0x3FFE];
	[sflag:s23] =	ssyncadd.s32 $0xFFFFFFFF  }
0xa5: {  	s26 =	simm.s32 $execute0_lowered;
	[smem:$0x3FD2] =	sst s25  }
0xa6: {  	s5 =	sshll.u32 s26, $0x1;
	_ =	strace $0x80000049;
	[dreg:$0x1] =	wrdreg $0xFFFFFFFF  }
0xa7: {  	s28 =	simm.s32 $_size_execute0_lowered;
	s3 =	sadd.s32 s3, s5;
	[dreg:$0x0] =	wrdreg $0x0  }
0xa8: {  	s5 =	sshll.u32 s28, $0x1;
	[dreg:$0x2] =	wrdreg s3  }
0xa9: {  	[dreg:$0x3] =	wrdreg s5  }
0xaa: {  	[dreg:$0x4] =	wrdreg $0xC0  }
0xab: {  	_ =	task [dreg:s7], $0x5FFFF  }
0xac: {  	[dreg:$0x1] =	wrdreg $0xFFFFFFFF  }
0xad: {  	[dreg:$0x0] =	wrdreg $0x60  }
0xae: {  	[dreg:$0x2] =	wrdreg s24  }
0xaf: {  	[dreg:$0x3] =	wrdreg s2  }
0xb0: {  	[dreg:$0x4] =	wrdreg $0x9  }
0xb1: {  	_ =	task.clear_ibuf [dreg:s7], $0x5FFFF;
	_ =	strace $0x90000049  }
0xb2: {  	s29 =	simm.s32 $0x9;
	_ =	strace $0x8000004B  }
0xb3: {  	_ =	swait.ge [sflag:s29], $0x1  }
0xb4: {  	[sflag:s29] =	ssyncadd.s32 $0xFFFFFFFF  }
0xb5: {  	_ =	strace $0x9000004B  }
0xb6: {  	_ =	sfence  }
0xb7: {  	s30 =	sld [smem:$0x0];
	_ =	sdelay $0x2  }
0xb8: {  	s31 =	sshll.u32 s1, $0xD;
	s1 =	sshrl.u32 s1, $0x2  }
0xb9: {  	s3 =	sand.u32 $0x4000, s31;
	s1 =	sadd.s32 s1, s30  }
0xba: {  	s0 =	sor.u32 s3, s0;
	s1 =	sshll.u32 s1, $0x11  }
0xbb: {  	s0 =	sor.u32 s1, s0  }
0xbc: {  	s0 =	sadd.s32 $0x8F2B, s0  }
0xbd: {  	[sflag:s0] =	ssyncadd.remote.s32 $0x1  }
0xbe: {  	_ =	sfence.sel $0xFFFF  }
0xbf: {  	[dreg:$0x0] =	wrdreg $0xFFFFFFFF;
	(pc) =	sbr.abs _section_cstart, $3  }
0xc0: {  	[dreg:$0x1] =	wrdreg $0xFFFFFFFF  }
0xc1: {  	_ =	task.clear_ibuf [dreg:s7], $0x2FFFF;
	_ =	strace $0x9FFFFFFF  }
0xc2: {  	(tm) =	ssettm $0x7FFFFFFF  }
0xc3: {  	_ =	shalt  }
tec
execute0_lowered:
.L_overlay_start_1:
0x0: {  	(tag) =	ssettag $0x1  }
0x1: {  	s0 =	rddreg [dreg:$0x0]  }
0x2: {  	s1 =	rddreg [dreg:$0x1];
	s3 =	srdreg.scid  }
0x3: {  	s2 =	simm.s32 $0x0;
	s4 =	stileid.u32;
	s28 =	simm.s32 $0x1  }
0x4: {  	s29 =	simm.s32 $0x10100;
	s30 =	simm.s32 $0x2;
	s3 =	sand.u32 $0x1, s3  }
0x5: {  	s31 =	simm.s32 $0x14100;
	s4 =	sshll.u32 s4, $0x8;
	s5 =	sshll.u32 s3, $0x7  }
0x6: {  	[smem:$0x7FF] =	sst s2;
	s9 =	sadd.s32 $0x140B00, s0;
	s4 =	sor.u32 s5, s4  }
0x7: {  	_ =	strace $0x8000004A;
	s6 =	ssub.s32 $0x2, s3;
	s7 =	sshrl.u32 s4, $0x3  }
0x8: {  	s17 =	sshrl.u32 s6, $0x1;
	s4 =	sshll.u32 s4, $0x7;
	s7 =	sadd.s32 s0, s7  }
0x9: {  	s8 =	ssub.s32 s6, s17;
	s1 =	sadd.s32 s1, s4;
	[dreg:$0x3] =	wrdreg s7  }
0xa: {  	s3 =	sadd.s32 $0x140800, s0;
	s26 =	smax.u32 s8, $0x1;
	[dreg:$0x4] =	wrdreg s1  }
0xb: {  	s5 =	sadd.s32 $0x140900, s0;
	s18 =	sadd.s32 $0x200, s7;
	[dreg:$0xd] =	wrdreg s26  }
0xc: {  	s6 =	sadd.s32 $0x140A00, s0;
	s19 =	sadd.s32 $0x800, s1;
	[dreg:$0x5] =	wrdreg s18  }
0xd: {  	s17 =	simm.s32 $0x7100;
	s20 =	sadd.s32 $0x1000, s1;
	[dreg:$0x6] =	wrdreg s19  }
0xe: {  	s4 =	simm.s32 $0x7900;
	s21 =	sadd.s32 $0x1800, s1;
	[dreg:$0x7] =	wrdreg s20  }
0xf: {  	s0 =	simm.s32 $0x3;
	s22 =	sadd.s32 $0x2000, s1;
	[dreg:$0x8] =	wrdreg s21  }
0x10: {  	s23 =	sadd.s32 $0x2800, s1;
	s24 =	sadd.s32 $0x3000, s1;
	[dreg:$0x9] =	wrdreg s22  }
0x11: {  	s25 =	sadd.s32 $0x3800, s1;
	s7 =	simm.s32 $0xC100;
	[dreg:$0xa] =	wrdreg s23  }
0x12: {  	s26 =	simm.s32 $0xF900;
	s1 =	simm.s32 $0x4;
	[dreg:$0xb] =	wrdreg s24  }
0x13: {  	v2 =	vlaneseq.u32;
	[dreg:$0xc] =	wrdreg s25;
	s18 =	simm.s32 $0x5;
	s20 =	simm.s32 $0xC900  }
0x14: {  	vm0 =	vmmov $0xffff;
	v1 =	vshrl.u32 v2, $0x3;
	s21 =	simm.s32 $0xD100;
	s22 =	simm.s32 $0xD900;
	s23 =	simm.s32 $0xE100  }
0x15: {  	v0 =	vand.u32 $0x7, v2;
	v2 =	vor.u32 $0x8, v2;
	v1 =	vmul.u32 $0x8, v1;
	s24 =	simm.s32 $0xE900;
	s25 =	simm.s32 $0xF100;
	s19 =	simm.s32 $0x0  }
.LBB2_1:
0x16: {  	s8 =	rddreg [dreg:$0x3]  }
0x17: {  	[tilespmem:s2], [sflag:$0x5] =	stream.linear.gather [hbm4b:s8+s2], $0x80, $0x38;
	[tilespmem:$0x18100] =	vst v63  }
0x18: {  	_ =	swait.ge [sflag:s18], $0x80  }
0x19: {  	[sflag:s18] =	ssyncset.done $0x0  }
0x1a: {  	s10 =	simm.s32 $0x80;
	s15 =	rddreg [dreg:$0x5];
	[sflag:s18] =	ssyncadd.s32 $0xFFFFFF80  }
0x1b: {  	[tilespmem:s10], [sflag:$0x5] =	stream.linear.gather [hbm4b:s15+s2], $0x80, $0x38;
	[tilespmem:$0x18100] =	vst v63  }
0x1c: {  	_ =	swait.ge [sflag:s18], $0x80  }
0x1d: {  	[sflag:s18] =	ssyncset.done $0x0  }
0x1e: {  	[sflag:s18] =	ssyncadd.s32 $0xFFFFFF80  }
0x1f: {  	v3 =	vld [tilespmem:$0x0];
	_ =	sdelay $0x4  }
0x20: {  	v4 =	vshll.u32 v3, $0x3  }
0x21: {  	v3 =	vand.u32 $0x7, v3;
	v4 =	vand.u32 $0xFFFFFFC0, v4  }
0x22: {  	v3 =	vor.u32 v3, v4  }
0x23: {  	v4 =	vperm.xlane v3, v0;
	_ =	sdelay $0x1  }
0x24: {  	v4 =	vadd.s32 v1, v4;
	_ =	sdelay $0x3  }
0x25: {  	s16 =	simm.s32 $0x100  }
0x26: {  	[tilespmem:s16], [sflag:$0x1] =	stream.indirect_vreg.gather [hbm4b:s3+s2], $0x80, v4, vm0, $0xb8;
	[tilespmem:$0x18100] =	vst v63  }
0x27: {  	s10 =	simm.s32 $0x900;
	v3 =	vperm.xlane v3, v2  }
0x28: {  	[tilespmem:s10], [sflag:$0x1] =	stream.indirect_vreg.gather [hbm4b:s5+s2], $0x80, v4, vm0, $0xb8;
	[tilespmem:$0x18100] =	vst v63  }
0x29: {  	s11 =	simm.s32 $0x1100;
	v3 =	vadd.s32 v1, v3  }
0x2a: {  	[tilespmem:s11], [sflag:$0x1] =	stream.indirect_vreg.gather [hbm4b:s6+s2], $0x80, v4, vm0, $0xb8;
	[tilespmem:$0x18100] =	vst v63  }
0x2b: {  	s12 =	simm.s32 $0x1900  }
0x2c: {  	[tilespmem:s12], [sflag:$0x1] =	stream.indirect_vreg.gather [hbm4b:s9+s2], $0x80, v4, vm0, $0xb8;
	[tilespmem:$0x18100] =	vst v63  }
0x2d: {  	s13 =	simm.s32 $0x2100  }
0x2e: {  	[tilespmem:s13], [sflag:$0x1] =	stream.indirect_vreg.gather [hbm4b:s3+s2], $0x80, v3, vm0, $0xb8;
	[tilespmem:$0x18100] =	vst v63  }
0x2f: {  	s14 =	simm.s32 $0x2900  }
0x30: {  	[tilespmem:s14], [sflag:$0x1] =	stream.indirect_vreg.gather [hbm4b:s5+s2], $0x80, v3, vm0, $0xb8;
	[tilespmem:$0x18100] =	vst v63  }
0x31: {  	s15 =	simm.s32 $0x3100  }
0x32: {  	[tilespmem:s15], [sflag:$0x1] =	stream.indirect_vreg.gather [hbm4b:s6+s2], $0x80, v3, vm0, $0xb8;
	[tilespmem:$0x18100] =	vst v63  }
0x33: {  	s16 =	simm.s32 $0x3900  }
0x34: {  	[tilespmem:s16], [sflag:$0x1] =	stream.indirect_vreg.gather [hbm4b:s9+s2], $0x80, v3, vm0, $0xb8;
	[tilespmem:$0x18100] =	vst v63  }
0x35: {  	v3 =	vld [tilespmem:$0x80];
	_ =	sdelay $0x4  }
0x36: {  	v61 =	vshll.u32 v3, $0x3  }
0x37: {  	v3 =	vand.u32 $0x7, v3;
	v4 =	vand.u32 $0xFFFFFFC0, v61  }
0x38: {  	v3 =	vor.u32 v3, v4  }
0x39: {  	v4 =	vperm.xlane v3, v0;
	_ =	sdelay $0x1  }
0x3a: {  	v4 =	vadd.s32 v1, v4;
	_ =	sdelay $0x3  }
0x3b: {  	s10 =	simm.s32 $0x8100  }
0x3c: {  	[tilespmem:s10], [sflag:$0x1] =	stream.indirect_vreg.gather [hbm4b:s3+s2], $0x80, v4, vm0, $0xb8;
	[tilespmem:$0x18100] =	vst v63  }
0x3d: {  	s11 =	simm.s32 $0x8900;
	v3 =	vperm.xlane v3, v2  }
0x3e: {  	[tilespmem:s11], [sflag:$0x1] =	stream.indirect_vreg.gather [hbm4b:s5+s2], $0x80, v4, vm0, $0xb8;
	[tilespmem:$0x18100] =	vst v63  }
0x3f: {  	s12 =	simm.s32 $0x9100;
	v3 =	vadd.s32 v1, v3  }
0x40: {  	[tilespmem:s12], [sflag:$0x1] =	stream.indirect_vreg.gather [hbm4b:s6+s2], $0x80, v4, vm0, $0xb8;
	[tilespmem:$0x18100] =	vst v63  }
0x41: {  	s13 =	simm.s32 $0x9900  }
0x42: {  	[tilespmem:s13], [sflag:$0x1] =	stream.indirect_vreg.gather [hbm4b:s9+s2], $0x80, v4, vm0, $0xb8;
	[tilespmem:$0x18100] =	vst v63  }
0x43: {  	s14 =	simm.s32 $0xA100  }
0x44: {  	[tilespmem:s14], [sflag:$0x1] =	stream.indirect_vreg.gather [hbm4b:s3+s2], $0x80, v3, vm0, $0xb8;
	[tilespmem:$0x18100] =	vst v63  }
0x45: {  	s15 =	simm.s32 $0xA900  }
0x46: {  	[tilespmem:s15], [sflag:$0x1] =	stream.indirect_vreg.gather [hbm4b:s5+s2], $0x80, v3, vm0, $0xb8;
	[tilespmem:$0x18100] =	vst v63  }
0x47: {  	s16 =	simm.s32 $0xB100  }
0x48: {  	[tilespmem:s16], [sflag:$0x1] =	stream.indirect_vreg.gather [hbm4b:s6+s2], $0x80, v3, vm0, $0xb8;
	[tilespmem:$0x18100] =	vst v63  }
0x49: {  	s10 =	simm.s32 $0xB900  }
0x4a: {  	[tilespmem:s10], [sflag:$0x1] =	stream.indirect_vreg.gather [hbm4b:s9+s2], $0x80, v3, vm0, $0xb8;
	[tilespmem:$0x18100] =	vst v63  }
0x4b: {  	v3 =	vld [tilespmem:$0x10];
	_ =	sdelay $0x4  }
0x4c: {  	v62 =	vshll.u32 v3, $0x3  }
0x4d: {  	v3 =	vand.u32 $0x7, v3;
	v4 =	vand.u32 $0xFFFFFFC0, v62  }
0x4e: {  	v3 =	vor.u32 v3, v4  }
0x4f: {  	v4 =	vperm.xlane v3, v0;
	_ =	sdelay $0x1  }
0x50: {  	v4 =	vadd.s32 v1, v4;
	_ =	sdelay $0x3  }
0x51: {  	s11 =	simm.s32 $0x4100  }
0x52: {  	[tilespmem:s11], [sflag:$0x2] =	stream.indirect_vreg.gather [hbm4b:s3+s2], $0x80, v4, vm0, $0xb8;
	[tilespmem:$0x18100] =	vst v63  }
0x53: {  	s12 =	simm.s32 $0x4900;
	v3 =	vperm.xlane v3, v2  }
0x54: {  	[tilespmem:s12], [sflag:$0x2] =	stream.indirect_vreg.gather [hbm4b:s5+s2], $0x80, v4, vm0, $0xb8;
	[tilespmem:$0x18100] =	vst v63  }
0x55: {  	s13 =	simm.s32 $0x5100;
	v3 =	vadd.s32 v1, v3  }
0x56: {  	[tilespmem:s13], [sflag:$0x2] =	stream.indirect_vreg.gather [hbm4b:s6+s2], $0x80, v4, vm0, $0xb8;
	[tilespmem:$0x18100] =	vst v63  }
0x57: {  	s14 =	simm.s32 $0x5900  }
0x58: {  	[tilespmem:s14], [sflag:$0x2] =	stream.indirect_vreg.gather [hbm4b:s9+s2], $0x80, v4, vm0, $0xb8;
	[tilespmem:$0x18100] =	vst v63  }
0x59: {  	s15 =	simm.s32 $0x6100  }
0x5a: {  	[tilespmem:s15], [sflag:$0x2] =	stream.indirect_vreg.gather [hbm4b:s3+s2], $0x80, v3, vm0, $0xb8;
	[tilespmem:$0x18100] =	vst v63  }
0x5b: {  	s16 =	simm.s32 $0x6900  }
0x5c: {  	[tilespmem:s16], [sflag:$0x2] =	stream.indirect_vreg.gather [hbm4b:s5+s2], $0x80, v3, vm0, $0xb8;
	[tilespmem:$0x18100] =	vst v63  }
0x5d: {  	_ = 	snop  }
0x5e: {  	[tilespmem:s17], [sflag:$0x2] =	stream.indirect_vreg.gather [hbm4b:s6+s2], $0x80, v3, vm0, $0xb8;
	[tilespmem:$0x18100] =	vst v63  }
0x5f: {  	_ = 	snop  }
0x60: {  	[tilespmem:s4], [sflag:$0x2] =	stream.indirect_vreg.gather [hbm4b:s9+s2], $0x80, v3, vm0, $0xb8;
	[tilespmem:$0x18100] =	vst v63  }
0x61: {  	v3 =	vld [tilespmem:$0x90];
	_ =	sdelay $0x4  }
0x62: {  	v63 =	vshll.u32 v3, $0x3  }
0x63: {  	v3 =	vand.u32 $0x7, v3;
	v4 =	vand.u32 $0xFFFFFFC0, v63  }
0x64: {  	v3 =	vor.u32 v3, v4  }
0x65: {  	v4 =	vperm.xlane v3, v0;
	_ =	sdelay $0x1  }
0x66: {  	v4 =	vadd.s32 v1, v4;
	_ =	sdelay $0x4  }
0x67: {  	[tilespmem:s7], [sflag:$0x2] =	stream.indirect_vreg.gather [hbm4b:s3+s2], $0x80, v4, vm0, $0xb8;
	[tilespmem:$0x18100] =	vst v63  }
0x68: {  	v3 =	vperm.xlane v3, v2  }
0x69: {  	[tilespmem:s20], [sflag:$0x2] =	stream.indirect_vreg.gather [hbm4b:s5+s2], $0x80, v4, vm0, $0xb8;
	[tilespmem:$0x18100] =	vst v63  }
0x6a: {  	v3 =	vadd.s32 v1, v3  }
0x6b: {  	[tilespmem:s21], [sflag:$0x2] =	stream.indirect_vreg.gather [hbm4b:s6+s2], $0x80, v4, vm0, $0xb8;
	[tilespmem:$0x18100] =	vst v63  }
0x6c: {  	_ = 	snop  }
0x6d: {  	[tilespmem:s22], [sflag:$0x2] =	stream.indirect_vreg.gather [hbm4b:s9+s2], $0x80, v4, vm0, $0xb8;
	[tilespmem:$0x18100] =	vst v63  }
0x6e: {  	_ = 	snop  }
0x6f: {  	[tilespmem:s23], [sflag:$0x2] =	stream.indirect_vreg.gather [hbm4b:s3+s2], $0x80, v3, vm0, $0xb8;
	[tilespmem:$0x18100] =	vst v63  }
0x70: {  	_ = 	snop  }
0x71: {  	[tilespmem:s24], [sflag:$0x2] =	stream.indirect_vreg.gather [hbm4b:s5+s2], $0x80, v3, vm0, $0xb8;
	[tilespmem:$0x18100] =	vst v63  }
0x72: {  	_ = 	snop  }
0x73: {  	[tilespmem:s25], [sflag:$0x2] =	stream.indirect_vreg.gather [hbm4b:s6+s2], $0x80, v3, vm0, $0xb8;
	[tilespmem:$0x18100] =	vst v63  }
0x74: {  	_ = 	snop  }
0x75: {  	[tilespmem:s26], [sflag:$0x2] =	stream.indirect_vreg.gather [hbm4b:s9+s2], $0x80, v3, vm0, $0xb8;
	[tilespmem:$0x18100] =	vst v63  }
0x76: {  	_ =	swait.ge [sflag:s28], $0x4000  }
0x77: {  	[sflag:s28] =	ssyncset.done $0x0  }
0x78: {  	[sflag:s28] =	ssyncadd.s32 $0xFFFFC000  }
0x79: {  	_ =	swait.ge [sflag:s28], $0x4000  }
0x7a: {  	[sflag:s28] =	ssyncset.done $0x0  }
0x7b: {  	s8 =	simm.s32 $0x0;
	[sflag:s28] =	ssyncadd.s32 $0xFFFFC000  }
.LBB2_2:
0x7c: {  	s10 =	sshll.u32 s8, $0xA;
	s11 =	sshll.u32 s8, $0x7  }
0x7d: {  	s12 =	simm.s32 $0x0;
	s10 =	sand.u32 $0x2000, s10;
	s11 =	sand.u32 $0x380, s11  }
0x7e: {  	s16 =	sand.u32 $0x1C00, s12;
	s10 =	sor.u32 s10, s11  }
0x7f: {  	s12 =	sand.u32 $0x70, s12;
	s11 =	sor.u32 s16, s10  }
0x80: {  	s11 =	sor.u32 s12, s11  }
0x81: {  	v3 =	vld [tilespmem:s11+$0x100]  }
0x82: {  	v4 =	vld [tilespmem:s11+$0x8100]  }
0x83: {  	s13 =	simm.s32 $0x80;
	s12 =	simm.s32 $0x10  }
.LBB2_3:
0x84: {  	s14 =	sand.u32 $0x70, s12;
	s15 =	sand.u32 $0x1C00, s13;
	p0 =	sne.s32 s12, $0x3F0  }
.Ltmp0:
0x85: {  	s12 =	sadd.s32 $0x10, s12;
	s15 =	sor.u32 s15, s10;
	(pc) =	sbr.rel @p0 .LBB2_3-.Ltmp0, $4  }
0x86: {  	s14 =	sor.u32 s14, s15  }
0x87: {  	v5 =	vadd.f32 v4, v3;
	v3 =	vld [tilespmem:s14+$0x100]  }
0x88: {  	v4 =	vld [tilespmem:s14+$0x8100]  }
0x89: {  	s13 =	sadd.s32 $0x80, s13;
	[tilespmem:s11+$0x10100] =	vst v5;
	s11 =	smov.u32 s14  }
0x8a: {  	s8 =	sadd.s32 $0x1, s8  }
0x8b: {  	p0 =	sne.s32 s8, $0x10  }
.Ltmp1:
0x8c: {  	_ = 	snop;
	(pc) =	sbr.rel @p0 .LBB2_2-.Ltmp1, $3  }
0x8d: {  	_ = 	snop  }
0x8e: {  	v3 =	vadd.f32 v4, v3;
	_ =	sdelay $0x1  }
0x8f: {  	[tilespmem:s11+$0x10100] =	vst v3  }
0x90: {  	s8 =	simm.s32 $0x0;
	s10 =	rddreg [dreg:$0x4]  }
0x91: {  	[hbm4b:s10+s8] =	stream.linear.scatter [tilespmem:s29], [sflag:$0x3], $0x4000, $0x38;
	[tilespmem:$0x18100] =	vst v63  }
0x92: {  	v3 =	vld [tilespmem:$0x20];
	_ =	sdelay $0x4  }
0x93: {  	v4 =	vshll.u32 v3, $0x3  }
0x94: {  	v3 =	vand.u32 $0x7, v3;
	v4 =	vand.u32 $0xFFFFFFC0, v4  }
0x95: {  	v3 =	vor.u32 v3, v4  }
0x96: {  	v4 =	vperm.xlane v3, v0;
	_ =	sdelay $0x1  }
0x97: {  	v4 =	vadd.s32 v1, v4;
	_ =	sdelay $0x3  }
0x98: {  	s13 =	simm.s32 $0x100  }
0x99: {  	[tilespmem:s13], [sflag:$0x1] =	stream.indirect_vreg.gather [hbm4b:s3+s8], $0x80, v4, vm0, $0xb8;
	[tilespmem:$0x18100] =	vst v63  }
0x9a: {  	s14 =	simm.s32 $0x900;
	v3 =	vperm.xlane v3, v2  }
0x9b: {  	[tilespmem:s14], [sflag:$0x1] =	stream.indirect_vreg.gather [hbm4b:s5+s8], $0x80, v4, vm0, $0xb8;
	[tilespmem:$0x18100] =	vst v63  }
0x9c: {  	s15 =	simm.s32 $0x1100;
	v3 =	vadd.s32 v1, v3  }
0x9d: {  	[tilespmem:s15], [sflag:$0x1] =	stream.indirect_vreg.gather [hbm4b:s6+s8], $0x80, v4, vm0, $0xb8;
	[tilespmem:$0x18100] =	vst v63  }
0x9e: {  	s16 =	simm.s32 $0x1900  }
0x9f: {  	[tilespmem:s16], [sflag:$0x1] =	stream.indirect_vreg.gather [hbm4b:s9+s8], $0x80, v4, vm0, $0xb8;
	[tilespmem:$0x18100] =	vst v63  }
0xa0: {  	s11 =	simm.s32 $0x2100  }
0xa1: {  	[tilespmem:s11], [sflag:$0x1] =	stream.indirect_vreg.gather [hbm4b:s3+s8], $0x80, v3, vm0, $0xb8;
	[tilespmem:$0x18100] =	vst v63  }
0xa2: {  	s12 =	simm.s32 $0x2900  }
0xa3: {  	[tilespmem:s12], [sflag:$0x1] =	stream.indirect_vreg.gather [hbm4b:s5+s8], $0x80, v3, vm0, $0xb8;
	[tilespmem:$0x18100] =	vst v63  }
0xa4: {  	s13 =	simm.s32 $0x3100  }
0xa5: {  	[tilespmem:s13], [sflag:$0x1] =	stream.indirect_vreg.gather [hbm4b:s6+s8], $0x80, v3, vm0, $0xb8;
	[tilespmem:$0x18100] =	vst v63  }
0xa6: {  	s14 =	simm.s32 $0x3900  }
0xa7: {  	[tilespmem:s14], [sflag:$0x1] =	stream.indirect_vreg.gather [hbm4b:s9+s8], $0x80, v3, vm0, $0xb8;
	[tilespmem:$0x18100] =	vst v63  }
0xa8: {  	v3 =	vld [tilespmem:$0xA0];
	_ =	sdelay $0x4  }
0xa9: {  	v63 =	vshll.u32 v3, $0x3  }
0xaa: {  	v3 =	vand.u32 $0x7, v3;
	v4 =	vand.u32 $0xFFFFFFC0, v63  }
0xab: {  	v3 =	vor.u32 v3, v4  }
0xac: {  	v4 =	vperm.xlane v3, v0;
	_ =	sdelay $0x1  }
0xad: {  	v4 =	vadd.s32 v1, v4;
	_ =	sdelay $0x3  }
0xae: {  	s15 =	simm.s32 $0x8100  }
0xaf: {  	[tilespmem:s15], [sflag:$0x1] =	stream.indirect_vreg.gather [hbm4b:s3+s8], $0x80, v4, vm0, $0xb8;
	[tilespmem:$0x18100] =	vst v63  }
0xb0: {  	s16 =	simm.s32 $0x8900;
	v3 =	vperm.xlane v3, v2  }
0xb1: {  	[tilespmem:s16], [sflag:$0x1] =	stream.indirect_vreg.gather [hbm4b:s5+s8], $0x80, v4, vm0, $0xb8;
	[tilespmem:$0x18100] =	vst v63  }
0xb2: {  	s11 =	simm.s32 $0x9100;
	v3 =	vadd.s32 v1, v3  }
0xb3: {  	[tilespmem:s11], [sflag:$0x1] =	stream.indirect_vreg.gather [hbm4b:s6+s8], $0x80, v4, vm0, $0xb8;
	[tilespmem:$0x18100] =	vst v63  }
0xb4: {  	s12 =	simm.s32 $0x9900  }
0xb5: {  	[tilespmem:s12], [sflag:$0x1] =	stream.indirect_vreg.gather [hbm4b:s9+s8], $0x80, v4, vm0, $0xb8;
	[tilespmem:$0x18100] =	vst v63  }
0xb6: {  	s13 =	simm.s32 $0xA100  }
0xb7: {  	[tilespmem:s13], [sflag:$0x1] =	stream.indirect_vreg.gather [hbm4b:s3+s8], $0x80, v3, vm0, $0xb8;
	[tilespmem:$0x18100] =	vst v63  }
0xb8: {  	s14 =	simm.s32 $0xA900  }
0xb9: {  	[tilespmem:s14], [sflag:$0x1] =	stream.indirect_vreg.gather [hbm4b:s5+s8], $0x80, v3, vm0, $0xb8;
	[tilespmem:$0x18100] =	vst v63  }
0xba: {  	s15 =	simm.s32 $0xB100  }
0xbb: {  	[tilespmem:s15], [sflag:$0x1] =	stream.indirect_vreg.gather [hbm4b:s6+s8], $0x80, v3, vm0, $0xb8;
	[tilespmem:$0x18100] =	vst v63  }
0xbc: {  	s16 =	simm.s32 $0xB900  }
0xbd: {  	[tilespmem:s16], [sflag:$0x1] =	stream.indirect_vreg.gather [hbm4b:s9+s8], $0x80, v3, vm0, $0xb8;
	[tilespmem:$0x18100] =	vst v63  }
0xbe: {  	_ =	swait.ge [sflag:s30], $0x4000  }
0xbf: {  	[sflag:s30] =	ssyncset.done $0x0  }
0xc0: {  	[sflag:s30] =	ssyncadd.s32 $0xFFFFC000  }
0xc1: {  	_ =	swait.ge [sflag:s30], $0x4000  }
0xc2: {  	[sflag:s30] =	ssyncset.done $0x0  }
0xc3: {  	s10 =	simm.s32 $0x0;
	[sflag:s30] =	ssyncadd.s32 $0xFFFFC000  }
.LBB2_6:
0xc4: {  	s11 =	sshll.u32 s10, $0xA;
	s12 =	sshll.u32 s10, $0x7  }
0xc5: {  	s11 =	sand.u32 $0x2000, s11;
	s12 =	sand.u32 $0x380, s12  }
0xc6: {  	s16 =	sand.u32 $0x1C00, s8;
	s11 =	sor.u32 s12, s11  }
0xc7: {  	s13 =	sand.u32 $0x70, s8;
	s12 =	sor.u32 s16, s11  }
0xc8: {  	s12 =	sor.u32 s13, s12  }
0xc9: {  	v3 =	vld [tilespmem:s12+$0x4100]  }
0xca: {  	v4 =	vld [tilespmem:s12+$0xC100]  }
0xcb: {  	s14 =	simm.s32 $0x80;
	s13 =	simm.s32 $0x10  }
.LBB2_7:
0xcc: {  	s15 =	sand.u32 $0x70, s13;
	s16 =	sand.u32 $0x1C00, s14;
	p0 =	sne.s32 s13, $0x3F0  }
.Ltmp2:
0xcd: {  	s13 =	sadd.s32 $0x10, s13;
	s16 =	sor.u32 s16, s11;
	(pc) =	sbr.rel @p0 .LBB2_7-.Ltmp2, $4  }
0xce: {  	s15 =	sor.u32 s15, s16  }
0xcf: {  	v5 =	vadd.f32 v4, v3;
	v3 =	vld [tilespmem:s15+$0x4100]  }
0xd0: {  	v4 =	vld [tilespmem:s15+$0xC100]  }
0xd1: {  	s14 =	sadd.s32 $0x80, s14;
	[tilespmem:s12+$0x14100] =	vst v5;
	s12 =	smov.u32 s15  }
0xd2: {  	s10 =	sadd.s32 $0x1, s10  }
0xd3: {  	p0 =	sne.s32 s10, $0x10  }
.Ltmp3:
0xd4: {  	_ = 	snop;
	(pc) =	sbr.rel @p0 .LBB2_6-.Ltmp3, $3  }
0xd5: {  	_ = 	snop  }
0xd6: {  	v3 =	vadd.f32 v4, v3;
	_ =	sdelay $0x1  }
0xd7: {  	[tilespmem:s12+$0x14100] =	vst v3  }
0xd8: {  	s8 =	simm.s32 $0x0;
	s10 =	rddreg [dreg:$0x6]  }
0xd9: {  	[hbm4b:s10+s8] =	stream.linear.scatter [tilespmem:s31], [sflag:$0x4], $0x4000, $0x38;
	[tilespmem:$0x18100] =	vst v63  }
0xda: {  	v3 =	vld [tilespmem:$0x30];
	_ =	sdelay $0x4  }
0xdb: {  	v4 =	vshll.u32 v3, $0x3  }
0xdc: {  	v3 =	vand.u32 $0x7, v3;
	v4 =	vand.u32 $0xFFFFFFC0, v4  }
0xdd: {  	v3 =	vor.u32 v3, v4  }
0xde: {  	v4 =	vperm.xlane v3, v0;
	_ =	sdelay $0x1  }
0xdf: {  	v4 =	vadd.s32 v1, v4;
	_ =	sdelay $0x3  }
0xe0: {  	s11 =	simm.s32 $0x4100  }
0xe1: {  	[tilespmem:s11], [sflag:$0x2] =	stream.indirect_vreg.gather [hbm4b:s3+s8], $0x80, v4, vm0, $0xb8;
	[tilespmem:$0x18100] =	vst v63  }
0xe2: {  	s12 =	simm.s32 $0x4900;
	v3 =	vperm.xlane v3, v2  }
0xe3: {  	[tilespmem:s12], [sflag:$0x2] =	stream.indirect_vreg.gather [hbm4b:s5+s8], $0x80, v4, vm0, $0xb8;
	[tilespmem:$0x18100] =	vst v63  }
0xe4: {  	s13 =	simm.s32 $0x5100;
	v3 =	vadd.s32 v1, v3  }
0xe5: {  	[tilespmem:s13], [sflag:$0x2] =	stream.indirect_vreg.gather [hbm4b:s6+s8], $0x80, v4, vm0, $0xb8;
	[tilespmem:$0x18100] =	vst v63  }
0xe6: {  	s14 =	simm.s32 $0x5900  }
0xe7: {  	[tilespmem:s14], [sflag:$0x2] =	stream.indirect_vreg.gather [hbm4b:s9+s8], $0x80, v4, vm0, $0xb8;
	[tilespmem:$0x18100] =	vst v63  }
0xe8: {  	s15 =	simm.s32 $0x6100  }
0xe9: {  	[tilespmem:s15], [sflag:$0x2] =	stream.indirect_vreg.gather [hbm4b:s3+s8], $0x80, v3, vm0, $0xb8;
	[tilespmem:$0x18100] =	vst v63  }
0xea: {  	s16 =	simm.s32 $0x6900  }
0xeb: {  	[tilespmem:s16], [sflag:$0x2] =	stream.indirect_vreg.gather [hbm4b:s5+s8], $0x80, v3, vm0, $0xb8;
	[tilespmem:$0x18100] =	vst v63  }
0xec: {  	_ = 	snop  }
0xed: {  	[tilespmem:s17], [sflag:$0x2] =	stream.indirect_vreg.gather [hbm4b:s6+s8], $0x80, v3, vm0, $0xb8;
	[tilespmem:$0x18100] =	vst v63  }
0xee: {  	_ = 	snop  }
0xef: {  	[tilespmem:s4], [sflag:$0x2] =	stream.indirect_vreg.gather [hbm4b:s9+s8], $0x80, v3, vm0, $0xb8;
	[tilespmem:$0x18100] =	vst v63  }
0xf0: {  	v3 =	vld [tilespmem:$0xB0];
	_ =	sdelay $0x4  }
0xf1: {  	v63 =	vshll.u32 v3, $0x3  }
0xf2: {  	v3 =	vand.u32 $0x7, v3;
	v4 =	vand.u32 $0xFFFFFFC0, v63  }
0xf3: {  	v3 =	vor.u32 v3, v4  }
0xf4: {  	v4 =	vperm.xlane v3, v0;
	_ =	sdelay $0x1  }
0xf5: {  	v4 =	vadd.s32 v1, v4;
	_ =	sdelay $0x4  }
0xf6: {  	[tilespmem:s7], [sflag:$0x2] =	stream.indirect_vreg.gather [hbm4b:s3+s8], $0x80, v4, vm0, $0xb8;
	[tilespmem:$0x18100] =	vst v63  }
0xf7: {  	v3 =	vperm.xlane v3, v2  }
0xf8: {  	[tilespmem:s20], [sflag:$0x2] =	stream.indirect_vreg.gather [hbm4b:s5+s8], $0x80, v4, vm0, $0xb8;
	[tilespmem:$0x18100] =	vst v63  }
0xf9: {  	v3 =	vadd.s32 v1, v3  }
0xfa: {  	[tilespmem:s21], [sflag:$0x2] =	stream.indirect_vreg.gather [hbm4b:s6+s8], $0x80, v4, vm0, $0xb8;
	[tilespmem:$0x18100] =	vst v63  }
0xfb: {  	_ = 	snop  }
0xfc: {  	[tilespmem:s22], [sflag:$0x2] =	stream.indirect_vreg.gather [hbm4b:s9+s8], $0x80, v4, vm0, $0xb8;
	[tilespmem:$0x18100] =	vst v63  }
0xfd: {  	_ = 	snop  }
0xfe: {  	[tilespmem:s23], [sflag:$0x2] =	stream.indirect_vreg.gather [hbm4b:s3+s8], $0x80, v3, vm0, $0xb8;
	[tilespmem:$0x18100] =	vst v63  }
0xff: {  	_ = 	snop  }
0x100: {  	[tilespmem:s24], [sflag:$0x2] =	stream.indirect_vreg.gather [hbm4b:s5+s8], $0x80, v3, vm0, $0xb8;
	[tilespmem:$0x18100] =	vst v63  }
0x101: {  	_ = 	snop  }
0x102: {  	[tilespmem:s25], [sflag:$0x2] =	stream.indirect_vreg.gather [hbm4b:s6+s8], $0x80, v3, vm0, $0xb8;
	[tilespmem:$0x18100] =	vst v63  }
0x103: {  	_ = 	snop  }
0x104: {  	[tilespmem:s26], [sflag:$0x2] =	stream.indirect_vreg.gather [hbm4b:s9+s8], $0x80, v3, vm0, $0xb8;
	[tilespmem:$0x18100] =	vst v63  }
0x105: {  	_ =	swait.ge [sflag:s28], $0x4000  }
0x106: {  	[sflag:s28] =	ssyncset.done $0x0  }
0x107: {  	[sflag:s28] =	ssyncadd.s32 $0xFFFFC000  }
0x108: {  	_ =	swait.ge [sflag:s28], $0x4000  }
0x109: {  	[sflag:s28] =	ssyncset.done $0x0  }
0x10a: {  	[sflag:s28] =	ssyncadd.s32 $0xFFFFC000  }
0x10b: {  	_ =	swait.ge [sflag:s0], $0x4000  }
0x10c: {  	[sflag:s0] =	ssyncset.done $0x0  }
0x10d: {  	s10 =	simm.s32 $0x0;
	[sflag:s0] =	ssyncadd.s32 $0xFFFFC000  }
.LBB2_10:
0x10e: {  	s11 =	sshll.u32 s10, $0xA;
	s12 =	sshll.u32 s10, $0x7  }
0x10f: {  	s11 =	sand.u32 $0x2000, s11;
	s12 =	sand.u32 $0x380, s12  }
0x110: {  	s16 =	sand.u32 $0x1C00, s8;
	s11 =	sor.u32 s11, s12  }
0x111: {  	s13 =	sand.u32 $0x70, s8;
	s12 =	sor.u32 s16, s11  }
0x112: {  	s12 =	sor.u32 s13, s12  }
0x113: {  	v3 =	vld [tilespmem:s12+$0x100]  }
0x114: {  	v4 =	vld [tilespmem:s12+$0x8100]  }
0x115: {  	s14 =	simm.s32 $0x80;
	s13 =	simm.s32 $0x10  }
.LBB2_11:
0x116: {  	s15 =	sand.u32 $0x70, s13;
	s16 =	sand.u32 $0x1C00, s14;
	p0 =	sne.s32 s13, $0x3F0  }
.Ltmp4:
0x117: {  	s13 =	sadd.s32 $0x10, s13;
	s16 =	sor.u32 s16, s11;
	(pc) =	sbr.rel @p0 .LBB2_11-.Ltmp4, $4  }
0x118: {  	s15 =	sor.u32 s15, s16  }
0x119: {  	v5 =	vadd.f32 v4, v3;
	v3 =	vld [tilespmem:s15+$0x100]  }
0x11a: {  	v4 =	vld [tilespmem:s15+$0x8100]  }
0x11b: {  	s14 =	sadd.s32 $0x80, s14;
	[tilespmem:s12+$0x10100] =	vst v5;
	s12 =	smov.u32 s15  }
0x11c: {  	s10 =	sadd.s32 $0x1, s10  }
0x11d: {  	p0 =	sne.s32 s10, $0x10  }
.Ltmp5:
0x11e: {  	_ = 	snop;
	(pc) =	sbr.rel @p0 .LBB2_10-.Ltmp5, $3  }
0x11f: {  	_ = 	snop  }
0x120: {  	v3 =	vadd.f32 v4, v3;
	_ =	sdelay $0x1  }
0x121: {  	[tilespmem:s12+$0x10100] =	vst v3  }
0x122: {  	s8 =	simm.s32 $0x0;
	s10 =	rddreg [dreg:$0x7]  }
0x123: {  	[hbm4b:s10+s8] =	stream.linear.scatter [tilespmem:s29], [sflag:$0x3], $0x4000, $0x38;
	[tilespmem:$0x18100] =	vst v63  }
0x124: {  	v3 =	vld [tilespmem:$0x40];
	_ =	sdelay $0x4  }
0x125: {  	v4 =	vshll.u32 v3, $0x3  }
0x126: {  	v3 =	vand.u32 $0x7, v3;
	v4 =	vand.u32 $0xFFFFFFC0, v4  }
0x127: {  	v3 =	vor.u32 v3, v4  }
0x128: {  	v4 =	vperm.xlane v3, v0;
	_ =	sdelay $0x1  }
0x129: {  	v4 =	vadd.s32 v1, v4;
	_ =	sdelay $0x3  }
0x12a: {  	s13 =	simm.s32 $0x100  }
0x12b: {  	[tilespmem:s13], [sflag:$0x1] =	stream.indirect_vreg.gather [hbm4b:s3+s8], $0x80, v4, vm0, $0xb8;
	[tilespmem:$0x18100] =	vst v63  }
0x12c: {  	s14 =	simm.s32 $0x900;
	v3 =	vperm.xlane v3, v2  }
0x12d: {  	[tilespmem:s14], [sflag:$0x1] =	stream.indirect_vreg.gather [hbm4b:s5+s8], $0x80, v4, vm0, $0xb8;
	[tilespmem:$0x18100] =	vst v63  }
0x12e: {  	s15 =	simm.s32 $0x1100;
	v3 =	vadd.s32 v1, v3  }
0x12f: {  	[tilespmem:s15], [sflag:$0x1] =	stream.indirect_vreg.gather [hbm4b:s6+s8], $0x80, v4, vm0, $0xb8;
	[tilespmem:$0x18100] =	vst v63  }
0x130: {  	s16 =	simm.s32 $0x1900  }
0x131: {  	[tilespmem:s16], [sflag:$0x1] =	stream.indirect_vreg.gather [hbm4b:s9+s8], $0x80, v4, vm0, $0xb8;
	[tilespmem:$0x18100] =	vst v63  }
0x132: {  	s11 =	simm.s32 $0x2100  }
0x133: {  	[tilespmem:s11], [sflag:$0x1] =	stream.indirect_vreg.gather [hbm4b:s3+s8], $0x80, v3, vm0, $0xb8;
	[tilespmem:$0x18100] =	vst v63  }
0x134: {  	s12 =	simm.s32 $0x2900  }
0x135: {  	[tilespmem:s12], [sflag:$0x1] =	stream.indirect_vreg.gather [hbm4b:s5+s8], $0x80, v3, vm0, $0xb8;
	[tilespmem:$0x18100] =	vst v63  }
0x136: {  	s13 =	simm.s32 $0x3100  }
0x137: {  	[tilespmem:s13], [sflag:$0x1] =	stream.indirect_vreg.gather [hbm4b:s6+s8], $0x80, v3, vm0, $0xb8;
	[tilespmem:$0x18100] =	vst v63  }
0x138: {  	s14 =	simm.s32 $0x3900  }
0x139: {  	[tilespmem:s14], [sflag:$0x1] =	stream.indirect_vreg.gather [hbm4b:s9+s8], $0x80, v3, vm0, $0xb8;
	[tilespmem:$0x18100] =	vst v63  }
0x13a: {  	v3 =	vld [tilespmem:$0xC0];
	_ =	sdelay $0x4  }
0x13b: {  	v63 =	vshll.u32 v3, $0x3  }
0x13c: {  	v3 =	vand.u32 $0x7, v3;
	v4 =	vand.u32 $0xFFFFFFC0, v63  }
0x13d: {  	v3 =	vor.u32 v3, v4  }
0x13e: {  	v4 =	vperm.xlane v3, v0;
	_ =	sdelay $0x1  }
0x13f: {  	v4 =	vadd.s32 v1, v4;
	_ =	sdelay $0x3  }
0x140: {  	s15 =	simm.s32 $0x8100  }
0x141: {  	[tilespmem:s15], [sflag:$0x1] =	stream.indirect_vreg.gather [hbm4b:s3+s8], $0x80, v4, vm0, $0xb8;
	[tilespmem:$0x18100] =	vst v63  }
0x142: {  	s16 =	simm.s32 $0x8900;
	v3 =	vperm.xlane v3, v2  }
0x143: {  	[tilespmem:s16], [sflag:$0x1] =	stream.indirect_vreg.gather [hbm4b:s5+s8], $0x80, v4, vm0, $0xb8;
	[tilespmem:$0x18100] =	vst v63  }
0x144: {  	s11 =	simm.s32 $0x9100;
	v3 =	vadd.s32 v1, v3  }
0x145: {  	[tilespmem:s11], [sflag:$0x1] =	stream.indirect_vreg.gather [hbm4b:s6+s8], $0x80, v4, vm0, $0xb8;
	[tilespmem:$0x18100] =	vst v63  }
0x146: {  	s12 =	simm.s32 $0x9900  }
0x147: {  	[tilespmem:s12], [sflag:$0x1] =	stream.indirect_vreg.gather [hbm4b:s9+s8], $0x80, v4, vm0, $0xb8;
	[tilespmem:$0x18100] =	vst v63  }
0x148: {  	s13 =	simm.s32 $0xA100  }
0x149: {  	[tilespmem:s13], [sflag:$0x1] =	stream.indirect_vreg.gather [hbm4b:s3+s8], $0x80, v3, vm0, $0xb8;
	[tilespmem:$0x18100] =	vst v63  }
0x14a: {  	s14 =	simm.s32 $0xA900  }
0x14b: {  	[tilespmem:s14], [sflag:$0x1] =	stream.indirect_vreg.gather [hbm4b:s5+s8], $0x80, v3, vm0, $0xb8;
	[tilespmem:$0x18100] =	vst v63  }
0x14c: {  	s15 =	simm.s32 $0xB100  }
0x14d: {  	[tilespmem:s15], [sflag:$0x1] =	stream.indirect_vreg.gather [hbm4b:s6+s8], $0x80, v3, vm0, $0xb8;
	[tilespmem:$0x18100] =	vst v63  }
0x14e: {  	s16 =	simm.s32 $0xB900  }
0x14f: {  	[tilespmem:s16], [sflag:$0x1] =	stream.indirect_vreg.gather [hbm4b:s9+s8], $0x80, v3, vm0, $0xb8;
	[tilespmem:$0x18100] =	vst v63  }
0x150: {  	_ =	swait.ge [sflag:s30], $0x4000  }
0x151: {  	[sflag:s30] =	ssyncset.done $0x0  }
0x152: {  	[sflag:s30] =	ssyncadd.s32 $0xFFFFC000  }
0x153: {  	_ =	swait.ge [sflag:s30], $0x4000  }
0x154: {  	[sflag:s30] =	ssyncset.done $0x0  }
0x155: {  	[sflag:s30] =	ssyncadd.s32 $0xFFFFC000  }
0x156: {  	_ =	swait.ge [sflag:s1], $0x4000  }
0x157: {  	[sflag:s1] =	ssyncset.done $0x0  }
0x158: {  	s10 =	simm.s32 $0x0;
	[sflag:s1] =	ssyncadd.s32 $0xFFFFC000  }
.LBB2_14:
0x159: {  	s11 =	sshll.u32 s10, $0xA;
	s12 =	sshll.u32 s10, $0x7  }
0x15a: {  	s11 =	sand.u32 $0x2000, s11;
	s12 =	sand.u32 $0x380, s12  }
0x15b: {  	s16 =	sand.u32 $0x1C00, s8;
	s11 =	sor.u32 s12, s11  }
0x15c: {  	s13 =	sand.u32 $0x70, s8;
	s12 =	sor.u32 s16, s11  }
0x15d: {  	s12 =	sor.u32 s13, s12  }
0x15e: {  	v3 =	vld [tilespmem:s12+$0x4100]  }
0x15f: {  	v4 =	vld [tilespmem:s12+$0xC100]  }
0x160: {  	s14 =	simm.s32 $0x80;
	s13 =	simm.s32 $0x10  }
.LBB2_15:
0x161: {  	s15 =	sand.u32 $0x70, s13;
	s16 =	sand.u32 $0x1C00, s14;
	p0 =	sne.s32 s13, $0x3F0  }
.Ltmp6:
0x162: {  	s13 =	sadd.s32 $0x10, s13;
	s16 =	sor.u32 s16, s11;
	(pc) =	sbr.rel @p0 .LBB2_15-.Ltmp6, $4  }
0x163: {  	s15 =	sor.u32 s15, s16  }
0x164: {  	v5 =	vadd.f32 v4, v3;
	v3 =	vld [tilespmem:s15+$0x4100]  }
0x165: {  	v4 =	vld [tilespmem:s15+$0xC100]  }
0x166: {  	s14 =	sadd.s32 $0x80, s14;
	[tilespmem:s12+$0x14100] =	vst v5;
	s12 =	smov.u32 s15  }
0x167: {  	s10 =	sadd.s32 $0x1, s10  }
0x168: {  	p0 =	sne.s32 s10, $0x10  }
.Ltmp7:
0x169: {  	_ = 	snop;
	(pc) =	sbr.rel @p0 .LBB2_14-.Ltmp7, $3  }
0x16a: {  	_ = 	snop  }
0x16b: {  	v3 =	vadd.f32 v4, v3;
	_ =	sdelay $0x1  }
0x16c: {  	[tilespmem:s12+$0x14100] =	vst v3  }
0x16d: {  	s8 =	simm.s32 $0x0;
	s10 =	rddreg [dreg:$0x8]  }
0x16e: {  	[hbm4b:s10+s8] =	stream.linear.scatter [tilespmem:s31], [sflag:$0x4], $0x4000, $0x38;
	[tilespmem:$0x18100] =	vst v63  }
0x16f: {  	v3 =	vld [tilespmem:$0x50];
	_ =	sdelay $0x4  }
0x170: {  	v4 =	vshll.u32 v3, $0x3  }
0x171: {  	v3 =	vand.u32 $0x7, v3;
	v4 =	vand.u32 $0xFFFFFFC0, v4  }
0x172: {  	v3 =	vor.u32 v3, v4  }
0x173: {  	v4 =	vperm.xlane v3, v0;
	_ =	sdelay $0x1  }
0x174: {  	v4 =	vadd.s32 v1, v4;
	_ =	sdelay $0x3  }
0x175: {  	s11 =	simm.s32 $0x4100  }
0x176: {  	[tilespmem:s11], [sflag:$0x2] =	stream.indirect_vreg.gather [hbm4b:s3+s8], $0x80, v4, vm0, $0xb8;
	[tilespmem:$0x18100] =	vst v63  }
0x177: {  	s12 =	simm.s32 $0x4900;
	v3 =	vperm.xlane v3, v2  }
0x178: {  	[tilespmem:s12], [sflag:$0x2] =	stream.indirect_vreg.gather [hbm4b:s5+s8], $0x80, v4, vm0, $0xb8;
	[tilespmem:$0x18100] =	vst v63  }
0x179: {  	s13 =	simm.s32 $0x5100;
	v3 =	vadd.s32 v1, v3  }
0x17a: {  	[tilespmem:s13], [sflag:$0x2] =	stream.indirect_vreg.gather [hbm4b:s6+s8], $0x80, v4, vm0, $0xb8;
	[tilespmem:$0x18100] =	vst v63  }
0x17b: {  	s14 =	simm.s32 $0x5900  }
0x17c: {  	[tilespmem:s14], [sflag:$0x2] =	stream.indirect_vreg.gather [hbm4b:s9+s8], $0x80, v4, vm0, $0xb8;
	[tilespmem:$0x18100] =	vst v63  }
0x17d: {  	s15 =	simm.s32 $0x6100  }
0x17e: {  	[tilespmem:s15], [sflag:$0x2] =	stream.indirect_vreg.gather [hbm4b:s3+s8], $0x80, v3, vm0, $0xb8;
	[tilespmem:$0x18100] =	vst v63  }
0x17f: {  	s16 =	simm.s32 $0x6900  }
0x180: {  	[tilespmem:s16], [sflag:$0x2] =	stream.indirect_vreg.gather [hbm4b:s5+s8], $0x80, v3, vm0, $0xb8;
	[tilespmem:$0x18100] =	vst v63  }
0x181: {  	_ = 	snop  }
0x182: {  	[tilespmem:s17], [sflag:$0x2] =	stream.indirect_vreg.gather [hbm4b:s6+s8], $0x80, v3, vm0, $0xb8;
	[tilespmem:$0x18100] =	vst v63  }
0x183: {  	_ = 	snop  }
0x184: {  	[tilespmem:s4], [sflag:$0x2] =	stream.indirect_vreg.gather [hbm4b:s9+s8], $0x80, v3, vm0, $0xb8;
	[tilespmem:$0x18100] =	vst v63  }
0x185: {  	v3 =	vld [tilespmem:$0xD0];
	_ =	sdelay $0x4  }
0x186: {  	v63 =	vshll.u32 v3, $0x3  }
0x187: {  	v3 =	vand.u32 $0x7, v3;
	v4 =	vand.u32 $0xFFFFFFC0, v63  }
0x188: {  	v3 =	vor.u32 v3, v4  }
0x189: {  	v4 =	vperm.xlane v3, v0;
	_ =	sdelay $0x1  }
0x18a: {  	v4 =	vadd.s32 v1, v4;
	_ =	sdelay $0x4  }
0x18b: {  	[tilespmem:s7], [sflag:$0x2] =	stream.indirect_vreg.gather [hbm4b:s3+s8], $0x80, v4, vm0, $0xb8;
	[tilespmem:$0x18100] =	vst v63  }
0x18c: {  	v3 =	vperm.xlane v3, v2  }
0x18d: {  	[tilespmem:s20], [sflag:$0x2] =	stream.indirect_vreg.gather [hbm4b:s5+s8], $0x80, v4, vm0, $0xb8;
	[tilespmem:$0x18100] =	vst v63  }
0x18e: {  	v3 =	vadd.s32 v1, v3  }
0x18f: {  	[tilespmem:s21], [sflag:$0x2] =	stream.indirect_vreg.gather [hbm4b:s6+s8], $0x80, v4, vm0, $0xb8;
	[tilespmem:$0x18100] =	vst v63  }
0x190: {  	_ = 	snop  }
0x191: {  	[tilespmem:s22], [sflag:$0x2] =	stream.indirect_vreg.gather [hbm4b:s9+s8], $0x80, v4, vm0, $0xb8;
	[tilespmem:$0x18100] =	vst v63  }
0x192: {  	_ = 	snop  }
0x193: {  	[tilespmem:s23], [sflag:$0x2] =	stream.indirect_vreg.gather [hbm4b:s3+s8], $0x80, v3, vm0, $0xb8;
	[tilespmem:$0x18100] =	vst v63  }
0x194: {  	_ = 	snop  }
0x195: {  	[tilespmem:s24], [sflag:$0x2] =	stream.indirect_vreg.gather [hbm4b:s5+s8], $0x80, v3, vm0, $0xb8;
	[tilespmem:$0x18100] =	vst v63  }
0x196: {  	_ = 	snop  }
0x197: {  	[tilespmem:s25], [sflag:$0x2] =	stream.indirect_vreg.gather [hbm4b:s6+s8], $0x80, v3, vm0, $0xb8;
	[tilespmem:$0x18100] =	vst v63  }
0x198: {  	_ = 	snop  }
0x199: {  	[tilespmem:s26], [sflag:$0x2] =	stream.indirect_vreg.gather [hbm4b:s9+s8], $0x80, v3, vm0, $0xb8;
	[tilespmem:$0x18100] =	vst v63  }
0x19a: {  	_ =	swait.ge [sflag:s28], $0x4000  }
0x19b: {  	[sflag:s28] =	ssyncset.done $0x0  }
0x19c: {  	[sflag:s28] =	ssyncadd.s32 $0xFFFFC000  }
0x19d: {  	_ =	swait.ge [sflag:s28], $0x4000  }
0x19e: {  	[sflag:s28] =	ssyncset.done $0x0  }
0x19f: {  	[sflag:s28] =	ssyncadd.s32 $0xFFFFC000  }
0x1a0: {  	_ =	swait.ge [sflag:s0], $0x4000  }
0x1a1: {  	[sflag:s0] =	ssyncset.done $0x0  }
0x1a2: {  	s10 =	simm.s32 $0x0;
	[sflag:s0] =	ssyncadd.s32 $0xFFFFC000  }
.LBB2_18:
0x1a3: {  	s11 =	sshll.u32 s10, $0xA;
	s12 =	sshll.u32 s10, $0x7  }
0x1a4: {  	s11 =	sand.u32 $0x2000, s11;
	s12 =	sand.u32 $0x380, s12  }
0x1a5: {  	s16 =	sand.u32 $0x1C00, s8;
	s11 =	sor.u32 s11, s12  }
0x1a6: {  	s13 =	sand.u32 $0x70, s8;
	s12 =	sor.u32 s16, s11  }
0x1a7: {  	s12 =	sor.u32 s13, s12  }
0x1a8: {  	v3 =	vld [tilespmem:s12+$0x100]  }
0x1a9: {  	v4 =	vld [tilespmem:s12+$0x8100]  }
0x1aa: {  	s14 =	simm.s32 $0x80;
	s13 =	simm.s32 $0x10  }
.LBB2_19:
0x1ab: {  	s15 =	sand.u32 $0x70, s13;
	s16 =	sand.u32 $0x1C00, s14;
	p0 =	sne.s32 s13, $0x3F0  }
.Ltmp8:
0x1ac: {  	s13 =	sadd.s32 $0x10, s13;
	s16 =	sor.u32 s16, s11;
	(pc) =	sbr.rel @p0 .LBB2_19-.Ltmp8, $4  }
0x1ad: {  	s15 =	sor.u32 s15, s16  }
0x1ae: {  	v5 =	vadd.f32 v4, v3;
	v3 =	vld [tilespmem:s15+$0x100]  }
0x1af: {  	v4 =	vld [tilespmem:s15+$0x8100]  }
0x1b0: {  	s14 =	sadd.s32 $0x80, s14;
	[tilespmem:s12+$0x10100] =	vst v5;
	s12 =	smov.u32 s15  }
0x1b1: {  	s10 =	sadd.s32 $0x1, s10  }
0x1b2: {  	p0 =	sne.s32 s10, $0x10  }
.Ltmp9:
0x1b3: {  	_ = 	snop;
	(pc) =	sbr.rel @p0 .LBB2_18-.Ltmp9, $3  }
0x1b4: {  	_ = 	snop  }
0x1b5: {  	v3 =	vadd.f32 v4, v3;
	_ =	sdelay $0x1  }
0x1b6: {  	[tilespmem:s12+$0x10100] =	vst v3  }
0x1b7: {  	s8 =	simm.s32 $0x0;
	s10 =	rddreg [dreg:$0x9]  }
0x1b8: {  	[hbm4b:s10+s8] =	stream.linear.scatter [tilespmem:s29], [sflag:$0x3], $0x4000, $0x38;
	[tilespmem:$0x18100] =	vst v63  }
0x1b9: {  	v3 =	vld [tilespmem:$0x60];
	_ =	sdelay $0x4  }
0x1ba: {  	v4 =	vshll.u32 v3, $0x3  }
0x1bb: {  	v3 =	vand.u32 $0x7, v3;
	v4 =	vand.u32 $0xFFFFFFC0, v4  }
0x1bc: {  	v3 =	vor.u32 v3, v4  }
0x1bd: {  	v4 =	vperm.xlane v3, v0;
	_ =	sdelay $0x1  }
0x1be: {  	v4 =	vadd.s32 v1, v4;
	_ =	sdelay $0x3  }
0x1bf: {  	s13 =	simm.s32 $0x100  }
0x1c0: {  	[tilespmem:s13], [sflag:$0x1] =	stream.indirect_vreg.gather [hbm4b:s3+s8], $0x80, v4, vm0, $0xb8;
	[tilespmem:$0x18100] =	vst v63  }
0x1c1: {  	s14 =	simm.s32 $0x900;
	v3 =	vperm.xlane v3, v2  }
0x1c2: {  	[tilespmem:s14], [sflag:$0x1] =	stream.indirect_vreg.gather [hbm4b:s5+s8], $0x80, v4, vm0, $0xb8;
	[tilespmem:$0x18100] =	vst v63  }
0x1c3: {  	s15 =	simm.s32 $0x1100;
	v3 =	vadd.s32 v1, v3  }
0x1c4: {  	[tilespmem:s15], [sflag:$0x1] =	stream.indirect_vreg.gather [hbm4b:s6+s8], $0x80, v4, vm0, $0xb8;
	[tilespmem:$0x18100] =	vst v63  }
0x1c5: {  	s16 =	simm.s32 $0x1900  }
0x1c6: {  	[tilespmem:s16], [sflag:$0x1] =	stream.indirect_vreg.gather [hbm4b:s9+s8], $0x80, v4, vm0, $0xb8;
	[tilespmem:$0x18100] =	vst v63  }
0x1c7: {  	s11 =	simm.s32 $0x2100  }
0x1c8: {  	[tilespmem:s11], [sflag:$0x1] =	stream.indirect_vreg.gather [hbm4b:s3+s8], $0x80, v3, vm0, $0xb8;
	[tilespmem:$0x18100] =	vst v63  }
0x1c9: {  	s12 =	simm.s32 $0x2900  }
0x1ca: {  	[tilespmem:s12], [sflag:$0x1] =	stream.indirect_vreg.gather [hbm4b:s5+s8], $0x80, v3, vm0, $0xb8;
	[tilespmem:$0x18100] =	vst v63  }
0x1cb: {  	s13 =	simm.s32 $0x3100  }
0x1cc: {  	[tilespmem:s13], [sflag:$0x1] =	stream.indirect_vreg.gather [hbm4b:s6+s8], $0x80, v3, vm0, $0xb8;
	[tilespmem:$0x18100] =	vst v63  }
0x1cd: {  	s14 =	simm.s32 $0x3900  }
0x1ce: {  	[tilespmem:s14], [sflag:$0x1] =	stream.indirect_vreg.gather [hbm4b:s9+s8], $0x80, v3, vm0, $0xb8;
	[tilespmem:$0x18100] =	vst v63  }
0x1cf: {  	v3 =	vld [tilespmem:$0xE0];
	_ =	sdelay $0x4  }
0x1d0: {  	v63 =	vshll.u32 v3, $0x3  }
0x1d1: {  	v3 =	vand.u32 $0x7, v3;
	v4 =	vand.u32 $0xFFFFFFC0, v63  }
0x1d2: {  	v3 =	vor.u32 v3, v4  }
0x1d3: {  	v4 =	vperm.xlane v3, v0;
	_ =	sdelay $0x1  }
0x1d4: {  	v4 =	vadd.s32 v1, v4;
	_ =	sdelay $0x3  }
0x1d5: {  	s15 =	simm.s32 $0x8100  }
0x1d6: {  	[tilespmem:s15], [sflag:$0x1] =	stream.indirect_vreg.gather [hbm4b:s3+s8], $0x80, v4, vm0, $0xb8;
	[tilespmem:$0x18100] =	vst v63  }
0x1d7: {  	s16 =	simm.s32 $0x8900;
	v3 =	vperm.xlane v3, v2  }
0x1d8: {  	[tilespmem:s16], [sflag:$0x1] =	stream.indirect_vreg.gather [hbm4b:s5+s8], $0x80, v4, vm0, $0xb8;
	[tilespmem:$0x18100] =	vst v63  }
0x1d9: {  	s11 =	simm.s32 $0x9100;
	v3 =	vadd.s32 v1, v3  }
0x1da: {  	[tilespmem:s11], [sflag:$0x1] =	stream.indirect_vreg.gather [hbm4b:s6+s8], $0x80, v4, vm0, $0xb8;
	[tilespmem:$0x18100] =	vst v63  }
0x1db: {  	s12 =	simm.s32 $0x9900  }
0x1dc: {  	[tilespmem:s12], [sflag:$0x1] =	stream.indirect_vreg.gather [hbm4b:s9+s8], $0x80, v4, vm0, $0xb8;
	[tilespmem:$0x18100] =	vst v63  }
0x1dd: {  	s13 =	simm.s32 $0xA100  }
0x1de: {  	[tilespmem:s13], [sflag:$0x1] =	stream.indirect_vreg.gather [hbm4b:s3+s8], $0x80, v3, vm0, $0xb8;
	[tilespmem:$0x18100] =	vst v63  }
0x1df: {  	s14 =	simm.s32 $0xA900  }
0x1e0: {  	[tilespmem:s14], [sflag:$0x1] =	stream.indirect_vreg.gather [hbm4b:s5+s8], $0x80, v3, vm0, $0xb8;
	[tilespmem:$0x18100] =	vst v63  }
0x1e1: {  	s15 =	simm.s32 $0xB100  }
0x1e2: {  	[tilespmem:s15], [sflag:$0x1] =	stream.indirect_vreg.gather [hbm4b:s6+s8], $0x80, v3, vm0, $0xb8;
	[tilespmem:$0x18100] =	vst v63  }
0x1e3: {  	s16 =	simm.s32 $0xB900  }
0x1e4: {  	[tilespmem:s16], [sflag:$0x1] =	stream.indirect_vreg.gather [hbm4b:s9+s8], $0x80, v3, vm0, $0xb8;
	[tilespmem:$0x18100] =	vst v63  }
0x1e5: {  	_ =	swait.ge [sflag:s30], $0x4000  }
0x1e6: {  	[sflag:s30] =	ssyncset.done $0x0  }
0x1e7: {  	[sflag:s30] =	ssyncadd.s32 $0xFFFFC000  }
0x1e8: {  	_ =	swait.ge [sflag:s30], $0x4000  }
0x1e9: {  	[sflag:s30] =	ssyncset.done $0x0  }
0x1ea: {  	[sflag:s30] =	ssyncadd.s32 $0xFFFFC000  }
0x1eb: {  	_ =	swait.ge [sflag:s1], $0x4000  }
0x1ec: {  	[sflag:s1] =	ssyncset.done $0x0  }
0x1ed: {  	s10 =	simm.s32 $0x0;
	[sflag:s1] =	ssyncadd.s32 $0xFFFFC000  }
.LBB2_22:
0x1ee: {  	s11 =	sshll.u32 s10, $0xA;
	s12 =	sshll.u32 s10, $0x7  }
0x1ef: {  	s11 =	sand.u32 $0x2000, s11;
	s12 =	sand.u32 $0x380, s12  }
0x1f0: {  	s16 =	sand.u32 $0x1C00, s8;
	s11 =	sor.u32 s12, s11  }
0x1f1: {  	s13 =	sand.u32 $0x70, s8;
	s12 =	sor.u32 s16, s11  }
0x1f2: {  	s12 =	sor.u32 s13, s12  }
0x1f3: {  	v3 =	vld [tilespmem:s12+$0x4100]  }
0x1f4: {  	v4 =	vld [tilespmem:s12+$0xC100]  }
0x1f5: {  	s14 =	simm.s32 $0x80;
	s13 =	simm.s32 $0x10  }
.LBB2_23:
0x1f6: {  	s15 =	sand.u32 $0x70, s13;
	s16 =	sand.u32 $0x1C00, s14;
	p0 =	sne.s32 s13, $0x3F0  }
.Ltmp10:
0x1f7: {  	s13 =	sadd.s32 $0x10, s13;
	s16 =	sor.u32 s16, s11;
	(pc) =	sbr.rel @p0 .LBB2_23-.Ltmp10, $4  }
0x1f8: {  	s15 =	sor.u32 s15, s16  }
0x1f9: {  	v5 =	vadd.f32 v4, v3;
	v3 =	vld [tilespmem:s15+$0x4100]  }
0x1fa: {  	v4 =	vld [tilespmem:s15+$0xC100]  }
0x1fb: {  	s14 =	sadd.s32 $0x80, s14;
	[tilespmem:s12+$0x14100] =	vst v5;
	s12 =	smov.u32 s15  }
0x1fc: {  	s10 =	sadd.s32 $0x1, s10  }
0x1fd: {  	p0 =	sne.s32 s10, $0x10  }
.Ltmp11:
0x1fe: {  	_ = 	snop;
	(pc) =	sbr.rel @p0 .LBB2_22-.Ltmp11, $3  }
0x1ff: {  	_ = 	snop  }
0x200: {  	v3 =	vadd.f32 v4, v3;
	_ =	sdelay $0x1  }
0x201: {  	[tilespmem:s12+$0x14100] =	vst v3  }
0x202: {  	s8 =	simm.s32 $0x0;
	s10 =	rddreg [dreg:$0xa]  }
0x203: {  	[hbm4b:s10+s8] =	stream.linear.scatter [tilespmem:s31], [sflag:$0x4], $0x4000, $0x38;
	[tilespmem:$0x18100] =	vst v63  }
0x204: {  	v3 =	vld [tilespmem:$0x70];
	_ =	sdelay $0x4  }
0x205: {  	v4 =	vshll.u32 v3, $0x3  }
0x206: {  	v3 =	vand.u32 $0x7, v3;
	v4 =	vand.u32 $0xFFFFFFC0, v4  }
0x207: {  	v3 =	vor.u32 v3, v4  }
0x208: {  	v4 =	vperm.xlane v3, v0;
	_ =	sdelay $0x1  }
0x209: {  	v4 =	vadd.s32 v1, v4;
	_ =	sdelay $0x3  }
0x20a: {  	s11 =	simm.s32 $0x4100  }
0x20b: {  	[tilespmem:s11], [sflag:$0x2] =	stream.indirect_vreg.gather [hbm4b:s3+s8], $0x80, v4, vm0, $0xb8;
	[tilespmem:$0x18100] =	vst v63  }
0x20c: {  	s12 =	simm.s32 $0x4900;
	v3 =	vperm.xlane v3, v2  }
0x20d: {  	[tilespmem:s12], [sflag:$0x2] =	stream.indirect_vreg.gather [hbm4b:s5+s8], $0x80, v4, vm0, $0xb8;
	[tilespmem:$0x18100] =	vst v63  }
0x20e: {  	s13 =	simm.s32 $0x5100;
	v3 =	vadd.s32 v1, v3  }
0x20f: {  	[tilespmem:s13], [sflag:$0x2] =	stream.indirect_vreg.gather [hbm4b:s6+s8], $0x80, v4, vm0, $0xb8;
	[tilespmem:$0x18100] =	vst v63  }
0x210: {  	s14 =	simm.s32 $0x5900  }
0x211: {  	[tilespmem:s14], [sflag:$0x2] =	stream.indirect_vreg.gather [hbm4b:s9+s8], $0x80, v4, vm0, $0xb8;
	[tilespmem:$0x18100] =	vst v63  }
0x212: {  	s15 =	simm.s32 $0x6100  }
0x213: {  	[tilespmem:s15], [sflag:$0x2] =	stream.indirect_vreg.gather [hbm4b:s3+s8], $0x80, v3, vm0, $0xb8;
	[tilespmem:$0x18100] =	vst v63  }
0x214: {  	s16 =	simm.s32 $0x6900  }
0x215: {  	[tilespmem:s16], [sflag:$0x2] =	stream.indirect_vreg.gather [hbm4b:s5+s8], $0x80, v3, vm0, $0xb8;
	[tilespmem:$0x18100] =	vst v63  }
0x216: {  	_ = 	snop  }
0x217: {  	[tilespmem:s17], [sflag:$0x2] =	stream.indirect_vreg.gather [hbm4b:s6+s8], $0x80, v3, vm0, $0xb8;
	[tilespmem:$0x18100] =	vst v63  }
0x218: {  	_ = 	snop  }
0x219: {  	[tilespmem:s4], [sflag:$0x2] =	stream.indirect_vreg.gather [hbm4b:s9+s8], $0x80, v3, vm0, $0xb8;
	[tilespmem:$0x18100] =	vst v63  }
0x21a: {  	v3 =	vld [tilespmem:$0xF0];
	_ =	sdelay $0x4  }
0x21b: {  	v63 =	vshll.u32 v3, $0x3  }
0x21c: {  	v3 =	vand.u32 $0x7, v3;
	v4 =	vand.u32 $0xFFFFFFC0, v63  }
0x21d: {  	v3 =	vor.u32 v3, v4  }
0x21e: {  	v4 =	vperm.xlane v3, v0;
	_ =	sdelay $0x1  }
0x21f: {  	v4 =	vadd.s32 v1, v4;
	_ =	sdelay $0x4  }
0x220: {  	[tilespmem:s7], [sflag:$0x2] =	stream.indirect_vreg.gather [hbm4b:s3+s8], $0x80, v4, vm0, $0xb8;
	[tilespmem:$0x18100] =	vst v63  }
0x221: {  	v3 =	vperm.xlane v3, v2  }
0x222: {  	[tilespmem:s20], [sflag:$0x2] =	stream.indirect_vreg.gather [hbm4b:s5+s8], $0x80, v4, vm0, $0xb8;
	[tilespmem:$0x18100] =	vst v63  }
0x223: {  	v3 =	vadd.s32 v1, v3  }
0x224: {  	[tilespmem:s21], [sflag:$0x2] =	stream.indirect_vreg.gather [hbm4b:s6+s8], $0x80, v4, vm0, $0xb8;
	[tilespmem:$0x18100] =	vst v63  }
0x225: {  	_ = 	snop  }
0x226: {  	[tilespmem:s22], [sflag:$0x2] =	stream.indirect_vreg.gather [hbm4b:s9+s8], $0x80, v4, vm0, $0xb8;
	[tilespmem:$0x18100] =	vst v63  }
0x227: {  	_ = 	snop  }
0x228: {  	[tilespmem:s23], [sflag:$0x2] =	stream.indirect_vreg.gather [hbm4b:s3+s8], $0x80, v3, vm0, $0xb8;
	[tilespmem:$0x18100] =	vst v63  }
0x229: {  	_ = 	snop  }
0x22a: {  	[tilespmem:s24], [sflag:$0x2] =	stream.indirect_vreg.gather [hbm4b:s5+s8], $0x80, v3, vm0, $0xb8;
	[tilespmem:$0x18100] =	vst v63  }
0x22b: {  	_ = 	snop  }
0x22c: {  	[tilespmem:s25], [sflag:$0x2] =	stream.indirect_vreg.gather [hbm4b:s6+s8], $0x80, v3, vm0, $0xb8;
	[tilespmem:$0x18100] =	vst v63  }
0x22d: {  	_ = 	snop  }
0x22e: {  	[tilespmem:s26], [sflag:$0x2] =	stream.indirect_vreg.gather [hbm4b:s9+s8], $0x80, v3, vm0, $0xb8;
	[tilespmem:$0x18100] =	vst v63  }
0x22f: {  	_ =	swait.ge [sflag:s28], $0x4000  }
0x230: {  	[sflag:s28] =	ssyncset.done $0x0  }
0x231: {  	[sflag:s28] =	ssyncadd.s32 $0xFFFFC000  }
0x232: {  	_ =	swait.ge [sflag:s28], $0x4000  }
0x233: {  	[sflag:s28] =	ssyncset.done $0x0  }
0x234: {  	[sflag:s28] =	ssyncadd.s32 $0xFFFFC000  }
0x235: {  	_ =	swait.ge [sflag:s0], $0x4000  }
0x236: {  	[sflag:s0] =	ssyncset.done $0x0  }
0x237: {  	s10 =	simm.s32 $0x0;
	[sflag:s0] =	ssyncadd.s32 $0xFFFFC000  }
.LBB2_26:
0x238: {  	s11 =	sshll.u32 s10, $0xA;
	s12 =	sshll.u32 s10, $0x7  }
0x239: {  	s11 =	sand.u32 $0x2000, s11;
	s12 =	sand.u32 $0x380, s12  }
0x23a: {  	s16 =	sand.u32 $0x1C00, s8;
	s11 =	sor.u32 s11, s12  }
0x23b: {  	s13 =	sand.u32 $0x70, s8;
	s12 =	sor.u32 s16, s11  }
0x23c: {  	s12 =	sor.u32 s13, s12  }
0x23d: {  	v3 =	vld [tilespmem:s12+$0x100]  }
0x23e: {  	v4 =	vld [tilespmem:s12+$0x8100]  }
0x23f: {  	s14 =	simm.s32 $0x80;
	s13 =	simm.s32 $0x10  }
.LBB2_27:
0x240: {  	s15 =	sand.u32 $0x70, s13;
	s16 =	sand.u32 $0x1C00, s14;
	p0 =	sne.s32 s13, $0x3F0  }
.Ltmp12:
0x241: {  	s13 =	sadd.s32 $0x10, s13;
	s16 =	sor.u32 s16, s11;
	(pc) =	sbr.rel @p0 .LBB2_27-.Ltmp12, $4  }
0x242: {  	s15 =	sor.u32 s15, s16  }
0x243: {  	v5 =	vadd.f32 v4, v3;
	v3 =	vld [tilespmem:s15+$0x100]  }
0x244: {  	v4 =	vld [tilespmem:s15+$0x8100]  }
0x245: {  	s14 =	sadd.s32 $0x80, s14;
	[tilespmem:s12+$0x10100] =	vst v5;
	s12 =	smov.u32 s15  }
0x246: {  	s10 =	sadd.s32 $0x1, s10  }
0x247: {  	p0 =	sne.s32 s10, $0x10  }
.Ltmp13:
0x248: {  	_ = 	snop;
	(pc) =	sbr.rel @p0 .LBB2_26-.Ltmp13, $3  }
0x249: {  	_ = 	snop  }
0x24a: {  	v3 =	vadd.f32 v4, v3;
	_ =	sdelay $0x1  }
0x24b: {  	[tilespmem:s12+$0x10100] =	vst v3  }
0x24c: {  	s8 =	simm.s32 $0x0;
	s10 =	rddreg [dreg:$0xb]  }
0x24d: {  	[hbm4b:s10+s8] =	stream.linear.scatter [tilespmem:s29], [sflag:$0x3], $0x4000, $0x38;
	[tilespmem:$0x18100] =	vst v63  }
0x24e: {  	_ =	swait.ge [sflag:s30], $0x4000  }
0x24f: {  	[sflag:s30] =	ssyncset.done $0x0  }
0x250: {  	[sflag:s30] =	ssyncadd.s32 $0xFFFFC000  }
0x251: {  	_ =	swait.ge [sflag:s30], $0x4000  }
0x252: {  	[sflag:s30] =	ssyncset.done $0x0  }
0x253: {  	[sflag:s30] =	ssyncadd.s32 $0xFFFFC000  }
0x254: {  	_ =	swait.ge [sflag:s1], $0x4000  }
0x255: {  	[sflag:s1] =	ssyncset.done $0x0  }
0x256: {  	s10 =	simm.s32 $0x0;
	[sflag:s1] =	ssyncadd.s32 $0xFFFFC000  }
.LBB2_30:
0x257: {  	s11 =	sshll.u32 s10, $0xA;
	s12 =	sshll.u32 s10, $0x7  }
0x258: {  	s11 =	sand.u32 $0x2000, s11;
	s12 =	sand.u32 $0x380, s12  }
0x259: {  	s16 =	sand.u32 $0x1C00, s8;
	s11 =	sor.u32 s12, s11  }
0x25a: {  	s13 =	sand.u32 $0x70, s8;
	s12 =	sor.u32 s16, s11  }
0x25b: {  	s12 =	sor.u32 s13, s12  }
0x25c: {  	v3 =	vld [tilespmem:s12+$0x4100]  }
0x25d: {  	v4 =	vld [tilespmem:s12+$0xC100]  }
0x25e: {  	s14 =	simm.s32 $0x80;
	s13 =	simm.s32 $0x10  }
.LBB2_31:
0x25f: {  	s15 =	sand.u32 $0x70, s13;
	s16 =	sand.u32 $0x1C00, s14;
	p0 =	sne.s32 s13, $0x3F0  }
.Ltmp14:
0x260: {  	s13 =	sadd.s32 $0x10, s13;
	s16 =	sor.u32 s16, s11;
	(pc) =	sbr.rel @p0 .LBB2_31-.Ltmp14, $4  }
0x261: {  	s15 =	sor.u32 s15, s16  }
0x262: {  	v5 =	vadd.f32 v4, v3;
	v3 =	vld [tilespmem:s15+$0x4100]  }
0x263: {  	v4 =	vld [tilespmem:s15+$0xC100]  }
0x264: {  	s14 =	sadd.s32 $0x80, s14;
	[tilespmem:s12+$0x14100] =	vst v5;
	s12 =	smov.u32 s15  }
0x265: {  	s10 =	sadd.s32 $0x1, s10  }
0x266: {  	p0 =	sne.s32 s10, $0x10  }
.Ltmp15:
0x267: {  	_ = 	snop;
	(pc) =	sbr.rel @p0 .LBB2_30-.Ltmp15, $3  }
0x268: {  	_ = 	snop  }
0x269: {  	v3 =	vadd.f32 v4, v3;
	_ =	sdelay $0x1  }
0x26a: {  	[tilespmem:s12+$0x14100] =	vst v3  }
0x26b: {  	s8 =	rddreg [dreg:$0xc]  }
0x26c: {  	[hbm4b:s8+s2] =	stream.linear.scatter [tilespmem:s31], [sflag:$0x4], $0x4000, $0x38;
	[tilespmem:$0x18100] =	vst v63  }
0x26d: {  	_ =	swait.ge [sflag:s0], $0x4000  }
0x26e: {  	[sflag:s0] =	ssyncset.done $0x0  }
0x26f: {  	[sflag:s0] =	ssyncadd.s32 $0xFFFFC000  }
0x270: {  	_ =	swait.ge [sflag:s1], $0x4000  }
0x271: {  	s19 =	sadd.s32 $0x1, s19;
	s16 =	rddreg [dreg:$0xd]  }
0x272: {  	p0 =	sne.s32 s19, s16  }
.Ltmp16:
0x273: {  	_ = 	snop;
	(pc) =	sbr.rel @p0 .LBB2_1-.Ltmp16, $3  }
0x274: {  	_ =	sdelay $0x1  }
0x275: {  	[sflag:s1] =	ssyncset.done $0x0  }
0x276: {  	[sflag:s1] =	ssyncadd.s32 $0xFFFFC000  }
0x277: {  	_ =	sfence.sel $0x180000  }
0x278: {  	[bflag:$0x0] =	sbarrier.arrive $0xFFFF  }
0x279: {  	_ =	strace $0x9000004A  }
0x27a: {  	s0 =	stileid.u32;
	[bflag:$0x2] =	sbarrier.arrive $0xFFFF  }
0x27b: {  	p0 =	sne.s32 s0, $0x0;
	s0 =	rddreg [dreg:$0x2]  }
0x27c: {  	s0 =	sadd.s32 @!p0 $0x100000, s0  }
0x27d: {  	[sflag:s0] =	ssyncadd.tile.s32 @!p0 $0x1;
	_ =	shalt  }
.Lfunc_end2:
_tile_overlayer_lowered:
.L_overlay_start_2:
0x27e: {  	(tag) =	ssettag $0x2  }
0x27f: {  	s0 =	rddreg [dreg:$0x0];
	s2 =	stileid.u32  }
0x280: {  	s1 =	rddreg [dreg:$0x1];
	p0 =	sne.s32 s2, $0x0  }
0x281: {  	s3 =	rddreg [dreg:$0x2];
	[bflag:$0x3] =	sbarrier.arrive $0xFFFF;
	s2 =	simm.s32 @!p0 $0x1C05  }
0x282: {  	[timem:s3], [sflag:s2] =	dma.local @!p0 [hbm:s0], s1  }
0x283: {  	s0 =	simm.s32 @!p0 $0x5  }
0x284: {  	_ =	swait.ge @!p0 [sflag:s0], s1  }
0x285: {  	s1 =	ssub.s32 @!p0 $0x0, s1;
	[sflag:s0] =	ssyncset.done @!p0 $0x0  }
0x286: {  	[sflag:s0] =	ssyncadd.s32 @!p0 s1  }
0x287: {  	[bflag:$0x3] =	sbarrier.arrive $0xFFFF  }
0x288: {  	_ =	shalt  }

// kernel: kernel.7.cloned.1.call-start
scs
__scs_entry_jumppad:
0x0: {  	(pc) =	sbr.rel $0x88, $3  }
0x1: {  	(tag) =	ssettag $0x0;
	lr =	simm.s32 $0x1  }
0x2: {  	[smem:$0x3F9D] =	sst lr;
	_ =	strace $0xD0000000  }
0x3: {  	_ = 	snop  }
0x4: {  	_ = 	snop  }
0x5: {  	_ = 	snop  }
0x6: {  	_ = 	snop  }
0x7: {  	_ = 	snop  }
__scs_overlays_trampoline_lowered:
0x8: {  	[smem:$0x3FAC] =	sst s0  }
0x9: {  	[smem:$0x3FAD] =	sst s1  }
0xa: {  	[smem:$0x3FAE] =	sst s2  }
0xb: {  	[smem:$0x3FAF] =	sst s3  }
0xc: {  	[smem:$0x3FB0] =	sst s4  }
0xd: {  	[smem:$0x3FB1] =	sst s5  }
0xe: {  	[smem:$0x3FB2] =	sst s6  }
0xf: {  	[smem:$0x3FB3] =	sst s7  }
0x10: {  	[smem:$0x3FB4] =	sst s8  }
0x11: {  	[smem:$0x3FB5] =	sst s9;
	s0 =	simm.s32 @!p0 $0x0  }
0x12: {  	s1 =	sld [smem:$0x3F9B];
	s0 =	simm.s32 @p0 $0x1  }
0x13: {  	[smem:$0x3FB6] =	sst s0;
	s0 =	simm.s32 @!p1 $0x0  }
0x14: {  	s2 =	sld [smem:$0x3F9A];
	s0 =	simm.s32 @p1 $0x1  }
0x15: {  	[smem:$0x3FB7] =	sst s0;
	s0 =	simm.s32 @!p2 $0x0  }
0x16: {  	s3 =	sld [smem:$0x3FDB];
	s0 =	simm.s32 @p2 $0x1  }
0x17: {  	s4 =	simm.s32 $0x1BF5;
	[smem:$0x3FB9] =	sst s0  }
0x18: {  	s0 =	sld [smem:$0x3F9C];
	_ =	swait.ge [sflag:s4], $0x0  }
0x19: {  	s7 =	sld [smem:$0x3F9D]  }
0x1a: {  	s8 =	sadd.s32 $0xFFFFE003, lr  }
0x1b: {  	s9 =	sadd.s32 $0xFFFFFEF7, lr;
	s5 =	simm.s32 $0xFFFFFFFF;
	p2 =	slt.u32 s8, $0xFFFFF086  }
0x1c: {  	p1 =	slt.u32 s9, $0xF7A;
	s5 =	simm.s32 @!p2 $0x0  }
0x1d: {  	s5 =	simm.s32 @p1 $0x1;
	p0 =	seq.s32 s7, s2  }
0x1e: {  	s7 =	smul.u32 @!p0 $0xF7A, s2;
	p2 =	seq.s32 @!p0 s5, $0x0  }
0x1f: {  	s9 =	smul.u32 $0xF7A, s1;
	s8 =	simm.s32 @!p0 $0x1BF5;
	p2 =	por !p2, p0  }
0x20: {  	[sflag:s8] =	ssyncset.s32 @!p0 $0xFFFFF086;
	s6 =	sadd.s32 @!p0 s3, s7;
	s7 =	simm.s32 @!p0 $0x108  }
0x21: {  	s3 =	sadd.s32 s3, s9;
	s6 =	sadd.s32 @!p0 $0x88, s6;
	s7 =	simm.s32 @p2 $0x1082  }
0x22: {  	[simem:s7], [sflag:s8] =	dma.local @!p0 [hbm:s6], $0xF7A  }
0x23: {  	s9 =	sor.u32 $0xD0000000, s2;
	s6 =	simm.s32 $0x108;
	_ =	swait.ge @!p0 [sflag:s8], $0x0  }
0x24: {  	s3 =	sadd.s32 $0x88, s3;
	s6 =	simm.s32 @!p1 $0x1082;
	[sflag:s4] =	ssyncset.s32 $0xFFFFF086  }
0x25: {  	[simem:s6], [sflag:s4] =	dma.local [hbm:s3], $0xF7A  }
0x26: {  	[smem:$0x3F9D] =	sst s1;
	(tag) =	ssettag s2;
	_ =	strace s9  }
0x27: {  	s1 =	sld [smem:$0x3FAD]  }
0x28: {  	s2 =	sld [smem:$0x3FAE]  }
0x29: {  	s4 =	sld [smem:$0x3FB0]  }
0x2a: {  	p0 =	seq.s32 s5, $0x0;
	s5 =	sld [smem:$0x3FB1]  }
0x2b: {  	s6 =	sld [smem:$0x3FB2]  }
0x2c: {  	s7 =	sld [smem:$0x3FB3]  }
0x2d: {  	s3 =	simm.s32 $0x108;
	s8 =	sld [smem:$0x3FB4]  }
0x2e: {  	s3 =	simm.s32 @!p0 $0x1082;
	s9 =	sld [smem:$0x3FB5]  }
0x2f: {  	lr =	sadd.s32 s0, s3;
	s0 =	sld [smem:$0x3FAC]  }
0x30: {  	s3 =	sld [smem:$0x3FAF]  }
0x31: {  	[smem:$0x3FB8] =	sst s10  }
0x32: {  	s10 =	sld [smem:$0x3FB6];
	_ =	sdelay $0x3  }
0x33: {  	p0 =	seq.s32 s10, $0x1;
	s10 =	sld [smem:$0x3FB8];
	_ =	sdelay $0x3  }
0x34: {  	[smem:$0x3FB8] =	sst s10  }
0x35: {  	s10 =	sld [smem:$0x3FB7];
	_ =	sdelay $0x3  }
0x36: {  	p1 =	seq.s32 s10, $0x1;
	s10 =	sld [smem:$0x3FB8];
	_ =	sdelay $0x3  }
0x37: {  	[smem:$0x3FB8] =	sst s10  }
0x38: {  	s10 =	sld [smem:$0x3FB9]  }
0x39: {  	_ = 	snop;
	(pc) =	sbr.ind lr, $3  }
0x3a: {  	_ = 	snop  }
0x3b: {  	_ = 	snop  }
0x3c: {  	p2 =	seq.s32 s10, $0x1;
	s10 =	sld [smem:$0x3FB8]  }
0x3d: {  	_ =	shalt  }
0x3e: {  	_ =	shalt  }
0x3f: {  	_ =	shalt  }
0x40: {  	_ =	shalt  }
0x41: {  	_ =	shalt  }
0x42: {  	_ =	shalt  }
0x43: {  	_ =	shalt  }
0x44: {  	_ =	shalt  }
0x45: {  	_ =	shalt  }
0x46: {  	_ =	shalt  }
0x47: {  	_ =	shalt  }
0x48: {  	_ =	shalt  }
0x49: {  	_ =	shalt  }
0x4a: {  	_ =	shalt  }
0x4b: {  	_ =	shalt  }
0x4c: {  	_ =	shalt  }
0x4d: {  	_ =	shalt  }
0x4e: {  	_ =	shalt  }
0x4f: {  	_ =	shalt  }
0x50: {  	_ =	shalt  }
0x51: {  	_ =	shalt  }
0x52: {  	_ =	shalt  }
0x53: {  	_ =	shalt  }
0x54: {  	_ =	shalt  }
0x55: {  	_ =	shalt  }
0x56: {  	_ =	shalt  }
0x57: {  	_ =	shalt  }
0x58: {  	_ =	shalt  }
0x59: {  	_ =	shalt  }
0x5a: {  	_ =	shalt  }
0x5b: {  	_ =	shalt  }
0x5c: {  	_ =	shalt  }
0x5d: {  	_ =	shalt  }
0x5e: {  	_ =	shalt  }
0x5f: {  	_ =	shalt  }
0x60: {  	_ =	shalt  }
0x61: {  	_ =	shalt  }
0x62: {  	_ =	shalt  }
0x63: {  	_ =	shalt  }
0x64: {  	_ =	shalt  }
0x65: {  	_ =	shalt  }
0x66: {  	_ =	shalt  }
0x67: {  	_ =	shalt  }
0x68: {  	_ =	shalt  }
0x69: {  	_ =	shalt  }
0x6a: {  	_ =	shalt  }
0x6b: {  	_ =	shalt  }
0x6c: {  	_ =	shalt  }
0x6d: {  	_ =	shalt  }
0x6e: {  	_ =	shalt  }
0x6f: {  	_ =	shalt  }
0x70: {  	_ =	shalt  }
0x71: {  	_ =	shalt  }
0x72: {  	_ =	shalt  }
0x73: {  	_ =	shalt  }
0x74: {  	_ =	shalt  }
0x75: {  	_ =	shalt  }
0x76: {  	_ =	shalt  }
0x77: {  	_ =	shalt  }
0x78: {  	_ =	shalt  }
0x79: {  	_ =	shalt  }
0x7a: {  	_ =	shalt  }
0x7b: {  	_ =	shalt  }
0x7c: {  	_ =	shalt  }
0x7d: {  	_ =	shalt  }
0x7e: {  	_ =	shalt  }
0x7f: {  	_ =	shalt  }
0x80: {  	_ =	shalt  }
0x81: {  	_ =	shalt  }
0x82: {  	_ =	shalt  }
0x83: {  	_ =	shalt  }
0x84: {  	_ =	shalt  }
0x85: {  	_ =	shalt  }
0x86: {  	_ =	shalt  }
0x87: {  	_ =	shalt  }
.Lfunc_end0:
.L_simem_size_0:
called_computation_lowered:
.L_overlay_start_0:
0x88: {  	s2 =	sld [smem:$0x3FD9]  }
0x89: {  	s3 =	sld [smem:$0x3FFE];
	_ =	sdelay $0x1  }
0x8a: {  	s1 =	srdreg.scid  }
0x8b: {  	s0 =	sand.u32 $0x1, s1  }
0x8c: {  	s17 =	sshll.u32 s0, $0xA;
	s2 =	sadd.s32 s3, s2  }
0x8d: {  	s2 =	sadd.s32 s2, s17  }
0x8e: {  	[smem:$0x3FC4] =	sst s2  }
0x8f: {  	_ = 	snop  }
0x90: {  	s2 =	sld [smem:$0x3FC9]  }
0x91: {  	s18 =	sld [smem:$0x3FD0];
	(tm) =	ssettm $0x1  }
0x92: {  	s4 =	sld [smem:$0x3FFB];
	_ =	sdelay $0x3  }
0x93: {  	_ =	strace s4  }
0x94: {  	s4 =	sld [smem:$0x3FFC];
	_ =	sdelay $0x3  }
0x95: {  	_ =	strace s4  }
0x96: {  	s4 =	sld [smem:$0x3FFD];
	_ =	sdelay $0x3  }
0x97: {  	_ =	strace s4  }
0x98: {  	_ =	strace $0x8FFFFFFF  }
0x99: {  	s19 =	sld [smem:$0x3FDB];
	_ =	sdelay $0x1  }
0x9a: {  	s5 =	simm.s32 $_scs_section_size  }
0x9b: {  	s6 =	simm.s32 $_size__tile_overlayer_lowered;
	s7 =	simm.s32 $_tile_overlayer_lowered  }
0x9c: {  	s22 =	simm.s32 $0x1BFF;
	s21 =	sshll.u32 s7, $0x1;
	s4 =	sadd.s32 s5, s19  }
0x9d: {  	s8 =	simm.s32 $0x0;
	s20 =	sshll.u32 s6, $0x1;
	s6 =	sadd.s32 s21, s4  }
0x9e: {  	[timem:s8], [sflag:s22] =	dma.local [hbm:s6], s20  }
0x9f: {  	_ =	swait.ge [sflag:s22], s20  }
0xa0: {  	s5 =	ssub.s32 $0x0, s20;
	[sflag:s22] =	ssyncset.done $0x0  }
0xa1: {  	[sflag:s22] =	ssyncadd.s32 s5;
	_ =	sdelay $0x1  }
0xa2: {  	s23 =	simm.s32 $0x1B8B  }
0xa3: {  	_ =	swait.ge [sflag:s23], $0x1  }
0xa4: {  	[sflag:s23] =	ssyncset.done $0x0  }
0xa5: {  	s25 =	simm.s32 $0x1B8E;
	s24 =	sld [smem:$0x3FFE];
	[sflag:s23] =	ssyncadd.s32 $0xFFFFFFFF  }
0xa6: {  	s26 =	simm.s32 $execute0_lowered;
	[smem:$0x3FD2] =	sst s25  }
0xa7: {  	s6 =	sshll.u32 s26, $0x1;
	_ =	strace $0x80000046;
	[dreg:$0x1] =	wrdreg $0xFFFFFFFF  }
0xa8: {  	s28 =	simm.s32 $_size_execute0_lowered;
	s4 =	sadd.s32 s4, s6;
	[dreg:$0x0] =	wrdreg $0x0  }
0xa9: {  	s6 =	sshll.u32 s28, $0x1;
	[dreg:$0x2] =	wrdreg s4  }
0xaa: {  	[dreg:$0x3] =	wrdreg s6  }
0xab: {  	[dreg:$0x4] =	wrdreg $0xC0  }
0xac: {  	_ =	task [dreg:s8], $0x5FFFF  }
0xad: {  	[dreg:$0x1] =	wrdreg $0xFFFFFFFF  }
0xae: {  	[dreg:$0x0] =	wrdreg $0x60  }
0xaf: {  	[dreg:$0x2] =	wrdreg s2  }
0xb0: {  	[dreg:$0x3] =	wrdreg s24  }
0xb1: {  	[dreg:$0x4] =	wrdreg s18  }
0xb2: {  	[dreg:$0x5] =	wrdreg $0x9  }
0xb3: {  	_ =	task.clear_ibuf [dreg:s8], $0x6FFFF;
	_ =	strace $0x90000046  }
0xb4: {  	s29 =	simm.s32 $0x9;
	_ =	strace $0x80000048  }
0xb5: {  	_ =	swait.ge [sflag:s29], $0x1  }
0xb6: {  	[sflag:s29] =	ssyncadd.s32 $0xFFFFFFFF  }
0xb7: {  	_ =	strace $0x90000048  }
0xb8: {  	_ =	sfence  }
0xb9: {  	s30 =	sld [smem:$0x0];
	_ =	sdelay $0x2  }
0xba: {  	s31 =	sshll.u32 s1, $0xD;
	s1 =	sshrl.u32 s1, $0x2  }
0xbb: {  	s3 =	sand.u32 $0x4000, s31;
	s1 =	sadd.s32 s1, s30  }
0xbc: {  	s0 =	sor.u32 s3, s0;
	s1 =	sshll.u32 s1, $0x11  }
0xbd: {  	s0 =	sor.u32 s1, s0  }
0xbe: {  	s0 =	sadd.s32 $0x8F2B, s0  }
0xbf: {  	[sflag:s0] =	ssyncadd.remote.s32 $0x1  }
0xc0: {  	_ =	sfence.sel $0xFFFF  }
0xc1: {  	[dreg:$0x0] =	wrdreg $0xFFFFFFFF;
	(pc) =	sbr.abs _section_cstart, $3  }
0xc2: {  	[dreg:$0x1] =	wrdreg $0xFFFFFFFF  }
0xc3: {  	_ =	task.clear_ibuf [dreg:s8], $0x2FFFF;
	_ =	strace $0x9FFFFFFF  }
0xc4: {  	(tm) =	ssettm $0x7FFFFFFF  }
0xc5: {  	_ =	shalt  }
tec
execute0_lowered:
.L_overlay_start_1:
0x0: {  	(tag) =	ssettag $0x1  }
0x1: {  	s0 =	srdreg.scid  }
0x2: {  	s3 =	stileid.u32;
	s0 =	sand.u32 $0x1, s0  }
0x3: {  	s1 =	rddreg [dreg:$0x0];
	s3 =	sshll.u32 s3, $0x8;
	s4 =	sshll.u32 s0, $0x7  }
0x4: {  	s2 =	rddreg [dreg:$0x1];
	s18 =	simm.s32 $0x1;
	s4 =	sor.u32 s4, s3  }
0x5: {  	s3 =	simm.s32 $0x0;
	s5 =	sshll.u32 s4, $0x7;
	s4 =	sshrl.u32 s4, $0x3  }
0x6: {  	s28 =	simm.s32 $0x5;
	[smem:$0x7FF] =	sst s3;
	s4 =	sadd.s32 s2, s4  }
0x7: {  	s5 =	sadd.s32 s1, s5;
	_ =	strace $0x80000047;
	[dreg:$0xf] =	wrdreg s4  }
0x8: {  	s31 =	simm.s32 $0x3A00;
	s1 =	sadd.s32 $0x800, s5;
	[dreg:$0xe] =	wrdreg s5  }
0x9: {  	s6 =	sadd.s32 $0x800, s2;
	s19 =	sadd.s32 $0x1000, s5;
	[dreg:$0x4] =	wrdreg s1  }
0xa: {  	s7 =	sadd.s32 $0x900, s2;
	s20 =	sadd.s32 $0x1800, s5;
	[dreg:$0x5] =	wrdreg s19  }
0xb: {  	s8 =	sadd.s32 $0xA00, s2;
	s21 =	sadd.s32 $0x400, s4;
	[dreg:$0x6] =	wrdreg s20  }
0xc: {  	s9 =	sadd.s32 $0xB00, s2;
	s22 =	sadd.s32 $0x600, s4;
	[dreg:$0x7] =	wrdreg s21  }
0xd: {  	s0 =	ssub.s32 $0x2, s0;
	s23 =	sadd.s32 $0x200, s4;
	[dreg:$0x8] =	wrdreg s22  }
0xe: {  	s25 =	sshrl.u32 s0, $0x1;
	s24 =	sadd.s32 $0x2000, s5;
	[dreg:$0x9] =	wrdreg s23  }
0xf: {  	s0 =	ssub.s32 s0, s25;
	s26 =	sadd.s32 $0x2800, s5;
	[dreg:$0xa] =	wrdreg s24  }
0x10: {  	v2 =	vlaneseq.u32;
	s10 =	smax.u32 s0, $0x1;
	s29 =	sadd.s32 $0x3000, s5;
	[dreg:$0xb] =	wrdreg s26  }
0x11: {  	vm0 =	vmmov $0xffff;
	v1 =	vshrl.u32 v2, $0x3;
	s30 =	sadd.s32 $0x3800, s5;
	s5 =	simm.s32 $0x6;
	[dreg:$0xc] =	wrdreg s29  }
0x12: {  	v0 =	vand.u32 $0x7, v2;
	v2 =	vor.u32 $0x8, v2;
	v1 =	vmul.u32 $0x8, v1;
	[dreg:$0xd] =	wrdreg s30;
	s20 =	simm.s32 $0x9;
	s26 =	simm.s32 $0x7  }
.LBB2_1:
0x13: {  	s22 =	rddreg [dreg:$0xe];
	s12 =	simm.s32 $0x200  }
0x14: {  	[tilespmem:s12], [sflag:$0x2] =	stream.linear.gather [hbm4b:s22+s3], $0x4000, $0x38;
	[tilespmem:$0x10200] =	vst v63  }
0x15: {  	s21 =	rddreg [dreg:$0x4];
	s0 =	simm.s32 $0x4200  }
0x16: {  	[tilespmem:s0], [sflag:$0x3] =	stream.linear.gather [hbm4b:s21+s3], $0x4000, $0x38;
	[tilespmem:$0x10200] =	vst v63  }
0x17: {  	s24 =	rddreg [dreg:$0x5];
	s29 =	simm.s32 $0x8200  }
0x18: {  	[tilespmem:s29], [sflag:$0x4] =	stream.linear.gather [hbm4b:s24+s3], $0x4000, $0x38;
	[tilespmem:$0x10200] =	vst v63  }
0x19: {  	s25 =	rddreg [dreg:$0x6];
	s1 =	simm.s32 $0xC200  }
0x1a: {  	[tilespmem:s1], [sflag:$0x5] =	stream.linear.gather [hbm4b:s25+s3], $0x4000, $0x38;
	[tilespmem:$0x10200] =	vst v63  }
0x1b: {  	s30 =	rddreg [dreg:$0x7]  }
0x1c: {  	[tilespmem:s3], [sflag:$0x1] =	stream.linear.gather [hbm4b:s30+s3], $0x80, $0x38;
	[tilespmem:$0x10200] =	vst v63  }
0x1d: {  	s2 =	rddreg [dreg:$0x8];
	s23 =	simm.s32 $0x80  }
0x1e: {  	[tilespmem:s23], [sflag:$0x1] =	stream.linear.gather [hbm4b:s2+s3], $0x80, $0x38;
	[tilespmem:$0x10200] =	vst v63  }
0x1f: {  	s11 =	rddreg [dreg:$0xf];
	s24 =	simm.s32 $0x100  }
0x20: {  	[tilespmem:s24], [sflag:$0x1] =	stream.linear.gather [hbm4b:s11+s3], $0x80, $0x38;
	[tilespmem:$0x10200] =	vst v63  }
0x21: {  	s4 =	rddreg [dreg:$0x9];
	s13 =	simm.s32 $0x180  }
0x22: {  	[tilespmem:s13], [sflag:$0x1] =	stream.linear.gather [hbm4b:s4+s3], $0x80, $0x38;
	[tilespmem:$0x10200] =	vst v63  }
0x23: {  	_ =	swait.ge [sflag:s18], $0x80  }
0x24: {  	[sflag:s18] =	ssyncset.done $0x0  }
0x25: {  	[sflag:s18] =	ssyncadd.s32 $0xFFFFFF80  }
0x26: {  	_ =	swait.ge [sflag:s18], $0x80  }
0x27: {  	[sflag:s18] =	ssyncset.done $0x0  }
0x28: {  	[sflag:s18] =	ssyncadd.s32 $0xFFFFFF80  }
0x29: {  	_ =	swait.ge [sflag:s18], $0x80  }
0x2a: {  	[sflag:s18] =	ssyncset.done $0x0  }
0x2b: {  	[sflag:s18] =	ssyncadd.s32 $0xFFFFFF80  }
0x2c: {  	_ =	swait.ge [sflag:s18], $0x80  }
0x2d: {  	[sflag:s18] =	ssyncset.done $0x0  }
0x2e: {  	[sflag:s18] =	ssyncadd.s32 $0xFFFFFF80  }
0x2f: {  	s14 =	rddreg [dreg:$0x2]  }
0x30: {  	[hbm4b:s14+s23] =	stream.indirect.scatter [tilespmem:s3], [sflag:$0x1], $0x1, s24, s23, $0xb8;
	[tilespmem:$0x10200] =	vst v63  }
0x31: {  	s29 =	simm.s32 $0x2  }
0x32: {  	[hbm4b:s14+s23] =	stream.indirect.scatter [tilespmem:s23], [sflag:$0x1], $0x1, s13, s23, $0xb8;
	[tilespmem:$0x10200] =	vst v63  }
0x33: {  	_ =	swait.ge [sflag:s29], $0x4000  }
0x34: {  	[sflag:s29] =	ssyncset.done $0x0  }
0x35: {  	[sflag:s29] =	ssyncadd.s32 $0xFFFFC000  }
0x36: {  	v3 =	vld [tilespmem:$0x100];
	_ =	sdelay $0x4  }
0x37: {  	v4 =	vshll.u32 v3, $0x3  }
0x38: {  	v3 =	vand.u32 $0x7, v3;
	v4 =	vand.u32 $0xFFFFFFC0, v4  }
0x39: {  	v3 =	vor.u32 v3, v4  }
0x3a: {  	v4 =	vperm.xlane v3, v0;
	_ =	sdelay $0x1  }
0x3b: {  	v4 =	vadd.s32 v1, v4;
	_ =	sdelay $0x4  }
0x3c: {  	[hbm4b:s6+s3] =	stream.indirect_vreg.scatter [tilespmem:s12], [sflag:$0x6], $0x80, v4, vm0, $0xb8;
	[tilespmem:$0x10200] =	vst v63  }
0x3d: {  	s15 =	simm.s32 $0xA00;
	v3 =	vperm.xlane v3, v2  }
0x3e: {  	[hbm4b:s7+s3] =	stream.indirect_vreg.scatter [tilespmem:s15], [sflag:$0x6], $0x80, v4, vm0, $0xb8;
	[tilespmem:$0x10200] =	vst v63  }
0x3f: {  	s16 =	simm.s32 $0x1200;
	v3 =	vadd.s32 v1, v3  }
0x40: {  	[hbm4b:s8+s3] =	stream.indirect_vreg.scatter [tilespmem:s16], [sflag:$0x6], $0x80, v4, vm0, $0xb8;
	[tilespmem:$0x10200] =	vst v63  }
0x41: {  	s17 =	simm.s32 $0x1A00  }
0x42: {  	[hbm4b:s9+s3] =	stream.indirect_vreg.scatter [tilespmem:s17], [sflag:$0x6], $0x80, v4, vm0, $0xb8;
	[tilespmem:$0x10200] =	vst v63  }
0x43: {  	s19 =	simm.s32 $0x2200  }
0x44: {  	[hbm4b:s6+s3] =	stream.indirect_vreg.scatter [tilespmem:s19], [sflag:$0x6], $0x80, v3, vm0, $0xb8;
	[tilespmem:$0x10200] =	vst v63  }
0x45: {  	s21 =	simm.s32 $0x2A00  }
0x46: {  	[hbm4b:s7+s3] =	stream.indirect_vreg.scatter [tilespmem:s21], [sflag:$0x6], $0x80, v3, vm0, $0xb8;
	[tilespmem:$0x10200] =	vst v63  }
0x47: {  	s22 =	simm.s32 $0x3200  }
0x48: {  	[hbm4b:s8+s3] =	stream.indirect_vreg.scatter [tilespmem:s22], [sflag:$0x6], $0x80, v3, vm0, $0xb8;
	[tilespmem:$0x10200] =	vst v63  }
0x49: {  	s23 =	simm.s32 $0x3A00  }
0x4a: {  	[hbm4b:s9+s3] =	stream.indirect_vreg.scatter [tilespmem:s23], [sflag:$0x6], $0x80, v3, vm0, $0xb8;
	[tilespmem:$0x10200] =	vst v63  }
0x4b: {  	v3 =	vld [tilespmem:$0x180];
	_ =	sdelay $0x4  }
0x4c: {  	v49 =	vshll.u32 v3, $0x3  }
0x4d: {  	v3 =	vand.u32 $0x7, v3;
	v4 =	vand.u32 $0xFFFFFFC0, v49  }
0x4e: {  	v3 =	vor.u32 v3, v4  }
0x4f: {  	v4 =	vperm.xlane v3, v0;
	_ =	sdelay $0x1  }
0x50: {  	v4 =	vadd.s32 v1, v4;
	_ =	sdelay $0x4  }
0x51: {  	[hbm4b:s6+s3] =	stream.indirect_vreg.scatter [tilespmem:s12], [sflag:$0x6], $0x80, v4, vm0, $0xb8;
	[tilespmem:$0x10200] =	vst v63  }
0x52: {  	s14 =	simm.s32 $0xA00;
	v3 =	vperm.xlane v3, v2  }
0x53: {  	[hbm4b:s7+s3] =	stream.indirect_vreg.scatter [tilespmem:s14], [sflag:$0x6], $0x80, v4, vm0, $0xb8;
	[tilespmem:$0x10200] =	vst v63  }
0x54: {  	s1 =	simm.s32 $0x1200;
	v3 =	vadd.s32 v1, v3  }
0x55: {  	[hbm4b:s8+s3] =	stream.indirect_vreg.scatter [tilespmem:s1], [sflag:$0x6], $0x80, v4, vm0, $0xb8;
	[tilespmem:$0x10200] =	vst v63  }
0x56: {  	s2 =	simm.s32 $0x1A00  }
0x57: {  	[hbm4b:s9+s3] =	stream.indirect_vreg.scatter [tilespmem:s2], [sflag:$0x6], $0x80, v4, vm0, $0xb8;
	[tilespmem:$0x10200] =	vst v63  }
0x58: {  	s4 =	simm.s32 $0x2200  }
0x59: {  	[hbm4b:s6+s3] =	stream.indirect_vreg.scatter [tilespmem:s4], [sflag:$0x6], $0x80, v3, vm0, $0xb8;
	[tilespmem:$0x10200] =	vst v63  }
0x5a: {  	s11 =	simm.s32 $0x2A00  }
0x5b: {  	[hbm4b:s7+s3] =	stream.indirect_vreg.scatter [tilespmem:s11], [sflag:$0x6], $0x80, v3, vm0, $0xb8;
	[tilespmem:$0x10200] =	vst v63  }
0x5c: {  	s13 =	simm.s32 $0x3200  }
0x5d: {  	[hbm4b:s8+s3] =	stream.indirect_vreg.scatter [tilespmem:s13], [sflag:$0x6], $0x80, v3, vm0, $0xb8;
	[tilespmem:$0x10200] =	vst v63  }
0x5e: {  	s24 =	simm.s32 $0x3A00  }
0x5f: {  	[hbm4b:s9+s3] =	stream.indirect_vreg.scatter [tilespmem:s24], [sflag:$0x6], $0x80, v3, vm0, $0xb8;
	[tilespmem:$0x10200] =	vst v63  }
0x60: {  	_ =	swait.ge [sflag:s5], $0x4000  }
0x61: {  	[sflag:s5] =	ssyncset.done $0x0  }
0x62: {  	[sflag:s5] =	ssyncadd.s32 $0xFFFFC000  }
0x63: {  	_ =	swait.ge [sflag:s5], $0x4000  }
0x64: {  	[sflag:s5] =	ssyncset.done $0x0  }
0x65: {  	s4 =	simm.s32 $0x3;
	s25 =	rddreg [dreg:$0xa];
	[sflag:s5] =	ssyncadd.s32 $0xFFFFC000  }
0x66: {  	[tilespmem:s12], [sflag:$0x2] =	stream.linear.gather [hbm4b:s25+s3], $0x4000, $0x38;
	[tilespmem:$0x10200] =	vst v63  }
0x67: {  	_ =	swait.ge [sflag:s4], $0x4000  }
0x68: {  	[sflag:s4] =	ssyncset.done $0x0  }
0x69: {  	[sflag:s4] =	ssyncadd.s32 $0xFFFFC000  }
0x6a: {  	v3 =	vld [tilespmem:$0x110];
	_ =	sdelay $0x4  }
0x6b: {  	v50 =	vshll.u32 v3, $0x3  }
0x6c: {  	v3 =	vand.u32 $0x7, v3;
	v4 =	vand.u32 $0xFFFFFFC0, v50  }
0x6d: {  	v3 =	vor.u32 v3, v4  }
0x6e: {  	v4 =	vperm.xlane v3, v0;
	_ =	sdelay $0x1  }
0x6f: {  	v4 =	vadd.s32 v1, v4;
	_ =	sdelay $0x3  }
0x70: {  	s0 =	simm.s32 $0x4200  }
0x71: {  	[hbm4b:s6+s3] =	stream.indirect_vreg.scatter [tilespmem:s0], [sflag:$0x7], $0x80, v4, vm0, $0xb8;
	[tilespmem:$0x10200] =	vst v63  }
0x72: {  	s30 =	simm.s32 $0x4A00;
	v3 =	vperm.xlane v3, v2  }
0x73: {  	[hbm4b:s7+s3] =	stream.indirect_vreg.scatter [tilespmem:s30], [sflag:$0x7], $0x80, v4, vm0, $0xb8;
	[tilespmem:$0x10200] =	vst v63  }
0x74: {  	s2 =	simm.s32 $0x5200;
	v3 =	vadd.s32 v1, v3  }
0x75: {  	[hbm4b:s8+s3] =	stream.indirect_vreg.scatter [tilespmem:s2], [sflag:$0x7], $0x80, v4, vm0, $0xb8;
	[tilespmem:$0x10200] =	vst v63  }
0x76: {  	s13 =	simm.s32 $0x5A00  }
0x77: {  	[hbm4b:s9+s3] =	stream.indirect_vreg.scatter [tilespmem:s13], [sflag:$0x7], $0x80, v4, vm0, $0xb8;
	[tilespmem:$0x10200] =	vst v63  }
0x78: {  	s17 =	simm.s32 $0x6200  }
0x79: {  	[hbm4b:s6+s3] =	stream.indirect_vreg.scatter [tilespmem:s17], [sflag:$0x7], $0x80, v3, vm0, $0xb8;
	[tilespmem:$0x10200] =	vst v63  }
0x7a: {  	s21 =	simm.s32 $0x6A00  }
0x7b: {  	[hbm4b:s7+s3] =	stream.indirect_vreg.scatter [tilespmem:s21], [sflag:$0x7], $0x80, v3, vm0, $0xb8;
	[tilespmem:$0x10200] =	vst v63  }
0x7c: {  	s23 =	simm.s32 $0x7200  }
0x7d: {  	[hbm4b:s8+s3] =	stream.indirect_vreg.scatter [tilespmem:s23], [sflag:$0x7], $0x80, v3, vm0, $0xb8;
	[tilespmem:$0x10200] =	vst v63  }
0x7e: {  	s24 =	simm.s32 $0x7A00  }
0x7f: {  	[hbm4b:s9+s3] =	stream.indirect_vreg.scatter [tilespmem:s24], [sflag:$0x7], $0x80, v3, vm0, $0xb8;
	[tilespmem:$0x10200] =	vst v63  }
0x80: {  	v3 =	vld [tilespmem:$0x190];
	_ =	sdelay $0x4  }
0x81: {  	v51 =	vshll.u32 v3, $0x3  }
0x82: {  	v3 =	vand.u32 $0x7, v3;
	v4 =	vand.u32 $0xFFFFFFC0, v51  }
0x83: {  	v3 =	vor.u32 v3, v4  }
0x84: {  	v4 =	vperm.xlane v3, v0;
	_ =	sdelay $0x1  }
0x85: {  	v4 =	vadd.s32 v1, v4;
	_ =	sdelay $0x4  }
0x86: {  	[hbm4b:s6+s3] =	stream.indirect_vreg.scatter [tilespmem:s0], [sflag:$0x7], $0x80, v4, vm0, $0xb8;
	[tilespmem:$0x10200] =	vst v63  }
0x87: {  	s16 =	simm.s32 $0x4A00;
	v3 =	vperm.xlane v3, v2  }
0x88: {  	[hbm4b:s7+s3] =	stream.indirect_vreg.scatter [tilespmem:s16], [sflag:$0x7], $0x80, v4, vm0, $0xb8;
	[tilespmem:$0x10200] =	vst v63  }
0x89: {  	s11 =	simm.s32 $0x5200;
	v3 =	vadd.s32 v1, v3  }
0x8a: {  	[hbm4b:s8+s3] =	stream.indirect_vreg.scatter [tilespmem:s11], [sflag:$0x7], $0x80, v4, vm0, $0xb8;
	[tilespmem:$0x10200] =	vst v63  }
0x8b: {  	s14 =	simm.s32 $0x5A00  }
0x8c: {  	[hbm4b:s9+s3] =	stream.indirect_vreg.scatter [tilespmem:s14], [sflag:$0x7], $0x80, v4, vm0, $0xb8;
	[tilespmem:$0x10200] =	vst v63  }
0x8d: {  	s19 =	simm.s32 $0x6200  }
0x8e: {  	[hbm4b:s6+s3] =	stream.indirect_vreg.scatter [tilespmem:s19], [sflag:$0x7], $0x80, v3, vm0, $0xb8;
	[tilespmem:$0x10200] =	vst v63  }
0x8f: {  	s22 =	simm.s32 $0x6A00  }
0x90: {  	[hbm4b:s7+s3] =	stream.indirect_vreg.scatter [tilespmem:s22], [sflag:$0x7], $0x80, v3, vm0, $0xb8;
	[tilespmem:$0x10200] =	vst v63  }
0x91: {  	s15 =	simm.s32 $0x7200  }
0x92: {  	[hbm4b:s8+s3] =	stream.indirect_vreg.scatter [tilespmem:s15], [sflag:$0x7], $0x80, v3, vm0, $0xb8;
	[tilespmem:$0x10200] =	vst v63  }
0x93: {  	s25 =	simm.s32 $0x7A00  }
0x94: {  	[hbm4b:s9+s3] =	stream.indirect_vreg.scatter [tilespmem:s25], [sflag:$0x7], $0x80, v3, vm0, $0xb8;
	[tilespmem:$0x10200] =	vst v63  }
0x95: {  	_ =	swait.ge [sflag:s26], $0x4000  }
0x96: {  	[sflag:s26] =	ssyncset.done $0x0  }
0x97: {  	[sflag:s26] =	ssyncadd.s32 $0xFFFFC000  }
0x98: {  	_ =	swait.ge [sflag:s26], $0x4000  }
0x99: {  	s30 =	simm.s32 $0x4200;
	[sflag:s26] =	ssyncset.done $0x0  }
0x9a: {  	s0 =	simm.s32 $0x4;
	s13 =	rddreg [dreg:$0xb];
	[sflag:s26] =	ssyncadd.s32 $0xFFFFC000  }
0x9b: {  	[tilespmem:s30], [sflag:$0x3] =	stream.linear.gather [hbm4b:s13+s3], $0x4000, $0x38;
	[tilespmem:$0x10200] =	vst v63  }
0x9c: {  	_ =	swait.ge [sflag:s0], $0x4000  }
0x9d: {  	[sflag:s0] =	ssyncset.done $0x0  }
0x9e: {  	[sflag:s0] =	ssyncadd.s32 $0xFFFFC000  }
0x9f: {  	v3 =	vld [tilespmem:$0x120];
	_ =	sdelay $0x4  }
0xa0: {  	v52 =	vshll.u32 v3, $0x3  }
0xa1: {  	v3 =	vand.u32 $0x7, v3;
	v4 =	vand.u32 $0xFFFFFFC0, v52  }
0xa2: {  	v3 =	vor.u32 v3, v4  }
0xa3: {  	v4 =	vperm.xlane v3, v0;
	_ =	sdelay $0x1  }
0xa4: {  	v4 =	vadd.s32 v1, v4;
	_ =	sdelay $0x3  }
0xa5: {  	s1 =	simm.s32 $0x8200  }
0xa6: {  	[hbm4b:s6+s3] =	stream.indirect_vreg.scatter [tilespmem:s1], [sflag:$0x8], $0x80, v4, vm0, $0xb8;
	[tilespmem:$0x10200] =	vst v63  }
0xa7: {  	s14 =	simm.s32 $0x8A00;
	v3 =	vperm.xlane v3, v2  }
0xa8: {  	[hbm4b:s7+s3] =	stream.indirect_vreg.scatter [tilespmem:s14], [sflag:$0x8], $0x80, v4, vm0, $0xb8;
	[tilespmem:$0x10200] =	vst v63  }
0xa9: {  	s21 =	simm.s32 $0x9200;
	v3 =	vadd.s32 v1, v3  }
0xaa: {  	[hbm4b:s8+s3] =	stream.indirect_vreg.scatter [tilespmem:s21], [sflag:$0x8], $0x80, v4, vm0, $0xb8;
	[tilespmem:$0x10200] =	vst v63  }
0xab: {  	s23 =	simm.s32 $0x9A00  }
0xac: {  	[hbm4b:s9+s3] =	stream.indirect_vreg.scatter [tilespmem:s23], [sflag:$0x8], $0x80, v4, vm0, $0xb8;
	[tilespmem:$0x10200] =	vst v63  }
0xad: {  	s24 =	simm.s32 $0xA200  }
0xae: {  	[hbm4b:s6+s3] =	stream.indirect_vreg.scatter [tilespmem:s24], [sflag:$0x8], $0x80, v3, vm0, $0xb8;
	[tilespmem:$0x10200] =	vst v63  }
0xaf: {  	s25 =	simm.s32 $0xAA00  }
0xb0: {  	[hbm4b:s7+s3] =	stream.indirect_vreg.scatter [tilespmem:s25], [sflag:$0x8], $0x80, v3, vm0, $0xb8;
	[tilespmem:$0x10200] =	vst v63  }
0xb1: {  	s14 =	simm.s32 $0xB200  }
0xb2: {  	[hbm4b:s8+s3] =	stream.indirect_vreg.scatter [tilespmem:s14], [sflag:$0x8], $0x80, v3, vm0, $0xb8;
	[tilespmem:$0x10200] =	vst v63  }
0xb3: {  	s17 =	simm.s32 $0xBA00  }
0xb4: {  	[hbm4b:s9+s3] =	stream.indirect_vreg.scatter [tilespmem:s17], [sflag:$0x8], $0x80, v3, vm0, $0xb8;
	[tilespmem:$0x10200] =	vst v63  }
0xb5: {  	v3 =	vld [tilespmem:$0x1A0];
	_ =	sdelay $0x4  }
0xb6: {  	v53 =	vshll.u32 v3, $0x3  }
0xb7: {  	v3 =	vand.u32 $0x7, v3;
	v4 =	vand.u32 $0xFFFFFFC0, v53  }
0xb8: {  	v3 =	vor.u32 v3, v4  }
0xb9: {  	v4 =	vperm.xlane v3, v0;
	_ =	sdelay $0x1  }
0xba: {  	v4 =	vadd.s32 v1, v4;
	_ =	sdelay $0x4  }
0xbb: {  	[hbm4b:s6+s3] =	stream.indirect_vreg.scatter [tilespmem:s1], [sflag:$0x8], $0x80, v4, vm0, $0xb8;
	[tilespmem:$0x10200] =	vst v63  }
0xbc: {  	s15 =	simm.s32 $0x8A00;
	v3 =	vperm.xlane v3, v2  }
0xbd: {  	[hbm4b:s7+s3] =	stream.indirect_vreg.scatter [tilespmem:s15], [sflag:$0x8], $0x80, v4, vm0, $0xb8;
	[tilespmem:$0x10200] =	vst v63  }
0xbe: {  	s22 =	simm.s32 $0x9200;
	v3 =	vadd.s32 v1, v3  }
0xbf: {  	[hbm4b:s8+s3] =	stream.indirect_vreg.scatter [tilespmem:s22], [sflag:$0x8], $0x80, v4, vm0, $0xb8;
	[tilespmem:$0x10200] =	vst v63  }
0xc0: {  	_ = 	snop  }
0xc1: {  	[hbm4b:s9+s3] =	stream.indirect_vreg.scatter [tilespmem:s23], [sflag:$0x8], $0x80, v4, vm0, $0xb8;
	[tilespmem:$0x10200] =	vst v63  }
0xc2: {  	_ = 	snop  }
0xc3: {  	[hbm4b:s6+s3] =	stream.indirect_vreg.scatter [tilespmem:s24], [sflag:$0x8], $0x80, v3, vm0, $0xb8;
	[tilespmem:$0x10200] =	vst v63  }
0xc4: {  	s30 =	simm.s32 $0xAA00  }
0xc5: {  	[hbm4b:s7+s3] =	stream.indirect_vreg.scatter [tilespmem:s30], [sflag:$0x8], $0x80, v3, vm0, $0xb8;
	[tilespmem:$0x10200] =	vst v63  }
0xc6: {  	s16 =	simm.s32 $0xB200  }
0xc7: {  	[hbm4b:s8+s3] =	stream.indirect_vreg.scatter [tilespmem:s16], [sflag:$0x8], $0x80, v3, vm0, $0xb8;
	[tilespmem:$0x10200] =	vst v63  }
0xc8: {  	s19 =	simm.s32 $0xBA00;
	s1 =	simm.s32 $0x8  }
0xc9: {  	[hbm4b:s9+s3] =	stream.indirect_vreg.scatter [tilespmem:s19], [sflag:$0x8], $0x80, v3, vm0, $0xb8;
	[tilespmem:$0x10200] =	vst v63  }
0xca: {  	_ =	swait.ge [sflag:s1], $0x4000  }
0xcb: {  	[sflag:s1] =	ssyncset.done $0x0  }
0xcc: {  	[sflag:s1] =	ssyncadd.s32 $0xFFFFC000  }
0xcd: {  	_ =	swait.ge [sflag:s1], $0x4000  }
0xce: {  	[sflag:s1] =	ssyncset.done $0x0  }
0xcf: {  	s21 =	simm.s32 $0x8200;
	s22 =	rddreg [dreg:$0xc];
	[sflag:s1] =	ssyncadd.s32 $0xFFFFC000  }
0xd0: {  	[tilespmem:s21], [sflag:$0x4] =	stream.linear.gather [hbm4b:s22+s3], $0x4000, $0x38;
	[tilespmem:$0x10200] =	vst v63  }
0xd1: {  	_ =	swait.ge [sflag:s28], $0x4000  }
0xd2: {  	[sflag:s28] =	ssyncset.done $0x0  }
0xd3: {  	[sflag:s28] =	ssyncadd.s32 $0xFFFFC000  }
0xd4: {  	v3 =	vld [tilespmem:$0x130];
	_ =	sdelay $0x4  }
0xd5: {  	v54 =	vshll.u32 v3, $0x3  }
0xd6: {  	v3 =	vand.u32 $0x7, v3;
	v4 =	vand.u32 $0xFFFFFFC0, v54  }
0xd7: {  	v3 =	vor.u32 v3, v4  }
0xd8: {  	v4 =	vperm.xlane v3, v0;
	_ =	sdelay $0x1  }
0xd9: {  	v4 =	vadd.s32 v1, v4;
	_ =	sdelay $0x3  }
0xda: {  	s25 =	simm.s32 $0xC200  }
0xdb: {  	[hbm4b:s6+s3] =	stream.indirect_vreg.scatter [tilespmem:s25], [sflag:$0x9], $0x80, v4, vm0, $0xb8;
	[tilespmem:$0x10200] =	vst v63  }
0xdc: {  	s22 =	simm.s32 $0xCA00;
	v3 =	vperm.xlane v3, v2  }
0xdd: {  	[hbm4b:s7+s3] =	stream.indirect_vreg.scatter [tilespmem:s22], [sflag:$0x9], $0x80, v4, vm0, $0xb8;
	[tilespmem:$0x10200] =	vst v63  }
0xde: {  	s2 =	simm.s32 $0xD200;
	v3 =	vadd.s32 v1, v3  }
0xdf: {  	[hbm4b:s8+s3] =	stream.indirect_vreg.scatter [tilespmem:s2], [sflag:$0x9], $0x80, v4, vm0, $0xb8;
	[tilespmem:$0x10200] =	vst v63  }
0xe0: {  	s11 =	simm.s32 $0xDA00  }
0xe1: {  	[hbm4b:s9+s3] =	stream.indirect_vreg.scatter [tilespmem:s11], [sflag:$0x9], $0x80, v4, vm0, $0xb8;
	[tilespmem:$0x10200] =	vst v63  }
0xe2: {  	s13 =	simm.s32 $0xE200  }
0xe3: {  	[hbm4b:s6+s3] =	stream.indirect_vreg.scatter [tilespmem:s13], [sflag:$0x9], $0x80, v3, vm0, $0xb8;
	[tilespmem:$0x10200] =	vst v63  }
0xe4: {  	s14 =	simm.s32 $0xEA00  }
0xe5: {  	[hbm4b:s7+s3] =	stream.indirect_vreg.scatter [tilespmem:s14], [sflag:$0x9], $0x80, v3, vm0, $0xb8;
	[tilespmem:$0x10200] =	vst v63  }
0xe6: {  	s15 =	simm.s32 $0xF200  }
0xe7: {  	[hbm4b:s8+s3] =	stream.indirect_vreg.scatter [tilespmem:s15], [sflag:$0x9], $0x80, v3, vm0, $0xb8;
	[tilespmem:$0x10200] =	vst v63  }
0xe8: {  	s16 =	simm.s32 $0xFA00  }
0xe9: {  	[hbm4b:s9+s3] =	stream.indirect_vreg.scatter [tilespmem:s16], [sflag:$0x9], $0x80, v3, vm0, $0xb8;
	[tilespmem:$0x10200] =	vst v63  }
0xea: {  	v3 =	vld [tilespmem:$0x1B0];
	_ =	sdelay $0x4  }
0xeb: {  	v55 =	vshll.u32 v3, $0x3  }
0xec: {  	v3 =	vand.u32 $0x7, v3;
	v4 =	vand.u32 $0xFFFFFFC0, v55  }
0xed: {  	v3 =	vor.u32 v3, v4  }
0xee: {  	v4 =	vperm.xlane v3, v0;
	_ =	sdelay $0x1  }
0xef: {  	v4 =	vadd.s32 v1, v4;
	_ =	sdelay $0x4  }
0xf0: {  	[hbm4b:s6+s3] =	stream.indirect_vreg.scatter [tilespmem:s25], [sflag:$0x9], $0x80, v4, vm0, $0xb8;
	[tilespmem:$0x10200] =	vst v63  }
0xf1: {  	v3 =	vperm.xlane v3, v2  }
0xf2: {  	[hbm4b:s7+s3] =	stream.indirect_vreg.scatter [tilespmem:s22], [sflag:$0x9], $0x80, v4, vm0, $0xb8;
	[tilespmem:$0x10200] =	vst v63  }
0xf3: {  	v3 =	vadd.s32 v1, v3  }
0xf4: {  	[hbm4b:s8+s3] =	stream.indirect_vreg.scatter [tilespmem:s2], [sflag:$0x9], $0x80, v4, vm0, $0xb8;
	[tilespmem:$0x10200] =	vst v63  }
0xf5: {  	_ = 	snop  }
0xf6: {  	[hbm4b:s9+s3] =	stream.indirect_vreg.scatter [tilespmem:s11], [sflag:$0x9], $0x80, v4, vm0, $0xb8;
	[tilespmem:$0x10200] =	vst v63  }
0xf7: {  	_ = 	snop  }
0xf8: {  	[hbm4b:s6+s3] =	stream.indirect_vreg.scatter [tilespmem:s13], [sflag:$0x9], $0x80, v3, vm0, $0xb8;
	[tilespmem:$0x10200] =	vst v63  }
0xf9: {  	_ = 	snop  }
0xfa: {  	[hbm4b:s7+s3] =	stream.indirect_vreg.scatter [tilespmem:s14], [sflag:$0x9], $0x80, v3, vm0, $0xb8;
	[tilespmem:$0x10200] =	vst v63  }
0xfb: {  	_ = 	snop  }
0xfc: {  	[hbm4b:s8+s3] =	stream.indirect_vreg.scatter [tilespmem:s15], [sflag:$0x9], $0x80, v3, vm0, $0xb8;
	[tilespmem:$0x10200] =	vst v63  }
0xfd: {  	_ = 	snop  }
0xfe: {  	[hbm4b:s9+s3] =	stream.indirect_vreg.scatter [tilespmem:s16], [sflag:$0x9], $0x80, v3, vm0, $0xb8;
	[tilespmem:$0x10200] =	vst v63  }
0xff: {  	_ =	swait.ge [sflag:s20], $0x4000  }
0x100: {  	[sflag:s20] =	ssyncset.done $0x0  }
0x101: {  	[sflag:s20] =	ssyncadd.s32 $0xFFFFC000  }
0x102: {  	_ =	swait.ge [sflag:s20], $0x4000  }
0x103: {  	[sflag:s20] =	ssyncset.done $0x0  }
0x104: {  	s17 =	simm.s32 $0xC200;
	s30 =	rddreg [dreg:$0xd];
	[sflag:s20] =	ssyncadd.s32 $0xFFFFC000  }
0x105: {  	[tilespmem:s17], [sflag:$0x5] =	stream.linear.gather [hbm4b:s30+s3], $0x4000, $0x38;
	[tilespmem:$0x10200] =	vst v63  }
0x106: {  	_ =	swait.ge [sflag:s29], $0x4000  }
0x107: {  	[sflag:s29] =	ssyncset.done $0x0  }
0x108: {  	[sflag:s29] =	ssyncadd.s32 $0xFFFFC000  }
0x109: {  	v3 =	vld [tilespmem:$0x140];
	_ =	sdelay $0x4  }
0x10a: {  	v56 =	vshll.u32 v3, $0x3  }
0x10b: {  	v3 =	vand.u32 $0x7, v3;
	v4 =	vand.u32 $0xFFFFFFC0, v56  }
0x10c: {  	v3 =	vor.u32 v3, v4  }
0x10d: {  	v4 =	vperm.xlane v3, v0;
	_ =	sdelay $0x1  }
0x10e: {  	v4 =	vadd.s32 v1, v4;
	_ =	sdelay $0x4  }
0x10f: {  	[hbm4b:s6+s3] =	stream.indirect_vreg.scatter [tilespmem:s12], [sflag:$0x6], $0x80, v4, vm0, $0xb8;
	[tilespmem:$0x10200] =	vst v63  }
0x110: {  	s30 =	simm.s32 $0xA00;
	v3 =	vperm.xlane v3, v2  }
0x111: {  	[hbm4b:s7+s3] =	stream.indirect_vreg.scatter [tilespmem:s30], [sflag:$0x6], $0x80, v4, vm0, $0xb8;
	[tilespmem:$0x10200] =	vst v63  }
0x112: {  	s21 =	simm.s32 $0x1200;
	v3 =	vadd.s32 v1, v3  }
0x113: {  	[hbm4b:s8+s3] =	stream.indirect_vreg.scatter [tilespmem:s21], [sflag:$0x6], $0x80, v4, vm0, $0xb8;
	[tilespmem:$0x10200] =	vst v63  }
0x114: {  	s29 =	simm.s32 $0x1A00  }
0x115: {  	[hbm4b:s9+s3] =	stream.indirect_vreg.scatter [tilespmem:s29], [sflag:$0x6], $0x80, v4, vm0, $0xb8;
	[tilespmem:$0x10200] =	vst v63  }
0x116: {  	s19 =	simm.s32 $0x2200  }
0x117: {  	[hbm4b:s6+s3] =	stream.indirect_vreg.scatter [tilespmem:s19], [sflag:$0x6], $0x80, v3, vm0, $0xb8;
	[tilespmem:$0x10200] =	vst v63  }
0x118: {  	s17 =	simm.s32 $0x2A00  }
0x119: {  	[hbm4b:s7+s3] =	stream.indirect_vreg.scatter [tilespmem:s17], [sflag:$0x6], $0x80, v3, vm0, $0xb8;
	[tilespmem:$0x10200] =	vst v63  }
0x11a: {  	s25 =	simm.s32 $0x3200  }
0x11b: {  	[hbm4b:s8+s3] =	stream.indirect_vreg.scatter [tilespmem:s25], [sflag:$0x6], $0x80, v3, vm0, $0xb8;
	[tilespmem:$0x10200] =	vst v63  }
0x11c: {  	_ = 	snop  }
0x11d: {  	[hbm4b:s9+s3] =	stream.indirect_vreg.scatter [tilespmem:s31], [sflag:$0x6], $0x80, v3, vm0, $0xb8;
	[tilespmem:$0x10200] =	vst v63  }
0x11e: {  	v3 =	vld [tilespmem:$0x1C0];
	_ =	sdelay $0x4  }
0x11f: {  	v57 =	vshll.u32 v3, $0x3  }
0x120: {  	v3 =	vand.u32 $0x7, v3;
	v4 =	vand.u32 $0xFFFFFFC0, v57  }
0x121: {  	v3 =	vor.u32 v3, v4  }
0x122: {  	v4 =	vperm.xlane v3, v0;
	_ =	sdelay $0x1  }
0x123: {  	v4 =	vadd.s32 v1, v4;
	_ =	sdelay $0x4  }
0x124: {  	[hbm4b:s6+s3] =	stream.indirect_vreg.scatter [tilespmem:s12], [sflag:$0x6], $0x80, v4, vm0, $0xb8;
	[tilespmem:$0x10200] =	vst v63  }
0x125: {  	v3 =	vperm.xlane v3, v2  }
0x126: {  	[hbm4b:s7+s3] =	stream.indirect_vreg.scatter [tilespmem:s30], [sflag:$0x6], $0x80, v4, vm0, $0xb8;
	[tilespmem:$0x10200] =	vst v63  }
0x127: {  	v3 =	vadd.s32 v1, v3  }
0x128: {  	[hbm4b:s8+s3] =	stream.indirect_vreg.scatter [tilespmem:s21], [sflag:$0x6], $0x80, v4, vm0, $0xb8;
	[tilespmem:$0x10200] =	vst v63  }
0x129: {  	_ = 	snop  }
0x12a: {  	[hbm4b:s9+s3] =	stream.indirect_vreg.scatter [tilespmem:s29], [sflag:$0x6], $0x80, v4, vm0, $0xb8;
	[tilespmem:$0x10200] =	vst v63  }
0x12b: {  	_ = 	snop  }
0x12c: {  	[hbm4b:s6+s3] =	stream.indirect_vreg.scatter [tilespmem:s19], [sflag:$0x6], $0x80, v3, vm0, $0xb8;
	[tilespmem:$0x10200] =	vst v63  }
0x12d: {  	_ = 	snop  }
0x12e: {  	[hbm4b:s7+s3] =	stream.indirect_vreg.scatter [tilespmem:s17], [sflag:$0x6], $0x80, v3, vm0, $0xb8;
	[tilespmem:$0x10200] =	vst v63  }
0x12f: {  	_ = 	snop  }
0x130: {  	[hbm4b:s8+s3] =	stream.indirect_vreg.scatter [tilespmem:s25], [sflag:$0x6], $0x80, v3, vm0, $0xb8;
	[tilespmem:$0x10200] =	vst v63  }
0x131: {  	_ = 	snop  }
0x132: {  	[hbm4b:s9+s3] =	stream.indirect_vreg.scatter [tilespmem:s31], [sflag:$0x6], $0x80, v3, vm0, $0xb8;
	[tilespmem:$0x10200] =	vst v63  }
0x133: {  	_ =	swait.ge [sflag:s4], $0x4000  }
0x134: {  	[sflag:s4] =	ssyncset.done $0x0  }
0x135: {  	[sflag:s4] =	ssyncadd.s32 $0xFFFFC000  }
0x136: {  	v3 =	vld [tilespmem:$0x150];
	_ =	sdelay $0x4  }
0x137: {  	v58 =	vshll.u32 v3, $0x3  }
0x138: {  	v3 =	vand.u32 $0x7, v3;
	v4 =	vand.u32 $0xFFFFFFC0, v58  }
0x139: {  	v3 =	vor.u32 v3, v4  }
0x13a: {  	v4 =	vperm.xlane v3, v0;
	_ =	sdelay $0x1  }
0x13b: {  	v4 =	vadd.s32 v1, v4;
	_ =	sdelay $0x3  }
0x13c: {  	s4 =	simm.s32 $0x4200  }
0x13d: {  	[hbm4b:s6+s3] =	stream.indirect_vreg.scatter [tilespmem:s4], [sflag:$0x7], $0x80, v4, vm0, $0xb8;
	[tilespmem:$0x10200] =	vst v63  }
0x13e: {  	s29 =	simm.s32 $0x4A00;
	v3 =	vperm.xlane v3, v2  }
0x13f: {  	[hbm4b:s7+s3] =	stream.indirect_vreg.scatter [tilespmem:s29], [sflag:$0x7], $0x80, v4, vm0, $0xb8;
	[tilespmem:$0x10200] =	vst v63  }
0x140: {  	s12 =	simm.s32 $0x5200;
	v3 =	vadd.s32 v1, v3  }
0x141: {  	[hbm4b:s8+s3] =	stream.indirect_vreg.scatter [tilespmem:s12], [sflag:$0x7], $0x80, v4, vm0, $0xb8;
	[tilespmem:$0x10200] =	vst v63  }
0x142: {  	s17 =	simm.s32 $0x5A00  }
0x143: {  	[hbm4b:s9+s3] =	stream.indirect_vreg.scatter [tilespmem:s17], [sflag:$0x7], $0x80, v4, vm0, $0xb8;
	[tilespmem:$0x10200] =	vst v63  }
0x144: {  	s19 =	simm.s32 $0x6200  }
0x145: {  	[hbm4b:s6+s3] =	stream.indirect_vreg.scatter [tilespmem:s19], [sflag:$0x7], $0x80, v3, vm0, $0xb8;
	[tilespmem:$0x10200] =	vst v63  }
0x146: {  	s21 =	simm.s32 $0x6A00  }
0x147: {  	[hbm4b:s7+s3] =	stream.indirect_vreg.scatter [tilespmem:s21], [sflag:$0x7], $0x80, v3, vm0, $0xb8;
	[tilespmem:$0x10200] =	vst v63  }
0x148: {  	s25 =	simm.s32 $0x7200  }
0x149: {  	[hbm4b:s8+s3] =	stream.indirect_vreg.scatter [tilespmem:s25], [sflag:$0x7], $0x80, v3, vm0, $0xb8;
	[tilespmem:$0x10200] =	vst v63  }
0x14a: {  	s30 =	simm.s32 $0x7A00  }
0x14b: {  	[hbm4b:s9+s3] =	stream.indirect_vreg.scatter [tilespmem:s30], [sflag:$0x7], $0x80, v3, vm0, $0xb8;
	[tilespmem:$0x10200] =	vst v63  }
0x14c: {  	v3 =	vld [tilespmem:$0x1D0];
	_ =	sdelay $0x4  }
0x14d: {  	v59 =	vshll.u32 v3, $0x3  }
0x14e: {  	v3 =	vand.u32 $0x7, v3;
	v4 =	vand.u32 $0xFFFFFFC0, v59  }
0x14f: {  	v3 =	vor.u32 v3, v4  }
0x150: {  	v4 =	vperm.xlane v3, v0;
	_ =	sdelay $0x1  }
0x151: {  	v4 =	vadd.s32 v1, v4;
	_ =	sdelay $0x4  }
0x152: {  	[hbm4b:s6+s3] =	stream.indirect_vreg.scatter [tilespmem:s4], [sflag:$0x7], $0x80, v4, vm0, $0xb8;
	[tilespmem:$0x10200] =	vst v63  }
0x153: {  	v3 =	vperm.xlane v3, v2  }
0x154: {  	[hbm4b:s7+s3] =	stream.indirect_vreg.scatter [tilespmem:s29], [sflag:$0x7], $0x80, v4, vm0, $0xb8;
	[tilespmem:$0x10200] =	vst v63  }
0x155: {  	v3 =	vadd.s32 v1, v3  }
0x156: {  	[hbm4b:s8+s3] =	stream.indirect_vreg.scatter [tilespmem:s12], [sflag:$0x7], $0x80, v4, vm0, $0xb8;
	[tilespmem:$0x10200] =	vst v63  }
0x157: {  	_ = 	snop  }
0x158: {  	[hbm4b:s9+s3] =	stream.indirect_vreg.scatter [tilespmem:s17], [sflag:$0x7], $0x80, v4, vm0, $0xb8;
	[tilespmem:$0x10200] =	vst v63  }
0x159: {  	_ = 	snop  }
0x15a: {  	[hbm4b:s6+s3] =	stream.indirect_vreg.scatter [tilespmem:s19], [sflag:$0x7], $0x80, v3, vm0, $0xb8;
	[tilespmem:$0x10200] =	vst v63  }
0x15b: {  	_ = 	snop  }
0x15c: {  	[hbm4b:s7+s3] =	stream.indirect_vreg.scatter [tilespmem:s21], [sflag:$0x7], $0x80, v3, vm0, $0xb8;
	[tilespmem:$0x10200] =	vst v63  }
0x15d: {  	_ = 	snop  }
0x15e: {  	[hbm4b:s8+s3] =	stream.indirect_vreg.scatter [tilespmem:s25], [sflag:$0x7], $0x80, v3, vm0, $0xb8;
	[tilespmem:$0x10200] =	vst v63  }
0x15f: {  	_ = 	snop  }
0x160: {  	[hbm4b:s9+s3] =	stream.indirect_vreg.scatter [tilespmem:s30], [sflag:$0x7], $0x80, v3, vm0, $0xb8;
	[tilespmem:$0x10200] =	vst v63  }
0x161: {  	_ =	swait.ge [sflag:s0], $0x4000  }
0x162: {  	[sflag:s0] =	ssyncset.done $0x0  }
0x163: {  	[sflag:s0] =	ssyncadd.s32 $0xFFFFC000  }
0x164: {  	v3 =	vld [tilespmem:$0x160];
	_ =	sdelay $0x4  }
0x165: {  	v60 =	vshll.u32 v3, $0x3  }
0x166: {  	v3 =	vand.u32 $0x7, v3;
	v4 =	vand.u32 $0xFFFFFFC0, v60  }
0x167: {  	v3 =	vor.u32 v3, v4  }
0x168: {  	v4 =	vperm.xlane v3, v0;
	_ =	sdelay $0x1  }
0x169: {  	v4 =	vadd.s32 v1, v4;
	_ =	sdelay $0x3  }
0x16a: {  	s0 =	simm.s32 $0x8200  }
0x16b: {  	[hbm4b:s6+s3] =	stream.indirect_vreg.scatter [tilespmem:s0], [sflag:$0x8], $0x80, v4, vm0, $0xb8;
	[tilespmem:$0x10200] =	vst v63  }
0x16c: {  	s4 =	simm.s32 $0x8A00;
	v3 =	vperm.xlane v3, v2  }
0x16d: {  	[hbm4b:s7+s3] =	stream.indirect_vreg.scatter [tilespmem:s4], [sflag:$0x8], $0x80, v4, vm0, $0xb8;
	[tilespmem:$0x10200] =	vst v63  }
0x16e: {  	s12 =	simm.s32 $0x9200;
	v3 =	vadd.s32 v1, v3  }
0x16f: {  	[hbm4b:s8+s3] =	stream.indirect_vreg.scatter [tilespmem:s12], [sflag:$0x8], $0x80, v4, vm0, $0xb8;
	[tilespmem:$0x10200] =	vst v63  }
0x170: {  	_ = 	snop  }
0x171: {  	[hbm4b:s9+s3] =	stream.indirect_vreg.scatter [tilespmem:s23], [sflag:$0x8], $0x80, v4, vm0, $0xb8;
	[tilespmem:$0x10200] =	vst v63  }
0x172: {  	_ = 	snop  }
0x173: {  	[hbm4b:s6+s3] =	stream.indirect_vreg.scatter [tilespmem:s24], [sflag:$0x8], $0x80, v3, vm0, $0xb8;
	[tilespmem:$0x10200] =	vst v63  }
0x174: {  	s17 =	simm.s32 $0xAA00  }
0x175: {  	[hbm4b:s7+s3] =	stream.indirect_vreg.scatter [tilespmem:s17], [sflag:$0x8], $0x80, v3, vm0, $0xb8;
	[tilespmem:$0x10200] =	vst v63  }
0x176: {  	s25 =	simm.s32 $0xB200  }
0x177: {  	[hbm4b:s8+s3] =	stream.indirect_vreg.scatter [tilespmem:s25], [sflag:$0x8], $0x80, v3, vm0, $0xb8;
	[tilespmem:$0x10200] =	vst v63  }
0x178: {  	s29 =	simm.s32 $0xBA00  }
0x179: {  	[hbm4b:s9+s3] =	stream.indirect_vreg.scatter [tilespmem:s29], [sflag:$0x8], $0x80, v3, vm0, $0xb8;
	[tilespmem:$0x10200] =	vst v63  }
0x17a: {  	v3 =	vld [tilespmem:$0x1E0];
	_ =	sdelay $0x4  }
0x17b: {  	v61 =	vshll.u32 v3, $0x3  }
0x17c: {  	v3 =	vand.u32 $0x7, v3;
	v4 =	vand.u32 $0xFFFFFFC0, v61  }
0x17d: {  	v3 =	vor.u32 v3, v4  }
0x17e: {  	v4 =	vperm.xlane v3, v0;
	_ =	sdelay $0x1  }
0x17f: {  	v4 =	vadd.s32 v1, v4;
	_ =	sdelay $0x4  }
0x180: {  	[hbm4b:s6+s3] =	stream.indirect_vreg.scatter [tilespmem:s0], [sflag:$0x8], $0x80, v4, vm0, $0xb8;
	[tilespmem:$0x10200] =	vst v63  }
0x181: {  	v3 =	vperm.xlane v3, v2  }
0x182: {  	[hbm4b:s7+s3] =	stream.indirect_vreg.scatter [tilespmem:s4], [sflag:$0x8], $0x80, v4, vm0, $0xb8;
	[tilespmem:$0x10200] =	vst v63  }
0x183: {  	v3 =	vadd.s32 v1, v3  }
0x184: {  	[hbm4b:s8+s3] =	stream.indirect_vreg.scatter [tilespmem:s12], [sflag:$0x8], $0x80, v4, vm0, $0xb8;
	[tilespmem:$0x10200] =	vst v63  }
0x185: {  	_ = 	snop  }
0x186: {  	[hbm4b:s9+s3] =	stream.indirect_vreg.scatter [tilespmem:s23], [sflag:$0x8], $0x80, v4, vm0, $0xb8;
	[tilespmem:$0x10200] =	vst v63  }
0x187: {  	_ = 	snop  }
0x188: {  	[hbm4b:s6+s3] =	stream.indirect_vreg.scatter [tilespmem:s24], [sflag:$0x8], $0x80, v3, vm0, $0xb8;
	[tilespmem:$0x10200] =	vst v63  }
0x189: {  	_ = 	snop  }
0x18a: {  	[hbm4b:s7+s3] =	stream.indirect_vreg.scatter [tilespmem:s17], [sflag:$0x8], $0x80, v3, vm0, $0xb8;
	[tilespmem:$0x10200] =	vst v63  }
0x18b: {  	_ = 	snop  }
0x18c: {  	[hbm4b:s8+s3] =	stream.indirect_vreg.scatter [tilespmem:s25], [sflag:$0x8], $0x80, v3, vm0, $0xb8;
	[tilespmem:$0x10200] =	vst v63  }
0x18d: {  	_ = 	snop  }
0x18e: {  	[hbm4b:s9+s3] =	stream.indirect_vreg.scatter [tilespmem:s29], [sflag:$0x8], $0x80, v3, vm0, $0xb8;
	[tilespmem:$0x10200] =	vst v63  }
0x18f: {  	_ =	swait.ge [sflag:s28], $0x4000  }
0x190: {  	[sflag:s28] =	ssyncset.done $0x0  }
0x191: {  	[sflag:s28] =	ssyncadd.s32 $0xFFFFC000  }
0x192: {  	v3 =	vld [tilespmem:$0x170];
	_ =	sdelay $0x4  }
0x193: {  	v62 =	vshll.u32 v3, $0x3  }
0x194: {  	v3 =	vand.u32 $0x7, v3;
	v4 =	vand.u32 $0xFFFFFFC0, v62  }
0x195: {  	v3 =	vor.u32 v3, v4  }
0x196: {  	v4 =	vperm.xlane v3, v0;
	_ =	sdelay $0x1  }
0x197: {  	v4 =	vadd.s32 v1, v4;
	_ =	sdelay $0x3  }
0x198: {  	s30 =	simm.s32 $0xC200  }
0x199: {  	[hbm4b:s6+s3] =	stream.indirect_vreg.scatter [tilespmem:s30], [sflag:$0x9], $0x80, v4, vm0, $0xb8;
	[tilespmem:$0x10200] =	vst v63  }
0x19a: {  	v3 =	vperm.xlane v3, v2  }
0x19b: {  	[hbm4b:s7+s3] =	stream.indirect_vreg.scatter [tilespmem:s22], [sflag:$0x9], $0x80, v4, vm0, $0xb8;
	[tilespmem:$0x10200] =	vst v63  }
0x19c: {  	v3 =	vadd.s32 v1, v3  }
0x19d: {  	[hbm4b:s8+s3] =	stream.indirect_vreg.scatter [tilespmem:s2], [sflag:$0x9], $0x80, v4, vm0, $0xb8;
	[tilespmem:$0x10200] =	vst v63  }
0x19e: {  	_ = 	snop  }
0x19f: {  	[hbm4b:s9+s3] =	stream.indirect_vreg.scatter [tilespmem:s11], [sflag:$0x9], $0x80, v4, vm0, $0xb8;
	[tilespmem:$0x10200] =	vst v63  }
0x1a0: {  	_ = 	snop  }
0x1a1: {  	[hbm4b:s6+s3] =	stream.indirect_vreg.scatter [tilespmem:s13], [sflag:$0x9], $0x80, v3, vm0, $0xb8;
	[tilespmem:$0x10200] =	vst v63  }
0x1a2: {  	_ = 	snop  }
0x1a3: {  	[hbm4b:s7+s3] =	stream.indirect_vreg.scatter [tilespmem:s14], [sflag:$0x9], $0x80, v3, vm0, $0xb8;
	[tilespmem:$0x10200] =	vst v63  }
0x1a4: {  	_ = 	snop  }
0x1a5: {  	[hbm4b:s8+s3] =	stream.indirect_vreg.scatter [tilespmem:s15], [sflag:$0x9], $0x80, v3, vm0, $0xb8;
	[tilespmem:$0x10200] =	vst v63  }
0x1a6: {  	_ = 	snop  }
0x1a7: {  	[hbm4b:s9+s3] =	stream.indirect_vreg.scatter [tilespmem:s16], [sflag:$0x9], $0x80, v3, vm0, $0xb8;
	[tilespmem:$0x10200] =	vst v63  }
0x1a8: {  	v3 =	vld [tilespmem:$0x1F0];
	_ =	sdelay $0x4  }
0x1a9: {  	v63 =	vshll.u32 v3, $0x3  }
0x1aa: {  	v3 =	vand.u32 $0x7, v3;
	v4 =	vand.u32 $0xFFFFFFC0, v63  }
0x1ab: {  	v3 =	vor.u32 v3, v4  }
0x1ac: {  	v4 =	vperm.xlane v3, v0;
	_ =	sdelay $0x1  }
0x1ad: {  	v4 =	vadd.s32 v1, v4;
	_ =	sdelay $0x4  }
0x1ae: {  	[hbm4b:s6+s3] =	stream.indirect_vreg.scatter [tilespmem:s30], [sflag:$0x9], $0x80, v4, vm0, $0xb8;
	[tilespmem:$0x10200] =	vst v63  }
0x1af: {  	v3 =	vperm.xlane v3, v2  }
0x1b0: {  	[hbm4b:s7+s3] =	stream.indirect_vreg.scatter [tilespmem:s22], [sflag:$0x9], $0x80, v4, vm0, $0xb8;
	[tilespmem:$0x10200] =	vst v63  }
0x1b1: {  	v3 =	vadd.s32 v1, v3  }
0x1b2: {  	[hbm4b:s8+s3] =	stream.indirect_vreg.scatter [tilespmem:s2], [sflag:$0x9], $0x80, v4, vm0, $0xb8;
	[tilespmem:$0x10200] =	vst v63  }
0x1b3: {  	_ = 	snop  }
0x1b4: {  	[hbm4b:s9+s3] =	stream.indirect_vreg.scatter [tilespmem:s11], [sflag:$0x9], $0x80, v4, vm0, $0xb8;
	[tilespmem:$0x10200] =	vst v63  }
0x1b5: {  	_ = 	snop  }
0x1b6: {  	[hbm4b:s6+s3] =	stream.indirect_vreg.scatter [tilespmem:s13], [sflag:$0x9], $0x80, v3, vm0, $0xb8;
	[tilespmem:$0x10200] =	vst v63  }
0x1b7: {  	_ = 	snop  }
0x1b8: {  	[hbm4b:s7+s3] =	stream.indirect_vreg.scatter [tilespmem:s14], [sflag:$0x9], $0x80, v3, vm0, $0xb8;
	[tilespmem:$0x10200] =	vst v63  }
0x1b9: {  	_ = 	snop  }
0x1ba: {  	[hbm4b:s8+s3] =	stream.indirect_vreg.scatter [tilespmem:s15], [sflag:$0x9], $0x80, v3, vm0, $0xb8;
	[tilespmem:$0x10200] =	vst v63  }
0x1bb: {  	_ = 	snop  }
0x1bc: {  	[hbm4b:s9+s3] =	stream.indirect_vreg.scatter [tilespmem:s16], [sflag:$0x9], $0x80, v3, vm0, $0xb8;
	[tilespmem:$0x10200] =	vst v63  }
0x1bd: {  	_ =	swait.ge [sflag:s5], $0x4000  }
0x1be: {  	[sflag:s5] =	ssyncset.done $0x0  }
0x1bf: {  	[sflag:s5] =	ssyncadd.s32 $0xFFFFC000  }
0x1c0: {  	_ =	swait.ge [sflag:s5], $0x4000  }
0x1c1: {  	[sflag:s5] =	ssyncset.done $0x0  }
0x1c2: {  	[sflag:s5] =	ssyncadd.s32 $0xFFFFC000  }
0x1c3: {  	_ =	swait.ge [sflag:s26], $0x4000  }
0x1c4: {  	[sflag:s26] =	ssyncset.done $0x0  }
0x1c5: {  	[sflag:s26] =	ssyncadd.s32 $0xFFFFC000  }
0x1c6: {  	_ =	swait.ge [sflag:s26], $0x4000  }
0x1c7: {  	[sflag:s26] =	ssyncset.done $0x0  }
0x1c8: {  	[sflag:s26] =	ssyncadd.s32 $0xFFFFC000  }
0x1c9: {  	_ =	swait.ge [sflag:s1], $0x4000  }
0x1ca: {  	[sflag:s1] =	ssyncset.done $0x0  }
0x1cb: {  	[sflag:s1] =	ssyncadd.s32 $0xFFFFC000  }
0x1cc: {  	_ =	swait.ge [sflag:s1], $0x4000  }
0x1cd: {  	[sflag:s1] =	ssyncset.done $0x0  }
0x1ce: {  	[sflag:s1] =	ssyncadd.s32 $0xFFFFC000  }
0x1cf: {  	_ =	swait.ge [sflag:s20], $0x4000  }
0x1d0: {  	[sflag:s20] =	ssyncset.done $0x0  }
0x1d1: {  	[sflag:s20] =	ssyncadd.s32 $0xFFFFC000  }
0x1d2: {  	_ =	swait.ge [sflag:s20], $0x4000  }
0x1d3: {  	[sflag:s20] =	ssyncset.done $0x0  }
0x1d4: {  	[sflag:s20] =	ssyncadd.s32 $0xFFFFC000  }
0x1d5: {  	p0 =	sne.s32 s10, $0x1;
	_ =	swait.ge [sflag:s18], $0x80  }
.Ltmp0:
0x1d6: {  	[sflag:s18] =	ssyncset.done $0x0;
	(pc) =	sbr.rel @p0 .LBB2_1-.Ltmp0, $4  }
0x1d7: {  	[sflag:s18] =	ssyncadd.s32 $0xFFFFFF80  }
0x1d8: {  	_ =	swait.ge [sflag:s18], $0x80  }
0x1d9: {  	[sflag:s18] =	ssyncset.done $0x0  }
0x1da: {  	s10 =	sadd.s32 $0xFFFFFFFF, s10;
	[sflag:s18] =	ssyncadd.s32 $0xFFFFFF80  }
0x1db: {  	_ =	sfence.sel $0x180000  }
0x1dc: {  	[bflag:$0x0] =	sbarrier.arrive $0xFFFF  }
0x1dd: {  	_ =	strace $0x90000047  }
0x1de: {  	s0 =	stileid.u32;
	[bflag:$0x2] =	sbarrier.arrive $0xFFFF  }
0x1df: {  	p0 =	sne.s32 s0, $0x0;
	s0 =	rddreg [dreg:$0x3]  }
0x1e0: {  	s0 =	sadd.s32 @!p0 $0x100000, s0  }
0x1e1: {  	[sflag:s0] =	ssyncadd.tile.s32 @!p0 $0x1;
	_ =	shalt  }
.Lfunc_end2:
_tile_overlayer_lowered:
.L_overlay_start_2:
0x1e2: {  	(tag) =	ssettag $0x2  }
0x1e3: {  	s0 =	rddreg [dreg:$0x0];
	s2 =	stileid.u32  }
0x1e4: {  	s1 =	rddreg [dreg:$0x1];
	p0 =	sne.s32 s2, $0x0  }
0x1e5: {  	s3 =	rddreg [dreg:$0x2];
	[bflag:$0x3] =	sbarrier.arrive $0xFFFF;
	s2 =	simm.s32 @!p0 $0x1C0A  }
0x1e6: {  	[timem:s3], [sflag:s2] =	dma.local @!p0 [hbm:s0], s1  }
0x1e7: {  	s0 =	simm.s32 @!p0 $0xA  }
0x1e8: {  	_ =	swait.ge @!p0 [sflag:s0], s1  }
0x1e9: {  	s1 =	ssub.s32 @!p0 $0x0, s1;
	[sflag:s0] =	ssyncset.done @!p0 $0x0  }
0x1ea: {  	[sflag:s0] =	ssyncadd.s32 @!p0 s1  }
0x1eb: {  	[bflag:$0x3] =	sbarrier.arrive $0xFFFF  }
0x1ec: {  	_ =	shalt  }

</sc_bundles>
